<compile_context>
chip_gen: v7x
topology: tpu7x:2x2x1
jax: 0.10.2.dev20260603
libtpu: 0.0.44.dev20260713+nightly
codegen_flags: <defaults>
</compile_context>

<pallas_src>
import jax
import jax.numpy as jnp
from jax import lax
from jax.experimental import pallas as pl
from jax.experimental.pallas import tpu as pltpu
from jax.experimental.pallas import tpu_sc as plsc

B = 16384
K = 32
NC, NS, L = 2, 16, 16
NW = NC * NS
BPW = B // NW
GRP = BPW // L
BLK = 128
NBUF = 8

_mesh = plsc.VectorSubcoreMesh(
    core_axis_name="c", subcore_axis_name="s", num_cores=NC, num_subcores=NS
)


def _body(uidx_hbm, iidx_hbm, utab_hbm, itab_hbm, out_hbm,
          uidx_v, iidx_v, ublk_v, iblk_v, upan_v, ipan_v, out_v, sems):
    wid = lax.axis_index("s") * NC + lax.axis_index("c")
    base = wid * BPW

    pltpu.sync_copy(uidx_hbm.at[pl.ds(base, BPW)], uidx_v)
    pltpu.sync_copy(iidx_hbm.at[pl.ds(base, BPW)], iidx_v)

    karange = lax.iota(jnp.int32, L)

    def sread(vref, e):
        v = vref[pl.ds((e >> 4) << 4, L)]
        m = karange == (e & (L - 1))
        return jnp.sum(jnp.where(m, v, 0))

    def fire_offsets(e):
        ju = pl.multiple_of((sread(uidx_v, e) >> 7) * BLK, BLK)
        ji = pl.multiple_of((sread(iidx_v, e) >> 7) * BLK, BLK)
        return ju, ji

    def fire_at(ju, ji, sl):
        pltpu.async_copy(
            utab_hbm.at[:, pl.ds(ju, BLK)], ublk_v.at[sl], sems.at[0, sl])
        pltpu.async_copy(
            itab_hbm.at[:, pl.ds(ji, BLK)], iblk_v.at[sl], sems.at[1, sl])

    def fire(e, sl):
        ju, ji = fire_offsets(e)
        fire_at(ju, ji, sl)

    def drain_u(sl):
        pltpu.make_async_copy(
            utab_hbm.at[:, pl.ds(0, BLK)], ublk_v.at[sl], sems.at[0, sl]
        ).wait()

    def drain_i(sl):
        pltpu.make_async_copy(
            itab_hbm.at[:, pl.ds(0, BLK)], iblk_v.at[sl], sems.at[1, sl]
        ).wait()

    def lane_splat(vref, e):
        return jnp.full((L,), sread(vref, e), jnp.int32)

    def extract_u(cu, pos, sl):
        for half in range(2):
            ks = karange + half * L
            uv = plsc.load_gather(ublk_v.at[sl], [ks, cu])
            plsc.store_scatter(upan_v, [ks, pos], uv)

    def extract_i(ci, pos, sl):
        for half in range(2):
            ks = karange + half * L
            iv = plsc.load_gather(iblk_v.at[sl], [ks, ci])
            plsc.store_scatter(ipan_v, [ks, pos], iv)

    for sl in range(NBUF):
        fire(sl, sl)

    def ring_body(g, carry):
        e0 = g * NBUF
        for j in range(NBUF):
            e = e0 + j
            cu = lane_splat(uidx_v, e) & (BLK - 1)
            ci = lane_splat(iidx_v, e) & (BLK - 1)
            pos = jnp.full((L,), e, jnp.int32)
            ju, ji = fire_offsets(e + NBUF)
            drain_u(j)
            extract_u(cu, pos, j)
            drain_i(j)
            extract_i(ci, pos, j)
            fire_at(ju, ji, j)
        return carry

    lax.fori_loop(0, BPW // NBUF - 1, ring_body, 0)

    for j in range(NBUF):
        e = BPW - NBUF + j
        cu = lane_splat(uidx_v, e) & (BLK - 1)
        ci = lane_splat(iidx_v, e) & (BLK - 1)
        pos = jnp.full((L,), e, jnp.int32)
        drain_u(j)
        extract_u(cu, pos, j)
        drain_i(j)
        extract_i(ci, pos, j)

    def g_body(g, carry):
        sl = pl.ds(g * L, L)
        acc = upan_v[0, sl] * ipan_v[0, sl]
        for k in range(1, K):
            acc = acc + upan_v[k, sl] * ipan_v[k, sl]
        out_v[sl] = acc
        return carry

    lax.fori_loop(0, GRP, g_body, 0)

    pltpu.sync_copy(out_v, out_hbm.at[pl.ds(base, BPW)])


_kern = pl.kernel(
    _body,
    out_type=jax.ShapeDtypeStruct((B,), jnp.float32),
    mesh=_mesh,
    scratch_types=[
        pltpu.VMEM((BPW,), jnp.int32),
        pltpu.VMEM((BPW,), jnp.int32),
        pltpu.VMEM((NBUF, K, BLK), jnp.float32),
        pltpu.VMEM((NBUF, K, BLK), jnp.float32),
        pltpu.VMEM((K, BPW), jnp.float32),
        pltpu.VMEM((K, BPW), jnp.float32),
        pltpu.VMEM((BPW,), jnp.float32),
        pltpu.SemaphoreType.DMA((2, NBUF)),
    ],
    compiler_params=pltpu.CompilerParams(
        needs_layout_passes=False, use_tc_tiling_on_sc=True),
)


@jax.jit
def kernel(user_input, item_input, user_embedding, item_embedding):
    out = _kern(user_input.reshape(B), item_input.reshape(B),
                user_embedding.T, item_embedding.T)
    return out.reshape(B, 1)

# --- scband reference (transcript-rebuilt; emitter-appended) ---
"""Pipeline reference for scband-cfmodel-13159779795598 (READ-ONLY COPY).

The authoritative reference and input builder live on the scoring server;
editing this copy changes nothing except your own understanding.
"""

import jax, jax.numpy as jnp
import numpy as np

N_USERS = 1000000
M_ITEMS = 1000000
K_FACTORS = 32
BATCH = 16384


def setup_inputs(seed: int = 0) -> dict:
    key = jax.random.key(seed)
    k1, k2, k3, k4 = jax.random.split(key, 4)
    user_input = jax.random.randint(k1, (BATCH, 1), 0, N_USERS, dtype=jnp.int32)
    item_input = jax.random.randint(k2, (BATCH, 1), 0, M_ITEMS, dtype=jnp.int32)
    # Learned parameters: embedding tables (keras Embedding default uniform init)
    user_embedding = jax.random.uniform(k3, (N_USERS, K_FACTORS), dtype=jnp.float32, minval=-0.05, maxval=0.05)
    item_embedding = jax.random.uniform(k4, (M_ITEMS, K_FACTORS), dtype=jnp.float32, minval=-0.05, maxval=0.05)
    return {
        "user_input": user_input,
        "item_input": item_input,
        "user_embedding": user_embedding,
        "item_embedding": item_embedding,
    }


def reference(user_input, item_input, user_embedding, item_embedding):
    # Embedding lookup: [B, 1] -> [B, 1, K], then Reshape((K,)) -> [B, K]
    P = jnp.take(user_embedding, user_input[:, 0], axis=0)  # [B, K]
    Q = jnp.take(item_embedding, item_input[:, 0], axis=0)  # [B, K]
    # Dot(axes=1): elementwise product summed over feature axis -> [B, 1]
    R = jnp.sum(P * Q, axis=1, keepdims=True)
    return R

if __name__ == "__main__":
    import jax
    _d = setup_inputs()
    print(jax.jit(kernel)(*tuple(_d.values())))

</pallas_src>

<mosaic_0001>
#map = affine_map<(d0, d1) -> (0)>
#map1 = affine_map<(d0, d1) -> (0, 0)>
module attributes {stable_mosaic.version = 14 : i64} {
  func.func @_body(%arg0: i32, %arg1: i32, %arg2: memref<16384xi32, #tpu.memory_space<hbm>>, %arg3: memref<16384xi32, #tpu.memory_space<hbm>>, %arg4: memref<32x1000000xf32, #tpu.memory_space<hbm>>, %arg5: memref<32x1000000xf32, #tpu.memory_space<hbm>>, %arg6: memref<16384xf32, #tpu.memory_space<hbm>>, %arg7: memref<512xi32, #tpu.memory_space<vmem>>, %arg8: memref<512xi32, #tpu.memory_space<vmem>>, %arg9: memref<8x32x128xf32, #tpu.memory_space<vmem>>, %arg10: memref<8x32x128xf32, #tpu.memory_space<vmem>>, %arg11: memref<32x512xf32, #tpu.memory_space<vmem>>, %arg12: memref<32x512xf32, #tpu.memory_space<vmem>>, %arg13: memref<512xf32, #tpu.memory_space<vmem>>, %arg14: memref<2x8x!tpu.dma_semaphore, #tpu.memory_space<semaphore_mem>>) attributes {dimension_semantics = [#tpu.dimension_semantics<core_parallel>, #tpu.dimension_semantics<subcore_parallel>], iteration_bounds = array<i64: 2, 16>, scalar_prefetch = 0 : i64, scratch_operands = 8 : i64, tpu.core_type = #tpu.core_type<sc_vector_subcore>, window_params = [{transform_indices = #map}, {transform_indices = #map}, {transform_indices = #map1}, {transform_indices = #map1}, {transform_indices = #map}]} {
    %mul3A = arith.constant 2 : i32
    %mul3A_0 = arith.muli %arg1, %mul3A : i32
    %add3A = arith.addi %mul3A_0, %arg0 : i32
    %mul3A_1 = arith.constant 512 : i32
    %mul3A_2 = arith.muli %add3A, %mul3A_1 : i32
    "tpu.region"() ({
      %run_scoped3A = tpu.sem_alloc : memref<!tpu.dma_semaphore, #tpu.memory_space<semaphore_mem>>
      %dma_start3A_1410 = tpu.memref_slice %arg2[%mul3A_2] : memref<16384xi32, #tpu.memory_space<hbm>> -> memref<512xi32, #tpu.memory_space<hbm>>
      %dma_start3A_1411 = tpu.memref_slice %arg2[%mul3A_2] : memref<16384xi32, #tpu.memory_space<hbm>> -> memref<512xi32, #tpu.memory_space<hbm>>
      tpu.enqueue_dma source(%dma_start3A_1411 : memref<512xi32, #tpu.memory_space<hbm>>) target(%arg7 : memref<512xi32, #tpu.memory_space<vmem>>) target_semaphore(%run_scoped3A : memref<!tpu.dma_semaphore, #tpu.memory_space<semaphore_mem>>)
      %dma_wait3A_1412 = tpu.memref_slice %arg2[%mul3A_2] : memref<16384xi32, #tpu.memory_space<hbm>> -> memref<512xi32, #tpu.memory_space<hbm>>
      %dma_wait3A_1413 = tpu.memref_slice %arg2[%mul3A_2] : memref<16384xi32, #tpu.memory_space<hbm>> -> memref<512xi32, #tpu.memory_space<hbm>>
      tpu.wait_dma2 semaphore(%run_scoped3A : memref<!tpu.dma_semaphore, #tpu.memory_space<semaphore_mem>>) src(%dma_wait3A_1413 : memref<512xi32, #tpu.memory_space<hbm>>) dst(%arg7 : memref<512xi32, #tpu.memory_space<vmem>>)
      tpu.yield
    }) : () -> ()
    "tpu.region"() ({
      %run_scoped3A = tpu.sem_alloc : memref<!tpu.dma_semaphore, #tpu.memory_space<semaphore_mem>>
      %dma_start3A_1410 = tpu.memref_slice %arg3[%mul3A_2] : memref<16384xi32, #tpu.memory_space<hbm>> -> memref<512xi32, #tpu.memory_space<hbm>>
      %dma_start3A_1411 = tpu.memref_slice %arg3[%mul3A_2] : memref<16384xi32, #tpu.memory_space<hbm>> -> memref<512xi32, #tpu.memory_space<hbm>>
      tpu.enqueue_dma source(%dma_start3A_1411 : memref<512xi32, #tpu.memory_space<hbm>>) target(%arg8 : memref<512xi32, #tpu.memory_space<vmem>>) target_semaphore(%run_scoped3A : memref<!tpu.dma_semaphore, #tpu.memory_space<semaphore_mem>>)
      %dma_wait3A_1412 = tpu.memref_slice %arg3[%mul3A_2] : memref<16384xi32, #tpu.memory_space<hbm>> -> memref<512xi32, #tpu.memory_space<hbm>>
      %dma_wait3A_1413 = tpu.memref_slice %arg3[%mul3A_2] : memref<16384xi32, #tpu.memory_space<hbm>> -> memref<512xi32, #tpu.memory_space<hbm>>
      tpu.wait_dma2 semaphore(%run_scoped3A : memref<!tpu.dma_semaphore, #tpu.memory_space<semaphore_mem>>) src(%dma_wait3A_1413 : memref<512xi32, #tpu.memory_space<hbm>>) dst(%arg8 : memref<512xi32, #tpu.memory_space<vmem>>)
      tpu.yield
    }) : () -> ()
    %iota3A = tpu.iota {dimensions = array<i32: 0>} : vector<16xi32>
    %get3A = arith.constant 0 : index
    %get3A_3 = tpu.vector_load %arg7[%get3A] {strides = array<i32>} : memref<512xi32, #tpu.memory_space<vmem>>, vector<16xi32>,
    %eq3A = arith.constant 0 : i32
    %eq3A_4 = vector.broadcast %eq3A : i32 to vector<16xi32>
    %eq3A_5 = arith.cmpi eq, %iota3A, %eq3A_4 : vector<16xi32>
    %jit3A = arith.constant 0 : i32
    %broadcast_in_dim3A = vector.broadcast %jit3A : i32 to vector<16xi32>
    %select_n3A = arith.select %eq3A_5, %get3A_3, %broadcast_in_dim3A : vector<16xi1>, vector<16xi32>
    %reduce_sum3A = arith.constant true
    %reduce_sum3A_6 = vector.broadcast %reduce_sum3A : i1 to vector<16xi1>
    %reduce_sum3A_7 = tpu.scan <sum>, %select_n3A masked %reduce_sum3A_6 : vector<16xi32>, vector<16xi1> -> vector<16xi32>
    %reduce_sum3A_8 = vector.extract %reduce_sum3A_7[15] : i32 from vector<16xi32>
    %shift_right_arithmetic3A = arith.constant 7 : i32
    %shift_right_arithmetic3A_9 = arith.shrsi %reduce_sum3A_8, %shift_right_arithmetic3A : i32
    %mul3A_10 = arith.constant 128 : i32
    %mul3A_11 = arith.muli %shift_right_arithmetic3A_9, %mul3A_10 : i32
    %multiple_of3A = tpu.assume_multiple %mul3A_11, 128 : i32
    %get3A_12 = arith.constant 0 : index
    %get3A_13 = tpu.vector_load %arg8[%get3A_12] {strides = array<i32>} : memref<512xi32, #tpu.memory_space<vmem>>, vector<16xi32>,
    %eq3A_14 = arith.constant 0 : i32
    %eq3A_15 = vector.broadcast %eq3A_14 : i32 to vector<16xi32>
    %eq3A_16 = arith.cmpi eq, %iota3A, %eq3A_15 : vector<16xi32>
    %jit3A_17 = arith.constant 0 : i32
    %broadcast_in_dim3A_18 = vector.broadcast %jit3A_17 : i32 to vector<16xi32>
    %select_n3A_19 = arith.select %eq3A_16, %get3A_13, %broadcast_in_dim3A_18 : vector<16xi1>, vector<16xi32>
    %reduce_sum3A_20 = arith.constant true
    %reduce_sum3A_21 = vector.broadcast %reduce_sum3A_20 : i1 to vector<16xi1>
    %reduce_sum3A_22 = tpu.scan <sum>, %select_n3A_19 masked %reduce_sum3A_21 : vector<16xi32>, vector<16xi1> -> vector<16xi32>
    %reduce_sum3A_23 = vector.extract %reduce_sum3A_22[15] : i32 from vector<16xi32>
    %shift_right_arithmetic3A_24 = arith.constant 7 : i32
    %shift_right_arithmetic3A_25 = arith.shrsi %reduce_sum3A_23, %shift_right_arithmetic3A_24 : i32
    %mul3A_26 = arith.constant 128 : i32
    %mul3A_27 = arith.muli %shift_right_arithmetic3A_25, %mul3A_26 : i32
    %multiple_of3A_28 = tpu.assume_multiple %mul3A_27, 128 : i32
    %dma_start3A = arith.constant 0 : i32
    %dma_start3A_29 = arith.constant 0 : i32
    %dma_start3A_30 = arith.constant 0 : i32
    %dma_start3A_31 = arith.constant 0 : i32
    %dma_start3A_32 = arith.constant 0 : i32
    %dma_start3A_33 = tpu.memref_slice %arg9[%dma_start3A, %dma_start3A_31, %dma_start3A_32] : memref<8x32x128xf32, #tpu.memory_space<vmem>> -> memref<1x32x128xf32, #tpu.memory_space<vmem>>
    %dma_start3A_34 = tpu.memref_squeeze %dma_start3A_33 : memref<1x32x128xf32, #tpu.memory_space<vmem>> -> memref<32x128xf32, #tpu.memory_space<vmem>>
    %dma_start3A_35 = arith.constant 0 : i32
    %dma_start3A_36 = tpu.memref_slice %arg4[%dma_start3A_35, %multiple_of3A] : memref<32x1000000xf32, #tpu.memory_space<hbm>> -> memref<32x128xf32, #tpu.memory_space<hbm>>
    %dma_start3A_37 = tpu.memref_slice %arg14[%dma_start3A_29, %dma_start3A_30] : memref<2x8x!tpu.dma_semaphore, #tpu.memory_space<semaphore_mem>> -> memref<1x1x!tpu.dma_semaphore, #tpu.memory_space<semaphore_mem>>
    %dma_start3A_38 = tpu.memref_squeeze %dma_start3A_37 : memref<1x1x!tpu.dma_semaphore, #tpu.memory_space<semaphore_mem>> -> memref<!tpu.dma_semaphore, #tpu.memory_space<semaphore_mem>>
    %dma_start3A_39 = arith.constant 0 : i32
    %dma_start3A_40 = arith.constant 0 : i32
    %dma_start3A_41 = tpu.memref_slice %arg9[%dma_start3A, %dma_start3A_39, %dma_start3A_40] : memref<8x32x128xf32, #tpu.memory_space<vmem>> -> memref<1x32x128xf32, #tpu.memory_space<vmem>>
    %dma_start3A_42 = tpu.memref_squeeze %dma_start3A_41 : memref<1x32x128xf32, #tpu.memory_space<vmem>> -> memref<32x128xf32, #tpu.memory_space<vmem>>
    %dma_start3A_43 = arith.constant 0 : i32
    %dma_start3A_44 = tpu.memref_slice %arg4[%dma_start3A_43, %multiple_of3A] : memref<32x1000000xf32, #tpu.memory_space<hbm>> -> memref<32x128xf32, #tpu.memory_space<hbm>>
    tpu.enqueue_dma source(%dma_start3A_44 : memref<32x128xf32, #tpu.memory_space<hbm>>) target(%dma_start3A_42 : memref<32x128xf32, #tpu.memory_space<vmem>>) target_semaphore(%dma_start3A_38 : memref<!tpu.dma_semaphore, #tpu.memory_space<semaphore_mem>>)
    %dma_start3A_45 = arith.constant 0 : i32
    %dma_start3A_46 = arith.constant 1 : i32
    %dma_start3A_47 = arith.constant 0 : i32
    %dma_start3A_48 = arith.constant 0 : i32
    %dma_start3A_49 = arith.constant 0 : i32
    %dma_start3A_50 = tpu.memref_slice %arg10[%dma_start3A_45, %dma_start3A_48, %dma_start3A_49] : memref<8x32x128xf32, #tpu.memory_space<vmem>> -> memref<1x32x128xf32, #tpu.memory_space<vmem>>
    %dma_start3A_51 = tpu.memref_squeeze %dma_start3A_50 : memref<1x32x128xf32, #tpu.memory_space<vmem>> -> memref<32x128xf32, #tpu.memory_space<vmem>>
    %dma_start3A_52 = arith.constant 0 : i32
    %dma_start3A_53 = tpu.memref_slice %arg5[%dma_start3A_52, %multiple_of3A_28] : memref<32x1000000xf32, #tpu.memory_space<hbm>> -> memref<32x128xf32, #tpu.memory_space<hbm>>
    %dma_start3A_54 = tpu.memref_slice %arg14[%dma_start3A_46, %dma_start3A_47] : memref<2x8x!tpu.dma_semaphore, #tpu.memory_space<semaphore_mem>> -> memref<1x1x!tpu.dma_semaphore, #tpu.memory_space<semaphore_mem>>
    %dma_start3A_55 = tpu.memref_squeeze %dma_start3A_54 : memref<1x1x!tpu.dma_semaphore, #tpu.memory_space<semaphore_mem>> -> memref<!tpu.dma_semaphore, #tpu.memory_space<semaphore_mem>>
    %dma_start3A_56 = arith.constant 0 : i32
    %dma_start3A_57 = arith.constant 0 : i32
    %dma_start3A_58 = tpu.memref_slice %arg10[%dma_start3A_45, %dma_start3A_56, %dma_start3A_57] : memref<8x32x128xf32, #tpu.memory_space<vmem>> -> memref<1x32x128xf32, #tpu.memory_space<vmem>>
    %dma_start3A_59 = tpu.memref_squeeze %dma_start3A_58 : memref<1x32x128xf32, #tpu.memory_space<vmem>> -> memref<32x128xf32, #tpu.memory_space<vmem>>
    %dma_start3A_60 = arith.constant 0 : i32
    %dma_start3A_61 = tpu.memref_slice %arg5[%dma_start3A_60, %multiple_of3A_28] : memref<32x1000000xf32, #tpu.memory_space<hbm>> -> memref<32x128xf32, #tpu.memory_space<hbm>>
    tpu.enqueue_dma source(%dma_start3A_61 : memref<32x128xf32, #tpu.memory_space<hbm>>) target(%dma_start3A_59 : memref<32x128xf32, #tpu.memory_space<vmem>>) target_semaphore(%dma_start3A_55 : memref<!tpu.dma_semaphore, #tpu.memory_space<semaphore_mem>>)
    %get3A_62 = arith.constant 0 : index
    %get3A_63 = tpu.vector_load %arg7[%get3A_62] {strides = array<i32>} : memref<512xi32, #tpu.memory_space<vmem>>, vector<16xi32>,
    %eq3A_64 = arith.constant 1 : i32
    %eq3A_65 = vector.broadcast %eq3A_64 : i32 to vector<16xi32>
    %eq3A_66 = arith.cmpi eq, %iota3A, %eq3A_65 : vector<16xi32>
    %jit3A_67 = arith.constant 0 : i32
    %broadcast_in_dim3A_68 = vector.broadcast %jit3A_67 : i32 to vector<16xi32>
    %select_n3A_69 = arith.select %eq3A_66, %get3A_63, %broadcast_in_dim3A_68 : vector<16xi1>, vector<16xi32>
    %reduce_sum3A_70 = arith.constant true
    %reduce_sum3A_71 = vector.broadcast %reduce_sum3A_70 : i1 to vector<16xi1>
    %reduce_sum3A_72 = tpu.scan <sum>, %select_n3A_69 masked %reduce_sum3A_71 : vector<16xi32>, vector<16xi1> -> vector<16xi32>
    %reduce_sum3A_73 = vector.extract %reduce_sum3A_72[15] : i32 from vector<16xi32>
    %shift_right_arithmetic3A_74 = arith.constant 7 : i32
    %shift_right_arithmetic3A_75 = arith.shrsi %reduce_sum3A_73, %shift_right_arithmetic3A_74 : i32
    %mul3A_76 = arith.constant 128 : i32
    %mul3A_77 = arith.muli %shift_right_arithmetic3A_75, %mul3A_76 : i32
    %multiple_of3A_78 = tpu.assume_multiple %mul3A_77, 128 : i32
    %get3A_79 = arith.constant 0 : index
    %get3A_80 = tpu.vector_load %arg8[%get3A_79] {strides = array<i32>} : memref<512xi32, #tpu.memory_space<vmem>>, vector<16xi32>,
    %eq3A_81 = arith.constant 1 : i32
    %eq3A_82 = vector.broadcast %eq3A_81 : i32 to vector<16xi32>
    %eq3A_83 = arith.cmpi eq, %iota3A, %eq3A_82 : vector<16xi32>
    %jit3A_84 = arith.constant 0 : i32
    %broadcast_in_dim3A_85 = vector.broadcast %jit3A_84 : i32 to vector<16xi32>
    %select_n3A_86 = arith.select %eq3A_83, %get3A_80, %broadcast_in_dim3A_85 : vector<16xi1>, vector<16xi32>
    %reduce_sum3A_87 = arith.constant true
    %reduce_sum3A_88 = vector.broadcast %reduce_sum3A_87 : i1 to vector<16xi1>
    %reduce_sum3A_89 = tpu.scan <sum>, %select_n3A_86 masked %reduce_sum3A_88 : vector<16xi32>, vector<16xi1> -> vector<16xi32>
    %reduce_sum3A_90 = vector.extract %reduce_sum3A_89[15] : i32 from vector<16xi32>
    %shift_right_arithmetic3A_91 = arith.constant 7 : i32
    %shift_right_arithmetic3A_92 = arith.shrsi %reduce_sum3A_90, %shift_right_arithmetic3A_91 : i32
    %mul3A_93 = arith.constant 128 : i32
    %mul3A_94 = arith.muli %shift_right_arithmetic3A_92, %mul3A_93 : i32
    %multiple_of3A_95 = tpu.assume_multiple %mul3A_94, 128 : i32
    %dma_start3A_96 = arith.constant 1 : i32
    %dma_start3A_97 = arith.constant 0 : i32
    %dma_start3A_98 = arith.constant 1 : i32
    %dma_start3A_99 = arith.constant 0 : i32
    %dma_start3A_100 = arith.constant 0 : i32
    %dma_start3A_101 = tpu.memref_slice %arg9[%dma_start3A_96, %dma_start3A_99, %dma_start3A_100] : memref<8x32x128xf32, #tpu.memory_space<vmem>> -> memref<1x32x128xf32, #tpu.memory_space<vmem>>
    %dma_start3A_102 = tpu.memref_squeeze %dma_start3A_101 : memref<1x32x128xf32, #tpu.memory_space<vmem>> -> memref<32x128xf32, #tpu.memory_space<vmem>>
    %dma_start3A_103 = arith.constant 0 : i32
    %dma_start3A_104 = tpu.memref_slice %arg4[%dma_start3A_103, %multiple_of3A_78] : memref<32x1000000xf32, #tpu.memory_space<hbm>> -> memref<32x128xf32, #tpu.memory_space<hbm>>
    %dma_start3A_105 = tpu.memref_slice %arg14[%dma_start3A_97, %dma_start3A_98] : memref<2x8x!tpu.dma_semaphore, #tpu.memory_space<semaphore_mem>> -> memref<1x1x!tpu.dma_semaphore, #tpu.memory_space<semaphore_mem>>
    %dma_start3A_106 = tpu.memref_squeeze %dma_start3A_105 : memref<1x1x!tpu.dma_semaphore, #tpu.memory_space<semaphore_mem>> -> memref<!tpu.dma_semaphore, #tpu.memory_space<semaphore_mem>>
    %dma_start3A_107 = arith.constant 0 : i32
    %dma_start3A_108 = arith.constant 0 : i32
    %dma_start3A_109 = tpu.memref_slice %arg9[%dma_start3A_96, %dma_start3A_107, %dma_start3A_108] : memref<8x32x128xf32, #tpu.memory_space<vmem>> -> memref<1x32x128xf32, #tpu.memory_space<vmem>>
    %dma_start3A_110 = tpu.memref_squeeze %dma_start3A_109 : memref<1x32x128xf32, #tpu.memory_space<vmem>> -> memref<32x128xf32, #tpu.memory_space<vmem>>
    %dma_start3A_111 = arith.constant 0 : i32
    %dma_start3A_112 = tpu.memref_slice %arg4[%dma_start3A_111, %multiple_of3A_78] : memref<32x1000000xf32, #tpu.memory_space<hbm>> -> memref<32x128xf32, #tpu.memory_space<hbm>>
    tpu.enqueue_dma source(%dma_start3A_112 : memref<32x128xf32, #tpu.memory_space<hbm>>) target(%dma_start3A_110 : memref<32x128xf32, #tpu.memory_space<vmem>>) target_semaphore(%dma_start3A_106 : memref<!tpu.dma_semaphore, #tpu.memory_space<semaphore_mem>>)
    %dma_start3A_113 = arith.constant 1 : i32
    %dma_start3A_114 = arith.constant 1 : i32
    %dma_start3A_115 = arith.constant 1 : i32
    %dma_start3A_116 = arith.constant 0 : i32
    %dma_start3A_117 = arith.constant 0 : i32
    %dma_start3A_118 = tpu.memref_slice %arg10[%dma_start3A_113, %dma_start3A_116, %dma_start3A_117] : memref<8x32x128xf32, #tpu.memory_space<vmem>> -> memref<1x32x128xf32, #tpu.memory_space<vmem>>
    %dma_start3A_119 = tpu.memref_squeeze %dma_start3A_118 : memref<1x32x128xf32, #tpu.memory_space<vmem>> -> memref<32x128xf32, #tpu.memory_space<vmem>>
    %dma_start3A_120 = arith.constant 0 : i32
    %dma_start3A_121 = tpu.memref_slice %arg5[%dma_start3A_120, %multiple_of3A_95] : memref<32x1000000xf32, #tpu.memory_space<hbm>> -> memref<32x128xf32, #tpu.memory_space<hbm>>
    %dma_start3A_122 = tpu.memref_slice %arg14[%dma_start3A_114, %dma_start3A_115] : memref<2x8x!tpu.dma_semaphore, #tpu.memory_space<semaphore_mem>> -> memref<1x1x!tpu.dma_semaphore, #tpu.memory_space<semaphore_mem>>
    %dma_start3A_123 = tpu.memref_squeeze %dma_start3A_122 : memref<1x1x!tpu.dma_semaphore, #tpu.memory_space<semaphore_mem>> -> memref<!tpu.dma_semaphore, #tpu.memory_space<semaphore_mem>>
    %dma_start3A_124 = arith.constant 0 : i32
    %dma_start3A_125 = arith.constant 0 : i32
    %dma_start3A_126 = tpu.memref_slice %arg10[%dma_start3A_113, %dma_start3A_124, %dma_start3A_125] : memref<8x32x128xf32, #tpu.memory_space<vmem>> -> memref<1x32x128xf32, #tpu.memory_space<vmem>>
    %dma_start3A_127 = tpu.memref_squeeze %dma_start3A_126 : memref<1x32x128xf32, #tpu.memory_space<vmem>> -> memref<32x128xf32, #tpu.memory_space<vmem>>
    %dma_start3A_128 = arith.constant 0 : i32
    %dma_start3A_129 = tpu.memref_slice %arg5[%dma_start3A_128, %multiple_of3A_95] : memref<32x1000000xf32, #tpu.memory_space<hbm>> -> memref<32x128xf32, #tpu.memory_space<hbm>>
    tpu.enqueue_dma source(%dma_start3A_129 : memref<32x128xf32, #tpu.memory_space<hbm>>) target(%dma_start3A_127 : memref<32x128xf32, #tpu.memory_space<vmem>>) target_semaphore(%dma_start3A_123 : memref<!tpu.dma_semaphore, #tpu.memory_space<semaphore_mem>>)
    %get3A_130 = arith.constant 0 : index
    %get3A_131 = tpu.vector_load %arg7[%get3A_130] {strides = array<i32>} : memref<512xi32, #tpu.memory_space<vmem>>, vector<16xi32>,
    %eq3A_132 = arith.constant 2 : i32
    %eq3A_133 = vector.broadcast %eq3A_132 : i32 to vector<16xi32>
    %eq3A_134 = arith.cmpi eq, %iota3A, %eq3A_133 : vector<16xi32>
    %jit3A_135 = arith.constant 0 : i32
    %broadcast_in_dim3A_136 = vector.broadcast %jit3A_135 : i32 to vector<16xi32>
    %select_n3A_137 = arith.select %eq3A_134, %get3A_131, %broadcast_in_dim3A_136 : vector<16xi1>, vector<16xi32>
    %reduce_sum3A_138 = arith.constant true
    %reduce_sum3A_139 = vector.broadcast %reduce_sum3A_138 : i1 to vector<16xi1>
    %reduce_sum3A_140 = tpu.scan <sum>, %select_n3A_137 masked %reduce_sum3A_139 : vector<16xi32>, vector<16xi1> -> vector<16xi32>
    %reduce_sum3A_141 = vector.extract %reduce_sum3A_140[15] : i32 from vector<16xi32>
    %shift_right_arithmetic3A_142 = arith.constant 7 : i32
    %shift_right_arithmetic3A_143 = arith.shrsi %reduce_sum3A_141, %shift_right_arithmetic3A_142 : i32
    %mul3A_144 = arith.constant 128 : i32
    %mul3A_145 = arith.muli %shift_right_arithmetic3A_143, %mul3A_144 : i32
    %multiple_of3A_146 = tpu.assume_multiple %mul3A_145, 128 : i32
    %get3A_147 = arith.constant 0 : index
    %get3A_148 = tpu.vector_load %arg8[%get3A_147] {strides = array<i32>} : memref<512xi32, #tpu.memory_space<vmem>>, vector<16xi32>,
    %eq3A_149 = arith.constant 2 : i32
    %eq3A_150 = vector.broadcast %eq3A_149 : i32 to vector<16xi32>
    %eq3A_151 = arith.cmpi eq, %iota3A, %eq3A_150 : vector<16xi32>
    %jit3A_152 = arith.constant 0 : i32
    %broadcast_in_dim3A_153 = vector.broadcast %jit3A_152 : i32 to vector<16xi32>
    %select_n3A_154 = arith.select %eq3A_151, %get3A_148, %broadcast_in_dim3A_153 : vector<16xi1>, vector<16xi32>
    %reduce_sum3A_155 = arith.constant true
    %reduce_sum3A_156 = vector.broadcast %reduce_sum3A_155 : i1 to vector<16xi1>
    %reduce_sum3A_157 = tpu.scan <sum>, %select_n3A_154 masked %reduce_sum3A_156 : vector<16xi32>, vector<16xi1> -> vector<16xi32>
    %reduce_sum3A_158 = vector.extract %reduce_sum3A_157[15] : i32 from vector<16xi32>
    %shift_right_arithmetic3A_159 = arith.constant 7 : i32
    %shift_right_arithmetic3A_160 = arith.shrsi %reduce_sum3A_158, %shift_right_arithmetic3A_159 : i32
    %mul3A_161 = arith.constant 128 : i32
    %mul3A_162 = arith.muli %shift_right_arithmetic3A_160, %mul3A_161 : i32
    %multiple_of3A_163 = tpu.assume_multiple %mul3A_162, 128 : i32
    %dma_start3A_164 = arith.constant 2 : i32
    %dma_start3A_165 = arith.constant 0 : i32
    %dma_start3A_166 = arith.constant 2 : i32
    %dma_start3A_167 = arith.constant 0 : i32
    %dma_start3A_168 = arith.constant 0 : i32
    %dma_start3A_169 = tpu.memref_slice %arg9[%dma_start3A_164, %dma_start3A_167, %dma_start3A_168] : memref<8x32x128xf32, #tpu.memory_space<vmem>> -> memref<1x32x128xf32, #tpu.memory_space<vmem>>
    %dma_start3A_170 = tpu.memref_squeeze %dma_start3A_169 : memref<1x32x128xf32, #tpu.memory_space<vmem>> -> memref<32x128xf32, #tpu.memory_space<vmem>>
    %dma_start3A_171 = arith.constant 0 : i32
    %dma_start3A_172 = tpu.memref_slice %arg4[%dma_start3A_171, %multiple_of3A_146] : memref<32x1000000xf32, #tpu.memory_space<hbm>> -> memref<32x128xf32, #tpu.memory_space<hbm>>
    %dma_start3A_173 = tpu.memref_slice %arg14[%dma_start3A_165, %dma_start3A_166] : memref<2x8x!tpu.dma_semaphore, #tpu.memory_space<semaphore_mem>> -> memref<1x1x!tpu.dma_semaphore, #tpu.memory_space<semaphore_mem>>
    %dma_start3A_174 = tpu.memref_squeeze %dma_start3A_173 : memref<1x1x!tpu.dma_semaphore, #tpu.memory_space<semaphore_mem>> -> memref<!tpu.dma_semaphore, #tpu.memory_space<semaphore_mem>>
    %dma_start3A_175 = arith.constant 0 : i32
    %dma_start3A_176 = arith.constant 0 : i32
    %dma_start3A_177 = tpu.memref_slice %arg9[%dma_start3A_164, %dma_start3A_175, %dma_start3A_176] : memref<8x32x128xf32, #tpu.memory_space<vmem>> -> memref<1x32x128xf32, #tpu.memory_space<vmem>>
    %dma_start3A_178 = tpu.memref_squeeze %dma_start3A_177 : memref<1x32x128xf32, #tpu.memory_space<vmem>> -> memref<32x128xf32, #tpu.memory_space<vmem>>
    %dma_start3A_179 = arith.constant 0 : i32
    %dma_start3A_180 = tpu.memref_slice %arg4[%dma_start3A_179, %multiple_of3A_146] : memref<32x1000000xf32, #tpu.memory_space<hbm>> -> memref<32x128xf32, #tpu.memory_space<hbm>>
    tpu.enqueue_dma source(%dma_start3A_180 : memref<32x128xf32, #tpu.memory_space<hbm>>) target(%dma_start3A_178 : memref<32x128xf32, #tpu.memory_space<vmem>>) target_semaphore(%dma_start3A_174 : memref<!tpu.dma_semaphore, #tpu.memory_space<semaphore_mem>>)
    %dma_start3A_181 = arith.constant 2 : i32
    %dma_start3A_182 = arith.constant 1 : i32
    %dma_start3A_183 = arith.constant 2 : i32
    %dma_start3A_184 = arith.constant 0 : i32
    %dma_start3A_185 = arith.constant 0 : i32
    %dma_start3A_186 = tpu.memref_slice %arg10[%dma_start3A_181, %dma_start3A_184, %dma_start3A_185] : memref<8x32x128xf32, #tpu.memory_space<vmem>> -> memref<1x32x128xf32, #tpu.memory_space<vmem>>
    %dma_start3A_187 = tpu.memref_squeeze %dma_start3A_186 : memref<1x32x128xf32, #tpu.memory_space<vmem>> -> memref<32x128xf32, #tpu.memory_space<vmem>>
    %dma_start3A_188 = arith.constant 0 : i32
    %dma_start3A_189 = tpu.memref_slice %arg5[%dma_start3A_188, %multiple_of3A_163] : memref<32x1000000xf32, #tpu.memory_space<hbm>> -> memref<32x128xf32, #tpu.memory_space<hbm>>
    %dma_start3A_190 = tpu.memref_slice %arg14[%dma_start3A_182, %dma_start3A_183] : memref<2x8x!tpu.dma_semaphore, #tpu.memory_space<semaphore_mem>> -> memref<1x1x!tpu.dma_semaphore, #tpu.memory_space<semaphore_mem>>
    %dma_start3A_191 = tpu.memref_squeeze %dma_start3A_190 : memref<1x1x!tpu.dma_semaphore, #tpu.memory_space<semaphore_mem>> -> memref<!tpu.dma_semaphore, #tpu.memory_space<semaphore_mem>>
    %dma_start3A_192 = arith.constant 0 : i32
    %dma_start3A_193 = arith.constant 0 : i32
    %dma_start3A_194 = tpu.memref_slice %arg10[%dma_start3A_181, %dma_start3A_192, %dma_start3A_193] : memref<8x32x128xf32, #tpu.memory_space<vmem>> -> memref<1x32x128xf32, #tpu.memory_space<vmem>>
    %dma_start3A_195 = tpu.memref_squeeze %dma_start3A_194 : memref<1x32x128xf32, #tpu.memory_space<vmem>> -> memref<32x128xf32, #tpu.memory_space<vmem>>
    %dma_start3A_196 = arith.constant 0 : i32
    %dma_start3A_197 = tpu.memref_slice %arg5[%dma_start3A_196, %multiple_of3A_163] : memref<32x1000000xf32, #tpu.memory_space<hbm>> -> memref<32x128xf32, #tpu.memory_space<hbm>>
    tpu.enqueue_dma source(%dma_start3A_197 : memref<32x128xf32, #tpu.memory_space<hbm>>) target(%dma_start3A_195 : memref<32x128xf32, #tpu.memory_space<vmem>>) target_semaphore(%dma_start3A_191 : memref<!tpu.dma_semaphore, #tpu.memory_space<semaphore_mem>>)
    %get3A_198 = arith.constant 0 : index
    %get3A_199 = tpu.vector_load %arg7[%get3A_198] {strides = array<i32>} : memref<512xi32, #tpu.memory_space<vmem>>, vector<16xi32>,
    %eq3A_200 = arith.constant 3 : i32
    %eq3A_201 = vector.broadcast %eq3A_200 : i32 to vector<16xi32>
    %eq3A_202 = arith.cmpi eq, %iota3A, %eq3A_201 : vector<16xi32>
    %jit3A_203 = arith.constant 0 : i32
    %broadcast_in_dim3A_204 = vector.broadcast %jit3A_203 : i32 to vector<16xi32>
    %select_n3A_205 = arith.select %eq3A_202, %get3A_199, %broadcast_in_dim3A_204 : vector<16xi1>, vector<16xi32>
    %reduce_sum3A_206 = arith.constant true
    %reduce_sum3A_207 = vector.broadcast %reduce_sum3A_206 : i1 to vector<16xi1>
    %reduce_sum3A_208 = tpu.scan <sum>, %select_n3A_205 masked %reduce_sum3A_207 : vector<16xi32>, vector<16xi1> -> vector<16xi32>
    %reduce_sum3A_209 = vector.extract %reduce_sum3A_208[15] : i32 from vector<16xi32>
    %shift_right_arithmetic3A_210 = arith.constant 7 : i32
    %shift_right_arithmetic3A_211 = arith.shrsi %reduce_sum3A_209, %shift_right_arithmetic3A_210 : i32
    %mul3A_212 = arith.constant 128 : i32
    %mul3A_213 = arith.muli %shift_right_arithmetic3A_211, %mul3A_212 : i32
    %multiple_of3A_214 = tpu.assume_multiple %mul3A_213, 128 : i32
    %get3A_215 = arith.constant 0 : index
    %get3A_216 = tpu.vector_load %arg8[%get3A_215] {strides = array<i32>} : memref<512xi32, #tpu.memory_space<vmem>>, vector<16xi32>,
    %eq3A_217 = arith.constant 3 : i32
    %eq3A_218 = vector.broadcast %eq3A_217 : i32 to vector<16xi32>
    %eq3A_219 = arith.cmpi eq, %iota3A, %eq3A_218 : vector<16xi32>
    %jit3A_220 = arith.constant 0 : i32
    %broadcast_in_dim3A_221 = vector.broadcast %jit3A_220 : i32 to vector<16xi32>
    %select_n3A_222 = arith.select %eq3A_219, %get3A_216, %broadcast_in_dim3A_221 : vector<16xi1>, vector<16xi32>
    %reduce_sum3A_223 = arith.constant true
    %reduce_sum3A_224 = vector.broadcast %reduce_sum3A_223 : i1 to vector<16xi1>
    %reduce_sum3A_225 = tpu.scan <sum>, %select_n3A_222 masked %reduce_sum3A_224 : vector<16xi32>, vector<16xi1> -> vector<16xi32>
    %reduce_sum3A_226 = vector.extract %reduce_sum3A_225[15] : i32 from vector<16xi32>
    %shift_right_arithmetic3A_227 = arith.constant 7 : i32
    %shift_right_arithmetic3A_228 = arith.shrsi %reduce_sum3A_226, %shift_right_arithmetic3A_227 : i32
    %mul3A_229 = arith.constant 128 : i32
    %mul3A_230 = arith.muli %shift_right_arithmetic3A_228, %mul3A_229 : i32
    %multiple_of3A_231 = tpu.assume_multiple %mul3A_230, 128 : i32
    %dma_start3A_232 = arith.constant 3 : i32
    %dma_start3A_233 = arith.constant 0 : i32
    %dma_start3A_234 = arith.constant 3 : i32
    %dma_start3A_235 = arith.constant 0 : i32
    %dma_start3A_236 = arith.constant 0 : i32
    %dma_start3A_237 = tpu.memref_slice %arg9[%dma_start3A_232, %dma_start3A_235, %dma_start3A_236] : memref<8x32x128xf32, #tpu.memory_space<vmem>> -> memref<1x32x128xf32, #tpu.memory_space<vmem>>
    %dma_start3A_238 = tpu.memref_squeeze %dma_start3A_237 : memref<1x32x128xf32, #tpu.memory_space<vmem>> -> memref<32x128xf32, #tpu.memory_space<vmem>>
    %dma_start3A_239 = arith.constant 0 : i32
    %dma_start3A_240 = tpu.memref_slice %arg4[%dma_start3A_239, %multiple_of3A_214] : memref<32x1000000xf32, #tpu.memory_space<hbm>> -> memref<32x128xf32, #tpu.memory_space<hbm>>
    %dma_start3A_241 = tpu.memref_slice %arg14[%dma_start3A_233, %dma_start3A_234] : memref<2x8x!tpu.dma_semaphore, #tpu.memory_space<semaphore_mem>> -> memref<1x1x!tpu.dma_semaphore, #tpu.memory_space<semaphore_mem>>
    %dma_start3A_242 = tpu.memref_squeeze %dma_start3A_241 : memref<1x1x!tpu.dma_semaphore, #tpu.memory_space<semaphore_mem>> -> memref<!tpu.dma_semaphore, #tpu.memory_space<semaphore_mem>>
    %dma_start3A_243 = arith.constant 0 : i32
    %dma_start3A_244 = arith.constant 0 : i32
    %dma_start3A_245 = tpu.memref_slice %arg9[%dma_start3A_232, %dma_start3A_243, %dma_start3A_244] : memref<8x32x128xf32, #tpu.memory_space<vmem>> -> memref<1x32x128xf32, #tpu.memory_space<vmem>>
    %dma_start3A_246 = tpu.memref_squeeze %dma_start3A_245 : memref<1x32x128xf32, #tpu.memory_space<vmem>> -> memref<32x128xf32, #tpu.memory_space<vmem>>
    %dma_start3A_247 = arith.constant 0 : i32
    %dma_start3A_248 = tpu.memref_slice %arg4[%dma_start3A_247, %multiple_of3A_214] : memref<32x1000000xf32, #tpu.memory_space<hbm>> -> memref<32x128xf32, #tpu.memory_space<hbm>>
    tpu.enqueue_dma source(%dma_start3A_248 : memref<32x128xf32, #tpu.memory_space<hbm>>) target(%dma_start3A_246 : memref<32x128xf32, #tpu.memory_space<vmem>>) target_semaphore(%dma_start3A_242 : memref<!tpu.dma_semaphore, #tpu.memory_space<semaphore_mem>>)
    %dma_start3A_249 = arith.constant 3 : i32
    %dma_start3A_250 = arith.constant 1 : i32
    %dma_start3A_251 = arith.constant 3 : i32
    %dma_start3A_252 = arith.constant 0 : i32
    %dma_start3A_253 = arith.constant 0 : i32
    %dma_start3A_254 = tpu.memref_slice %arg10[%dma_start3A_249, %dma_start3A_252, %dma_start3A_253] : memref<8x32x128xf32, #tpu.memory_space<vmem>> -> memref<1x32x128xf32, #tpu.memory_space<vmem>>
    %dma_start3A_255 = tpu.memref_squeeze %dma_start3A_254 : memref<1x32x128xf32, #tpu.memory_space<vmem>> -> memref<32x128xf32, #tpu.memory_space<vmem>>
    %dma_start3A_256 = arith.constant 0 : i32
    %dma_start3A_257 = tpu.memref_slice %arg5[%dma_start3A_256, %multiple_of3A_231] : memref<32x1000000xf32, #tpu.memory_space<hbm>> -> memref<32x128xf32, #tpu.memory_space<hbm>>
    %dma_start3A_258 = tpu.memref_slice %arg14[%dma_start3A_250, %dma_start3A_251] : memref<2x8x!tpu.dma_semaphore, #tpu.memory_space<semaphore_mem>> -> memref<1x1x!tpu.dma_semaphore, #tpu.memory_space<semaphore_mem>>
    %dma_start3A_259 = tpu.memref_squeeze %dma_start3A_258 : memref<1x1x!tpu.dma_semaphore, #tpu.memory_space<semaphore_mem>> -> memref<!tpu.dma_semaphore, #tpu.memory_space<semaphore_mem>>
    %dma_start3A_260 = arith.constant 0 : i32
    %dma_start3A_261 = arith.constant 0 : i32
    %dma_start3A_262 = tpu.memref_slice %arg10[%dma_start3A_249, %dma_start3A_260, %dma_start3A_261] : memref<8x32x128xf32, #tpu.memory_space<vmem>> -> memref<1x32x128xf32, #tpu.memory_space<vmem>>
    %dma_start3A_263 = tpu.memref_squeeze %dma_start3A_262 : memref<1x32x128xf32, #tpu.memory_space<vmem>> -> memref<32x128xf32, #tpu.memory_space<vmem>>
    %dma_start3A_264 = arith.constant 0 : i32
    %dma_start3A_265 = tpu.memref_slice %arg5[%dma_start3A_264, %multiple_of3A_231] : memref<32x1000000xf32, #tpu.memory_space<hbm>> -> memref<32x128xf32, #tpu.memory_space<hbm>>
    tpu.enqueue_dma source(%dma_start3A_265 : memref<32x128xf32, #tpu.memory_space<hbm>>) target(%dma_start3A_263 : memref<32x128xf32, #tpu.memory_space<vmem>>) target_semaphore(%dma_start3A_259 : memref<!tpu.dma_semaphore, #tpu.memory_space<semaphore_mem>>)
    %get3A_266 = arith.constant 0 : index
    %get3A_267 = tpu.vector_load %arg7[%get3A_266] {strides = array<i32>} : memref<512xi32, #tpu.memory_space<vmem>>, vector<16xi32>,
    %eq3A_268 = arith.constant 4 : i32
    %eq3A_269 = vector.broadcast %eq3A_268 : i32 to vector<16xi32>
    %eq3A_270 = arith.cmpi eq, %iota3A, %eq3A_269 : vector<16xi32>
    %jit3A_271 = arith.constant 0 : i32
    %broadcast_in_dim3A_272 = vector.broadcast %jit3A_271 : i32 to vector<16xi32>
    %select_n3A_273 = arith.select %eq3A_270, %get3A_267, %broadcast_in_dim3A_272 : vector<16xi1>, vector<16xi32>
    %reduce_sum3A_274 = arith.constant true
    %reduce_sum3A_275 = vector.broadcast %reduce_sum3A_274 : i1 to vector<16xi1>
    %reduce_sum3A_276 = tpu.scan <sum>, %select_n3A_273 masked %reduce_sum3A_275 : vector<16xi32>, vector<16xi1> -> vector<16xi32>
    %reduce_sum3A_277 = vector.extract %reduce_sum3A_276[15] : i32 from vector<16xi32>
    %shift_right_arithmetic3A_278 = arith.constant 7 : i32
    %shift_right_arithmetic3A_279 = arith.shrsi %reduce_sum3A_277, %shift_right_arithmetic3A_278 : i32
    %mul3A_280 = arith.constant 128 : i32
    %mul3A_281 = arith.muli %shift_right_arithmetic3A_279, %mul3A_280 : i32
    %multiple_of3A_282 = tpu.assume_multiple %mul3A_281, 128 : i32
    %get3A_283 = arith.constant 0 : index
    %get3A_284 = tpu.vector_load %arg8[%get3A_283] {strides = array<i32>} : memref<512xi32, #tpu.memory_space<vmem>>, vector<16xi32>,
    %eq3A_285 = arith.constant 4 : i32
    %eq3A_286 = vector.broadcast %eq3A_285 : i32 to vector<16xi32>
    %eq3A_287 = arith.cmpi eq, %iota3A, %eq3A_286 : vector<16xi32>
    %jit3A_288 = arith.constant 0 : i32
    %broadcast_in_dim3A_289 = vector.broadcast %jit3A_288 : i32 to vector<16xi32>
    %select_n3A_290 = arith.select %eq3A_287, %get3A_284, %broadcast_in_dim3A_289 : vector<16xi1>, vector<16xi32>
    %reduce_sum3A_291 = arith.constant true
    %reduce_sum3A_292 = vector.broadcast %reduce_sum3A_291 : i1 to vector<16xi1>
    %reduce_sum3A_293 = tpu.scan <sum>, %select_n3A_290 masked %reduce_sum3A_292 : vector<16xi32>, vector<16xi1> -> vector<16xi32>
    %reduce_sum3A_294 = vector.extract %reduce_sum3A_293[15] : i32 from vector<16xi32>
    %shift_right_arithmetic3A_295 = arith.constant 7 : i32
    %shift_right_arithmetic3A_296 = arith.shrsi %reduce_sum3A_294, %shift_right_arithmetic3A_295 : i32
    %mul3A_297 = arith.constant 128 : i32
    %mul3A_298 = arith.muli %shift_right_arithmetic3A_296, %mul3A_297 : i32
    %multiple_of3A_299 = tpu.assume_multiple %mul3A_298, 128 : i32
    %dma_start3A_300 = arith.constant 4 : i32
    %dma_start3A_301 = arith.constant 0 : i32
    %dma_start3A_302 = arith.constant 4 : i32
    %dma_start3A_303 = arith.constant 0 : i32
    %dma_start3A_304 = arith.constant 0 : i32
    %dma_start3A_305 = tpu.memref_slice %arg9[%dma_start3A_300, %dma_start3A_303, %dma_start3A_304] : memref<8x32x128xf32, #tpu.memory_space<vmem>> -> memref<1x32x128xf32, #tpu.memory_space<vmem>>
    %dma_start3A_306 = tpu.memref_squeeze %dma_start3A_305 : memref<1x32x128xf32, #tpu.memory_space<vmem>> -> memref<32x128xf32, #tpu.memory_space<vmem>>
    %dma_start3A_307 = arith.constant 0 : i32
    %dma_start3A_308 = tpu.memref_slice %arg4[%dma_start3A_307, %multiple_of3A_282] : memref<32x1000000xf32, #tpu.memory_space<hbm>> -> memref<32x128xf32, #tpu.memory_space<hbm>>
    %dma_start3A_309 = tpu.memref_slice %arg14[%dma_start3A_301, %dma_start3A_302] : memref<2x8x!tpu.dma_semaphore, #tpu.memory_space<semaphore_mem>> -> memref<1x1x!tpu.dma_semaphore, #tpu.memory_space<semaphore_mem>>
    %dma_start3A_310 = tpu.memref_squeeze %dma_start3A_309 : memref<1x1x!tpu.dma_semaphore, #tpu.memory_space<semaphore_mem>> -> memref<!tpu.dma_semaphore, #tpu.memory_space<semaphore_mem>>
    %dma_start3A_311 = arith.constant 0 : i32
    %dma_start3A_312 = arith.constant 0 : i32
    %dma_start3A_313 = tpu.memref_slice %arg9[%dma_start3A_300, %dma_start3A_311, %dma_start3A_312] : memref<8x32x128xf32, #tpu.memory_space<vmem>> -> memref<1x32x128xf32, #tpu.memory_space<vmem>>
    %dma_start3A_314 = tpu.memref_squeeze %dma_start3A_313 : memref<1x32x128xf32, #tpu.memory_space<vmem>> -> memref<32x128xf32, #tpu.memory_space<vmem>>
    %dma_start3A_315 = arith.constant 0 : i32
    %dma_start3A_316 = tpu.memref_slice %arg4[%dma_start3A_315, %multiple_of3A_282] : memref<32x1000000xf32, #tpu.memory_space<hbm>> -> memref<32x128xf32, #tpu.memory_space<hbm>>
    tpu.enqueue_dma source(%dma_start3A_316 : memref<32x128xf32, #tpu.memory_space<hbm>>) target(%dma_start3A_314 : memref<32x128xf32, #tpu.memory_space<vmem>>) target_semaphore(%dma_start3A_310 : memref<!tpu.dma_semaphore, #tpu.memory_space<semaphore_mem>>)
    %dma_start3A_317 = arith.constant 4 : i32
    %dma_start3A_318 = arith.constant 1 : i32
    %dma_start3A_319 = arith.constant 4 : i32
    %dma_start3A_320 = arith.constant 0 : i32
    %dma_start3A_321 = arith.constant 0 : i32
    %dma_start3A_322 = tpu.memref_slice %arg10[%dma_start3A_317, %dma_start3A_320, %dma_start3A_321] : memref<8x32x128xf32, #tpu.memory_space<vmem>> -> memref<1x32x128xf32, #tpu.memory_space<vmem>>
    %dma_start3A_323 = tpu.memref_squeeze %dma_start3A_322 : memref<1x32x128xf32, #tpu.memory_space<vmem>> -> memref<32x128xf32, #tpu.memory_space<vmem>>
    %dma_start3A_324 = arith.constant 0 : i32
    %dma_start3A_325 = tpu.memref_slice %arg5[%dma_start3A_324, %multiple_of3A_299] : memref<32x1000000xf32, #tpu.memory_space<hbm>> -> memref<32x128xf32, #tpu.memory_space<hbm>>
    %dma_start3A_326 = tpu.memref_slice %arg14[%dma_start3A_318, %dma_start3A_319] : memref<2x8x!tpu.dma_semaphore, #tpu.memory_space<semaphore_mem>> -> memref<1x1x!tpu.dma_semaphore, #tpu.memory_space<semaphore_mem>>
    %dma_start3A_327 = tpu.memref_squeeze %dma_start3A_326 : memref<1x1x!tpu.dma_semaphore, #tpu.memory_space<semaphore_mem>> -> memref<!tpu.dma_semaphore, #tpu.memory_space<semaphore_mem>>
    %dma_start3A_328 = arith.constant 0 : i32
    %dma_start3A_329 = arith.constant 0 : i32
    %dma_start3A_330 = tpu.memref_slice %arg10[%dma_start3A_317, %dma_start3A_328, %dma_start3A_329] : memref<8x32x128xf32, #tpu.memory_space<vmem>> -> memref<1x32x128xf32, #tpu.memory_space<vmem>>
    %dma_start3A_331 = tpu.memref_squeeze %dma_start3A_330 : memref<1x32x128xf32, #tpu.memory_space<vmem>> -> memref<32x128xf32, #tpu.memory_space<vmem>>
    %dma_start3A_332 = arith.constant 0 : i32
    %dma_start3A_333 = tpu.memref_slice %arg5[%dma_start3A_332, %multiple_of3A_299] : memref<32x1000000xf32, #tpu.memory_space<hbm>> -> memref<32x128xf32, #tpu.memory_space<hbm>>
    tpu.enqueue_dma source(%dma_start3A_333 : memref<32x128xf32, #tpu.memory_space<hbm>>) target(%dma_start3A_331 : memref<32x128xf32, #tpu.memory_space<vmem>>) target_semaphore(%dma_start3A_327 : memref<!tpu.dma_semaphore, #tpu.memory_space<semaphore_mem>>)
    %get3A_334 = arith.constant 0 : index
    %get3A_335 = tpu.vector_load %arg7[%get3A_334] {strides = array<i32>} : memref<512xi32, #tpu.memory_space<vmem>>, vector<16xi32>,
    %eq3A_336 = arith.constant 5 : i32
    %eq3A_337 = vector.broadcast %eq3A_336 : i32 to vector<16xi32>
    %eq3A_338 = arith.cmpi eq, %iota3A, %eq3A_337 : vector<16xi32>
    %jit3A_339 = arith.constant 0 : i32
    %broadcast_in_dim3A_340 = vector.broadcast %jit3A_339 : i32 to vector<16xi32>
    %select_n3A_341 = arith.select %eq3A_338, %get3A_335, %broadcast_in_dim3A_340 : vector<16xi1>, vector<16xi32>
    %reduce_sum3A_342 = arith.constant true
    %reduce_sum3A_343 = vector.broadcast %reduce_sum3A_342 : i1 to vector<16xi1>
    %reduce_sum3A_344 = tpu.scan <sum>, %select_n3A_341 masked %reduce_sum3A_343 : vector<16xi32>, vector<16xi1> -> vector<16xi32>
    %reduce_sum3A_345 = vector.extract %reduce_sum3A_344[15] : i32 from vector<16xi32>
    %shift_right_arithmetic3A_346 = arith.constant 7 : i32
    %shift_right_arithmetic3A_347 = arith.shrsi %reduce_sum3A_345, %shift_right_arithmetic3A_346 : i32
    %mul3A_348 = arith.constant 128 : i32
    %mul3A_349 = arith.muli %shift_right_arithmetic3A_347, %mul3A_348 : i32
    %multiple_of3A_350 = tpu.assume_multiple %mul3A_349, 128 : i32
    %get3A_351 = arith.constant 0 : index
    %get3A_352 = tpu.vector_load %arg8[%get3A_351] {strides = array<i32>} : memref<512xi32, #tpu.memory_space<vmem>>, vector<16xi32>,
    %eq3A_353 = arith.constant 5 : i32
    %eq3A_354 = vector.broadcast %eq3A_353 : i32 to vector<16xi32>
    %eq3A_355 = arith.cmpi eq, %iota3A, %eq3A_354 : vector<16xi32>
    %jit3A_356 = arith.constant 0 : i32
    %broadcast_in_dim3A_357 = vector.broadcast %jit3A_356 : i32 to vector<16xi32>
    %select_n3A_358 = arith.select %eq3A_355, %get3A_352, %broadcast_in_dim3A_357 : vector<16xi1>, vector<16xi32>
    %reduce_sum3A_359 = arith.constant true
    %reduce_sum3A_360 = vector.broadcast %reduce_sum3A_359 : i1 to vector<16xi1>
    %reduce_sum3A_361 = tpu.scan <sum>, %select_n3A_358 masked %reduce_sum3A_360 : vector<16xi32>, vector<16xi1> -> vector<16xi32>
    %reduce_sum3A_362 = vector.extract %reduce_sum3A_361[15] : i32 from vector<16xi32>
    %shift_right_arithmetic3A_363 = arith.constant 7 : i32
    %shift_right_arithmetic3A_364 = arith.shrsi %reduce_sum3A_362, %shift_right_arithmetic3A_363 : i32
    %mul3A_365 = arith.constant 128 : i32
    %mul3A_366 = arith.muli %shift_right_arithmetic3A_364, %mul3A_365 : i32
    %multiple_of3A_367 = tpu.assume_multiple %mul3A_366, 128 : i32
    %dma_start3A_368 = arith.constant 5 : i32
    %dma_start3A_369 = arith.constant 0 : i32
    %dma_start3A_370 = arith.constant 5 : i32
    %dma_start3A_371 = arith.constant 0 : i32
    %dma_start3A_372 = arith.constant 0 : i32
    %dma_start3A_373 = tpu.memref_slice %arg9[%dma_start3A_368, %dma_start3A_371, %dma_start3A_372] : memref<8x32x128xf32, #tpu.memory_space<vmem>> -> memref<1x32x128xf32, #tpu.memory_space<vmem>>
    %dma_start3A_374 = tpu.memref_squeeze %dma_start3A_373 : memref<1x32x128xf32, #tpu.memory_space<vmem>> -> memref<32x128xf32, #tpu.memory_space<vmem>>
    %dma_start3A_375 = arith.constant 0 : i32
    %dma_start3A_376 = tpu.memref_slice %arg4[%dma_start3A_375, %multiple_of3A_350] : memref<32x1000000xf32, #tpu.memory_space<hbm>> -> memref<32x128xf32, #tpu.memory_space<hbm>>
    %dma_start3A_377 = tpu.memref_slice %arg14[%dma_start3A_369, %dma_start3A_370] : memref<2x8x!tpu.dma_semaphore, #tpu.memory_space<semaphore_mem>> -> memref<1x1x!tpu.dma_semaphore, #tpu.memory_space<semaphore_mem>>
    %dma_start3A_378 = tpu.memref_squeeze %dma_start3A_377 : memref<1x1x!tpu.dma_semaphore, #tpu.memory_space<semaphore_mem>> -> memref<!tpu.dma_semaphore, #tpu.memory_space<semaphore_mem>>
    %dma_start3A_379 = arith.constant 0 : i32
    %dma_start3A_380 = arith.constant 0 : i32
    %dma_start3A_381 = tpu.memref_slice %arg9[%dma_start3A_368, %dma_start3A_379, %dma_start3A_380] : memref<8x32x128xf32, #tpu.memory_space<vmem>> -> memref<1x32x128xf32, #tpu.memory_space<vmem>>
    %dma_start3A_382 = tpu.memref_squeeze %dma_start3A_381 : memref<1x32x128xf32, #tpu.memory_space<vmem>> -> memref<32x128xf32, #tpu.memory_space<vmem>>
    %dma_start3A_383 = arith.constant 0 : i32
    %dma_start3A_384 = tpu.memref_slice %arg4[%dma_start3A_383, %multiple_of3A_350] : memref<32x1000000xf32, #tpu.memory_space<hbm>> -> memref<32x128xf32, #tpu.memory_space<hbm>>
    tpu.enqueue_dma source(%dma_start3A_384 : memref<32x128xf32, #tpu.memory_space<hbm>>) target(%dma_start3A_382 : memref<32x128xf32, #tpu.memory_space<vmem>>) target_semaphore(%dma_start3A_378 : memref<!tpu.dma_semaphore, #tpu.memory_space<semaphore_mem>>)
    %dma_start3A_385 = arith.constant 5 : i32
    %dma_start3A_386 = arith.constant 1 : i32
    %dma_start3A_387 = arith.constant 5 : i32
    %dma_start3A_388 = arith.constant 0 : i32
    %dma_start3A_389 = arith.constant 0 : i32
    %dma_start3A_390 = tpu.memref_slice %arg10[%dma_start3A_385, %dma_start3A_388, %dma_start3A_389] : memref<8x32x128xf32, #tpu.memory_space<vmem>> -> memref<1x32x128xf32, #tpu.memory_space<vmem>>
    %dma_start3A_391 = tpu.memref_squeeze %dma_start3A_390 : memref<1x32x128xf32, #tpu.memory_space<vmem>> -> memref<32x128xf32, #tpu.memory_space<vmem>>
    %dma_start3A_392 = arith.constant 0 : i32
    %dma_start3A_393 = tpu.memref_slice %arg5[%dma_start3A_392, %multiple_of3A_367] : memref<32x1000000xf32, #tpu.memory_space<hbm>> -> memref<32x128xf32, #tpu.memory_space<hbm>>
    %dma_start3A_394 = tpu.memref_slice %arg14[%dma_start3A_386, %dma_start3A_387] : memref<2x8x!tpu.dma_semaphore, #tpu.memory_space<semaphore_mem>> -> memref<1x1x!tpu.dma_semaphore, #tpu.memory_space<semaphore_mem>>
    %dma_start3A_395 = tpu.memref_squeeze %dma_start3A_394 : memref<1x1x!tpu.dma_semaphore, #tpu.memory_space<semaphore_mem>> -> memref<!tpu.dma_semaphore, #tpu.memory_space<semaphore_mem>>
    %dma_start3A_396 = arith.constant 0 : i32
    %dma_start3A_397 = arith.constant 0 : i32
    %dma_start3A_398 = tpu.memref_slice %arg10[%dma_start3A_385, %dma_start3A_396, %dma_start3A_397] : memref<8x32x128xf32, #tpu.memory_space<vmem>> -> memref<1x32x128xf32, #tpu.memory_space<vmem>>
    %dma_start3A_399 = tpu.memref_squeeze %dma_start3A_398 : memref<1x32x128xf32, #tpu.memory_space<vmem>> -> memref<32x128xf32, #tpu.memory_space<vmem>>
    %dma_start3A_400 = arith.constant 0 : i32
    %dma_start3A_401 = tpu.memref_slice %arg5[%dma_start3A_400, %multiple_of3A_367] : memref<32x1000000xf32, #tpu.memory_space<hbm>> -> memref<32x128xf32, #tpu.memory_space<hbm>>
    tpu.enqueue_dma source(%dma_start3A_401 : memref<32x128xf32, #tpu.memory_space<hbm>>) target(%dma_start3A_399 : memref<32x128xf32, #tpu.memory_space<vmem>>) target_semaphore(%dma_start3A_395 : memref<!tpu.dma_semaphore, #tpu.memory_space<semaphore_mem>>)
    %get3A_402 = arith.constant 0 : index
    %get3A_403 = tpu.vector_load %arg7[%get3A_402] {strides = array<i32>} : memref<512xi32, #tpu.memory_space<vmem>>, vector<16xi32>,
    %eq3A_404 = arith.constant 6 : i32
    %eq3A_405 = vector.broadcast %eq3A_404 : i32 to vector<16xi32>
    %eq3A_406 = arith.cmpi eq, %iota3A, %eq3A_405 : vector<16xi32>
    %jit3A_407 = arith.constant 0 : i32
    %broadcast_in_dim3A_408 = vector.broadcast %jit3A_407 : i32 to vector<16xi32>
    %select_n3A_409 = arith.select %eq3A_406, %get3A_403, %broadcast_in_dim3A_408 : vector<16xi1>, vector<16xi32>
    %reduce_sum3A_410 = arith.constant true
    %reduce_sum3A_411 = vector.broadcast %reduce_sum3A_410 : i1 to vector<16xi1>
    %reduce_sum3A_412 = tpu.scan <sum>, %select_n3A_409 masked %reduce_sum3A_411 : vector<16xi32>, vector<16xi1> -> vector<16xi32>
    %reduce_sum3A_413 = vector.extract %reduce_sum3A_412[15] : i32 from vector<16xi32>
    %shift_right_arithmetic3A_414 = arith.constant 7 : i32
    %shift_right_arithmetic3A_415 = arith.shrsi %reduce_sum3A_413, %shift_right_arithmetic3A_414 : i32
    %mul3A_416 = arith.constant 128 : i32
    %mul3A_417 = arith.muli %shift_right_arithmetic3A_415, %mul3A_416 : i32
    %multiple_of3A_418 = tpu.assume_multiple %mul3A_417, 128 : i32
    %get3A_419 = arith.constant 0 : index
    %get3A_420 = tpu.vector_load %arg8[%get3A_419] {strides = array<i32>} : memref<512xi32, #tpu.memory_space<vmem>>, vector<16xi32>,
    %eq3A_421 = arith.constant 6 : i32
    %eq3A_422 = vector.broadcast %eq3A_421 : i32 to vector<16xi32>
    %eq3A_423 = arith.cmpi eq, %iota3A, %eq3A_422 : vector<16xi32>
    %jit3A_424 = arith.constant 0 : i32
    %broadcast_in_dim3A_425 = vector.broadcast %jit3A_424 : i32 to vector<16xi32>
    %select_n3A_426 = arith.select %eq3A_423, %get3A_420, %broadcast_in_dim3A_425 : vector<16xi1>, vector<16xi32>
    %reduce_sum3A_427 = arith.constant true
    %reduce_sum3A_428 = vector.broadcast %reduce_sum3A_427 : i1 to vector<16xi1>
    %reduce_sum3A_429 = tpu.scan <sum>, %select_n3A_426 masked %reduce_sum3A_428 : vector<16xi32>, vector<16xi1> -> vector<16xi32>
    %reduce_sum3A_430 = vector.extract %reduce_sum3A_429[15] : i32 from vector<16xi32>
    %shift_right_arithmetic3A_431 = arith.constant 7 : i32
    %shift_right_arithmetic3A_432 = arith.shrsi %reduce_sum3A_430, %shift_right_arithmetic3A_431 : i32
    %mul3A_433 = arith.constant 128 : i32
    %mul3A_434 = arith.muli %shift_right_arithmetic3A_432, %mul3A_433 : i32
    %multiple_of3A_435 = tpu.assume_multiple %mul3A_434, 128 : i32
    %dma_start3A_436 = arith.constant 6 : i32
    %dma_start3A_437 = arith.constant 0 : i32
    %dma_start3A_438 = arith.constant 6 : i32
    %dma_start3A_439 = arith.constant 0 : i32
    %dma_start3A_440 = arith.constant 0 : i32
    %dma_start3A_441 = tpu.memref_slice %arg9[%dma_start3A_436, %dma_start3A_439, %dma_start3A_440] : memref<8x32x128xf32, #tpu.memory_space<vmem>> -> memref<1x32x128xf32, #tpu.memory_space<vmem>>
    %dma_start3A_442 = tpu.memref_squeeze %dma_start3A_441 : memref<1x32x128xf32, #tpu.memory_space<vmem>> -> memref<32x128xf32, #tpu.memory_space<vmem>>
    %dma_start3A_443 = arith.constant 0 : i32
    %dma_start3A_444 = tpu.memref_slice %arg4[%dma_start3A_443, %multiple_of3A_418] : memref<32x1000000xf32, #tpu.memory_space<hbm>> -> memref<32x128xf32, #tpu.memory_space<hbm>>
    %dma_start3A_445 = tpu.memref_slice %arg14[%dma_start3A_437, %dma_start3A_438] : memref<2x8x!tpu.dma_semaphore, #tpu.memory_space<semaphore_mem>> -> memref<1x1x!tpu.dma_semaphore, #tpu.memory_space<semaphore_mem>>
    %dma_start3A_446 = tpu.memref_squeeze %dma_start3A_445 : memref<1x1x!tpu.dma_semaphore, #tpu.memory_space<semaphore_mem>> -> memref<!tpu.dma_semaphore, #tpu.memory_space<semaphore_mem>>
    %dma_start3A_447 = arith.constant 0 : i32
    %dma_start3A_448 = arith.constant 0 : i32
    %dma_start3A_449 = tpu.memref_slice %arg9[%dma_start3A_436, %dma_start3A_447, %dma_start3A_448] : memref<8x32x128xf32, #tpu.memory_space<vmem>> -> memref<1x32x128xf32, #tpu.memory_space<vmem>>
    %dma_start3A_450 = tpu.memref_squeeze %dma_start3A_449 : memref<1x32x128xf32, #tpu.memory_space<vmem>> -> memref<32x128xf32, #tpu.memory_space<vmem>>
    %dma_start3A_451 = arith.constant 0 : i32
    %dma_start3A_452 = tpu.memref_slice %arg4[%dma_start3A_451, %multiple_of3A_418] : memref<32x1000000xf32, #tpu.memory_space<hbm>> -> memref<32x128xf32, #tpu.memory_space<hbm>>
    tpu.enqueue_dma source(%dma_start3A_452 : memref<32x128xf32, #tpu.memory_space<hbm>>) target(%dma_start3A_450 : memref<32x128xf32, #tpu.memory_space<vmem>>) target_semaphore(%dma_start3A_446 : memref<!tpu.dma_semaphore, #tpu.memory_space<semaphore_mem>>)
    %dma_start3A_453 = arith.constant 6 : i32
    %dma_start3A_454 = arith.constant 1 : i32
    %dma_start3A_455 = arith.constant 6 : i32
    %dma_start3A_456 = arith.constant 0 : i32
    %dma_start3A_457 = arith.constant 0 : i32
    %dma_start3A_458 = tpu.memref_slice %arg10[%dma_start3A_453, %dma_start3A_456, %dma_start3A_457] : memref<8x32x128xf32, #tpu.memory_space<vmem>> -> memref<1x32x128xf32, #tpu.memory_space<vmem>>
    %dma_start3A_459 = tpu.memref_squeeze %dma_start3A_458 : memref<1x32x128xf32, #tpu.memory_space<vmem>> -> memref<32x128xf32, #tpu.memory_space<vmem>>
    %dma_start3A_460 = arith.constant 0 : i32
    %dma_start3A_461 = tpu.memref_slice %arg5[%dma_start3A_460, %multiple_of3A_435] : memref<32x1000000xf32, #tpu.memory_space<hbm>> -> memref<32x128xf32, #tpu.memory_space<hbm>>
    %dma_start3A_462 = tpu.memref_slice %arg14[%dma_start3A_454, %dma_start3A_455] : memref<2x8x!tpu.dma_semaphore, #tpu.memory_space<semaphore_mem>> -> memref<1x1x!tpu.dma_semaphore, #tpu.memory_space<semaphore_mem>>
    %dma_start3A_463 = tpu.memref_squeeze %dma_start3A_462 : memref<1x1x!tpu.dma_semaphore, #tpu.memory_space<semaphore_mem>> -> memref<!tpu.dma_semaphore, #tpu.memory_space<semaphore_mem>>
    %dma_start3A_464 = arith.constant 0 : i32
    %dma_start3A_465 = arith.constant 0 : i32
    %dma_start3A_466 = tpu.memref_slice %arg10[%dma_start3A_453, %dma_start3A_464, %dma_start3A_465] : memref<8x32x128xf32, #tpu.memory_space<vmem>> -> memref<1x32x128xf32, #tpu.memory_space<vmem>>
    %dma_start3A_467 = tpu.memref_squeeze %dma_start3A_466 : memref<1x32x128xf32, #tpu.memory_space<vmem>> -> memref<32x128xf32, #tpu.memory_space<vmem>>
    %dma_start3A_468 = arith.constant 0 : i32
    %dma_start3A_469 = tpu.memref_slice %arg5[%dma_start3A_468, %multiple_of3A_435] : memref<32x1000000xf32, #tpu.memory_space<hbm>> -> memref<32x128xf32, #tpu.memory_space<hbm>>
    tpu.enqueue_dma source(%dma_start3A_469 : memref<32x128xf32, #tpu.memory_space<hbm>>) target(%dma_start3A_467 : memref<32x128xf32, #tpu.memory_space<vmem>>) target_semaphore(%dma_start3A_463 : memref<!tpu.dma_semaphore, #tpu.memory_space<semaphore_mem>>)
    %get3A_470 = arith.constant 0 : index
    %get3A_471 = tpu.vector_load %arg7[%get3A_470] {strides = array<i32>} : memref<512xi32, #tpu.memory_space<vmem>>, vector<16xi32>,
    %eq3A_472 = arith.constant 7 : i32
    %eq3A_473 = vector.broadcast %eq3A_472 : i32 to vector<16xi32>
    %eq3A_474 = arith.cmpi eq, %iota3A, %eq3A_473 : vector<16xi32>
    %jit3A_475 = arith.constant 0 : i32
    %broadcast_in_dim3A_476 = vector.broadcast %jit3A_475 : i32 to vector<16xi32>
    %select_n3A_477 = arith.select %eq3A_474, %get3A_471, %broadcast_in_dim3A_476 : vector<16xi1>, vector<16xi32>
    %reduce_sum3A_478 = arith.constant true
    %reduce_sum3A_479 = vector.broadcast %reduce_sum3A_478 : i1 to vector<16xi1>
    %reduce_sum3A_480 = tpu.scan <sum>, %select_n3A_477 masked %reduce_sum3A_479 : vector<16xi32>, vector<16xi1> -> vector<16xi32>
    %reduce_sum3A_481 = vector.extract %reduce_sum3A_480[15] : i32 from vector<16xi32>
    %shift_right_arithmetic3A_482 = arith.constant 7 : i32
    %shift_right_arithmetic3A_483 = arith.shrsi %reduce_sum3A_481, %shift_right_arithmetic3A_482 : i32
    %mul3A_484 = arith.constant 128 : i32
    %mul3A_485 = arith.muli %shift_right_arithmetic3A_483, %mul3A_484 : i32
    %multiple_of3A_486 = tpu.assume_multiple %mul3A_485, 128 : i32
    %get3A_487 = arith.constant 0 : index
    %get3A_488 = tpu.vector_load %arg8[%get3A_487] {strides = array<i32>} : memref<512xi32, #tpu.memory_space<vmem>>, vector<16xi32>,
    %eq3A_489 = arith.constant 7 : i32
    %eq3A_490 = vector.broadcast %eq3A_489 : i32 to vector<16xi32>
    %eq3A_491 = arith.cmpi eq, %iota3A, %eq3A_490 : vector<16xi32>
    %jit3A_492 = arith.constant 0 : i32
    %broadcast_in_dim3A_493 = vector.broadcast %jit3A_492 : i32 to vector<16xi32>
    %select_n3A_494 = arith.select %eq3A_491, %get3A_488, %broadcast_in_dim3A_493 : vector<16xi1>, vector<16xi32>
    %reduce_sum3A_495 = arith.constant true
    %reduce_sum3A_496 = vector.broadcast %reduce_sum3A_495 : i1 to vector<16xi1>
    %reduce_sum3A_497 = tpu.scan <sum>, %select_n3A_494 masked %reduce_sum3A_496 : vector<16xi32>, vector<16xi1> -> vector<16xi32>
    %reduce_sum3A_498 = vector.extract %reduce_sum3A_497[15] : i32 from vector<16xi32>
    %shift_right_arithmetic3A_499 = arith.constant 7 : i32
    %shift_right_arithmetic3A_500 = arith.shrsi %reduce_sum3A_498, %shift_right_arithmetic3A_499 : i32
    %mul3A_501 = arith.constant 128 : i32
    %mul3A_502 = arith.muli %shift_right_arithmetic3A_500, %mul3A_501 : i32
    %multiple_of3A_503 = tpu.assume_multiple %mul3A_502, 128 : i32
    %dma_start3A_504 = arith.constant 7 : i32
    %dma_start3A_505 = arith.constant 0 : i32
    %dma_start3A_506 = arith.constant 7 : i32
    %dma_start3A_507 = arith.constant 0 : i32
    %dma_start3A_508 = arith.constant 0 : i32
    %dma_start3A_509 = tpu.memref_slice %arg9[%dma_start3A_504, %dma_start3A_507, %dma_start3A_508] : memref<8x32x128xf32, #tpu.memory_space<vmem>> -> memref<1x32x128xf32, #tpu.memory_space<vmem>>
    %dma_start3A_510 = tpu.memref_squeeze %dma_start3A_509 : memref<1x32x128xf32, #tpu.memory_space<vmem>> -> memref<32x128xf32, #tpu.memory_space<vmem>>
    %dma_start3A_511 = arith.constant 0 : i32
    %dma_start3A_512 = tpu.memref_slice %arg4[%dma_start3A_511, %multiple_of3A_486] : memref<32x1000000xf32, #tpu.memory_space<hbm>> -> memref<32x128xf32, #tpu.memory_space<hbm>>
    %dma_start3A_513 = tpu.memref_slice %arg14[%dma_start3A_505, %dma_start3A_506] : memref<2x8x!tpu.dma_semaphore, #tpu.memory_space<semaphore_mem>> -> memref<1x1x!tpu.dma_semaphore, #tpu.memory_space<semaphore_mem>>
    %dma_start3A_514 = tpu.memref_squeeze %dma_start3A_513 : memref<1x1x!tpu.dma_semaphore, #tpu.memory_space<semaphore_mem>> -> memref<!tpu.dma_semaphore, #tpu.memory_space<semaphore_mem>>
    %dma_start3A_515 = arith.constant 0 : i32
    %dma_start3A_516 = arith.constant 0 : i32
    %dma_start3A_517 = tpu.memref_slice %arg9[%dma_start3A_504, %dma_start3A_515, %dma_start3A_516] : memref<8x32x128xf32, #tpu.memory_space<vmem>> -> memref<1x32x128xf32, #tpu.memory_space<vmem>>
    %dma_start3A_518 = tpu.memref_squeeze %dma_start3A_517 : memref<1x32x128xf32, #tpu.memory_space<vmem>> -> memref<32x128xf32, #tpu.memory_space<vmem>>
    %dma_start3A_519 = arith.constant 0 : i32
    %dma_start3A_520 = tpu.memref_slice %arg4[%dma_start3A_519, %multiple_of3A_486] : memref<32x1000000xf32, #tpu.memory_space<hbm>> -> memref<32x128xf32, #tpu.memory_space<hbm>>
    tpu.enqueue_dma source(%dma_start3A_520 : memref<32x128xf32, #tpu.memory_space<hbm>>) target(%dma_start3A_518 : memref<32x128xf32, #tpu.memory_space<vmem>>) target_semaphore(%dma_start3A_514 : memref<!tpu.dma_semaphore, #tpu.memory_space<semaphore_mem>>)
    %dma_start3A_521 = arith.constant 7 : i32
    %dma_start3A_522 = arith.constant 1 : i32
    %dma_start3A_523 = arith.constant 7 : i32
    %dma_start3A_524 = arith.constant 0 : i32
    %dma_start3A_525 = arith.constant 0 : i32
    %dma_start3A_526 = tpu.memref_slice %arg10[%dma_start3A_521, %dma_start3A_524, %dma_start3A_525] : memref<8x32x128xf32, #tpu.memory_space<vmem>> -> memref<1x32x128xf32, #tpu.memory_space<vmem>>
    %dma_start3A_527 = tpu.memref_squeeze %dma_start3A_526 : memref<1x32x128xf32, #tpu.memory_space<vmem>> -> memref<32x128xf32, #tpu.memory_space<vmem>>
    %dma_start3A_528 = arith.constant 0 : i32
    %dma_start3A_529 = tpu.memref_slice %arg5[%dma_start3A_528, %multiple_of3A_503] : memref<32x1000000xf32, #tpu.memory_space<hbm>> -> memref<32x128xf32, #tpu.memory_space<hbm>>
    %dma_start3A_530 = tpu.memref_slice %arg14[%dma_start3A_522, %dma_start3A_523] : memref<2x8x!tpu.dma_semaphore, #tpu.memory_space<semaphore_mem>> -> memref<1x1x!tpu.dma_semaphore, #tpu.memory_space<semaphore_mem>>
    %dma_start3A_531 = tpu.memref_squeeze %dma_start3A_530 : memref<1x1x!tpu.dma_semaphore, #tpu.memory_space<semaphore_mem>> -> memref<!tpu.dma_semaphore, #tpu.memory_space<semaphore_mem>>
    %dma_start3A_532 = arith.constant 0 : i32
    %dma_start3A_533 = arith.constant 0 : i32
    %dma_start3A_534 = tpu.memref_slice %arg10[%dma_start3A_521, %dma_start3A_532, %dma_start3A_533] : memref<8x32x128xf32, #tpu.memory_space<vmem>> -> memref<1x32x128xf32, #tpu.memory_space<vmem>>
    %dma_start3A_535 = tpu.memref_squeeze %dma_start3A_534 : memref<1x32x128xf32, #tpu.memory_space<vmem>> -> memref<32x128xf32, #tpu.memory_space<vmem>>
    %dma_start3A_536 = arith.constant 0 : i32
    %dma_start3A_537 = tpu.memref_slice %arg5[%dma_start3A_536, %multiple_of3A_503] : memref<32x1000000xf32, #tpu.memory_space<hbm>> -> memref<32x128xf32, #tpu.memory_space<hbm>>
    tpu.enqueue_dma source(%dma_start3A_537 : memref<32x128xf32, #tpu.memory_space<hbm>>) target(%dma_start3A_535 : memref<32x128xf32, #tpu.memory_space<vmem>>) target_semaphore(%dma_start3A_531 : memref<!tpu.dma_semaphore, #tpu.memory_space<semaphore_mem>>)
    %scan3A = arith.constant 0 : i32
    %scan3A_538 = arith.constant 0 : i32
    %scan3A_539 = arith.constant 63 : i32
    %scan3A_540 = arith.addi %scan3A_538, %scan3A_539 : i32
    %scan3A_541 = arith.constant 1 : i32
    scf.for %scan3A_1410 = %scan3A_538 to %scan3A_540 step %scan3A_541  : i32 {
      %mul3A_1411 = arith.constant 8 : i32
      %mul3A_1412 = arith.muli %scan3A_1410, %mul3A_1411 : i32
      %add3A_1413 = arith.constant 0 : i32
      %add3A_1414 = arith.addi %mul3A_1412, %add3A_1413 : i32
      %shift_right_arithmetic3A_1415 = arith.constant 4 : i32
      %shift_right_arithmetic3A_1416 = arith.shrsi %add3A_1414, %shift_right_arithmetic3A_1415 : i32
      %shift_left3A = arith.constant 4 : i32
      %shift_left3A_1417 = arith.shli %shift_right_arithmetic3A_1416, %shift_left3A : i32
      %get3A_1418 = arith.index_cast %shift_left3A_1417 : i32 to index
      %get3A_1419 = tpu.vector_load %arg7[%get3A_1418] {strides = array<i32>} : memref<512xi32, #tpu.memory_space<vmem>>, vector<16xi32>,
      %and3A_1420 = arith.constant 15 : i32
      %and3A_1421 = arith.andi %add3A_1414, %and3A_1420 : i32
      %eq3A_1422 = vector.broadcast %and3A_1421 : i32 to vector<16xi32>
      %eq3A_1423 = arith.cmpi eq, %iota3A, %eq3A_1422 : vector<16xi32>
      %jit3A_1424 = arith.constant 0 : i32
      %broadcast_in_dim3A_1425 = vector.broadcast %jit3A_1424 : i32 to vector<16xi32>
      %select_n3A_1426 = arith.select %eq3A_1423, %get3A_1419, %broadcast_in_dim3A_1425 : vector<16xi1>, vector<16xi32>
      %reduce_sum3A_1427 = arith.constant true
      %reduce_sum3A_1428 = vector.broadcast %reduce_sum3A_1427 : i1 to vector<16xi1>
      %reduce_sum3A_1429 = tpu.scan <sum>, %select_n3A_1426 masked %reduce_sum3A_1428 : vector<16xi32>, vector<16xi1> -> vector<16xi32>
      %reduce_sum3A_1430 = vector.extract %reduce_sum3A_1429[15] : i32 from vector<16xi32>
      %broadcast_in_dim3A_1431 = vector.broadcast %reduce_sum3A_1430 : i32 to vector<16xi32>
      %and3A_1432 = arith.constant 127 : i32
      %and3A_1433 = vector.broadcast %and3A_1432 : i32 to vector<16xi32>
      %and3A_1434 = arith.andi %broadcast_in_dim3A_1431, %and3A_1433 : vector<16xi32>
      %shift_right_arithmetic3A_1435 = arith.constant 4 : i32
      %shift_right_arithmetic3A_1436 = arith.shrsi %add3A_1414, %shift_right_arithmetic3A_1435 : i32
      %shift_left3A_1437 = arith.constant 4 : i32
      %shift_left3A_1438 = arith.shli %shift_right_arithmetic3A_1436, %shift_left3A_1437 : i32
      %get3A_1439 = arith.index_cast %shift_left3A_1438 : i32 to index
      %get3A_1440 = tpu.vector_load %arg8[%get3A_1439] {strides = array<i32>} : memref<512xi32, #tpu.memory_space<vmem>>, vector<16xi32>,
      %and3A_1441 = arith.constant 15 : i32
      %and3A_1442 = arith.andi %add3A_1414, %and3A_1441 : i32
      %eq3A_1443 = vector.broadcast %and3A_1442 : i32 to vector<16xi32>
      %eq3A_1444 = arith.cmpi eq, %iota3A, %eq3A_1443 : vector<16xi32>
      %jit3A_1445 = arith.constant 0 : i32
      %broadcast_in_dim3A_1446 = vector.broadcast %jit3A_1445 : i32 to vector<16xi32>
      %select_n3A_1447 = arith.select %eq3A_1444, %get3A_1440, %broadcast_in_dim3A_1446 : vector<16xi1>, vector<16xi32>
      %reduce_sum3A_1448 = arith.constant true
      %reduce_sum3A_1449 = vector.broadcast %reduce_sum3A_1448 : i1 to vector<16xi1>
      %reduce_sum3A_1450 = tpu.scan <sum>, %select_n3A_1447 masked %reduce_sum3A_1449 : vector<16xi32>, vector<16xi1> -> vector<16xi32>
      %reduce_sum3A_1451 = vector.extract %reduce_sum3A_1450[15] : i32 from vector<16xi32>
      %broadcast_in_dim3A_1452 = vector.broadcast %reduce_sum3A_1451 : i32 to vector<16xi32>
      %and3A_1453 = arith.constant 127 : i32
      %and3A_1454 = vector.broadcast %and3A_1453 : i32 to vector<16xi32>
      %and3A_1455 = arith.andi %broadcast_in_dim3A_1452, %and3A_1454 : vector<16xi32>
      %broadcast_in_dim3A_1456 = vector.broadcast %add3A_1414 : i32 to vector<16xi32>
      %add3A_1457 = arith.constant 8 : i32
      %add3A_1458 = arith.addi %add3A_1414, %add3A_1457 : i32
      %shift_right_arithmetic3A_1459 = arith.constant 4 : i32
      %shift_right_arithmetic3A_1460 = arith.shrsi %add3A_1458, %shift_right_arithmetic3A_1459 : i32
      %shift_left3A_1461 = arith.constant 4 : i32
      %shift_left3A_1462 = arith.shli %shift_right_arithmetic3A_1460, %shift_left3A_1461 : i32
      %get3A_1463 = arith.index_cast %shift_left3A_1462 : i32 to index
      %get3A_1464 = tpu.vector_load %arg7[%get3A_1463] {strides = array<i32>} : memref<512xi32, #tpu.memory_space<vmem>>, vector<16xi32>,
      %and3A_1465 = arith.constant 15 : i32
      %and3A_1466 = arith.andi %add3A_1458, %and3A_1465 : i32
      %eq3A_1467 = vector.broadcast %and3A_1466 : i32 to vector<16xi32>
      %eq3A_1468 = arith.cmpi eq, %iota3A, %eq3A_1467 : vector<16xi32>
      %jit3A_1469 = arith.constant 0 : i32
      %broadcast_in_dim3A_1470 = vector.broadcast %jit3A_1469 : i32 to vector<16xi32>
      %select_n3A_1471 = arith.select %eq3A_1468, %get3A_1464, %broadcast_in_dim3A_1470 : vector<16xi1>, vector<16xi32>
      %reduce_sum3A_1472 = arith.constant true
      %reduce_sum3A_1473 = vector.broadcast %reduce_sum3A_1472 : i1 to vector<16xi1>
      %reduce_sum3A_1474 = tpu.scan <sum>, %select_n3A_1471 masked %reduce_sum3A_1473 : vector<16xi32>, vector<16xi1> -> vector<16xi32>
      %reduce_sum3A_1475 = vector.extract %reduce_sum3A_1474[15] : i32 from vector<16xi32>
      %shift_right_arithmetic3A_1476 = arith.constant 7 : i32
      %shift_right_arithmetic3A_1477 = arith.shrsi %reduce_sum3A_1475, %shift_right_arithmetic3A_1476 : i32
      %mul3A_1478 = arith.constant 128 : i32
      %mul3A_1479 = arith.muli %shift_right_arithmetic3A_1477, %mul3A_1478 : i32
      %multiple_of3A_1480 = tpu.assume_multiple %mul3A_1479, 128 : i32
      %shift_right_arithmetic3A_1481 = arith.constant 4 : i32
      %shift_right_arithmetic3A_1482 = arith.shrsi %add3A_1458, %shift_right_arithmetic3A_1481 : i32
      %shift_left3A_1483 = arith.constant 4 : i32
      %shift_left3A_1484 = arith.shli %shift_right_arithmetic3A_1482, %shift_left3A_1483 : i32
      %get3A_1485 = arith.index_cast %shift_left3A_1484 : i32 to index
      %get3A_1486 = tpu.vector_load %arg8[%get3A_1485] {strides = array<i32>} : memref<512xi32, #tpu.memory_space<vmem>>, vector<16xi32>,
      %and3A_1487 = arith.constant 15 : i32
      %and3A_1488 = arith.andi %add3A_1458, %and3A_1487 : i32
      %eq3A_1489 = vector.broadcast %and3A_1488 : i32 to vector<16xi32>
      %eq3A_1490 = arith.cmpi eq, %iota3A, %eq3A_1489 : vector<16xi32>
      %jit3A_1491 = arith.constant 0 : i32
      %broadcast_in_dim3A_1492 = vector.broadcast %jit3A_1491 : i32 to vector<16xi32>
      %select_n3A_1493 = arith.select %eq3A_1490, %get3A_1486, %broadcast_in_dim3A_1492 : vector<16xi1>, vector<16xi32>
      %reduce_sum3A_1494 = arith.constant true
      %reduce_sum3A_1495 = vector.broadcast %reduce_sum3A_1494 : i1 to vector<16xi1>
      %reduce_sum3A_1496 = tpu.scan <sum>, %select_n3A_1493 masked %reduce_sum3A_1495 : vector<16xi32>, vector<16xi1> -> vector<16xi32>
      %reduce_sum3A_1497 = vector.extract %reduce_sum3A_1496[15] : i32 from vector<16xi32>
      %shift_right_arithmetic3A_1498 = arith.constant 7 : i32
      %shift_right_arithmetic3A_1499 = arith.shrsi %reduce_sum3A_1497, %shift_right_arithmetic3A_1498 : i32
      %mul3A_1500 = arith.constant 128 : i32
      %mul3A_1501 = arith.muli %shift_right_arithmetic3A_1499, %mul3A_1500 : i32
      %multiple_of3A_1502 = tpu.assume_multiple %mul3A_1501, 128 : i32
      %dma_wait3A_1503 = arith.constant 0 : i32
      %dma_wait3A_1504 = arith.constant 0 : i32
      %dma_wait3A_1505 = arith.constant 0 : i32
      %dma_wait3A_1506 = arith.constant 0 : i32
      %dma_wait3A_1507 = arith.constant 0 : i32
      %dma_wait3A_1508 = tpu.memref_slice %arg9[%dma_wait3A_1503, %dma_wait3A_1506, %dma_wait3A_1507] : memref<8x32x128xf32, #tpu.memory_space<vmem>> -> memref<1x32x128xf32, #tpu.memory_space<vmem>>
      %dma_wait3A_1509 = tpu.memref_squeeze %dma_wait3A_1508 : memref<1x32x128xf32, #tpu.memory_space<vmem>> -> memref<32x128xf32, #tpu.memory_space<vmem>>
      %dma_wait3A_1510 = arith.constant 0 : i32
      %dma_wait3A_1511 = arith.constant 0 : i32
      %dma_wait3A_1512 = tpu.memref_slice %arg4[%dma_wait3A_1510, %dma_wait3A_1511] : memref<32x1000000xf32, #tpu.memory_space<hbm>> -> memref<32x128xf32, #tpu.memory_space<hbm>>
      %dma_wait3A_1513 = tpu.memref_slice %arg14[%dma_wait3A_1504, %dma_wait3A_1505] : memref<2x8x!tpu.dma_semaphore, #tpu.memory_space<semaphore_mem>> -> memref<1x1x!tpu.dma_semaphore, #tpu.memory_space<semaphore_mem>>
      %dma_wait3A_1514 = tpu.memref_squeeze %dma_wait3A_1513 : memref<1x1x!tpu.dma_semaphore, #tpu.memory_space<semaphore_mem>> -> memref<!tpu.dma_semaphore, #tpu.memory_space<semaphore_mem>>
      %dma_wait3A_1515 = arith.constant 0 : i32
      %dma_wait3A_1516 = arith.constant 0 : i32
      %dma_wait3A_1517 = tpu.memref_slice %arg9[%dma_wait3A_1503, %dma_wait3A_1515, %dma_wait3A_1516] : memref<8x32x128xf32, #tpu.memory_space<vmem>> -> memref<1x32x128xf32, #tpu.memory_space<vmem>>
      %dma_wait3A_1518 = tpu.memref_squeeze %dma_wait3A_1517 : memref<1x32x128xf32, #tpu.memory_space<vmem>> -> memref<32x128xf32, #tpu.memory_space<vmem>>
      %dma_wait3A_1519 = arith.constant 0 : i32
      %dma_wait3A_1520 = arith.constant 0 : i32
      %dma_wait3A_1521 = tpu.memref_slice %arg4[%dma_wait3A_1519, %dma_wait3A_1520] : memref<32x1000000xf32, #tpu.memory_space<hbm>> -> memref<32x128xf32, #tpu.memory_space<hbm>>
      tpu.wait_dma2 semaphore(%dma_wait3A_1514 : memref<!tpu.dma_semaphore, #tpu.memory_space<semaphore_mem>>) src(%dma_wait3A_1521 : memref<32x128xf32, #tpu.memory_space<hbm>>) dst(%dma_wait3A_1518 : memref<32x128xf32, #tpu.memory_space<vmem>>)
      %add3A_1522 = arith.constant 0 : i32
      %add3A_1523 = vector.broadcast %add3A_1522 : i32 to vector<16xi32>
      %add3A_1524 = arith.addi %iota3A, %add3A_1523 : vector<16xi32>
      %gather3A_1525 = arith.constant 0 : i32
      %gather3A_1526 = arith.constant 0 : i32
      %gather3A_1527 = arith.constant 0 : i32
      %gather3A_1528 = tpu.memref_slice %arg9[%gather3A_1525, %gather3A_1526, %gather3A_1527] : memref<8x32x128xf32, #tpu.memory_space<vmem>> -> memref<1x32x128xf32, #tpu.memory_space<vmem>>
      %gather3A_1529 = tpu.memref_squeeze %gather3A_1528 : memref<1x32x128xf32, #tpu.memory_space<vmem>> -> memref<32x128xf32, #tpu.memory_space<vmem>>
      %gather3A_1530 = tpu.vector_load_idx %gather3A_1529[%add3A_1524, %and3A_1434] : memref<32x128xf32, #tpu.memory_space<vmem>>[vector<16xi32>, vector<16xi32>], vector<16xf32>,
      tpu.vector_store_idx %arg11[%add3A_1524, %broadcast_in_dim3A_1456], %gather3A_1530 : memref<32x512xf32, #tpu.memory_space<vmem>>[vector<16xi32>, vector<16xi32>], vector<16xf32>,
      %add3A_1531 = arith.constant 16 : i32
      %add3A_1532 = vector.broadcast %add3A_1531 : i32 to vector<16xi32>
      %add3A_1533 = arith.addi %iota3A, %add3A_1532 : vector<16xi32>
      %gather3A_1534 = arith.constant 0 : i32
      %gather3A_1535 = arith.constant 0 : i32
      %gather3A_1536 = arith.constant 0 : i32
      %gather3A_1537 = tpu.memref_slice %arg9[%gather3A_1534, %gather3A_1535, %gather3A_1536] : memref<8x32x128xf32, #tpu.memory_space<vmem>> -> memref<1x32x128xf32, #tpu.memory_space<vmem>>
      %gather3A_1538 = tpu.memref_squeeze %gather3A_1537 : memref<1x32x128xf32, #tpu.memory_space<vmem>> -> memref<32x128xf32, #tpu.memory_space<vmem>>
      %gather3A_1539 = tpu.vector_load_idx %gather3A_1538[%add3A_1533, %and3A_1434] : memref<32x128xf32, #tpu.memory_space<vmem>>[vector<16xi32>, vector<16xi32>], vector<16xf32>,
      tpu.vector_store_idx %arg11[%add3A_1533, %broadcast_in_dim3A_1456], %gather3A_1539 : memref<32x512xf32, #tpu.memory_space<vmem>>[vector<16xi32>, vector<16xi32>], vector<16xf32>,
      %dma_wait3A_1540 = arith.constant 0 : i32
      %dma_wait3A_1541 = arith.constant 1 : i32
      %dma_wait3A_1542 = arith.constant 0 : i32
      %dma_wait3A_1543 = arith.constant 0 : i32
      %dma_wait3A_1544 = arith.constant 0 : i32
      %dma_wait3A_1545 = tpu.memref_slice %arg10[%dma_wait3A_1540, %dma_wait3A_1543, %dma_wait3A_1544] : memref<8x32x128xf32, #tpu.memory_space<vmem>> -> memref<1x32x128xf32, #tpu.memory_space<vmem>>
      %dma_wait3A_1546 = tpu.memref_squeeze %dma_wait3A_1545 : memref<1x32x128xf32, #tpu.memory_space<vmem>> -> memref<32x128xf32, #tpu.memory_space<vmem>>
      %dma_wait3A_1547 = arith.constant 0 : i32
      %dma_wait3A_1548 = arith.constant 0 : i32
      %dma_wait3A_1549 = tpu.memref_slice %arg5[%dma_wait3A_1547, %dma_wait3A_1548] : memref<32x1000000xf32, #tpu.memory_space<hbm>> -> memref<32x128xf32, #tpu.memory_space<hbm>>
      %dma_wait3A_1550 = tpu.memref_slice %arg14[%dma_wait3A_1541, %dma_wait3A_1542] : memref<2x8x!tpu.dma_semaphore, #tpu.memory_space<semaphore_mem>> -> memref<1x1x!tpu.dma_semaphore, #tpu.memory_space<semaphore_mem>>
      %dma_wait3A_1551 = tpu.memref_squeeze %dma_wait3A_1550 : memref<1x1x!tpu.dma_semaphore, #tpu.memory_space<semaphore_mem>> -> memref<!tpu.dma_semaphore, #tpu.memory_space<semaphore_mem>>
      %dma_wait3A_1552 = arith.constant 0 : i32
      %dma_wait3A_1553 = arith.constant 0 : i32
      %dma_wait3A_1554 = tpu.memref_slice %arg10[%dma_wait3A_1540, %dma_wait3A_1552, %dma_wait3A_1553] : memref<8x32x128xf32, #tpu.memory_space<vmem>> -> memref<1x32x128xf32, #tpu.memory_space<vmem>>
      %dma_wait3A_1555 = tpu.memref_squeeze %dma_wait3A_1554 : memref<1x32x128xf32, #tpu.memory_space<vmem>> -> memref<32x128xf32, #tpu.memory_space<vmem>>
      %dma_wait3A_1556 = arith.constant 0 : i32
      %dma_wait3A_1557 = arith.constant 0 : i32
      %dma_wait3A_1558 = tpu.memref_slice %arg5[%dma_wait3A_1556, %dma_wait3A_1557] : memref<32x1000000xf32, #tpu.memory_space<hbm>> -> memref<32x128xf32, #tpu.memory_space<hbm>>
      tpu.wait_dma2 semaphore(%dma_wait3A_1551 : memref<!tpu.dma_semaphore, #tpu.memory_space<semaphore_mem>>) src(%dma_wait3A_1558 : memref<32x128xf32, #tpu.memory_space<hbm>>) dst(%dma_wait3A_1555 : memref<32x128xf32, #tpu.memory_space<vmem>>)
      %add3A_1559 = arith.constant 0 : i32
      %add3A_1560 = vector.broadcast %add3A_1559 : i32 to vector<16xi32>
      %add3A_1561 = arith.addi %iota3A, %add3A_1560 : vector<16xi32>
      %gather3A_1562 = arith.constant 0 : i32
      %gather3A_1563 = arith.constant 0 : i32
      %gather3A_1564 = arith.constant 0 : i32
      %gather3A_1565 = tpu.memref_slice %arg10[%gather3A_1562, %gather3A_1563, %gather3A_1564] : memref<8x32x128xf32, #tpu.memory_space<vmem>> -> memref<1x32x128xf32, #tpu.memory_space<vmem>>
      %gather3A_1566 = tpu.memref_squeeze %gather3A_1565 : memref<1x32x128xf32, #tpu.memory_space<vmem>> -> memref<32x128xf32, #tpu.memory_space<vmem>>
      %gather3A_1567 = tpu.vector_load_idx %gather3A_1566[%add3A_1561, %and3A_1455] : memref<32x128xf32, #tpu.memory_space<vmem>>[vector<16xi32>, vector<16xi32>], vector<16xf32>,
      tpu.vector_store_idx %arg12[%add3A_1561, %broadcast_in_dim3A_1456], %gather3A_1567 : memref<32x512xf32, #tpu.memory_space<vmem>>[vector<16xi32>, vector<16xi32>], vector<16xf32>,
      %add3A_1568 = arith.constant 16 : i32
      %add3A_1569 = vector.broadcast %add3A_1568 : i32 to vector<16xi32>
      %add3A_1570 = arith.addi %iota3A, %add3A_1569 : vector<16xi32>
      %gather3A_1571 = arith.constant 0 : i32
      %gather3A_1572 = arith.constant 0 : i32
      %gather3A_1573 = arith.constant 0 : i32
      %gather3A_1574 = tpu.memref_slice %arg10[%gather3A_1571, %gather3A_1572, %gather3A_1573] : memref<8x32x128xf32, #tpu.memory_space<vmem>> -> memref<1x32x128xf32, #tpu.memory_space<vmem>>
      %gather3A_1575 = tpu.memref_squeeze %gather3A_1574 : memref<1x32x128xf32, #tpu.memory_space<vmem>> -> memref<32x128xf32, #tpu.memory_space<vmem>>
      %gather3A_1576 = tpu.vector_load_idx %gather3A_1575[%add3A_1570, %and3A_1455] : memref<32x128xf32, #tpu.memory_space<vmem>>[vector<16xi32>, vector<16xi32>], vector<16xf32>,
      tpu.vector_store_idx %arg12[%add3A_1570, %broadcast_in_dim3A_1456], %gather3A_1576 : memref<32x512xf32, #tpu.memory_space<vmem>>[vector<16xi32>, vector<16xi32>], vector<16xf32>,
      %dma_start3A_1577 = arith.constant 0 : i32
      %dma_start3A_1578 = arith.constant 0 : i32
      %dma_start3A_1579 = arith.constant 0 : i32
      %dma_start3A_1580 = arith.constant 0 : i32
      %dma_start3A_1581 = arith.constant 0 : i32
      %dma_start3A_1582 = tpu.memref_slice %arg9[%dma_start3A_1577, %dma_start3A_1580, %dma_start3A_1581] : memref<8x32x128xf32, #tpu.memory_space<vmem>> -> memref<1x32x128xf32, #tpu.memory_space<vmem>>
      %dma_start3A_1583 = tpu.memref_squeeze %dma_start3A_1582 : memref<1x32x128xf32, #tpu.memory_space<vmem>> -> memref<32x128xf32, #tpu.memory_space<vmem>>
      %dma_start3A_1584 = arith.constant 0 : i32
      %dma_start3A_1585 = tpu.memref_slice %arg4[%dma_start3A_1584, %multiple_of3A_1480] : memref<32x1000000xf32, #tpu.memory_space<hbm>> -> memref<32x128xf32, #tpu.memory_space<hbm>>
      %dma_start3A_1586 = tpu.memref_slice %arg14[%dma_start3A_1578, %dma_start3A_1579] : memref<2x8x!tpu.dma_semaphore, #tpu.memory_space<semaphore_mem>> -> memref<1x1x!tpu.dma_semaphore, #tpu.memory_space<semaphore_mem>>
      %dma_start3A_1587 = tpu.memref_squeeze %dma_start3A_1586 : memref<1x1x!tpu.dma_semaphore, #tpu.memory_space<semaphore_mem>> -> memref<!tpu.dma_semaphore, #tpu.memory_space<semaphore_mem>>
      %dma_start3A_1588 = arith.constant 0 : i32
      %dma_start3A_1589 = arith.constant 0 : i32
      %dma_start3A_1590 = tpu.memref_slice %arg9[%dma_start3A_1577, %dma_start3A_1588, %dma_start3A_1589] : memref<8x32x128xf32, #tpu.memory_space<vmem>> -> memref<1x32x128xf32, #tpu.memory_space<vmem>>
      %dma_start3A_1591 = tpu.memref_squeeze %dma_start3A_1590 : memref<1x32x128xf32, #tpu.memory_space<vmem>> -> memref<32x128xf32, #tpu.memory_space<vmem>>
      %dma_start3A_1592 = arith.constant 0 : i32
      %dma_start3A_1593 = tpu.memref_slice %arg4[%dma_start3A_1592, %multiple_of3A_1480] : memref<32x1000000xf32, #tpu.memory_space<hbm>> -> memref<32x128xf32, #tpu.memory_space<hbm>>
      tpu.enqueue_dma source(%dma_start3A_1593 : memref<32x128xf32, #tpu.memory_space<hbm>>) target(%dma_start3A_1591 : memref<32x128xf32, #tpu.memory_space<vmem>>) target_semaphore(%dma_start3A_1587 : memref<!tpu.dma_semaphore, #tpu.memory_space<semaphore_mem>>)
      %dma_start3A_1594 = arith.constant 0 : i32
      %dma_start3A_1595 = arith.constant 1 : i32
      %dma_start3A_1596 = arith.constant 0 : i32
      %dma_start3A_1597 = arith.constant 0 : i32
      %dma_start3A_1598 = arith.constant 0 : i32
      %dma_start3A_1599 = tpu.memref_slice %arg10[%dma_start3A_1594, %dma_start3A_1597, %dma_start3A_1598] : memref<8x32x128xf32, #tpu.memory_space<vmem>> -> memref<1x32x128xf32, #tpu.memory_space<vmem>>
      %dma_start3A_1600 = tpu.memref_squeeze %dma_start3A_1599 : memref<1x32x128xf32, #tpu.memory_space<vmem>> -> memref<32x128xf32, #tpu.memory_space<vmem>>
      %dma_start3A_1601 = arith.constant 0 : i32
      %dma_start3A_1602 = tpu.memref_slice %arg5[%dma_start3A_1601, %multiple_of3A_1502] : memref<32x1000000xf32, #tpu.memory_space<hbm>> -> memref<32x128xf32, #tpu.memory_space<hbm>>
      %dma_start3A_1603 = tpu.memref_slice %arg14[%dma_start3A_1595, %dma_start3A_1596] : memref<2x8x!tpu.dma_semaphore, #tpu.memory_space<semaphore_mem>> -> memref<1x1x!tpu.dma_semaphore, #tpu.memory_space<semaphore_mem>>
      %dma_start3A_1604 = tpu.memref_squeeze %dma_start3A_1603 : memref<1x1x!tpu.dma_semaphore, #tpu.memory_space<semaphore_mem>> -> memref<!tpu.dma_semaphore, #tpu.memory_space<semaphore_mem>>
      %dma_start3A_1605 = arith.constant 0 : i32
      %dma_start3A_1606 = arith.constant 0 : i32
      %dma_start3A_1607 = tpu.memref_slice %arg10[%dma_start3A_1594, %dma_start3A_1605, %dma_start3A_1606] : memref<8x32x128xf32, #tpu.memory_space<vmem>> -> memref<1x32x128xf32, #tpu.memory_space<vmem>>
      %dma_start3A_1608 = tpu.memref_squeeze %dma_start3A_1607 : memref<1x32x128xf32, #tpu.memory_space<vmem>> -> memref<32x128xf32, #tpu.memory_space<vmem>>
      %dma_start3A_1609 = arith.constant 0 : i32
      %dma_start3A_1610 = tpu.memref_slice %arg5[%dma_start3A_1609, %multiple_of3A_1502] : memref<32x1000000xf32, #tpu.memory_space<hbm>> -> memref<32x128xf32, #tpu.memory_space<hbm>>
      tpu.enqueue_dma source(%dma_start3A_1610 : memref<32x128xf32, #tpu.memory_space<hbm>>) target(%dma_start3A_1608 : memref<32x128xf32, #tpu.memory_space<vmem>>) target_semaphore(%dma_start3A_1604 : memref<!tpu.dma_semaphore, #tpu.memory_space<semaphore_mem>>)
      %add3A_1611 = arith.constant 1 : i32
      %add3A_1612 = arith.addi %mul3A_1412, %add3A_1611 : i32
      %shift_right_arithmetic3A_1613 = arith.constant 4 : i32
      %shift_right_arithmetic3A_1614 = arith.shrsi %add3A_1612, %shift_right_arithmetic3A_1613 : i32
      %shift_left3A_1615 = arith.constant 4 : i32
      %shift_left3A_1616 = arith.shli %shift_right_arithmetic3A_1614, %shift_left3A_1615 : i32
      %get3A_1617 = arith.index_cast %shift_left3A_1616 : i32 to index
      %get3A_1618 = tpu.vector_load %arg7[%get3A_1617] {strides = array<i32>} : memref<512xi32, #tpu.memory_space<vmem>>, vector<16xi32>,
      %and3A_1619 = arith.constant 15 : i32
      %and3A_1620 = arith.andi %add3A_1612, %and3A_1619 : i32
      %eq3A_1621 = vector.broadcast %and3A_1620 : i32 to vector<16xi32>
      %eq3A_1622 = arith.cmpi eq, %iota3A, %eq3A_1621 : vector<16xi32>
      %jit3A_1623 = arith.constant 0 : i32
      %broadcast_in_dim3A_1624 = vector.broadcast %jit3A_1623 : i32 to vector<16xi32>
      %select_n3A_1625 = arith.select %eq3A_1622, %get3A_1618, %broadcast_in_dim3A_1624 : vector<16xi1>, vector<16xi32>
      %reduce_sum3A_1626 = arith.constant true
      %reduce_sum3A_1627 = vector.broadcast %reduce_sum3A_1626 : i1 to vector<16xi1>
      %reduce_sum3A_1628 = tpu.scan <sum>, %select_n3A_1625 masked %reduce_sum3A_1627 : vector<16xi32>, vector<16xi1> -> vector<16xi32>
      %reduce_sum3A_1629 = vector.extract %reduce_sum3A_1628[15] : i32 from vector<16xi32>
      %broadcast_in_dim3A_1630 = vector.broadcast %reduce_sum3A_1629 : i32 to vector<16xi32>
      %and3A_1631 = arith.constant 127 : i32
      %and3A_1632 = vector.broadcast %and3A_1631 : i32 to vector<16xi32>
      %and3A_1633 = arith.andi %broadcast_in_dim3A_1630, %and3A_1632 : vector<16xi32>
      %shift_right_arithmetic3A_1634 = arith.constant 4 : i32
      %shift_right_arithmetic3A_1635 = arith.shrsi %add3A_1612, %shift_right_arithmetic3A_1634 : i32
      %shift_left3A_1636 = arith.constant 4 : i32
      %shift_left3A_1637 = arith.shli %shift_right_arithmetic3A_1635, %shift_left3A_1636 : i32
      %get3A_1638 = arith.index_cast %shift_left3A_1637 : i32 to index
      %get3A_1639 = tpu.vector_load %arg8[%get3A_1638] {strides = array<i32>} : memref<512xi32, #tpu.memory_space<vmem>>, vector<16xi32>,
      %and3A_1640 = arith.constant 15 : i32
      %and3A_1641 = arith.andi %add3A_1612, %and3A_1640 : i32
      %eq3A_1642 = vector.broadcast %and3A_1641 : i32 to vector<16xi32>
      %eq3A_1643 = arith.cmpi eq, %iota3A, %eq3A_1642 : vector<16xi32>
      %jit3A_1644 = arith.constant 0 : i32
      %broadcast_in_dim3A_1645 = vector.broadcast %jit3A_1644 : i32 to vector<16xi32>
      %select_n3A_1646 = arith.select %eq3A_1643, %get3A_1639, %broadcast_in_dim3A_1645 : vector<16xi1>, vector<16xi32>
      %reduce_sum3A_1647 = arith.constant true
      %reduce_sum3A_1648 = vector.broadcast %reduce_sum3A_1647 : i1 to vector<16xi1>
      %reduce_sum3A_1649 = tpu.scan <sum>, %select_n3A_1646 masked %reduce_sum3A_1648 : vector<16xi32>, vector<16xi1> -> vector<16xi32>
      %reduce_sum3A_1650 = vector.extract %reduce_sum3A_1649[15] : i32 from vector<16xi32>
      %broadcast_in_dim3A_1651 = vector.broadcast %reduce_sum3A_1650 : i32 to vector<16xi32>
      %and3A_1652 = arith.constant 127 : i32
      %and3A_1653 = vector.broadcast %and3A_1652 : i32 to vector<16xi32>
      %and3A_1654 = arith.andi %broadcast_in_dim3A_1651, %and3A_1653 : vector<16xi32>
      %broadcast_in_dim3A_1655 = vector.broadcast %add3A_1612 : i32 to vector<16xi32>
      %add3A_1656 = arith.constant 8 : i32
      %add3A_1657 = arith.addi %add3A_1612, %add3A_1656 : i32
      %shift_right_arithmetic3A_1658 = arith.constant 4 : i32
      %shift_right_arithmetic3A_1659 = arith.shrsi %add3A_1657, %shift_right_arithmetic3A_1658 : i32
      %shift_left3A_1660 = arith.constant 4 : i32
      %shift_left3A_1661 = arith.shli %shift_right_arithmetic3A_1659, %shift_left3A_1660 : i32
      %get3A_1662 = arith.index_cast %shift_left3A_1661 : i32 to index
      %get3A_1663 = tpu.vector_load %arg7[%get3A_1662] {strides = array<i32>} : memref<512xi32, #tpu.memory_space<vmem>>, vector<16xi32>,
      %and3A_1664 = arith.constant 15 : i32
      %and3A_1665 = arith.andi %add3A_1657, %and3A_1664 : i32
      %eq3A_1666 = vector.broadcast %and3A_1665 : i32 to vector<16xi32>
      %eq3A_1667 = arith.cmpi eq, %iota3A, %eq3A_1666 : vector<16xi32>
      %jit3A_1668 = arith.constant 0 : i32
      %broadcast_in_dim3A_1669 = vector.broadcast %jit3A_1668 : i32 to vector<16xi32>
      %select_n3A_1670 = arith.select %eq3A_1667, %get3A_1663, %broadcast_in_dim3A_1669 : vector<16xi1>, vector<16xi32>
      %reduce_sum3A_1671 = arith.constant true
      %reduce_sum3A_1672 = vector.broadcast %reduce_sum3A_1671 : i1 to vector<16xi1>
      %reduce_sum3A_1673 = tpu.scan <sum>, %select_n3A_1670 masked %reduce_sum3A_1672 : vector<16xi32>, vector<16xi1> -> vector<16xi32>
      %reduce_sum3A_1674 = vector.extract %reduce_sum3A_1673[15] : i32 from vector<16xi32>
      %shift_right_arithmetic3A_1675 = arith.constant 7 : i32
      %shift_right_arithmetic3A_1676 = arith.shrsi %reduce_sum3A_1674, %shift_right_arithmetic3A_1675 : i32
      %mul3A_1677 = arith.constant 128 : i32
      %mul3A_1678 = arith.muli %shift_right_arithmetic3A_1676, %mul3A_1677 : i32
      %multiple_of3A_1679 = tpu.assume_multiple %mul3A_1678, 128 : i32
      %shift_right_arithmetic3A_1680 = arith.constant 4 : i32
      %shift_right_arithmetic3A_1681 = arith.shrsi %add3A_1657, %shift_right_arithmetic3A_1680 : i32
      %shift_left3A_1682 = arith.constant 4 : i32
      %shift_left3A_1683 = arith.shli %shift_right_arithmetic3A_1681, %shift_left3A_1682 : i32
      %get3A_1684 = arith.index_cast %shift_left3A_1683 : i32 to index
      %get3A_1685 = tpu.vector_load %arg8[%get3A_1684] {strides = array<i32>} : memref<512xi32, #tpu.memory_space<vmem>>, vector<16xi32>,
      %and3A_1686 = arith.constant 15 : i32
      %and3A_1687 = arith.andi %add3A_1657, %and3A_1686 : i32
      %eq3A_1688 = vector.broadcast %and3A_1687 : i32 to vector<16xi32>
      %eq3A_1689 = arith.cmpi eq, %iota3A, %eq3A_1688 : vector<16xi32>
      %jit3A_1690 = arith.constant 0 : i32
      %broadcast_in_dim3A_1691 = vector.broadcast %jit3A_1690 : i32 to vector<16xi32>
      %select_n3A_1692 = arith.select %eq3A_1689, %get3A_1685, %broadcast_in_dim3A_1691 : vector<16xi1>, vector<16xi32>
      %reduce_sum3A_1693 = arith.constant true
      %reduce_sum3A_1694 = vector.broadcast %reduce_sum3A_1693 : i1 to vector<16xi1>
      %reduce_sum3A_1695 = tpu.scan <sum>, %select_n3A_1692 masked %reduce_sum3A_1694 : vector<16xi32>, vector<16xi1> -> vector<16xi32>
      %reduce_sum3A_1696 = vector.extract %reduce_sum3A_1695[15] : i32 from vector<16xi32>
      %shift_right_arithmetic3A_1697 = arith.constant 7 : i32
      %shift_right_arithmetic3A_1698 = arith.shrsi %reduce_sum3A_1696, %shift_right_arithmetic3A_1697 : i32
      %mul3A_1699 = arith.constant 128 : i32
      %mul3A_1700 = arith.muli %shift_right_arithmetic3A_1698, %mul3A_1699 : i32
      %multiple_of3A_1701 = tpu.assume_multiple %mul3A_1700, 128 : i32
      %dma_wait3A_1702 = arith.constant 1 : i32
      %dma_wait3A_1703 = arith.constant 0 : i32
      %dma_wait3A_1704 = arith.constant 1 : i32
      %dma_wait3A_1705 = arith.constant 0 : i32
      %dma_wait3A_1706 = arith.constant 0 : i32
      %dma_wait3A_1707 = tpu.memref_slice %arg9[%dma_wait3A_1702, %dma_wait3A_1705, %dma_wait3A_1706] : memref<8x32x128xf32, #tpu.memory_space<vmem>> -> memref<1x32x128xf32, #tpu.memory_space<vmem>>
      %dma_wait3A_1708 = tpu.memref_squeeze %dma_wait3A_1707 : memref<1x32x128xf32, #tpu.memory_space<vmem>> -> memref<32x128xf32, #tpu.memory_space<vmem>>
      %dma_wait3A_1709 = arith.constant 0 : i32
      %dma_wait3A_1710 = arith.constant 0 : i32
      %dma_wait3A_1711 = tpu.memref_slice %arg4[%dma_wait3A_1709, %dma_wait3A_1710] : memref<32x1000000xf32, #tpu.memory_space<hbm>> -> memref<32x128xf32, #tpu.memory_space<hbm>>
      %dma_wait3A_1712 = tpu.memref_slice %arg14[%dma_wait3A_1703, %dma_wait3A_1704] : memref<2x8x!tpu.dma_semaphore, #tpu.memory_space<semaphore_mem>> -> memref<1x1x!tpu.dma_semaphore, #tpu.memory_space<semaphore_mem>>
      %dma_wait3A_1713 = tpu.memref_squeeze %dma_wait3A_1712 : memref<1x1x!tpu.dma_semaphore, #tpu.memory_space<semaphore_mem>> -> memref<!tpu.dma_semaphore, #tpu.memory_space<semaphore_mem>>
      %dma_wait3A_1714 = arith.constant 0 : i32
      %dma_wait3A_1715 = arith.constant 0 : i32
      %dma_wait3A_1716 = tpu.memref_slice %arg9[%dma_wait3A_1702, %dma_wait3A_1714, %dma_wait3A_1715] : memref<8x32x128xf32, #tpu.memory_space<vmem>> -> memref<1x32x128xf32, #tpu.memory_space<vmem>>
      %dma_wait3A_1717 = tpu.memref_squeeze %dma_wait3A_1716 : memref<1x32x128xf32, #tpu.memory_space<vmem>> -> memref<32x128xf32, #tpu.memory_space<vmem>>
      %dma_wait3A_1718 = arith.constant 0 : i32
      %dma_wait3A_1719 = arith.constant 0 : i32
      %dma_wait3A_1720 = tpu.memref_slice %arg4[%dma_wait3A_1718, %dma_wait3A_1719] : memref<32x1000000xf32, #tpu.memory_space<hbm>> -> memref<32x128xf32, #tpu.memory_space<hbm>>
      tpu.wait_dma2 semaphore(%dma_wait3A_1713 : memref<!tpu.dma_semaphore, #tpu.memory_space<semaphore_mem>>) src(%dma_wait3A_1720 : memref<32x128xf32, #tpu.memory_space<hbm>>) dst(%dma_wait3A_1717 : memref<32x128xf32, #tpu.memory_space<vmem>>)
      %add3A_1721 = arith.constant 0 : i32
      %add3A_1722 = vector.broadcast %add3A_1721 : i32 to vector<16xi32>
      %add3A_1723 = arith.addi %iota3A, %add3A_1722 : vector<16xi32>
      %gather3A_1724 = arith.constant 1 : i32
      %gather3A_1725 = arith.constant 0 : i32
      %gather3A_1726 = arith.constant 0 : i32
      %gather3A_1727 = tpu.memref_slice %arg9[%gather3A_1724, %gather3A_1725, %gather3A_1726] : memref<8x32x128xf32, #tpu.memory_space<vmem>> -> memref<1x32x128xf32, #tpu.memory_space<vmem>>
      %gather3A_1728 = tpu.memref_squeeze %gather3A_1727 : memref<1x32x128xf32, #tpu.memory_space<vmem>> -> memref<32x128xf32, #tpu.memory_space<vmem>>
      %gather3A_1729 = tpu.vector_load_idx %gather3A_1728[%add3A_1723, %and3A_1633] : memref<32x128xf32, #tpu.memory_space<vmem>>[vector<16xi32>, vector<16xi32>], vector<16xf32>,
      tpu.vector_store_idx %arg11[%add3A_1723, %broadcast_in_dim3A_1655], %gather3A_1729 : memref<32x512xf32, #tpu.memory_space<vmem>>[vector<16xi32>, vector<16xi32>], vector<16xf32>,
      %add3A_1730 = arith.constant 16 : i32
      %add3A_1731 = vector.broadcast %add3A_1730 : i32 to vector<16xi32>
      %add3A_1732 = arith.addi %iota3A, %add3A_1731 : vector<16xi32>
      %gather3A_1733 = arith.constant 1 : i32
      %gather3A_1734 = arith.constant 0 : i32
      %gather3A_1735 = arith.constant 0 : i32
      %gather3A_1736 = tpu.memref_slice %arg9[%gather3A_1733, %gather3A_1734, %gather3A_1735] : memref<8x32x128xf32, #tpu.memory_space<vmem>> -> memref<1x32x128xf32, #tpu.memory_space<vmem>>
      %gather3A_1737 = tpu.memref_squeeze %gather3A_1736 : memref<1x32x128xf32, #tpu.memory_space<vmem>> -> memref<32x128xf32, #tpu.memory_space<vmem>>
      %gather3A_1738 = tpu.vector_load_idx %gather3A_1737[%add3A_1732, %and3A_1633] : memref<32x128xf32, #tpu.memory_space<vmem>>[vector<16xi32>, vector<16xi32>], vector<16xf32>,
      tpu.vector_store_idx %arg11[%add3A_1732, %broadcast_in_dim3A_1655], %gather3A_1738 : memref<32x512xf32, #tpu.memory_space<vmem>>[vector<16xi32>, vector<16xi32>], vector<16xf32>,
      %dma_wait3A_1739 = arith.constant 1 : i32
      %dma_wait3A_1740 = arith.constant 1 : i32
      %dma_wait3A_1741 = arith.constant 1 : i32
      %dma_wait3A_1742 = arith.constant 0 : i32
      %dma_wait3A_1743 = arith.constant 0 : i32
      %dma_wait3A_1744 = tpu.memref_slice %arg10[%dma_wait3A_1739, %dma_wait3A_1742, %dma_wait3A_1743] : memref<8x32x128xf32, #tpu.memory_space<vmem>> -> memref<1x32x128xf32, #tpu.memory_space<vmem>>
      %dma_wait3A_1745 = tpu.memref_squeeze %dma_wait3A_1744 : memref<1x32x128xf32, #tpu.memory_space<vmem>> -> memref<32x128xf32, #tpu.memory_space<vmem>>
      %dma_wait3A_1746 = arith.constant 0 : i32
      %dma_wait3A_1747 = arith.constant 0 : i32
      %dma_wait3A_1748 = tpu.memref_slice %arg5[%dma_wait3A_1746, %dma_wait3A_1747] : memref<32x1000000xf32, #tpu.memory_space<hbm>> -> memref<32x128xf32, #tpu.memory_space<hbm>>
      %dma_wait3A_1749 = tpu.memref_slice %arg14[%dma_wait3A_1740, %dma_wait3A_1741] : memref<2x8x!tpu.dma_semaphore, #tpu.memory_space<semaphore_mem>> -> memref<1x1x!tpu.dma_semaphore, #tpu.memory_space<semaphore_mem>>
      %dma_wait3A_1750 = tpu.memref_squeeze %dma_wait3A_1749 : memref<1x1x!tpu.dma_semaphore, #tpu.memory_space<semaphore_mem>> -> memref<!tpu.dma_semaphore, #tpu.memory_space<semaphore_mem>>
      %dma_wait3A_1751 = arith.constant 0 : i32
      %dma_wait3A_1752 = arith.constant 0 : i32
      %dma_wait3A_1753 = tpu.memref_slice %arg10[%dma_wait3A_1739, %dma_wait3A_1751, %dma_wait3A_1752] : memref<8x32x128xf32, #tpu.memory_space<vmem>> -> memref<1x32x128xf32, #tpu.memory_space<vmem>>
      %dma_wait3A_1754 = tpu.memref_squeeze %dma_wait3A_1753 : memref<1x32x128xf32, #tpu.memory_space<vmem>> -> memref<32x128xf32, #tpu.memory_space<vmem>>
      %dma_wait3A_1755 = arith.constant 0 : i32
      %dma_wait3A_1756 = arith.constant 0 : i32
      %dma_wait3A_1757 = tpu.memref_slice %arg5[%dma_wait3A_1755, %dma_wait3A_1756] : memref<32x1000000xf32, #tpu.memory_space<hbm>> -> memref<32x128xf32, #tpu.memory_space<hbm>>
      tpu.wait_dma2 semaphore(%dma_wait3A_1750 : memref<!tpu.dma_semaphore, #tpu.memory_space<semaphore_mem>>) src(%dma_wait3A_1757 : memref<32x128xf32, #tpu.memory_space<hbm>>) dst(%dma_wait3A_1754 : memref<32x128xf32, #tpu.memory_space<vmem>>)
      %add3A_1758 = arith.constant 0 : i32
      %add3A_1759 = vector.broadcast %add3A_1758 : i32 to vector<16xi32>
      %add3A_1760 = arith.addi %iota3A, %add3A_1759 : vector<16xi32>
      %gather3A_1761 = arith.constant 1 : i32
      %gather3A_1762 = arith.constant 0 : i32
      %gather3A_1763 = arith.constant 0 : i32
      %gather3A_1764 = tpu.memref_slice %arg10[%gather3A_1761, %gather3A_1762, %gather3A_1763] : memref<8x32x128xf32, #tpu.memory_space<vmem>> -> memref<1x32x128xf32, #tpu.memory_space<vmem>>
      %gather3A_1765 = tpu.memref_squeeze %gather3A_1764 : memref<1x32x128xf32, #tpu.memory_space<vmem>> -> memref<32x128xf32, #tpu.memory_space<vmem>>
      %gather3A_1766 = tpu.vector_load_idx %gather3A_1765[%add3A_1760, %and3A_1654] : memref<32x128xf32, #tpu.memory_space<vmem>>[vector<16xi32>, vector<16xi32>], vector<16xf32>,
      tpu.vector_store_idx %arg12[%add3A_1760, %broadcast_in_dim3A_1655], %gather3A_1766 : memref<32x512xf32, #tpu.memory_space<vmem>>[vector<16xi32>, vector<16xi32>], vector<16xf32>,
      %add3A_1767 = arith.constant 16 : i32
      %add3A_1768 = vector.broadcast %add3A_1767 : i32 to vector<16xi32>
      %add3A_1769 = arith.addi %iota3A, %add3A_1768 : vector<16xi32>
      %gather3A_1770 = arith.constant 1 : i32
      %gather3A_1771 = arith.constant 0 : i32
      %gather3A_1772 = arith.constant 0 : i32
      %gather3A_1773 = tpu.memref_slice %arg10[%gather3A_1770, %gather3A_1771, %gather3A_1772] : memref<8x32x128xf32, #tpu.memory_space<vmem>> -> memref<1x32x128xf32, #tpu.memory_space<vmem>>
      %gather3A_1774 = tpu.memref_squeeze %gather3A_1773 : memref<1x32x128xf32, #tpu.memory_space<vmem>> -> memref<32x128xf32, #tpu.memory_space<vmem>>
      %gather3A_1775 = tpu.vector_load_idx %gather3A_1774[%add3A_1769, %and3A_1654] : memref<32x128xf32, #tpu.memory_space<vmem>>[vector<16xi32>, vector<16xi32>], vector<16xf32>,
      tpu.vector_store_idx %arg12[%add3A_1769, %broadcast_in_dim3A_1655], %gather3A_1775 : memref<32x512xf32, #tpu.memory_space<vmem>>[vector<16xi32>, vector<16xi32>], vector<16xf32>,
      %dma_start3A_1776 = arith.constant 1 : i32
      %dma_start3A_1777 = arith.constant 0 : i32
      %dma_start3A_1778 = arith.constant 1 : i32
      %dma_start3A_1779 = arith.constant 0 : i32
      %dma_start3A_1780 = arith.constant 0 : i32
      %dma_start3A_1781 = tpu.memref_slice %arg9[%dma_start3A_1776, %dma_start3A_1779, %dma_start3A_1780] : memref<8x32x128xf32, #tpu.memory_space<vmem>> -> memref<1x32x128xf32, #tpu.memory_space<vmem>>
      %dma_start3A_1782 = tpu.memref_squeeze %dma_start3A_1781 : memref<1x32x128xf32, #tpu.memory_space<vmem>> -> memref<32x128xf32, #tpu.memory_space<vmem>>
      %dma_start3A_1783 = arith.constant 0 : i32
      %dma_start3A_1784 = tpu.memref_slice %arg4[%dma_start3A_1783, %multiple_of3A_1679] : memref<32x1000000xf32, #tpu.memory_space<hbm>> -> memref<32x128xf32, #tpu.memory_space<hbm>>
      %dma_start3A_1785 = tpu.memref_slice %arg14[%dma_start3A_1777, %dma_start3A_1778] : memref<2x8x!tpu.dma_semaphore, #tpu.memory_space<semaphore_mem>> -> memref<1x1x!tpu.dma_semaphore, #tpu.memory_space<semaphore_mem>>
      %dma_start3A_1786 = tpu.memref_squeeze %dma_start3A_1785 : memref<1x1x!tpu.dma_semaphore, #tpu.memory_space<semaphore_mem>> -> memref<!tpu.dma_semaphore, #tpu.memory_space<semaphore_mem>>
      %dma_start3A_1787 = arith.constant 0 : i32
      %dma_start3A_1788 = arith.constant 0 : i32
      %dma_start3A_1789 = tpu.memref_slice %arg9[%dma_start3A_1776, %dma_start3A_1787, %dma_start3A_1788] : memref<8x32x128xf32, #tpu.memory_space<vmem>> -> memref<1x32x128xf32, #tpu.memory_space<vmem>>
      %dma_start3A_1790 = tpu.memref_squeeze %dma_start3A_1789 : memref<1x32x128xf32, #tpu.memory_space<vmem>> -> memref<32x128xf32, #tpu.memory_space<vmem>>
      %dma_start3A_1791 = arith.constant 0 : i32
      %dma_start3A_1792 = tpu.memref_slice %arg4[%dma_start3A_1791, %multiple_of3A_1679] : memref<32x1000000xf32, #tpu.memory_space<hbm>> -> memref<32x128xf32, #tpu.memory_space<hbm>>
      tpu.enqueue_dma source(%dma_start3A_1792 : memref<32x128xf32, #tpu.memory_space<hbm>>) target(%dma_start3A_1790 : memref<32x128xf32, #tpu.memory_space<vmem>>) target_semaphore(%dma_start3A_1786 : memref<!tpu.dma_semaphore, #tpu.memory_space<semaphore_mem>>)
      %dma_start3A_1793 = arith.constant 1 : i32
      %dma_start3A_1794 = arith.constant 1 : i32
      %dma_start3A_1795 = arith.constant 1 : i32
      %dma_start3A_1796 = arith.constant 0 : i32
      %dma_start3A_1797 = arith.constant 0 : i32
      %dma_start3A_1798 = tpu.memref_slice %arg10[%dma_start3A_1793, %dma_start3A_1796, %dma_start3A_1797] : memref<8x32x128xf32, #tpu.memory_space<vmem>> -> memref<1x32x128xf32, #tpu.memory_space<vmem>>
      %dma_start3A_1799 = tpu.memref_squeeze %dma_start3A_1798 : memref<1x32x128xf32, #tpu.memory_space<vmem>> -> memref<32x128xf32, #tpu.memory_space<vmem>>
      %dma_start3A_1800 = arith.constant 0 : i32
      %dma_start3A_1801 = tpu.memref_slice %arg5[%dma_start3A_1800, %multiple_of3A_1701] : memref<32x1000000xf32, #tpu.memory_space<hbm>> -> memref<32x128xf32, #tpu.memory_space<hbm>>
      %dma_start3A_1802 = tpu.memref_slice %arg14[%dma_start3A_1794, %dma_start3A_1795] : memref<2x8x!tpu.dma_semaphore, #tpu.memory_space<semaphore_mem>> -> memref<1x1x!tpu.dma_semaphore, #tpu.memory_space<semaphore_mem>>
      %dma_start3A_1803 = tpu.memref_squeeze %dma_start3A_1802 : memref<1x1x!tpu.dma_semaphore, #tpu.memory_space<semaphore_mem>> -> memref<!tpu.dma_semaphore, #tpu.memory_space<semaphore_mem>>
      %dma_start3A_1804 = arith.constant 0 : i32
      %dma_start3A_1805 = arith.constant 0 : i32
      %dma_start3A_1806 = tpu.memref_slice %arg10[%dma_start3A_1793, %dma_start3A_1804, %dma_start3A_1805] : memref<8x32x128xf32, #tpu.memory_space<vmem>> -> memref<1x32x128xf32, #tpu.memory_space<vmem>>
      %dma_start3A_1807 = tpu.memref_squeeze %dma_start3A_1806 : memref<1x32x128xf32, #tpu.memory_space<vmem>> -> memref<32x128xf32, #tpu.memory_space<vmem>>
      %dma_start3A_1808 = arith.constant 0 : i32
      %dma_start3A_1809 = tpu.memref_slice %arg5[%dma_start3A_1808, %multiple_of3A_1701] : memref<32x1000000xf32, #tpu.memory_space<hbm>> -> memref<32x128xf32, #tpu.memory_space<hbm>>
      tpu.enqueue_dma source(%dma_start3A_1809 : memref<32x128xf32, #tpu.memory_space<hbm>>) target(%dma_start3A_1807 : memref<32x128xf32, #tpu.memory_space<vmem>>) target_semaphore(%dma_start3A_1803 : memref<!tpu.dma_semaphore, #tpu.memory_space<semaphore_mem>>)
      %add3A_1810 = arith.constant 2 : i32
      %add3A_1811 = arith.addi %mul3A_1412, %add3A_1810 : i32
      %shift_right_arithmetic3A_1812 = arith.constant 4 : i32
      %shift_right_arithmetic3A_1813 = arith.shrsi %add3A_1811, %shift_right_arithmetic3A_1812 : i32
      %shift_left3A_1814 = arith.constant 4 : i32
      %shift_left3A_1815 = arith.shli %shift_right_arithmetic3A_1813, %shift_left3A_1814 : i32
      %get3A_1816 = arith.index_cast %shift_left3A_1815 : i32 to index
      %get3A_1817 = tpu.vector_load %arg7[%get3A_1816] {strides = array<i32>} : memref<512xi32, #tpu.memory_space<vmem>>, vector<16xi32>,
      %and3A_1818 = arith.constant 15 : i32
      %and3A_1819 = arith.andi %add3A_1811, %and3A_1818 : i32
      %eq3A_1820 = vector.broadcast %and3A_1819 : i32 to vector<16xi32>
      %eq3A_1821 = arith.cmpi eq, %iota3A, %eq3A_1820 : vector<16xi32>
      %jit3A_1822 = arith.constant 0 : i32
      %broadcast_in_dim3A_1823 = vector.broadcast %jit3A_1822 : i32 to vector<16xi32>
      %select_n3A_1824 = arith.select %eq3A_1821, %get3A_1817, %broadcast_in_dim3A_1823 : vector<16xi1>, vector<16xi32>
      %reduce_sum3A_1825 = arith.constant true
      %reduce_sum3A_1826 = vector.broadcast %reduce_sum3A_1825 : i1 to vector<16xi1>
      %reduce_sum3A_1827 = tpu.scan <sum>, %select_n3A_1824 masked %reduce_sum3A_1826 : vector<16xi32>, vector<16xi1> -> vector<16xi32>
      %reduce_sum3A_1828 = vector.extract %reduce_sum3A_1827[15] : i32 from vector<16xi32>
      %broadcast_in_dim3A_1829 = vector.broadcast %reduce_sum3A_1828 : i32 to vector<16xi32>
      %and3A_1830 = arith.constant 127 : i32
      %and3A_1831 = vector.broadcast %and3A_1830 : i32 to vector<16xi32>
      %and3A_1832 = arith.andi %broadcast_in_dim3A_1829, %and3A_1831 : vector<16xi32>
      %shift_right_arithmetic3A_1833 = arith.constant 4 : i32
      %shift_right_arithmetic3A_1834 = arith.shrsi %add3A_1811, %shift_right_arithmetic3A_1833 : i32
      %shift_left3A_1835 = arith.constant 4 : i32
      %shift_left3A_1836 = arith.shli %shift_right_arithmetic3A_1834, %shift_left3A_1835 : i32
      %get3A_1837 = arith.index_cast %shift_left3A_1836 : i32 to index
      %get3A_1838 = tpu.vector_load %arg8[%get3A_1837] {strides = array<i32>} : memref<512xi32, #tpu.memory_space<vmem>>, vector<16xi32>,
      %and3A_1839 = arith.constant 15 : i32
      %and3A_1840 = arith.andi %add3A_1811, %and3A_1839 : i32
      %eq3A_1841 = vector.broadcast %and3A_1840 : i32 to vector<16xi32>
      %eq3A_1842 = arith.cmpi eq, %iota3A, %eq3A_1841 : vector<16xi32>
      %jit3A_1843 = arith.constant 0 : i32
      %broadcast_in_dim3A_1844 = vector.broadcast %jit3A_1843 : i32 to vector<16xi32>
      %select_n3A_1845 = arith.select %eq3A_1842, %get3A_1838, %broadcast_in_dim3A_1844 : vector<16xi1>, vector<16xi32>
      %reduce_sum3A_1846 = arith.constant true
      %reduce_sum3A_1847 = vector.broadcast %reduce_sum3A_1846 : i1 to vector<16xi1>
      %reduce_sum3A_1848 = tpu.scan <sum>, %select_n3A_1845 masked %reduce_sum3A_1847 : vector<16xi32>, vector<16xi1> -> vector<16xi32>
      %reduce_sum3A_1849 = vector.extract %reduce_sum3A_1848[15] : i32 from vector<16xi32>
      %broadcast_in_dim3A_1850 = vector.broadcast %reduce_sum3A_1849 : i32 to vector<16xi32>
      %and3A_1851 = arith.constant 127 : i32
      %and3A_1852 = vector.broadcast %and3A_1851 : i32 to vector<16xi32>
      %and3A_1853 = arith.andi %broadcast_in_dim3A_1850, %and3A_1852 : vector<16xi32>
      %broadcast_in_dim3A_1854 = vector.broadcast %add3A_1811 : i32 to vector<16xi32>
      %add3A_1855 = arith.constant 8 : i32
      %add3A_1856 = arith.addi %add3A_1811, %add3A_1855 : i32
      %shift_right_arithmetic3A_1857 = arith.constant 4 : i32
      %shift_right_arithmetic3A_1858 = arith.shrsi %add3A_1856, %shift_right_arithmetic3A_1857 : i32
      %shift_left3A_1859 = arith.constant 4 : i32
      %shift_left3A_1860 = arith.shli %shift_right_arithmetic3A_1858, %shift_left3A_1859 : i32
      %get3A_1861 = arith.index_cast %shift_left3A_1860 : i32 to index
      %get3A_1862 = tpu.vector_load %arg7[%get3A_1861] {strides = array<i32>} : memref<512xi32, #tpu.memory_space<vmem>>, vector<16xi32>,
      %and3A_1863 = arith.constant 15 : i32
      %and3A_1864 = arith.andi %add3A_1856, %and3A_1863 : i32
      %eq3A_1865 = vector.broadcast %and3A_1864 : i32 to vector<16xi32>
      %eq3A_1866 = arith.cmpi eq, %iota3A, %eq3A_1865 : vector<16xi32>
      %jit3A_1867 = arith.constant 0 : i32
      %broadcast_in_dim3A_1868 = vector.broadcast %jit3A_1867 : i32 to vector<16xi32>
      %select_n3A_1869 = arith.select %eq3A_1866, %get3A_1862, %broadcast_in_dim3A_1868 : vector<16xi1>, vector<16xi32>
      %reduce_sum3A_1870 = arith.constant true
      %reduce_sum3A_1871 = vector.broadcast %reduce_sum3A_1870 : i1 to vector<16xi1>
      %reduce_sum3A_1872 = tpu.scan <sum>, %select_n3A_1869 masked %reduce_sum3A_1871 : vector<16xi32>, vector<16xi1> -> vector<16xi32>
      %reduce_sum3A_1873 = vector.extract %reduce_sum3A_1872[15] : i32 from vector<16xi32>
      %shift_right_arithmetic3A_1874 = arith.constant 7 : i32
      %shift_right_arithmetic3A_1875 = arith.shrsi %reduce_sum3A_1873, %shift_right_arithmetic3A_1874 : i32
      %mul3A_1876 = arith.constant 128 : i32
      %mul3A_1877 = arith.muli %shift_right_arithmetic3A_1875, %mul3A_1876 : i32
      %multiple_of3A_1878 = tpu.assume_multiple %mul3A_1877, 128 : i32
      %shift_right_arithmetic3A_1879 = arith.constant 4 : i32
      %shift_right_arithmetic3A_1880 = arith.shrsi %add3A_1856, %shift_right_arithmetic3A_1879 : i32
      %shift_left3A_1881 = arith.constant 4 : i32
      %shift_left3A_1882 = arith.shli %shift_right_arithmetic3A_1880, %shift_left3A_1881 : i32
      %get3A_1883 = arith.index_cast %shift_left3A_1882 : i32 to index
      %get3A_1884 = tpu.vector_load %arg8[%get3A_1883] {strides = array<i32>} : memref<512xi32, #tpu.memory_space<vmem>>, vector<16xi32>,
      %and3A_1885 = arith.constant 15 : i32
      %and3A_1886 = arith.andi %add3A_1856, %and3A_1885 : i32
      %eq3A_1887 = vector.broadcast %and3A_1886 : i32 to vector<16xi32>
      %eq3A_1888 = arith.cmpi eq, %iota3A, %eq3A_1887 : vector<16xi32>
      %jit3A_1889 = arith.constant 0 : i32
      %broadcast_in_dim3A_1890 = vector.broadcast %jit3A_1889 : i32 to vector<16xi32>
      %select_n3A_1891 = arith.select %eq3A_1888, %get3A_1884, %broadcast_in_dim3A_1890 : vector<16xi1>, vector<16xi32>
      %reduce_sum3A_1892 = arith.constant true
      %reduce_sum3A_1893 = vector.broadcast %reduce_sum3A_1892 : i1 to vector<16xi1>
      %reduce_sum3A_1894 = tpu.scan <sum>, %select_n3A_1891 masked %reduce_sum3A_1893 : vector<16xi32>, vector<16xi1> -> vector<16xi32>
      %reduce_sum3A_1895 = vector.extract %reduce_sum3A_1894[15] : i32 from vector<16xi32>
      %shift_right_arithmetic3A_1896 = arith.constant 7 : i32
      %shift_right_arithmetic3A_1897 = arith.shrsi %reduce_sum3A_1895, %shift_right_arithmetic3A_1896 : i32
      %mul3A_1898 = arith.constant 128 : i32
      %mul3A_1899 = arith.muli %shift_right_arithmetic3A_1897, %mul3A_1898 : i32
      %multiple_of3A_1900 = tpu.assume_multiple %mul3A_1899, 128 : i32
      %dma_wait3A_1901 = arith.constant 2 : i32
      %dma_wait3A_1902 = arith.constant 0 : i32
      %dma_wait3A_1903 = arith.constant 2 : i32
      %dma_wait3A_1904 = arith.constant 0 : i32
      %dma_wait3A_1905 = arith.constant 0 : i32
      %dma_wait3A_1906 = tpu.memref_slice %arg9[%dma_wait3A_1901, %dma_wait3A_1904, %dma_wait3A_1905] : memref<8x32x128xf32, #tpu.memory_space<vmem>> -> memref<1x32x128xf32, #tpu.memory_space<vmem>>
      %dma_wait3A_1907 = tpu.memref_squeeze %dma_wait3A_1906 : memref<1x32x128xf32, #tpu.memory_space<vmem>> -> memref<32x128xf32, #tpu.memory_space<vmem>>
      %dma_wait3A_1908 = arith.constant 0 : i32
      %dma_wait3A_1909 = arith.constant 0 : i32
      %dma_wait3A_1910 = tpu.memref_slice %arg4[%dma_wait3A_1908, %dma_wait3A_1909] : memref<32x1000000xf32, #tpu.memory_space<hbm>> -> memref<32x128xf32, #tpu.memory_space<hbm>>
      %dma_wait3A_1911 = tpu.memref_slice %arg14[%dma_wait3A_1902, %dma_wait3A_1903] : memref<2x8x!tpu.dma_semaphore, #tpu.memory_space<semaphore_mem>> -> memref<1x1x!tpu.dma_semaphore, #tpu.memory_space<semaphore_mem>>
      %dma_wait3A_1912 = tpu.memref_squeeze %dma_wait3A_1911 : memref<1x1x!tpu.dma_semaphore, #tpu.memory_space<semaphore_mem>> -> memref<!tpu.dma_semaphore, #tpu.memory_space<semaphore_mem>>
      %dma_wait3A_1913 = arith.constant 0 : i32
      %dma_wait3A_1914 = arith.constant 0 : i32
      %dma_wait3A_1915 = tpu.memref_slice %arg9[%dma_wait3A_1901, %dma_wait3A_1913, %dma_wait3A_1914] : memref<8x32x128xf32, #tpu.memory_space<vmem>> -> memref<1x32x128xf32, #tpu.memory_space<vmem>>
      %dma_wait3A_1916 = tpu.memref_squeeze %dma_wait3A_1915 : memref<1x32x128xf32, #tpu.memory_space<vmem>> -> memref<32x128xf32, #tpu.memory_space<vmem>>
      %dma_wait3A_1917 = arith.constant 0 : i32
      %dma_wait3A_1918 = arith.constant 0 : i32
      %dma_wait3A_1919 = tpu.memref_slice %arg4[%dma_wait3A_1917, %dma_wait3A_1918] : memref<32x1000000xf32, #tpu.memory_space<hbm>> -> memref<32x128xf32, #tpu.memory_space<hbm>>
      tpu.wait_dma2 semaphore(%dma_wait3A_1912 : memref<!tpu.dma_semaphore, #tpu.memory_space<semaphore_mem>>) src(%dma_wait3A_1919 : memref<32x128xf32, #tpu.memory_space<hbm>>) dst(%dma_wait3A_1916 : memref<32x128xf32, #tpu.memory_space<vmem>>)
      %add3A_1920 = arith.constant 0 : i32
      %add3A_1921 = vector.broadcast %add3A_1920 : i32 to vector<16xi32>
      %add3A_1922 = arith.addi %iota3A, %add3A_1921 : vector<16xi32>
      %gather3A_1923 = arith.constant 2 : i32
      %gather3A_1924 = arith.constant 0 : i32
      %gather3A_1925 = arith.constant 0 : i32
      %gather3A_1926 = tpu.memref_slice %arg9[%gather3A_1923, %gather3A_1924, %gather3A_1925] : memref<8x32x128xf32, #tpu.memory_space<vmem>> -> memref<1x32x128xf32, #tpu.memory_space<vmem>>
      %gather3A_1927 = tpu.memref_squeeze %gather3A_1926 : memref<1x32x128xf32, #tpu.memory_space<vmem>> -> memref<32x128xf32, #tpu.memory_space<vmem>>
      %gather3A_1928 = tpu.vector_load_idx %gather3A_1927[%add3A_1922, %and3A_1832] : memref<32x128xf32, #tpu.memory_space<vmem>>[vector<16xi32>, vector<16xi32>], vector<16xf32>,
      tpu.vector_store_idx %arg11[%add3A_1922, %broadcast_in_dim3A_1854], %gather3A_1928 : memref<32x512xf32, #tpu.memory_space<vmem>>[vector<16xi32>, vector<16xi32>], vector<16xf32>,
      %add3A_1929 = arith.constant 16 : i32
      %add3A_1930 = vector.broadcast %add3A_1929 : i32 to vector<16xi32>
      %add3A_1931 = arith.addi %iota3A, %add3A_1930 : vector<16xi32>
      %gather3A_1932 = arith.constant 2 : i32
      %gather3A_1933 = arith.constant 0 : i32
      %gather3A_1934 = arith.constant 0 : i32
      %gather3A_1935 = tpu.memref_slice %arg9[%gather3A_1932, %gather3A_1933, %gather3A_1934] : memref<8x32x128xf32, #tpu.memory_space<vmem>> -> memref<1x32x128xf32, #tpu.memory_space<vmem>>
      %gather3A_1936 = tpu.memref_squeeze %gather3A_1935 : memref<1x32x128xf32, #tpu.memory_space<vmem>> -> memref<32x128xf32, #tpu.memory_space<vmem>>
      %gather3A_1937 = tpu.vector_load_idx %gather3A_1936[%add3A_1931, %and3A_1832] : memref<32x128xf32, #tpu.memory_space<vmem>>[vector<16xi32>, vector<16xi32>], vector<16xf32>,
      tpu.vector_store_idx %arg11[%add3A_1931, %broadcast_in_dim3A_1854], %gather3A_1937 : memref<32x512xf32, #tpu.memory_space<vmem>>[vector<16xi32>, vector<16xi32>], vector<16xf32>,
      %dma_wait3A_1938 = arith.constant 2 : i32
      %dma_wait3A_1939 = arith.constant 1 : i32
      %dma_wait3A_1940 = arith.constant 2 : i32
      %dma_wait3A_1941 = arith.constant 0 : i32
      %dma_wait3A_1942 = arith.constant 0 : i32
      %dma_wait3A_1943 = tpu.memref_slice %arg10[%dma_wait3A_1938, %dma_wait3A_1941, %dma_wait3A_1942] : memref<8x32x128xf32, #tpu.memory_space<vmem>> -> memref<1x32x128xf32, #tpu.memory_space<vmem>>
      %dma_wait3A_1944 = tpu.memref_squeeze %dma_wait3A_1943 : memref<1x32x128xf32, #tpu.memory_space<vmem>> -> memref<32x128xf32, #tpu.memory_space<vmem>>
      %dma_wait3A_1945 = arith.constant 0 : i32
      %dma_wait3A_1946 = arith.constant 0 : i32
      %dma_wait3A_1947 = tpu.memref_slice %arg5[%dma_wait3A_1945, %dma_wait3A_1946] : memref<32x1000000xf32, #tpu.memory_space<hbm>> -> memref<32x128xf32, #tpu.memory_space<hbm>>
      %dma_wait3A_1948 = tpu.memref_slice %arg14[%dma_wait3A_1939, %dma_wait3A_1940] : memref<2x8x!tpu.dma_semaphore, #tpu.memory_space<semaphore_mem>> -> memref<1x1x!tpu.dma_semaphore, #tpu.memory_space<semaphore_mem>>
      %dma_wait3A_1949 = tpu.memref_squeeze %dma_wait3A_1948 : memref<1x1x!tpu.dma_semaphore, #tpu.memory_space<semaphore_mem>> -> memref<!tpu.dma_semaphore, #tpu.memory_space<semaphore_mem>>
      %dma_wait3A_1950 = arith.constant 0 : i32
      %dma_wait3A_1951 = arith.constant 0 : i32
      %dma_wait3A_1952 = tpu.memref_slice %arg10[%dma_wait3A_1938, %dma_wait3A_1950, %dma_wait3A_1951] : memref<8x32x128xf32, #tpu.memory_space<vmem>> -> memref<1x32x128xf32, #tpu.memory_space<vmem>>
      %dma_wait3A_1953 = tpu.memref_squeeze %dma_wait3A_1952 : memref<1x32x128xf32, #tpu.memory_space<vmem>> -> memref<32x128xf32, #tpu.memory_space<vmem>>
      %dma_wait3A_1954 = arith.constant 0 : i32
      %dma_wait3A_1955 = arith.constant 0 : i32
      %dma_wait3A_1956 = tpu.memref_slice %arg5[%dma_wait3A_1954, %dma_wait3A_1955] : memref<32x1000000xf32, #tpu.memory_space<hbm>> -> memref<32x128xf32, #tpu.memory_space<hbm>>
      tpu.wait_dma2 semaphore(%dma_wait3A_1949 : memref<!tpu.dma_semaphore, #tpu.memory_space<semaphore_mem>>) src(%dma_wait3A_1956 : memref<32x128xf32, #tpu.memory_space<hbm>>) dst(%dma_wait3A_1953 : memref<32x128xf32, #tpu.memory_space<vmem>>)
      %add3A_1957 = arith.constant 0 : i32
      %add3A_1958 = vector.broadcast %add3A_1957 : i32 to vector<16xi32>
      %add3A_1959 = arith.addi %iota3A, %add3A_1958 : vector<16xi32>
      %gather3A_1960 = arith.constant 2 : i32
      %gather3A_1961 = arith.constant 0 : i32
      %gather3A_1962 = arith.constant 0 : i32
      %gather3A_1963 = tpu.memref_slice %arg10[%gather3A_1960, %gather3A_1961, %gather3A_1962] : memref<8x32x128xf32, #tpu.memory_space<vmem>> -> memref<1x32x128xf32, #tpu.memory_space<vmem>>
      %gather3A_1964 = tpu.memref_squeeze %gather3A_1963 : memref<1x32x128xf32, #tpu.memory_space<vmem>> -> memref<32x128xf32, #tpu.memory_space<vmem>>
      %gather3A_1965 = tpu.vector_load_idx %gather3A_1964[%add3A_1959, %and3A_1853] : memref<32x128xf32, #tpu.memory_space<vmem>>[vector<16xi32>, vector<16xi32>], vector<16xf32>,
      tpu.vector_store_idx %arg12[%add3A_1959, %broadcast_in_dim3A_1854], %gather3A_1965 : memref<32x512xf32, #tpu.memory_space<vmem>>[vector<16xi32>, vector<16xi32>], vector<16xf32>,
      %add3A_1966 = arith.constant 16 : i32
      %add3A_1967 = vector.broadcast %add3A_1966 : i32 to vector<16xi32>
      %add3A_1968 = arith.addi %iota3A, %add3A_1967 : vector<16xi32>
      %gather3A_1969 = arith.constant 2 : i32
      %gather3A_1970 = arith.constant 0 : i32
      %gather3A_1971 = arith.constant 0 : i32
      %gather3A_1972 = tpu.memref_slice %arg10[%gather3A_1969, %gather3A_1970, %gather3A_1971] : memref<8x32x128xf32, #tpu.memory_space<vmem>> -> memref<1x32x128xf32, #tpu.memory_space<vmem>>
      %gather3A_1973 = tpu.memref_squeeze %gather3A_1972 : memref<1x32x128xf32, #tpu.memory_space<vmem>> -> memref<32x128xf32, #tpu.memory_space<vmem>>
      %gather3A_1974 = tpu.vector_load_idx %gather3A_1973[%add3A_1968, %and3A_1853] : memref<32x128xf32, #tpu.memory_space<vmem>>[vector<16xi32>, vector<16xi32>], vector<16xf32>,
      tpu.vector_store_idx %arg12[%add3A_1968, %broadcast_in_dim3A_1854], %gather3A_1974 : memref<32x512xf32, #tpu.memory_space<vmem>>[vector<16xi32>, vector<16xi32>], vector<16xf32>,
      %dma_start3A_1975 = arith.constant 2 : i32
      %dma_start3A_1976 = arith.constant 0 : i32
      %dma_start3A_1977 = arith.constant 2 : i32
      %dma_start3A_1978 = arith.constant 0 : i32
      %dma_start3A_1979 = arith.constant 0 : i32
      %dma_start3A_1980 = tpu.memref_slice %arg9[%dma_start3A_1975, %dma_start3A_1978, %dma_start3A_1979] : memref<8x32x128xf32, #tpu.memory_space<vmem>> -> memref<1x32x128xf32, #tpu.memory_space<vmem>>
      %dma_start3A_1981 = tpu.memref_squeeze %dma_start3A_1980 : memref<1x32x128xf32, #tpu.memory_space<vmem>> -> memref<32x128xf32, #tpu.memory_space<vmem>>
      %dma_start3A_1982 = arith.constant 0 : i32
      %dma_start3A_1983 = tpu.memref_slice %arg4[%dma_start3A_1982, %multiple_of3A_1878] : memref<32x1000000xf32, #tpu.memory_space<hbm>> -> memref<32x128xf32, #tpu.memory_space<hbm>>
      %dma_start3A_1984 = tpu.memref_slice %arg14[%dma_start3A_1976, %dma_start3A_1977] : memref<2x8x!tpu.dma_semaphore, #tpu.memory_space<semaphore_mem>> -> memref<1x1x!tpu.dma_semaphore, #tpu.memory_space<semaphore_mem>>
      %dma_start3A_1985 = tpu.memref_squeeze %dma_start3A_1984 : memref<1x1x!tpu.dma_semaphore, #tpu.memory_space<semaphore_mem>> -> memref<!tpu.dma_semaphore, #tpu.memory_space<semaphore_mem>>
      %dma_start3A_1986 = arith.constant 0 : i32
      %dma_start3A_1987 = arith.constant 0 : i32
      %dma_start3A_1988 = tpu.memref_slice %arg9[%dma_start3A_1975, %dma_start3A_1986, %dma_start3A_1987] : memref<8x32x128xf32, #tpu.memory_space<vmem>> -> memref<1x32x128xf32, #tpu.memory_space<vmem>>
      %dma_start3A_1989 = tpu.memref_squeeze %dma_start3A_1988 : memref<1x32x128xf32, #tpu.memory_space<vmem>> -> memref<32x128xf32, #tpu.memory_space<vmem>>
      %dma_start3A_1990 = arith.constant 0 : i32
      %dma_start3A_1991 = tpu.memref_slice %arg4[%dma_start3A_1990, %multiple_of3A_1878] : memref<32x1000000xf32, #tpu.memory_space<hbm>> -> memref<32x128xf32, #tpu.memory_space<hbm>>
      tpu.enqueue_dma source(%dma_start3A_1991 : memref<32x128xf32, #tpu.memory_space<hbm>>) target(%dma_start3A_1989 : memref<32x128xf32, #tpu.memory_space<vmem>>) target_semaphore(%dma_start3A_1985 : memref<!tpu.dma_semaphore, #tpu.memory_space<semaphore_mem>>)
      %dma_start3A_1992 = arith.constant 2 : i32
      %dma_start3A_1993 = arith.constant 1 : i32
      %dma_start3A_1994 = arith.constant 2 : i32
      %dma_start3A_1995 = arith.constant 0 : i32
      %dma_start3A_1996 = arith.constant 0 : i32
      %dma_start3A_1997 = tpu.memref_slice %arg10[%dma_start3A_1992, %dma_start3A_1995, %dma_start3A_1996] : memref<8x32x128xf32, #tpu.memory_space<vmem>> -> memref<1x32x128xf32, #tpu.memory_space<vmem>>
      %dma_start3A_1998 = tpu.memref_squeeze %dma_start3A_1997 : memref<1x32x128xf32, #tpu.memory_space<vmem>> -> memref<32x128xf32, #tpu.memory_space<vmem>>
      %dma_start3A_1999 = arith.constant 0 : i32
      %dma_start3A_2000 = tpu.memref_slice %arg5[%dma_start3A_1999, %multiple_of3A_1900] : memref<32x1000000xf32, #tpu.memory_space<hbm>> -> memref<32x128xf32, #tpu.memory_space<hbm>>
      %dma_start3A_2001 = tpu.memref_slice %arg14[%dma_start3A_1993, %dma_start3A_1994] : memref<2x8x!tpu.dma_semaphore, #tpu.memory_space<semaphore_mem>> -> memref<1x1x!tpu.dma_semaphore, #tpu.memory_space<semaphore_mem>>
      %dma_start3A_2002 = tpu.memref_squeeze %dma_start3A_2001 : memref<1x1x!tpu.dma_semaphore, #tpu.memory_space<semaphore_mem>> -> memref<!tpu.dma_semaphore, #tpu.memory_space<semaphore_mem>>
      %dma_start3A_2003 = arith.constant 0 : i32
      %dma_start3A_2004 = arith.constant 0 : i32
      %dma_start3A_2005 = tpu.memref_slice %arg10[%dma_start3A_1992, %dma_start3A_2003, %dma_start3A_2004] : memref<8x32x128xf32, #tpu.memory_space<vmem>> -> memref<1x32x128xf32, #tpu.memory_space<vmem>>
      %dma_start3A_2006 = tpu.memref_squeeze %dma_start3A_2005 : memref<1x32x128xf32, #tpu.memory_space<vmem>> -> memref<32x128xf32, #tpu.memory_space<vmem>>
      %dma_start3A_2007 = arith.constant 0 : i32
      %dma_start3A_2008 = tpu.memref_slice %arg5[%dma_start3A_2007, %multiple_of3A_1900] : memref<32x1000000xf32, #tpu.memory_space<hbm>> -> memref<32x128xf32, #tpu.memory_space<hbm>>
      tpu.enqueue_dma source(%dma_start3A_2008 : memref<32x128xf32, #tpu.memory_space<hbm>>) target(%dma_start3A_2006 : memref<32x128xf32, #tpu.memory_space<vmem>>) target_semaphore(%dma_start3A_2002 : memref<!tpu.dma_semaphore, #tpu.memory_space<semaphore_mem>>)
      %add3A_2009 = arith.constant 3 : i32
      %add3A_2010 = arith.addi %mul3A_1412, %add3A_2009 : i32
      %shift_right_arithmetic3A_2011 = arith.constant 4 : i32
      %shift_right_arithmetic3A_2012 = arith.shrsi %add3A_2010, %shift_right_arithmetic3A_2011 : i32
      %shift_left3A_2013 = arith.constant 4 : i32
      %shift_left3A_2014 = arith.shli %shift_right_arithmetic3A_2012, %shift_left3A_2013 : i32
      %get3A_2015 = arith.index_cast %shift_left3A_2014 : i32 to index
      %get3A_2016 = tpu.vector_load %arg7[%get3A_2015] {strides = array<i32>} : memref<512xi32, #tpu.memory_space<vmem>>, vector<16xi32>,
      %and3A_2017 = arith.constant 15 : i32
      %and3A_2018 = arith.andi %add3A_2010, %and3A_2017 : i32
      %eq3A_2019 = vector.broadcast %and3A_2018 : i32 to vector<16xi32>
      %eq3A_2020 = arith.cmpi eq, %iota3A, %eq3A_2019 : vector<16xi32>
      %jit3A_2021 = arith.constant 0 : i32
      %broadcast_in_dim3A_2022 = vector.broadcast %jit3A_2021 : i32 to vector<16xi32>
      %select_n3A_2023 = arith.select %eq3A_2020, %get3A_2016, %broadcast_in_dim3A_2022 : vector<16xi1>, vector<16xi32>
      %reduce_sum3A_2024 = arith.constant true
      %reduce_sum3A_2025 = vector.broadcast %reduce_sum3A_2024 : i1 to vector<16xi1>
      %reduce_sum3A_2026 = tpu.scan <sum>, %select_n3A_2023 masked %reduce_sum3A_2025 : vector<16xi32>, vector<16xi1> -> vector<16xi32>
      %reduce_sum3A_2027 = vector.extract %reduce_sum3A_2026[15] : i32 from vector<16xi32>
      %broadcast_in_dim3A_2028 = vector.broadcast %reduce_sum3A_2027 : i32 to vector<16xi32>
      %and3A_2029 = arith.constant 127 : i32
      %and3A_2030 = vector.broadcast %and3A_2029 : i32 to vector<16xi32>
      %and3A_2031 = arith.andi %broadcast_in_dim3A_2028, %and3A_2030 : vector<16xi32>
      %shift_right_arithmetic3A_2032 = arith.constant 4 : i32
      %shift_right_arithmetic3A_2033 = arith.shrsi %add3A_2010, %shift_right_arithmetic3A_2032 : i32
      %shift_left3A_2034 = arith.constant 4 : i32
      %shift_left3A_2035 = arith.shli %shift_right_arithmetic3A_2033, %shift_left3A_2034 : i32
      %get3A_2036 = arith.index_cast %shift_left3A_2035 : i32 to index
      %get3A_2037 = tpu.vector_load %arg8[%get3A_2036] {strides = array<i32>} : memref<512xi32, #tpu.memory_space<vmem>>, vector<16xi32>,
      %and3A_2038 = arith.constant 15 : i32
      %and3A_2039 = arith.andi %add3A_2010, %and3A_2038 : i32
      %eq3A_2040 = vector.broadcast %and3A_2039 : i32 to vector<16xi32>
      %eq3A_2041 = arith.cmpi eq, %iota3A, %eq3A_2040 : vector<16xi32>
      %jit3A_2042 = arith.constant 0 : i32
      %broadcast_in_dim3A_2043 = vector.broadcast %jit3A_2042 : i32 to vector<16xi32>
      %select_n3A_2044 = arith.select %eq3A_2041, %get3A_2037, %broadcast_in_dim3A_2043 : vector<16xi1>, vector<16xi32>
      %reduce_sum3A_2045 = arith.constant true
      %reduce_sum3A_2046 = vector.broadcast %reduce_sum3A_2045 : i1 to vector<16xi1>
      %reduce_sum3A_2047 = tpu.scan <sum>, %select_n3A_2044 masked %reduce_sum3A_2046 : vector<16xi32>, vector<16xi1> -> vector<16xi32>
      %reduce_sum3A_2048 = vector.extract %reduce_sum3A_2047[15] : i32 from vector<16xi32>
      %broadcast_in_dim3A_2049 = vector.broadcast %reduce_sum3A_2048 : i32 to vector<16xi32>
      %and3A_2050 = arith.constant 127 : i32
      %and3A_2051 = vector.broadcast %and3A_2050 : i32 to vector<16xi32>
      %and3A_2052 = arith.andi %broadcast_in_dim3A_2049, %and3A_2051 : vector<16xi32>
      %broadcast_in_dim3A_2053 = vector.broadcast %add3A_2010 : i32 to vector<16xi32>
      %add3A_2054 = arith.constant 8 : i32
      %add3A_2055 = arith.addi %add3A_2010, %add3A_2054 : i32
      %shift_right_arithmetic3A_2056 = arith.constant 4 : i32
      %shift_right_arithmetic3A_2057 = arith.shrsi %add3A_2055, %shift_right_arithmetic3A_2056 : i32
      %shift_left3A_2058 = arith.constant 4 : i32
      %shift_left3A_2059 = arith.shli %shift_right_arithmetic3A_2057, %shift_left3A_2058 : i32
      %get3A_2060 = arith.index_cast %shift_left3A_2059 : i32 to index
      %get3A_2061 = tpu.vector_load %arg7[%get3A_2060] {strides = array<i32>} : memref<512xi32, #tpu.memory_space<vmem>>, vector<16xi32>,
      %and3A_2062 = arith.constant 15 : i32
      %and3A_2063 = arith.andi %add3A_2055, %and3A_2062 : i32
      %eq3A_2064 = vector.broadcast %and3A_2063 : i32 to vector<16xi32>
      %eq3A_2065 = arith.cmpi eq, %iota3A, %eq3A_2064 : vector<16xi32>
      %jit3A_2066 = arith.constant 0 : i32
      %broadcast_in_dim3A_2067 = vector.broadcast %jit3A_2066 : i32 to vector<16xi32>
      %select_n3A_2068 = arith.select %eq3A_2065, %get3A_2061, %broadcast_in_dim3A_2067 : vector<16xi1>, vector<16xi32>
      %reduce_sum3A_2069 = arith.constant true
      %reduce_sum3A_2070 = vector.broadcast %reduce_sum3A_2069 : i1 to vector<16xi1>
      %reduce_sum3A_2071 = tpu.scan <sum>, %select_n3A_2068 masked %reduce_sum3A_2070 : vector<16xi32>, vector<16xi1> -> vector<16xi32>
      %reduce_sum3A_2072 = vector.extract %reduce_sum3A_2071[15] : i32 from vector<16xi32>
      %shift_right_arithmetic3A_2073 = arith.constant 7 : i32
      %shift_right_arithmetic3A_2074 = arith.shrsi %reduce_sum3A_2072, %shift_right_arithmetic3A_2073 : i32
      %mul3A_2075 = arith.constant 128 : i32
      %mul3A_2076 = arith.muli %shift_right_arithmetic3A_2074, %mul3A_2075 : i32
      %multiple_of3A_2077 = tpu.assume_multiple %mul3A_2076, 128 : i32
      %shift_right_arithmetic3A_2078 = arith.constant 4 : i32
      %shift_right_arithmetic3A_2079 = arith.shrsi %add3A_2055, %shift_right_arithmetic3A_2078 : i32
      %shift_left3A_2080 = arith.constant 4 : i32
      %shift_left3A_2081 = arith.shli %shift_right_arithmetic3A_2079, %shift_left3A_2080 : i32
      %get3A_2082 = arith.index_cast %shift_left3A_2081 : i32 to index
      %get3A_2083 = tpu.vector_load %arg8[%get3A_2082] {strides = array<i32>} : memref<512xi32, #tpu.memory_space<vmem>>, vector<16xi32>,
      %and3A_2084 = arith.constant 15 : i32
      %and3A_2085 = arith.andi %add3A_2055, %and3A_2084 : i32
      %eq3A_2086 = vector.broadcast %and3A_2085 : i32 to vector<16xi32>
      %eq3A_2087 = arith.cmpi eq, %iota3A, %eq3A_2086 : vector<16xi32>
      %jit3A_2088 = arith.constant 0 : i32
      %broadcast_in_dim3A_2089 = vector.broadcast %jit3A_2088 : i32 to vector<16xi32>
      %select_n3A_2090 = arith.select %eq3A_2087, %get3A_2083, %broadcast_in_dim3A_2089 : vector<16xi1>, vector<16xi32>
      %reduce_sum3A_2091 = arith.constant true
      %reduce_sum3A_2092 = vector.broadcast %reduce_sum3A_2091 : i1 to vector<16xi1>
      %reduce_sum3A_2093 = tpu.scan <sum>, %select_n3A_2090 masked %reduce_sum3A_2092 : vector<16xi32>, vector<16xi1> -> vector<16xi32>
      %reduce_sum3A_2094 = vector.extract %reduce_sum3A_2093[15] : i32 from vector<16xi32>
      %shift_right_arithmetic3A_2095 = arith.constant 7 : i32
      %shift_right_arithmetic3A_2096 = arith.shrsi %reduce_sum3A_2094, %shift_right_arithmetic3A_2095 : i32
      %mul3A_2097 = arith.constant 128 : i32
      %mul3A_2098 = arith.muli %shift_right_arithmetic3A_2096, %mul3A_2097 : i32
      %multiple_of3A_2099 = tpu.assume_multiple %mul3A_2098, 128 : i32
      %dma_wait3A_2100 = arith.constant 3 : i32
      %dma_wait3A_2101 = arith.constant 0 : i32
      %dma_wait3A_2102 = arith.constant 3 : i32
      %dma_wait3A_2103 = arith.constant 0 : i32
      %dma_wait3A_2104 = arith.constant 0 : i32
      %dma_wait3A_2105 = tpu.memref_slice %arg9[%dma_wait3A_2100, %dma_wait3A_2103, %dma_wait3A_2104] : memref<8x32x128xf32, #tpu.memory_space<vmem>> -> memref<1x32x128xf32, #tpu.memory_space<vmem>>
      %dma_wait3A_2106 = tpu.memref_squeeze %dma_wait3A_2105 : memref<1x32x128xf32, #tpu.memory_space<vmem>> -> memref<32x128xf32, #tpu.memory_space<vmem>>
      %dma_wait3A_2107 = arith.constant 0 : i32
      %dma_wait3A_2108 = arith.constant 0 : i32
      %dma_wait3A_2109 = tpu.memref_slice %arg4[%dma_wait3A_2107, %dma_wait3A_2108] : memref<32x1000000xf32, #tpu.memory_space<hbm>> -> memref<32x128xf32, #tpu.memory_space<hbm>>
      %dma_wait3A_2110 = tpu.memref_slice %arg14[%dma_wait3A_2101, %dma_wait3A_2102] : memref<2x8x!tpu.dma_semaphore, #tpu.memory_space<semaphore_mem>> -> memref<1x1x!tpu.dma_semaphore, #tpu.memory_space<semaphore_mem>>
      %dma_wait3A_2111 = tpu.memref_squeeze %dma_wait3A_2110 : memref<1x1x!tpu.dma_semaphore, #tpu.memory_space<semaphore_mem>> -> memref<!tpu.dma_semaphore, #tpu.memory_space<semaphore_mem>>
      %dma_wait3A_2112 = arith.constant 0 : i32
      %dma_wait3A_2113 = arith.constant 0 : i32
      %dma_wait3A_2114 = tpu.memref_slice %arg9[%dma_wait3A_2100, %dma_wait3A_2112, %dma_wait3A_2113] : memref<8x32x128xf32, #tpu.memory_space<vmem>> -> memref<1x32x128xf32, #tpu.memory_space<vmem>>
      %dma_wait3A_2115 = tpu.memref_squeeze %dma_wait3A_2114 : memref<1x32x128xf32, #tpu.memory_space<vmem>> -> memref<32x128xf32, #tpu.memory_space<vmem>>
      %dma_wait3A_2116 = arith.constant 0 : i32
      %dma_wait3A_2117 = arith.constant 0 : i32
      %dma_wait3A_2118 = tpu.memref_slice %arg4[%dma_wait3A_2116, %dma_wait3A_2117] : memref<32x1000000xf32, #tpu.memory_space<hbm>> -> memref<32x128xf32, #tpu.memory_space<hbm>>
      tpu.wait_dma2 semaphore(%dma_wait3A_2111 : memref<!tpu.dma_semaphore, #tpu.memory_space<semaphore_mem>>) src(%dma_wait3A_2118 : memref<32x128xf32, #tpu.memory_space<hbm>>) dst(%dma_wait3A_2115 : memref<32x128xf32, #tpu.memory_space<vmem>>)
      %add3A_2119 = arith.constant 0 : i32
      %add3A_2120 = vector.broadcast %add3A_2119 : i32 to vector<16xi32>
      %add3A_2121 = arith.addi %iota3A, %add3A_2120 : vector<16xi32>
      %gather3A_2122 = arith.constant 3 : i32
      %gather3A_2123 = arith.constant 0 : i32
      %gather3A_2124 = arith.constant 0 : i32
      %gather3A_2125 = tpu.memref_slice %arg9[%gather3A_2122, %gather3A_2123, %gather3A_2124] : memref<8x32x128xf32, #tpu.memory_space<vmem>> -> memref<1x32x128xf32, #tpu.memory_space<vmem>>
      %gather3A_2126 = tpu.memref_squeeze %gather3A_2125 : memref<1x32x128xf32, #tpu.memory_space<vmem>> -> memref<32x128xf32, #tpu.memory_space<vmem>>
      %gather3A_2127 = tpu.vector_load_idx %gather3A_2126[%add3A_2121, %and3A_2031] : memref<32x128xf32, #tpu.memory_space<vmem>>[vector<16xi32>, vector<16xi32>], vector<16xf32>,
      tpu.vector_store_idx %arg11[%add3A_2121, %broadcast_in_dim3A_2053], %gather3A_2127 : memref<32x512xf32, #tpu.memory_space<vmem>>[vector<16xi32>, vector<16xi32>], vector<16xf32>,
      %add3A_2128 = arith.constant 16 : i32
      %add3A_2129 = vector.broadcast %add3A_2128 : i32 to vector<16xi32>
      %add3A_2130 = arith.addi %iota3A, %add3A_2129 : vector<16xi32>
      %gather3A_2131 = arith.constant 3 : i32
      %gather3A_2132 = arith.constant 0 : i32
      %gather3A_2133 = arith.constant 0 : i32
      %gather3A_2134 = tpu.memref_slice %arg9[%gather3A_2131, %gather3A_2132, %gather3A_2133] : memref<8x32x128xf32, #tpu.memory_space<vmem>> -> memref<1x32x128xf32, #tpu.memory_space<vmem>>
      %gather3A_2135 = tpu.memref_squeeze %gather3A_2134 : memref<1x32x128xf32, #tpu.memory_space<vmem>> -> memref<32x128xf32, #tpu.memory_space<vmem>>
      %gather3A_2136 = tpu.vector_load_idx %gather3A_2135[%add3A_2130, %and3A_2031] : memref<32x128xf32, #tpu.memory_space<vmem>>[vector<16xi32>, vector<16xi32>], vector<16xf32>,
      tpu.vector_store_idx %arg11[%add3A_2130, %broadcast_in_dim3A_2053], %gather3A_2136 : memref<32x512xf32, #tpu.memory_space<vmem>>[vector<16xi32>, vector<16xi32>], vector<16xf32>,
      %dma_wait3A_2137 = arith.constant 3 : i32
      %dma_wait3A_2138 = arith.constant 1 : i32
      %dma_wait3A_2139 = arith.constant 3 : i32
      %dma_wait3A_2140 = arith.constant 0 : i32
      %dma_wait3A_2141 = arith.constant 0 : i32
      %dma_wait3A_2142 = tpu.memref_slice %arg10[%dma_wait3A_2137, %dma_wait3A_2140, %dma_wait3A_2141] : memref<8x32x128xf32, #tpu.memory_space<vmem>> -> memref<1x32x128xf32, #tpu.memory_space<vmem>>
      %dma_wait3A_2143 = tpu.memref_squeeze %dma_wait3A_2142 : memref<1x32x128xf32, #tpu.memory_space<vmem>> -> memref<32x128xf32, #tpu.memory_space<vmem>>
      %dma_wait3A_2144 = arith.constant 0 : i32
      %dma_wait3A_2145 = arith.constant 0 : i32
      %dma_wait3A_2146 = tpu.memref_slice %arg5[%dma_wait3A_2144, %dma_wait3A_2145] : memref<32x1000000xf32, #tpu.memory_space<hbm>> -> memref<32x128xf32, #tpu.memory_space<hbm>>
      %dma_wait3A_2147 = tpu.memref_slice %arg14[%dma_wait3A_2138, %dma_wait3A_2139] : memref<2x8x!tpu.dma_semaphore, #tpu.memory_space<semaphore_mem>> -> memref<1x1x!tpu.dma_semaphore, #tpu.memory_space<semaphore_mem>>
      %dma_wait3A_2148 = tpu.memref_squeeze %dma_wait3A_2147 : memref<1x1x!tpu.dma_semaphore, #tpu.memory_space<semaphore_mem>> -> memref<!tpu.dma_semaphore, #tpu.memory_space<semaphore_mem>>
      %dma_wait3A_2149 = arith.constant 0 : i32
      %dma_wait3A_2150 = arith.constant 0 : i32
      %dma_wait3A_2151 = tpu.memref_slice %arg10[%dma_wait3A_2137, %dma_wait3A_2149, %dma_wait3A_2150] : memref<8x32x128xf32, #tpu.memory_space<vmem>> -> memref<1x32x128xf32, #tpu.memory_space<vmem>>
      %dma_wait3A_2152 = tpu.memref_squeeze %dma_wait3A_2151 : memref<1x32x128xf32, #tpu.memory_space<vmem>> -> memref<32x128xf32, #tpu.memory_space<vmem>>
      %dma_wait3A_2153 = arith.constant 0 : i32
      %dma_wait3A_2154 = arith.constant 0 : i32
      %dma_wait3A_2155 = tpu.memref_slice %arg5[%dma_wait3A_2153, %dma_wait3A_2154] : memref<32x1000000xf32, #tpu.memory_space<hbm>> -> memref<32x128xf32, #tpu.memory_space<hbm>>
      tpu.wait_dma2 semaphore(%dma_wait3A_2148 : memref<!tpu.dma_semaphore, #tpu.memory_space<semaphore_mem>>) src(%dma_wait3A_2155 : memref<32x128xf32, #tpu.memory_space<hbm>>) dst(%dma_wait3A_2152 : memref<32x128xf32, #tpu.memory_space<vmem>>)
      %add3A_2156 = arith.constant 0 : i32
      %add3A_2157 = vector.broadcast %add3A_2156 : i32 to vector<16xi32>
      %add3A_2158 = arith.addi %iota3A, %add3A_2157 : vector<16xi32>
      %gather3A_2159 = arith.constant 3 : i32
      %gather3A_2160 = arith.constant 0 : i32
      %gather3A_2161 = arith.constant 0 : i32
      %gather3A_2162 = tpu.memref_slice %arg10[%gather3A_2159, %gather3A_2160, %gather3A_2161] : memref<8x32x128xf32, #tpu.memory_space<vmem>> -> memref<1x32x128xf32, #tpu.memory_space<vmem>>
      %gather3A_2163 = tpu.memref_squeeze %gather3A_2162 : memref<1x32x128xf32, #tpu.memory_space<vmem>> -> memref<32x128xf32, #tpu.memory_space<vmem>>
      %gather3A_2164 = tpu.vector_load_idx %gather3A_2163[%add3A_2158, %and3A_2052] : memref<32x128xf32, #tpu.memory_space<vmem>>[vector<16xi32>, vector<16xi32>], vector<16xf32>,
      tpu.vector_store_idx %arg12[%add3A_2158, %broadcast_in_dim3A_2053], %gather3A_2164 : memref<32x512xf32, #tpu.memory_space<vmem>>[vector<16xi32>, vector<16xi32>], vector<16xf32>,
      %add3A_2165 = arith.constant 16 : i32
      %add3A_2166 = vector.broadcast %add3A_2165 : i32 to vector<16xi32>
      %add3A_2167 = arith.addi %iota3A, %add3A_2166 : vector<16xi32>
      %gather3A_2168 = arith.constant 3 : i32
      %gather3A_2169 = arith.constant 0 : i32
      %gather3A_2170 = arith.constant 0 : i32
      %gather3A_2171 = tpu.memref_slice %arg10[%gather3A_2168, %gather3A_2169, %gather3A_2170] : memref<8x32x128xf32, #tpu.memory_space<vmem>> -> memref<1x32x128xf32, #tpu.memory_space<vmem>>
      %gather3A_2172 = tpu.memref_squeeze %gather3A_2171 : memref<1x32x128xf32, #tpu.memory_space<vmem>> -> memref<32x128xf32, #tpu.memory_space<vmem>>
      %gather3A_2173 = tpu.vector_load_idx %gather3A_2172[%add3A_2167, %and3A_2052] : memref<32x128xf32, #tpu.memory_space<vmem>>[vector<16xi32>, vector<16xi32>], vector<16xf32>,
      tpu.vector_store_idx %arg12[%add3A_2167, %broadcast_in_dim3A_2053], %gather3A_2173 : memref<32x512xf32, #tpu.memory_space<vmem>>[vector<16xi32>, vector<16xi32>], vector<16xf32>,
      %dma_start3A_2174 = arith.constant 3 : i32
      %dma_start3A_2175 = arith.constant 0 : i32
      %dma_start3A_2176 = arith.constant 3 : i32
      %dma_start3A_2177 = arith.constant 0 : i32
      %dma_start3A_2178 = arith.constant 0 : i32
      %dma_start3A_2179 = tpu.memref_slice %arg9[%dma_start3A_2174, %dma_start3A_2177, %dma_start3A_2178] : memref<8x32x128xf32, #tpu.memory_space<vmem>> -> memref<1x32x128xf32, #tpu.memory_space<vmem>>
      %dma_start3A_2180 = tpu.memref_squeeze %dma_start3A_2179 : memref<1x32x128xf32, #tpu.memory_space<vmem>> -> memref<32x128xf32, #tpu.memory_space<vmem>>
      %dma_start3A_2181 = arith.constant 0 : i32
      %dma_start3A_2182 = tpu.memref_slice %arg4[%dma_start3A_2181, %multiple_of3A_2077] : memref<32x1000000xf32, #tpu.memory_space<hbm>> -> memref<32x128xf32, #tpu.memory_space<hbm>>
      %dma_start3A_2183 = tpu.memref_slice %arg14[%dma_start3A_2175, %dma_start3A_2176] : memref<2x8x!tpu.dma_semaphore, #tpu.memory_space<semaphore_mem>> -> memref<1x1x!tpu.dma_semaphore, #tpu.memory_space<semaphore_mem>>
      %dma_start3A_2184 = tpu.memref_squeeze %dma_start3A_2183 : memref<1x1x!tpu.dma_semaphore, #tpu.memory_space<semaphore_mem>> -> memref<!tpu.dma_semaphore, #tpu.memory_space<semaphore_mem>>
      %dma_start3A_2185 = arith.constant 0 : i32
      %dma_start3A_2186 = arith.constant 0 : i32
      %dma_start3A_2187 = tpu.memref_slice %arg9[%dma_start3A_2174, %dma_start3A_2185, %dma_start3A_2186] : memref<8x32x128xf32, #tpu.memory_space<vmem>> -> memref<1x32x128xf32, #tpu.memory_space<vmem>>
      %dma_start3A_2188 = tpu.memref_squeeze %dma_start3A_2187 : memref<1x32x128xf32, #tpu.memory_space<vmem>> -> memref<32x128xf32, #tpu.memory_space<vmem>>
      %dma_start3A_2189 = arith.constant 0 : i32
      %dma_start3A_2190 = tpu.memref_slice %arg4[%dma_start3A_2189, %multiple_of3A_2077] : memref<32x1000000xf32, #tpu.memory_space<hbm>> -> memref<32x128xf32, #tpu.memory_space<hbm>>
      tpu.enqueue_dma source(%dma_start3A_2190 : memref<32x128xf32, #tpu.memory_space<hbm>>) target(%dma_start3A_2188 : memref<32x128xf32, #tpu.memory_space<vmem>>) target_semaphore(%dma_start3A_2184 : memref<!tpu.dma_semaphore, #tpu.memory_space<semaphore_mem>>)
      %dma_start3A_2191 = arith.constant 3 : i32
      %dma_start3A_2192 = arith.constant 1 : i32
      %dma_start3A_2193 = arith.constant 3 : i32
      %dma_start3A_2194 = arith.constant 0 : i32
      %dma_start3A_2195 = arith.constant 0 : i32
      %dma_start3A_2196 = tpu.memref_slice %arg10[%dma_start3A_2191, %dma_start3A_2194, %dma_start3A_2195] : memref<8x32x128xf32, #tpu.memory_space<vmem>> -> memref<1x32x128xf32, #tpu.memory_space<vmem>>
      %dma_start3A_2197 = tpu.memref_squeeze %dma_start3A_2196 : memref<1x32x128xf32, #tpu.memory_space<vmem>> -> memref<32x128xf32, #tpu.memory_space<vmem>>
      %dma_start3A_2198 = arith.constant 0 : i32
      %dma_start3A_2199 = tpu.memref_slice %arg5[%dma_start3A_2198, %multiple_of3A_2099] : memref<32x1000000xf32, #tpu.memory_space<hbm>> -> memref<32x128xf32, #tpu.memory_space<hbm>>
      %dma_start3A_2200 = tpu.memref_slice %arg14[%dma_start3A_2192, %dma_start3A_2193] : memref<2x8x!tpu.dma_semaphore, #tpu.memory_space<semaphore_mem>> -> memref<1x1x!tpu.dma_semaphore, #tpu.memory_space<semaphore_mem>>
      %dma_start3A_2201 = tpu.memref_squeeze %dma_start3A_2200 : memref<1x1x!tpu.dma_semaphore, #tpu.memory_space<semaphore_mem>> -> memref<!tpu.dma_semaphore, #tpu.memory_space<semaphore_mem>>
      %dma_start3A_2202 = arith.constant 0 : i32
      %dma_start3A_2203 = arith.constant 0 : i32
      %dma_start3A_2204 = tpu.memref_slice %arg10[%dma_start3A_2191, %dma_start3A_2202, %dma_start3A_2203] : memref<8x32x128xf32, #tpu.memory_space<vmem>> -> memref<1x32x128xf32, #tpu.memory_space<vmem>>
      %dma_start3A_2205 = tpu.memref_squeeze %dma_start3A_2204 : memref<1x32x128xf32, #tpu.memory_space<vmem>> -> memref<32x128xf32, #tpu.memory_space<vmem>>
      %dma_start3A_2206 = arith.constant 0 : i32
      %dma_start3A_2207 = tpu.memref_slice %arg5[%dma_start3A_2206, %multiple_of3A_2099] : memref<32x1000000xf32, #tpu.memory_space<hbm>> -> memref<32x128xf32, #tpu.memory_space<hbm>>
      tpu.enqueue_dma source(%dma_start3A_2207 : memref<32x128xf32, #tpu.memory_space<hbm>>) target(%dma_start3A_2205 : memref<32x128xf32, #tpu.memory_space<vmem>>) target_semaphore(%dma_start3A_2201 : memref<!tpu.dma_semaphore, #tpu.memory_space<semaphore_mem>>)
      %add3A_2208 = arith.constant 4 : i32
      %add3A_2209 = arith.addi %mul3A_1412, %add3A_2208 : i32
      %shift_right_arithmetic3A_2210 = arith.constant 4 : i32
      %shift_right_arithmetic3A_2211 = arith.shrsi %add3A_2209, %shift_right_arithmetic3A_2210 : i32
      %shift_left3A_2212 = arith.constant 4 : i32
      %shift_left3A_2213 = arith.shli %shift_right_arithmetic3A_2211, %shift_left3A_2212 : i32
      %get3A_2214 = arith.index_cast %shift_left3A_2213 : i32 to index
      %get3A_2215 = tpu.vector_load %arg7[%get3A_2214] {strides = array<i32>} : memref<512xi32, #tpu.memory_space<vmem>>, vector<16xi32>,
      %and3A_2216 = arith.constant 15 : i32
      %and3A_2217 = arith.andi %add3A_2209, %and3A_2216 : i32
      %eq3A_2218 = vector.broadcast %and3A_2217 : i32 to vector<16xi32>
      %eq3A_2219 = arith.cmpi eq, %iota3A, %eq3A_2218 : vector<16xi32>
      %jit3A_2220 = arith.constant 0 : i32
      %broadcast_in_dim3A_2221 = vector.broadcast %jit3A_2220 : i32 to vector<16xi32>
      %select_n3A_2222 = arith.select %eq3A_2219, %get3A_2215, %broadcast_in_dim3A_2221 : vector<16xi1>, vector<16xi32>
      %reduce_sum3A_2223 = arith.constant true
      %reduce_sum3A_2224 = vector.broadcast %reduce_sum3A_2223 : i1 to vector<16xi1>
      %reduce_sum3A_2225 = tpu.scan <sum>, %select_n3A_2222 masked %reduce_sum3A_2224 : vector<16xi32>, vector<16xi1> -> vector<16xi32>
      %reduce_sum3A_2226 = vector.extract %reduce_sum3A_2225[15] : i32 from vector<16xi32>
      %broadcast_in_dim3A_2227 = vector.broadcast %reduce_sum3A_2226 : i32 to vector<16xi32>
      %and3A_2228 = arith.constant 127 : i32
      %and3A_2229 = vector.broadcast %and3A_2228 : i32 to vector<16xi32>
      %and3A_2230 = arith.andi %broadcast_in_dim3A_2227, %and3A_2229 : vector<16xi32>
      %shift_right_arithmetic3A_2231 = arith.constant 4 : i32
      %shift_right_arithmetic3A_2232 = arith.shrsi %add3A_2209, %shift_right_arithmetic3A_2231 : i32
      %shift_left3A_2233 = arith.constant 4 : i32
      %shift_left3A_2234 = arith.shli %shift_right_arithmetic3A_2232, %shift_left3A_2233 : i32
      %get3A_2235 = arith.index_cast %shift_left3A_2234 : i32 to index
      %get3A_2236 = tpu.vector_load %arg8[%get3A_2235] {strides = array<i32>} : memref<512xi32, #tpu.memory_space<vmem>>, vector<16xi32>,
      %and3A_2237 = arith.constant 15 : i32
      %and3A_2238 = arith.andi %add3A_2209, %and3A_2237 : i32
      %eq3A_2239 = vector.broadcast %and3A_2238 : i32 to vector<16xi32>
      %eq3A_2240 = arith.cmpi eq, %iota3A, %eq3A_2239 : vector<16xi32>
      %jit3A_2241 = arith.constant 0 : i32
      %broadcast_in_dim3A_2242 = vector.broadcast %jit3A_2241 : i32 to vector<16xi32>
      %select_n3A_2243 = arith.select %eq3A_2240, %get3A_2236, %broadcast_in_dim3A_2242 : vector<16xi1>, vector<16xi32>
      %reduce_sum3A_2244 = arith.constant true
      %reduce_sum3A_2245 = vector.broadcast %reduce_sum3A_2244 : i1 to vector<16xi1>
      %reduce_sum3A_2246 = tpu.scan <sum>, %select_n3A_2243 masked %reduce_sum3A_2245 : vector<16xi32>, vector<16xi1> -> vector<16xi32>
      %reduce_sum3A_2247 = vector.extract %reduce_sum3A_2246[15] : i32 from vector<16xi32>
      %broadcast_in_dim3A_2248 = vector.broadcast %reduce_sum3A_2247 : i32 to vector<16xi32>
      %and3A_2249 = arith.constant 127 : i32
      %and3A_2250 = vector.broadcast %and3A_2249 : i32 to vector<16xi32>
      %and3A_2251 = arith.andi %broadcast_in_dim3A_2248, %and3A_2250 : vector<16xi32>
      %broadcast_in_dim3A_2252 = vector.broadcast %add3A_2209 : i32 to vector<16xi32>
      %add3A_2253 = arith.constant 8 : i32
      %add3A_2254 = arith.addi %add3A_2209, %add3A_2253 : i32
      %shift_right_arithmetic3A_2255 = arith.constant 4 : i32
      %shift_right_arithmetic3A_2256 = arith.shrsi %add3A_2254, %shift_right_arithmetic3A_2255 : i32
      %shift_left3A_2257 = arith.constant 4 : i32
      %shift_left3A_2258 = arith.shli %shift_right_arithmetic3A_2256, %shift_left3A_2257 : i32
      %get3A_2259 = arith.index_cast %shift_left3A_2258 : i32 to index
      %get3A_2260 = tpu.vector_load %arg7[%get3A_2259] {strides = array<i32>} : memref<512xi32, #tpu.memory_space<vmem>>, vector<16xi32>,
      %and3A_2261 = arith.constant 15 : i32
      %and3A_2262 = arith.andi %add3A_2254, %and3A_2261 : i32
      %eq3A_2263 = vector.broadcast %and3A_2262 : i32 to vector<16xi32>
      %eq3A_2264 = arith.cmpi eq, %iota3A, %eq3A_2263 : vector<16xi32>
      %jit3A_2265 = arith.constant 0 : i32
      %broadcast_in_dim3A_2266 = vector.broadcast %jit3A_2265 : i32 to vector<16xi32>
      %select_n3A_2267 = arith.select %eq3A_2264, %get3A_2260, %broadcast_in_dim3A_2266 : vector<16xi1>, vector<16xi32>
      %reduce_sum3A_2268 = arith.constant true
      %reduce_sum3A_2269 = vector.broadcast %reduce_sum3A_2268 : i1 to vector<16xi1>
      %reduce_sum3A_2270 = tpu.scan <sum>, %select_n3A_2267 masked %reduce_sum3A_2269 : vector<16xi32>, vector<16xi1> -> vector<16xi32>
      %reduce_sum3A_2271 = vector.extract %reduce_sum3A_2270[15] : i32 from vector<16xi32>
      %shift_right_arithmetic3A_2272 = arith.constant 7 : i32
      %shift_right_arithmetic3A_2273 = arith.shrsi %reduce_sum3A_2271, %shift_right_arithmetic3A_2272 : i32
      %mul3A_2274 = arith.constant 128 : i32
      %mul3A_2275 = arith.muli %shift_right_arithmetic3A_2273, %mul3A_2274 : i32
      %multiple_of3A_2276 = tpu.assume_multiple %mul3A_2275, 128 : i32
      %shift_right_arithmetic3A_2277 = arith.constant 4 : i32
      %shift_right_arithmetic3A_2278 = arith.shrsi %add3A_2254, %shift_right_arithmetic3A_2277 : i32
      %shift_left3A_2279 = arith.constant 4 : i32
      %shift_left3A_2280 = arith.shli %shift_right_arithmetic3A_2278, %shift_left3A_2279 : i32
      %get3A_2281 = arith.index_cast %shift_left3A_2280 : i32 to index
      %get3A_2282 = tpu.vector_load %arg8[%get3A_2281] {strides = array<i32>} : memref<512xi32, #tpu.memory_space<vmem>>, vector<16xi32>,
      %and3A_2283 = arith.constant 15 : i32
      %and3A_2284 = arith.andi %add3A_2254, %and3A_2283 : i32
      %eq3A_2285 = vector.broadcast %and3A_2284 : i32 to vector<16xi32>
      %eq3A_2286 = arith.cmpi eq, %iota3A, %eq3A_2285 : vector<16xi32>
      %jit3A_2287 = arith.constant 0 : i32
      %broadcast_in_dim3A_2288 = vector.broadcast %jit3A_2287 : i32 to vector<16xi32>
      %select_n3A_2289 = arith.select %eq3A_2286, %get3A_2282, %broadcast_in_dim3A_2288 : vector<16xi1>, vector<16xi32>
      %reduce_sum3A_2290 = arith.constant true
      %reduce_sum3A_2291 = vector.broadcast %reduce_sum3A_2290 : i1 to vector<16xi1>
      %reduce_sum3A_2292 = tpu.scan <sum>, %select_n3A_2289 masked %reduce_sum3A_2291 : vector<16xi32>, vector<16xi1> -> vector<16xi32>
      %reduce_sum3A_2293 = vector.extract %reduce_sum3A_2292[15] : i32 from vector<16xi32>
      %shift_right_arithmetic3A_2294 = arith.constant 7 : i32
      %shift_right_arithmetic3A_2295 = arith.shrsi %reduce_sum3A_2293, %shift_right_arithmetic3A_2294 : i32
      %mul3A_2296 = arith.constant 128 : i32
      %mul3A_2297 = arith.muli %shift_right_arithmetic3A_2295, %mul3A_2296 : i32
      %multiple_of3A_2298 = tpu.assume_multiple %mul3A_2297, 128 : i32
      %dma_wait3A_2299 = arith.constant 4 : i32
      %dma_wait3A_2300 = arith.constant 0 : i32
      %dma_wait3A_2301 = arith.constant 4 : i32
      %dma_wait3A_2302 = arith.constant 0 : i32
      %dma_wait3A_2303 = arith.constant 0 : i32
      %dma_wait3A_2304 = tpu.memref_slice %arg9[%dma_wait3A_2299, %dma_wait3A_2302, %dma_wait3A_2303] : memref<8x32x128xf32, #tpu.memory_space<vmem>> -> memref<1x32x128xf32, #tpu.memory_space<vmem>>
      %dma_wait3A_2305 = tpu.memref_squeeze %dma_wait3A_2304 : memref<1x32x128xf32, #tpu.memory_space<vmem>> -> memref<32x128xf32, #tpu.memory_space<vmem>>
      %dma_wait3A_2306 = arith.constant 0 : i32
      %dma_wait3A_2307 = arith.constant 0 : i32
      %dma_wait3A_2308 = tpu.memref_slice %arg4[%dma_wait3A_2306, %dma_wait3A_2307] : memref<32x1000000xf32, #tpu.memory_space<hbm>> -> memref<32x128xf32, #tpu.memory_space<hbm>>
      %dma_wait3A_2309 = tpu.memref_slice %arg14[%dma_wait3A_2300, %dma_wait3A_2301] : memref<2x8x!tpu.dma_semaphore, #tpu.memory_space<semaphore_mem>> -> memref<1x1x!tpu.dma_semaphore, #tpu.memory_space<semaphore_mem>>
      %dma_wait3A_2310 = tpu.memref_squeeze %dma_wait3A_2309 : memref<1x1x!tpu.dma_semaphore, #tpu.memory_space<semaphore_mem>> -> memref<!tpu.dma_semaphore, #tpu.memory_space<semaphore_mem>>
      %dma_wait3A_2311 = arith.constant 0 : i32
      %dma_wait3A_2312 = arith.constant 0 : i32
      %dma_wait3A_2313 = tpu.memref_slice %arg9[%dma_wait3A_2299, %dma_wait3A_2311, %dma_wait3A_2312] : memref<8x32x128xf32, #tpu.memory_space<vmem>> -> memref<1x32x128xf32, #tpu.memory_space<vmem>>
      %dma_wait3A_2314 = tpu.memref_squeeze %dma_wait3A_2313 : memref<1x32x128xf32, #tpu.memory_space<vmem>> -> memref<32x128xf32, #tpu.memory_space<vmem>>
      %dma_wait3A_2315 = arith.constant 0 : i32
      %dma_wait3A_2316 = arith.constant 0 : i32
      %dma_wait3A_2317 = tpu.memref_slice %arg4[%dma_wait3A_2315, %dma_wait3A_2316] : memref<32x1000000xf32, #tpu.memory_space<hbm>> -> memref<32x128xf32, #tpu.memory_space<hbm>>
      tpu.wait_dma2 semaphore(%dma_wait3A_2310 : memref<!tpu.dma_semaphore, #tpu.memory_space<semaphore_mem>>) src(%dma_wait3A_2317 : memref<32x128xf32, #tpu.memory_space<hbm>>) dst(%dma_wait3A_2314 : memref<32x128xf32, #tpu.memory_space<vmem>>)
      %add3A_2318 = arith.constant 0 : i32
      %add3A_2319 = vector.broadcast %add3A_2318 : i32 to vector<16xi32>
      %add3A_2320 = arith.addi %iota3A, %add3A_2319 : vector<16xi32>
      %gather3A_2321 = arith.constant 4 : i32
      %gather3A_2322 = arith.constant 0 : i32
      %gather3A_2323 = arith.constant 0 : i32
      %gather3A_2324 = tpu.memref_slice %arg9[%gather3A_2321, %gather3A_2322, %gather3A_2323] : memref<8x32x128xf32, #tpu.memory_space<vmem>> -> memref<1x32x128xf32, #tpu.memory_space<vmem>>
      %gather3A_2325 = tpu.memref_squeeze %gather3A_2324 : memref<1x32x128xf32, #tpu.memory_space<vmem>> -> memref<32x128xf32, #tpu.memory_space<vmem>>
      %gather3A_2326 = tpu.vector_load_idx %gather3A_2325[%add3A_2320, %and3A_2230] : memref<32x128xf32, #tpu.memory_space<vmem>>[vector<16xi32>, vector<16xi32>], vector<16xf32>,
      tpu.vector_store_idx %arg11[%add3A_2320, %broadcast_in_dim3A_2252], %gather3A_2326 : memref<32x512xf32, #tpu.memory_space<vmem>>[vector<16xi32>, vector<16xi32>], vector<16xf32>,
      %add3A_2327 = arith.constant 16 : i32
      %add3A_2328 = vector.broadcast %add3A_2327 : i32 to vector<16xi32>
      %add3A_2329 = arith.addi %iota3A, %add3A_2328 : vector<16xi32>
      %gather3A_2330 = arith.constant 4 : i32
      %gather3A_2331 = arith.constant 0 : i32
      %gather3A_2332 = arith.constant 0 : i32
      %gather3A_2333 = tpu.memref_slice %arg9[%gather3A_2330, %gather3A_2331, %gather3A_2332] : memref<8x32x128xf32, #tpu.memory_space<vmem>> -> memref<1x32x128xf32, #tpu.memory_space<vmem>>
      %gather3A_2334 = tpu.memref_squeeze %gather3A_2333 : memref<1x32x128xf32, #tpu.memory_space<vmem>> -> memref<32x128xf32, #tpu.memory_space<vmem>>
      %gather3A_2335 = tpu.vector_load_idx %gather3A_2334[%add3A_2329, %and3A_2230] : memref<32x128xf32, #tpu.memory_space<vmem>>[vector<16xi32>, vector<16xi32>], vector<16xf32>,
      tpu.vector_store_idx %arg11[%add3A_2329, %broadcast_in_dim3A_2252], %gather3A_2335 : memref<32x512xf32, #tpu.memory_space<vmem>>[vector<16xi32>, vector<16xi32>], vector<16xf32>,
      %dma_wait3A_2336 = arith.constant 4 : i32
      %dma_wait3A_2337 = arith.constant 1 : i32
      %dma_wait3A_2338 = arith.constant 4 : i32
      %dma_wait3A_2339 = arith.constant 0 : i32
      %dma_wait3A_2340 = arith.constant 0 : i32
      %dma_wait3A_2341 = tpu.memref_slice %arg10[%dma_wait3A_2336, %dma_wait3A_2339, %dma_wait3A_2340] : memref<8x32x128xf32, #tpu.memory_space<vmem>> -> memref<1x32x128xf32, #tpu.memory_space<vmem>>
      %dma_wait3A_2342 = tpu.memref_squeeze %dma_wait3A_2341 : memref<1x32x128xf32, #tpu.memory_space<vmem>> -> memref<32x128xf32, #tpu.memory_space<vmem>>
      %dma_wait3A_2343 = arith.constant 0 : i32
      %dma_wait3A_2344 = arith.constant 0 : i32
      %dma_wait3A_2345 = tpu.memref_slice %arg5[%dma_wait3A_2343, %dma_wait3A_2344] : memref<32x1000000xf32, #tpu.memory_space<hbm>> -> memref<32x128xf32, #tpu.memory_space<hbm>>
      %dma_wait3A_2346 = tpu.memref_slice %arg14[%dma_wait3A_2337, %dma_wait3A_2338] : memref<2x8x!tpu.dma_semaphore, #tpu.memory_space<semaphore_mem>> -> memref<1x1x!tpu.dma_semaphore, #tpu.memory_space<semaphore_mem>>
      %dma_wait3A_2347 = tpu.memref_squeeze %dma_wait3A_2346 : memref<1x1x!tpu.dma_semaphore, #tpu.memory_space<semaphore_mem>> -> memref<!tpu.dma_semaphore, #tpu.memory_space<semaphore_mem>>
      %dma_wait3A_2348 = arith.constant 0 : i32
      %dma_wait3A_2349 = arith.constant 0 : i32
      %dma_wait3A_2350 = tpu.memref_slice %arg10[%dma_wait3A_2336, %dma_wait3A_2348, %dma_wait3A_2349] : memref<8x32x128xf32, #tpu.memory_space<vmem>> -> memref<1x32x128xf32, #tpu.memory_space<vmem>>
      %dma_wait3A_2351 = tpu.memref_squeeze %dma_wait3A_2350 : memref<1x32x128xf32, #tpu.memory_space<vmem>> -> memref<32x128xf32, #tpu.memory_space<vmem>>
      %dma_wait3A_2352 = arith.constant 0 : i32
      %dma_wait3A_2353 = arith.constant 0 : i32
      %dma_wait3A_2354 = tpu.memref_slice %arg5[%dma_wait3A_2352, %dma_wait3A_2353] : memref<32x1000000xf32, #tpu.memory_space<hbm>> -> memref<32x128xf32, #tpu.memory_space<hbm>>
      tpu.wait_dma2 semaphore(%dma_wait3A_2347 : memref<!tpu.dma_semaphore, #tpu.memory_space<semaphore_mem>>) src(%dma_wait3A_2354 : memref<32x128xf32, #tpu.memory_space<hbm>>) dst(%dma_wait3A_2351 : memref<32x128xf32, #tpu.memory_space<vmem>>)
      %add3A_2355 = arith.constant 0 : i32
      %add3A_2356 = vector.broadcast %add3A_2355 : i32 to vector<16xi32>
      %add3A_2357 = arith.addi %iota3A, %add3A_2356 : vector<16xi32>
      %gather3A_2358 = arith.constant 4 : i32
      %gather3A_2359 = arith.constant 0 : i32
      %gather3A_2360 = arith.constant 0 : i32
      %gather3A_2361 = tpu.memref_slice %arg10[%gather3A_2358, %gather3A_2359, %gather3A_2360] : memref<8x32x128xf32, #tpu.memory_space<vmem>> -> memref<1x32x128xf32, #tpu.memory_space<vmem>>
      %gather3A_2362 = tpu.memref_squeeze %gather3A_2361 : memref<1x32x128xf32, #tpu.memory_space<vmem>> -> memref<32x128xf32, #tpu.memory_space<vmem>>
      %gather3A_2363 = tpu.vector_load_idx %gather3A_2362[%add3A_2357, %and3A_2251] : memref<32x128xf32, #tpu.memory_space<vmem>>[vector<16xi32>, vector<16xi32>], vector<16xf32>,
      tpu.vector_store_idx %arg12[%add3A_2357, %broadcast_in_dim3A_2252], %gather3A_2363 : memref<32x512xf32, #tpu.memory_space<vmem>>[vector<16xi32>, vector<16xi32>], vector<16xf32>,
      %add3A_2364 = arith.constant 16 : i32
      %add3A_2365 = vector.broadcast %add3A_2364 : i32 to vector<16xi32>
      %add3A_2366 = arith.addi %iota3A, %add3A_2365 : vector<16xi32>
      %gather3A_2367 = arith.constant 4 : i32
      %gather3A_2368 = arith.constant 0 : i32
      %gather3A_2369 = arith.constant 0 : i32
      %gather3A_2370 = tpu.memref_slice %arg10[%gather3A_2367, %gather3A_2368, %gather3A_2369] : memref<8x32x128xf32, #tpu.memory_space<vmem>> -> memref<1x32x128xf32, #tpu.memory_space<vmem>>
      %gather3A_2371 = tpu.memref_squeeze %gather3A_2370 : memref<1x32x128xf32, #tpu.memory_space<vmem>> -> memref<32x128xf32, #tpu.memory_space<vmem>>
      %gather3A_2372 = tpu.vector_load_idx %gather3A_2371[%add3A_2366, %and3A_2251] : memref<32x128xf32, #tpu.memory_space<vmem>>[vector<16xi32>, vector<16xi32>], vector<16xf32>,
      tpu.vector_store_idx %arg12[%add3A_2366, %broadcast_in_dim3A_2252], %gather3A_2372 : memref<32x512xf32, #tpu.memory_space<vmem>>[vector<16xi32>, vector<16xi32>], vector<16xf32>,
      %dma_start3A_2373 = arith.constant 4 : i32
      %dma_start3A_2374 = arith.constant 0 : i32
      %dma_start3A_2375 = arith.constant 4 : i32
      %dma_start3A_2376 = arith.constant 0 : i32
      %dma_start3A_2377 = arith.constant 0 : i32
      %dma_start3A_2378 = tpu.memref_slice %arg9[%dma_start3A_2373, %dma_start3A_2376, %dma_start3A_2377] : memref<8x32x128xf32, #tpu.memory_space<vmem>> -> memref<1x32x128xf32, #tpu.memory_space<vmem>>
      %dma_start3A_2379 = tpu.memref_squeeze %dma_start3A_2378 : memref<1x32x128xf32, #tpu.memory_space<vmem>> -> memref<32x128xf32, #tpu.memory_space<vmem>>
      %dma_start3A_2380 = arith.constant 0 : i32
      %dma_start3A_2381 = tpu.memref_slice %arg4[%dma_start3A_2380, %multiple_of3A_2276] : memref<32x1000000xf32, #tpu.memory_space<hbm>> -> memref<32x128xf32, #tpu.memory_space<hbm>>
      %dma_start3A_2382 = tpu.memref_slice %arg14[%dma_start3A_2374, %dma_start3A_2375] : memref<2x8x!tpu.dma_semaphore, #tpu.memory_space<semaphore_mem>> -> memref<1x1x!tpu.dma_semaphore, #tpu.memory_space<semaphore_mem>>
      %dma_start3A_2383 = tpu.memref_squeeze %dma_start3A_2382 : memref<1x1x!tpu.dma_semaphore, #tpu.memory_space<semaphore_mem>> -> memref<!tpu.dma_semaphore, #tpu.memory_space<semaphore_mem>>
      %dma_start3A_2384 = arith.constant 0 : i32
      %dma_start3A_2385 = arith.constant 0 : i32
      %dma_start3A_2386 = tpu.memref_slice %arg9[%dma_start3A_2373, %dma_start3A_2384, %dma_start3A_2385] : memref<8x32x128xf32, #tpu.memory_space<vmem>> -> memref<1x32x128xf32, #tpu.memory_space<vmem>>
      %dma_start3A_2387 = tpu.memref_squeeze %dma_start3A_2386 : memref<1x32x128xf32, #tpu.memory_space<vmem>> -> memref<32x128xf32, #tpu.memory_space<vmem>>
      %dma_start3A_2388 = arith.constant 0 : i32
      %dma_start3A_2389 = tpu.memref_slice %arg4[%dma_start3A_2388, %multiple_of3A_2276] : memref<32x1000000xf32, #tpu.memory_space<hbm>> -> memref<32x128xf32, #tpu.memory_space<hbm>>
      tpu.enqueue_dma source(%dma_start3A_2389 : memref<32x128xf32, #tpu.memory_space<hbm>>) target(%dma_start3A_2387 : memref<32x128xf32, #tpu.memory_space<vmem>>) target_semaphore(%dma_start3A_2383 : memref<!tpu.dma_semaphore, #tpu.memory_space<semaphore_mem>>)
      %dma_start3A_2390 = arith.constant 4 : i32
      %dma_start3A_2391 = arith.constant 1 : i32
      %dma_start3A_2392 = arith.constant 4 : i32
      %dma_start3A_2393 = arith.constant 0 : i32
      %dma_start3A_2394 = arith.constant 0 : i32
      %dma_start3A_2395 = tpu.memref_slice %arg10[%dma_start3A_2390, %dma_start3A_2393, %dma_start3A_2394] : memref<8x32x128xf32, #tpu.memory_space<vmem>> -> memref<1x32x128xf32, #tpu.memory_space<vmem>>
      %dma_start3A_2396 = tpu.memref_squeeze %dma_start3A_2395 : memref<1x32x128xf32, #tpu.memory_space<vmem>> -> memref<32x128xf32, #tpu.memory_space<vmem>>
      %dma_start3A_2397 = arith.constant 0 : i32
      %dma_start3A_2398 = tpu.memref_slice %arg5[%dma_start3A_2397, %multiple_of3A_2298] : memref<32x1000000xf32, #tpu.memory_space<hbm>> -> memref<32x128xf32, #tpu.memory_space<hbm>>
      %dma_start3A_2399 = tpu.memref_slice %arg14[%dma_start3A_2391, %dma_start3A_2392] : memref<2x8x!tpu.dma_semaphore, #tpu.memory_space<semaphore_mem>> -> memref<1x1x!tpu.dma_semaphore, #tpu.memory_space<semaphore_mem>>
      %dma_start3A_2400 = tpu.memref_squeeze %dma_start3A_2399 : memref<1x1x!tpu.dma_semaphore, #tpu.memory_space<semaphore_mem>> -> memref<!tpu.dma_semaphore, #tpu.memory_space<semaphore_mem>>
      %dma_start3A_2401 = arith.constant 0 : i32
      %dma_start3A_2402 = arith.constant 0 : i32
      %dma_start3A_2403 = tpu.memref_slice %arg10[%dma_start3A_2390, %dma_start3A_2401, %dma_start3A_2402] : memref<8x32x128xf32, #tpu.memory_space<vmem>> -> memref<1x32x128xf32, #tpu.memory_space<vmem>>
      %dma_start3A_2404 = tpu.memref_squeeze %dma_start3A_2403 : memref<1x32x128xf32, #tpu.memory_space<vmem>> -> memref<32x128xf32, #tpu.memory_space<vmem>>
      %dma_start3A_2405 = arith.constant 0 : i32
      %dma_start3A_2406 = tpu.memref_slice %arg5[%dma_start3A_2405, %multiple_of3A_2298] : memref<32x1000000xf32, #tpu.memory_space<hbm>> -> memref<32x128xf32, #tpu.memory_space<hbm>>
      tpu.enqueue_dma source(%dma_start3A_2406 : memref<32x128xf32, #tpu.memory_space<hbm>>) target(%dma_start3A_2404 : memref<32x128xf32, #tpu.memory_space<vmem>>) target_semaphore(%dma_start3A_2400 : memref<!tpu.dma_semaphore, #tpu.memory_space<semaphore_mem>>)
      %add3A_2407 = arith.constant 5 : i32
      %add3A_2408 = arith.addi %mul3A_1412, %add3A_2407 : i32
      %shift_right_arithmetic3A_2409 = arith.constant 4 : i32
      %shift_right_arithmetic3A_2410 = arith.shrsi %add3A_2408, %shift_right_arithmetic3A_2409 : i32
      %shift_left3A_2411 = arith.constant 4 : i32
      %shift_left3A_2412 = arith.shli %shift_right_arithmetic3A_2410, %shift_left3A_2411 : i32
      %get3A_2413 = arith.index_cast %shift_left3A_2412 : i32 to index
      %get3A_2414 = tpu.vector_load %arg7[%get3A_2413] {strides = array<i32>} : memref<512xi32, #tpu.memory_space<vmem>>, vector<16xi32>,
      %and3A_2415 = arith.constant 15 : i32
      %and3A_2416 = arith.andi %add3A_2408, %and3A_2415 : i32
      %eq3A_2417 = vector.broadcast %and3A_2416 : i32 to vector<16xi32>
      %eq3A_2418 = arith.cmpi eq, %iota3A, %eq3A_2417 : vector<16xi32>
      %jit3A_2419 = arith.constant 0 : i32
      %broadcast_in_dim3A_2420 = vector.broadcast %jit3A_2419 : i32 to vector<16xi32>
      %select_n3A_2421 = arith.select %eq3A_2418, %get3A_2414, %broadcast_in_dim3A_2420 : vector<16xi1>, vector<16xi32>
      %reduce_sum3A_2422 = arith.constant true
      %reduce_sum3A_2423 = vector.broadcast %reduce_sum3A_2422 : i1 to vector<16xi1>
      %reduce_sum3A_2424 = tpu.scan <sum>, %select_n3A_2421 masked %reduce_sum3A_2423 : vector<16xi32>, vector<16xi1> -> vector<16xi32>
      %reduce_sum3A_2425 = vector.extract %reduce_sum3A_2424[15] : i32 from vector<16xi32>
      %broadcast_in_dim3A_2426 = vector.broadcast %reduce_sum3A_2425 : i32 to vector<16xi32>
      %and3A_2427 = arith.constant 127 : i32
      %and3A_2428 = vector.broadcast %and3A_2427 : i32 to vector<16xi32>
      %and3A_2429 = arith.andi %broadcast_in_dim3A_2426, %and3A_2428 : vector<16xi32>
      %shift_right_arithmetic3A_2430 = arith.constant 4 : i32
      %shift_right_arithmetic3A_2431 = arith.shrsi %add3A_2408, %shift_right_arithmetic3A_2430 : i32
      %shift_left3A_2432 = arith.constant 4 : i32
      %shift_left3A_2433 = arith.shli %shift_right_arithmetic3A_2431, %shift_left3A_2432 : i32
      %get3A_2434 = arith.index_cast %shift_left3A_2433 : i32 to index
      %get3A_2435 = tpu.vector_load %arg8[%get3A_2434] {strides = array<i32>} : memref<512xi32, #tpu.memory_space<vmem>>, vector<16xi32>,
      %and3A_2436 = arith.constant 15 : i32
      %and3A_2437 = arith.andi %add3A_2408, %and3A_2436 : i32
      %eq3A_2438 = vector.broadcast %and3A_2437 : i32 to vector<16xi32>
      %eq3A_2439 = arith.cmpi eq, %iota3A, %eq3A_2438 : vector<16xi32>
      %jit3A_2440 = arith.constant 0 : i32
      %broadcast_in_dim3A_2441 = vector.broadcast %jit3A_2440 : i32 to vector<16xi32>
      %select_n3A_2442 = arith.select %eq3A_2439, %get3A_2435, %broadcast_in_dim3A_2441 : vector<16xi1>, vector<16xi32>
      %reduce_sum3A_2443 = arith.constant true
      %reduce_sum3A_2444 = vector.broadcast %reduce_sum3A_2443 : i1 to vector<16xi1>
      %reduce_sum3A_2445 = tpu.scan <sum>, %select_n3A_2442 masked %reduce_sum3A_2444 : vector<16xi32>, vector<16xi1> -> vector<16xi32>
      %reduce_sum3A_2446 = vector.extract %reduce_sum3A_2445[15] : i32 from vector<16xi32>
      %broadcast_in_dim3A_2447 = vector.broadcast %reduce_sum3A_2446 : i32 to vector<16xi32>
      %and3A_2448 = arith.constant 127 : i32
      %and3A_2449 = vector.broadcast %and3A_2448 : i32 to vector<16xi32>
      %and3A_2450 = arith.andi %broadcast_in_dim3A_2447, %and3A_2449 : vector<16xi32>
      %broadcast_in_dim3A_2451 = vector.broadcast %add3A_2408 : i32 to vector<16xi32>
      %add3A_2452 = arith.constant 8 : i32
      %add3A_2453 = arith.addi %add3A_2408, %add3A_2452 : i32
      %shift_right_arithmetic3A_2454 = arith.constant 4 : i32
      %shift_right_arithmetic3A_2455 = arith.shrsi %add3A_2453, %shift_right_arithmetic3A_2454 : i32
      %shift_left3A_2456 = arith.constant 4 : i32
      %shift_left3A_2457 = arith.shli %shift_right_arithmetic3A_2455, %shift_left3A_2456 : i32
      %get3A_2458 = arith.index_cast %shift_left3A_2457 : i32 to index
      %get3A_2459 = tpu.vector_load %arg7[%get3A_2458] {strides = array<i32>} : memref<512xi32, #tpu.memory_space<vmem>>, vector<16xi32>,
      %and3A_2460 = arith.constant 15 : i32
      %and3A_2461 = arith.andi %add3A_2453, %and3A_2460 : i32
      %eq3A_2462 = vector.broadcast %and3A_2461 : i32 to vector<16xi32>
      %eq3A_2463 = arith.cmpi eq, %iota3A, %eq3A_2462 : vector<16xi32>
      %jit3A_2464 = arith.constant 0 : i32
      %broadcast_in_dim3A_2465 = vector.broadcast %jit3A_2464 : i32 to vector<16xi32>
      %select_n3A_2466 = arith.select %eq3A_2463, %get3A_2459, %broadcast_in_dim3A_2465 : vector<16xi1>, vector<16xi32>
      %reduce_sum3A_2467 = arith.constant true
      %reduce_sum3A_2468 = vector.broadcast %reduce_sum3A_2467 : i1 to vector<16xi1>
      %reduce_sum3A_2469 = tpu.scan <sum>, %select_n3A_2466 masked %reduce_sum3A_2468 : vector<16xi32>, vector<16xi1> -> vector<16xi32>
      %reduce_sum3A_2470 = vector.extract %reduce_sum3A_2469[15] : i32 from vector<16xi32>
      %shift_right_arithmetic3A_2471 = arith.constant 7 : i32
      %shift_right_arithmetic3A_2472 = arith.shrsi %reduce_sum3A_2470, %shift_right_arithmetic3A_2471 : i32
      %mul3A_2473 = arith.constant 128 : i32
      %mul3A_2474 = arith.muli %shift_right_arithmetic3A_2472, %mul3A_2473 : i32
      %multiple_of3A_2475 = tpu.assume_multiple %mul3A_2474, 128 : i32
      %shift_right_arithmetic3A_2476 = arith.constant 4 : i32
      %shift_right_arithmetic3A_2477 = arith.shrsi %add3A_2453, %shift_right_arithmetic3A_2476 : i32
      %shift_left3A_2478 = arith.constant 4 : i32
      %shift_left3A_2479 = arith.shli %shift_right_arithmetic3A_2477, %shift_left3A_2478 : i32
      %get3A_2480 = arith.index_cast %shift_left3A_2479 : i32 to index
      %get3A_2481 = tpu.vector_load %arg8[%get3A_2480] {strides = array<i32>} : memref<512xi32, #tpu.memory_space<vmem>>, vector<16xi32>,
      %and3A_2482 = arith.constant 15 : i32
      %and3A_2483 = arith.andi %add3A_2453, %and3A_2482 : i32
      %eq3A_2484 = vector.broadcast %and3A_2483 : i32 to vector<16xi32>
      %eq3A_2485 = arith.cmpi eq, %iota3A, %eq3A_2484 : vector<16xi32>
      %jit3A_2486 = arith.constant 0 : i32
      %broadcast_in_dim3A_2487 = vector.broadcast %jit3A_2486 : i32 to vector<16xi32>
      %select_n3A_2488 = arith.select %eq3A_2485, %get3A_2481, %broadcast_in_dim3A_2487 : vector<16xi1>, vector<16xi32>
      %reduce_sum3A_2489 = arith.constant true
      %reduce_sum3A_2490 = vector.broadcast %reduce_sum3A_2489 : i1 to vector<16xi1>
      %reduce_sum3A_2491 = tpu.scan <sum>, %select_n3A_2488 masked %reduce_sum3A_2490 : vector<16xi32>, vector<16xi1> -> vector<16xi32>
      %reduce_sum3A_2492 = vector.extract %reduce_sum3A_2491[15] : i32 from vector<16xi32>
      %shift_right_arithmetic3A_2493 = arith.constant 7 : i32
      %shift_right_arithmetic3A_2494 = arith.shrsi %reduce_sum3A_2492, %shift_right_arithmetic3A_2493 : i32
      %mul3A_2495 = arith.constant 128 : i32
      %mul3A_2496 = arith.muli %shift_right_arithmetic3A_2494, %mul3A_2495 : i32
      %multiple_of3A_2497 = tpu.assume_multiple %mul3A_2496, 128 : i32
      %dma_wait3A_2498 = arith.constant 5 : i32
      %dma_wait3A_2499 = arith.constant 0 : i32
      %dma_wait3A_2500 = arith.constant 5 : i32
      %dma_wait3A_2501 = arith.constant 0 : i32
      %dma_wait3A_2502 = arith.constant 0 : i32
      %dma_wait3A_2503 = tpu.memref_slice %arg9[%dma_wait3A_2498, %dma_wait3A_2501, %dma_wait3A_2502] : memref<8x32x128xf32, #tpu.memory_space<vmem>> -> memref<1x32x128xf32, #tpu.memory_space<vmem>>
      %dma_wait3A_2504 = tpu.memref_squeeze %dma_wait3A_2503 : memref<1x32x128xf32, #tpu.memory_space<vmem>> -> memref<32x128xf32, #tpu.memory_space<vmem>>
      %dma_wait3A_2505 = arith.constant 0 : i32
      %dma_wait3A_2506 = arith.constant 0 : i32
      %dma_wait3A_2507 = tpu.memref_slice %arg4[%dma_wait3A_2505, %dma_wait3A_2506] : memref<32x1000000xf32, #tpu.memory_space<hbm>> -> memref<32x128xf32, #tpu.memory_space<hbm>>
      %dma_wait3A_2508 = tpu.memref_slice %arg14[%dma_wait3A_2499, %dma_wait3A_2500] : memref<2x8x!tpu.dma_semaphore, #tpu.memory_space<semaphore_mem>> -> memref<1x1x!tpu.dma_semaphore, #tpu.memory_space<semaphore_mem>>
      %dma_wait3A_2509 = tpu.memref_squeeze %dma_wait3A_2508 : memref<1x1x!tpu.dma_semaphore, #tpu.memory_space<semaphore_mem>> -> memref<!tpu.dma_semaphore, #tpu.memory_space<semaphore_mem>>
      %dma_wait3A_2510 = arith.constant 0 : i32
      %dma_wait3A_2511 = arith.constant 0 : i32
      %dma_wait3A_2512 = tpu.memref_slice %arg9[%dma_wait3A_2498, %dma_wait3A_2510, %dma_wait3A_2511] : memref<8x32x128xf32, #tpu.memory_space<vmem>> -> memref<1x32x128xf32, #tpu.memory_space<vmem>>
      %dma_wait3A_2513 = tpu.memref_squeeze %dma_wait3A_2512 : memref<1x32x128xf32, #tpu.memory_space<vmem>> -> memref<32x128xf32, #tpu.memory_space<vmem>>
      %dma_wait3A_2514 = arith.constant 0 : i32
      %dma_wait3A_2515 = arith.constant 0 : i32
      %dma_wait3A_2516 = tpu.memref_slice %arg4[%dma_wait3A_2514, %dma_wait3A_2515] : memref<32x1000000xf32, #tpu.memory_space<hbm>> -> memref<32x128xf32, #tpu.memory_space<hbm>>
      tpu.wait_dma2 semaphore(%dma_wait3A_2509 : memref<!tpu.dma_semaphore, #tpu.memory_space<semaphore_mem>>) src(%dma_wait3A_2516 : memref<32x128xf32, #tpu.memory_space<hbm>>) dst(%dma_wait3A_2513 : memref<32x128xf32, #tpu.memory_space<vmem>>)
      %add3A_2517 = arith.constant 0 : i32
      %add3A_2518 = vector.broadcast %add3A_2517 : i32 to vector<16xi32>
      %add3A_2519 = arith.addi %iota3A, %add3A_2518 : vector<16xi32>
      %gather3A_2520 = arith.constant 5 : i32
      %gather3A_2521 = arith.constant 0 : i32
      %gather3A_2522 = arith.constant 0 : i32
      %gather3A_2523 = tpu.memref_slice %arg9[%gather3A_2520, %gather3A_2521, %gather3A_2522] : memref<8x32x128xf32, #tpu.memory_space<vmem>> -> memref<1x32x128xf32, #tpu.memory_space<vmem>>
      %gather3A_2524 = tpu.memref_squeeze %gather3A_2523 : memref<1x32x128xf32, #tpu.memory_space<vmem>> -> memref<32x128xf32, #tpu.memory_space<vmem>>
      %gather3A_2525 = tpu.vector_load_idx %gather3A_2524[%add3A_2519, %and3A_2429] : memref<32x128xf32, #tpu.memory_space<vmem>>[vector<16xi32>, vector<16xi32>], vector<16xf32>,
      tpu.vector_store_idx %arg11[%add3A_2519, %broadcast_in_dim3A_2451], %gather3A_2525 : memref<32x512xf32, #tpu.memory_space<vmem>>[vector<16xi32>, vector<16xi32>], vector<16xf32>,
      %add3A_2526 = arith.constant 16 : i32
      %add3A_2527 = vector.broadcast %add3A_2526 : i32 to vector<16xi32>
      %add3A_2528 = arith.addi %iota3A, %add3A_2527 : vector<16xi32>
      %gather3A_2529 = arith.constant 5 : i32
      %gather3A_2530 = arith.constant 0 : i32
      %gather3A_2531 = arith.constant 0 : i32
      %gather3A_2532 = tpu.memref_slice %arg9[%gather3A_2529, %gather3A_2530, %gather3A_2531] : memref<8x32x128xf32, #tpu.memory_space<vmem>> -> memref<1x32x128xf32, #tpu.memory_space<vmem>>
      %gather3A_2533 = tpu.memref_squeeze %gather3A_2532 : memref<1x32x128xf32, #tpu.memory_space<vmem>> -> memref<32x128xf32, #tpu.memory_space<vmem>>
      %gather3A_2534 = tpu.vector_load_idx %gather3A_2533[%add3A_2528, %and3A_2429] : memref<32x128xf32, #tpu.memory_space<vmem>>[vector<16xi32>, vector<16xi32>], vector<16xf32>,
      tpu.vector_store_idx %arg11[%add3A_2528, %broadcast_in_dim3A_2451], %gather3A_2534 : memref<32x512xf32, #tpu.memory_space<vmem>>[vector<16xi32>, vector<16xi32>], vector<16xf32>,
      %dma_wait3A_2535 = arith.constant 5 : i32
      %dma_wait3A_2536 = arith.constant 1 : i32
      %dma_wait3A_2537 = arith.constant 5 : i32
      %dma_wait3A_2538 = arith.constant 0 : i32
      %dma_wait3A_2539 = arith.constant 0 : i32
      %dma_wait3A_2540 = tpu.memref_slice %arg10[%dma_wait3A_2535, %dma_wait3A_2538, %dma_wait3A_2539] : memref<8x32x128xf32, #tpu.memory_space<vmem>> -> memref<1x32x128xf32, #tpu.memory_space<vmem>>
      %dma_wait3A_2541 = tpu.memref_squeeze %dma_wait3A_2540 : memref<1x32x128xf32, #tpu.memory_space<vmem>> -> memref<32x128xf32, #tpu.memory_space<vmem>>
      %dma_wait3A_2542 = arith.constant 0 : i32
      %dma_wait3A_2543 = arith.constant 0 : i32
      %dma_wait3A_2544 = tpu.memref_slice %arg5[%dma_wait3A_2542, %dma_wait3A_2543] : memref<32x1000000xf32, #tpu.memory_space<hbm>> -> memref<32x128xf32, #tpu.memory_space<hbm>>
      %dma_wait3A_2545 = tpu.memref_slice %arg14[%dma_wait3A_2536, %dma_wait3A_2537] : memref<2x8x!tpu.dma_semaphore, #tpu.memory_space<semaphore_mem>> -> memref<1x1x!tpu.dma_semaphore, #tpu.memory_space<semaphore_mem>>
      %dma_wait3A_2546 = tpu.memref_squeeze %dma_wait3A_2545 : memref<1x1x!tpu.dma_semaphore, #tpu.memory_space<semaphore_mem>> -> memref<!tpu.dma_semaphore, #tpu.memory_space<semaphore_mem>>
      %dma_wait3A_2547 = arith.constant 0 : i32
      %dma_wait3A_2548 = arith.constant 0 : i32
      %dma_wait3A_2549 = tpu.memref_slice %arg10[%dma_wait3A_2535, %dma_wait3A_2547, %dma_wait3A_2548] : memref<8x32x128xf32, #tpu.memory_space<vmem>> -> memref<1x32x128xf32, #tpu.memory_space<vmem>>
      %dma_wait3A_2550 = tpu.memref_squeeze %dma_wait3A_2549 : memref<1x32x128xf32, #tpu.memory_space<vmem>> -> memref<32x128xf32, #tpu.memory_space<vmem>>
      %dma_wait3A_2551 = arith.constant 0 : i32
      %dma_wait3A_2552 = arith.constant 0 : i32
      %dma_wait3A_2553 = tpu.memref_slice %arg5[%dma_wait3A_2551, %dma_wait3A_2552] : memref<32x1000000xf32, #tpu.memory_space<hbm>> -> memref<32x128xf32, #tpu.memory_space<hbm>>
      tpu.wait_dma2 semaphore(%dma_wait3A_2546 : memref<!tpu.dma_semaphore, #tpu.memory_space<semaphore_mem>>) src(%dma_wait3A_2553 : memref<32x128xf32, #tpu.memory_space<hbm>>) dst(%dma_wait3A_2550 : memref<32x128xf32, #tpu.memory_space<vmem>>)
      %add3A_2554 = arith.constant 0 : i32
      %add3A_2555 = vector.broadcast %add3A_2554 : i32 to vector<16xi32>
      %add3A_2556 = arith.addi %iota3A, %add3A_2555 : vector<16xi32>
      %gather3A_2557 = arith.constant 5 : i32
      %gather3A_2558 = arith.constant 0 : i32
      %gather3A_2559 = arith.constant 0 : i32
      %gather3A_2560 = tpu.memref_slice %arg10[%gather3A_2557, %gather3A_2558, %gather3A_2559] : memref<8x32x128xf32, #tpu.memory_space<vmem>> -> memref<1x32x128xf32, #tpu.memory_space<vmem>>
      %gather3A_2561 = tpu.memref_squeeze %gather3A_2560 : memref<1x32x128xf32, #tpu.memory_space<vmem>> -> memref<32x128xf32, #tpu.memory_space<vmem>>
      %gather3A_2562 = tpu.vector_load_idx %gather3A_2561[%add3A_2556, %and3A_2450] : memref<32x128xf32, #tpu.memory_space<vmem>>[vector<16xi32>, vector<16xi32>], vector<16xf32>,
      tpu.vector_store_idx %arg12[%add3A_2556, %broadcast_in_dim3A_2451], %gather3A_2562 : memref<32x512xf32, #tpu.memory_space<vmem>>[vector<16xi32>, vector<16xi32>], vector<16xf32>,
      %add3A_2563 = arith.constant 16 : i32
      %add3A_2564 = vector.broadcast %add3A_2563 : i32 to vector<16xi32>
      %add3A_2565 = arith.addi %iota3A, %add3A_2564 : vector<16xi32>
      %gather3A_2566 = arith.constant 5 : i32
      %gather3A_2567 = arith.constant 0 : i32
      %gather3A_2568 = arith.constant 0 : i32
      %gather3A_2569 = tpu.memref_slice %arg10[%gather3A_2566, %gather3A_2567, %gather3A_2568] : memref<8x32x128xf32, #tpu.memory_space<vmem>> -> memref<1x32x128xf32, #tpu.memory_space<vmem>>
      %gather3A_2570 = tpu.memref_squeeze %gather3A_2569 : memref<1x32x128xf32, #tpu.memory_space<vmem>> -> memref<32x128xf32, #tpu.memory_space<vmem>>
      %gather3A_2571 = tpu.vector_load_idx %gather3A_2570[%add3A_2565, %and3A_2450] : memref<32x128xf32, #tpu.memory_space<vmem>>[vector<16xi32>, vector<16xi32>], vector<16xf32>,
      tpu.vector_store_idx %arg12[%add3A_2565, %broadcast_in_dim3A_2451], %gather3A_2571 : memref<32x512xf32, #tpu.memory_space<vmem>>[vector<16xi32>, vector<16xi32>], vector<16xf32>,
      %dma_start3A_2572 = arith.constant 5 : i32
      %dma_start3A_2573 = arith.constant 0 : i32
      %dma_start3A_2574 = arith.constant 5 : i32
      %dma_start3A_2575 = arith.constant 0 : i32
      %dma_start3A_2576 = arith.constant 0 : i32
      %dma_start3A_2577 = tpu.memref_slice %arg9[%dma_start3A_2572, %dma_start3A_2575, %dma_start3A_2576] : memref<8x32x128xf32, #tpu.memory_space<vmem>> -> memref<1x32x128xf32, #tpu.memory_space<vmem>>
      %dma_start3A_2578 = tpu.memref_squeeze %dma_start3A_2577 : memref<1x32x128xf32, #tpu.memory_space<vmem>> -> memref<32x128xf32, #tpu.memory_space<vmem>>
      %dma_start3A_2579 = arith.constant 0 : i32
      %dma_start3A_2580 = tpu.memref_slice %arg4[%dma_start3A_2579, %multiple_of3A_2475] : memref<32x1000000xf32, #tpu.memory_space<hbm>> -> memref<32x128xf32, #tpu.memory_space<hbm>>
      %dma_start3A_2581 = tpu.memref_slice %arg14[%dma_start3A_2573, %dma_start3A_2574] : memref<2x8x!tpu.dma_semaphore, #tpu.memory_space<semaphore_mem>> -> memref<1x1x!tpu.dma_semaphore, #tpu.memory_space<semaphore_mem>>
      %dma_start3A_2582 = tpu.memref_squeeze %dma_start3A_2581 : memref<1x1x!tpu.dma_semaphore, #tpu.memory_space<semaphore_mem>> -> memref<!tpu.dma_semaphore, #tpu.memory_space<semaphore_mem>>
      %dma_start3A_2583 = arith.constant 0 : i32
      %dma_start3A_2584 = arith.constant 0 : i32
      %dma_start3A_2585 = tpu.memref_slice %arg9[%dma_start3A_2572, %dma_start3A_2583, %dma_start3A_2584] : memref<8x32x128xf32, #tpu.memory_space<vmem>> -> memref<1x32x128xf32, #tpu.memory_space<vmem>>
      %dma_start3A_2586 = tpu.memref_squeeze %dma_start3A_2585 : memref<1x32x128xf32, #tpu.memory_space<vmem>> -> memref<32x128xf32, #tpu.memory_space<vmem>>
      %dma_start3A_2587 = arith.constant 0 : i32
      %dma_start3A_2588 = tpu.memref_slice %arg4[%dma_start3A_2587, %multiple_of3A_2475] : memref<32x1000000xf32, #tpu.memory_space<hbm>> -> memref<32x128xf32, #tpu.memory_space<hbm>>
      tpu.enqueue_dma source(%dma_start3A_2588 : memref<32x128xf32, #tpu.memory_space<hbm>>) target(%dma_start3A_2586 : memref<32x128xf32, #tpu.memory_space<vmem>>) target_semaphore(%dma_start3A_2582 : memref<!tpu.dma_semaphore, #tpu.memory_space<semaphore_mem>>)
      %dma_start3A_2589 = arith.constant 5 : i32
      %dma_start3A_2590 = arith.constant 1 : i32
      %dma_start3A_2591 = arith.constant 5 : i32
      %dma_start3A_2592 = arith.constant 0 : i32
      %dma_start3A_2593 = arith.constant 0 : i32
      %dma_start3A_2594 = tpu.memref_slice %arg10[%dma_start3A_2589, %dma_start3A_2592, %dma_start3A_2593] : memref<8x32x128xf32, #tpu.memory_space<vmem>> -> memref<1x32x128xf32, #tpu.memory_space<vmem>>
      %dma_start3A_2595 = tpu.memref_squeeze %dma_start3A_2594 : memref<1x32x128xf32, #tpu.memory_space<vmem>> -> memref<32x128xf32, #tpu.memory_space<vmem>>
      %dma_start3A_2596 = arith.constant 0 : i32
      %dma_start3A_2597 = tpu.memref_slice %arg5[%dma_start3A_2596, %multiple_of3A_2497] : memref<32x1000000xf32, #tpu.memory_space<hbm>> -> memref<32x128xf32, #tpu.memory_space<hbm>>
      %dma_start3A_2598 = tpu.memref_slice %arg14[%dma_start3A_2590, %dma_start3A_2591] : memref<2x8x!tpu.dma_semaphore, #tpu.memory_space<semaphore_mem>> -> memref<1x1x!tpu.dma_semaphore, #tpu.memory_space<semaphore_mem>>
      %dma_start3A_2599 = tpu.memref_squeeze %dma_start3A_2598 : memref<1x1x!tpu.dma_semaphore, #tpu.memory_space<semaphore_mem>> -> memref<!tpu.dma_semaphore, #tpu.memory_space<semaphore_mem>>
      %dma_start3A_2600 = arith.constant 0 : i32
      %dma_start3A_2601 = arith.constant 0 : i32
      %dma_start3A_2602 = tpu.memref_slice %arg10[%dma_start3A_2589, %dma_start3A_2600, %dma_start3A_2601] : memref<8x32x128xf32, #tpu.memory_space<vmem>> -> memref<1x32x128xf32, #tpu.memory_space<vmem>>
      %dma_start3A_2603 = tpu.memref_squeeze %dma_start3A_2602 : memref<1x32x128xf32, #tpu.memory_space<vmem>> -> memref<32x128xf32, #tpu.memory_space<vmem>>
      %dma_start3A_2604 = arith.constant 0 : i32
      %dma_start3A_2605 = tpu.memref_slice %arg5[%dma_start3A_2604, %multiple_of3A_2497] : memref<32x1000000xf32, #tpu.memory_space<hbm>> -> memref<32x128xf32, #tpu.memory_space<hbm>>
      tpu.enqueue_dma source(%dma_start3A_2605 : memref<32x128xf32, #tpu.memory_space<hbm>>) target(%dma_start3A_2603 : memref<32x128xf32, #tpu.memory_space<vmem>>) target_semaphore(%dma_start3A_2599 : memref<!tpu.dma_semaphore, #tpu.memory_space<semaphore_mem>>)
      %add3A_2606 = arith.constant 6 : i32
      %add3A_2607 = arith.addi %mul3A_1412, %add3A_2606 : i32
      %shift_right_arithmetic3A_2608 = arith.constant 4 : i32
      %shift_right_arithmetic3A_2609 = arith.shrsi %add3A_2607, %shift_right_arithmetic3A_2608 : i32
      %shift_left3A_2610 = arith.constant 4 : i32
      %shift_left3A_2611 = arith.shli %shift_right_arithmetic3A_2609, %shift_left3A_2610 : i32
      %get3A_2612 = arith.index_cast %shift_left3A_2611 : i32 to index
      %get3A_2613 = tpu.vector_load %arg7[%get3A_2612] {strides = array<i32>} : memref<512xi32, #tpu.memory_space<vmem>>, vector<16xi32>,
      %and3A_2614 = arith.constant 15 : i32
      %and3A_2615 = arith.andi %add3A_2607, %and3A_2614 : i32
      %eq3A_2616 = vector.broadcast %and3A_2615 : i32 to vector<16xi32>
      %eq3A_2617 = arith.cmpi eq, %iota3A, %eq3A_2616 : vector<16xi32>
      %jit3A_2618 = arith.constant 0 : i32
      %broadcast_in_dim3A_2619 = vector.broadcast %jit3A_2618 : i32 to vector<16xi32>
      %select_n3A_2620 = arith.select %eq3A_2617, %get3A_2613, %broadcast_in_dim3A_2619 : vector<16xi1>, vector<16xi32>
      %reduce_sum3A_2621 = arith.constant true
      %reduce_sum3A_2622 = vector.broadcast %reduce_sum3A_2621 : i1 to vector<16xi1>
      %reduce_sum3A_2623 = tpu.scan <sum>, %select_n3A_2620 masked %reduce_sum3A_2622 : vector<16xi32>, vector<16xi1> -> vector<16xi32>
      %reduce_sum3A_2624 = vector.extract %reduce_sum3A_2623[15] : i32 from vector<16xi32>
      %broadcast_in_dim3A_2625 = vector.broadcast %reduce_sum3A_2624 : i32 to vector<16xi32>
      %and3A_2626 = arith.constant 127 : i32
      %and3A_2627 = vector.broadcast %and3A_2626 : i32 to vector<16xi32>
      %and3A_2628 = arith.andi %broadcast_in_dim3A_2625, %and3A_2627 : vector<16xi32>
      %shift_right_arithmetic3A_2629 = arith.constant 4 : i32
      %shift_right_arithmetic3A_2630 = arith.shrsi %add3A_2607, %shift_right_arithmetic3A_2629 : i32
      %shift_left3A_2631 = arith.constant 4 : i32
      %shift_left3A_2632 = arith.shli %shift_right_arithmetic3A_2630, %shift_left3A_2631 : i32
      %get3A_2633 = arith.index_cast %shift_left3A_2632 : i32 to index
      %get3A_2634 = tpu.vector_load %arg8[%get3A_2633] {strides = array<i32>} : memref<512xi32, #tpu.memory_space<vmem>>, vector<16xi32>,
      %and3A_2635 = arith.constant 15 : i32
      %and3A_2636 = arith.andi %add3A_2607, %and3A_2635 : i32
      %eq3A_2637 = vector.broadcast %and3A_2636 : i32 to vector<16xi32>
      %eq3A_2638 = arith.cmpi eq, %iota3A, %eq3A_2637 : vector<16xi32>
      %jit3A_2639 = arith.constant 0 : i32
      %broadcast_in_dim3A_2640 = vector.broadcast %jit3A_2639 : i32 to vector<16xi32>
      %select_n3A_2641 = arith.select %eq3A_2638, %get3A_2634, %broadcast_in_dim3A_2640 : vector<16xi1>, vector<16xi32>
      %reduce_sum3A_2642 = arith.constant true
      %reduce_sum3A_2643 = vector.broadcast %reduce_sum3A_2642 : i1 to vector<16xi1>
      %reduce_sum3A_2644 = tpu.scan <sum>, %select_n3A_2641 masked %reduce_sum3A_2643 : vector<16xi32>, vector<16xi1> -> vector<16xi32>
      %reduce_sum3A_2645 = vector.extract %reduce_sum3A_2644[15] : i32 from vector<16xi32>
      %broadcast_in_dim3A_2646 = vector.broadcast %reduce_sum3A_2645 : i32 to vector<16xi32>
      %and3A_2647 = arith.constant 127 : i32
      %and3A_2648 = vector.broadcast %and3A_2647 : i32 to vector<16xi32>
      %and3A_2649 = arith.andi %broadcast_in_dim3A_2646, %and3A_2648 : vector<16xi32>
      %broadcast_in_dim3A_2650 = vector.broadcast %add3A_2607 : i32 to vector<16xi32>
      %add3A_2651 = arith.constant 8 : i32
      %add3A_2652 = arith.addi %add3A_2607, %add3A_2651 : i32
      %shift_right_arithmetic3A_2653 = arith.constant 4 : i32
      %shift_right_arithmetic3A_2654 = arith.shrsi %add3A_2652, %shift_right_arithmetic3A_2653 : i32
      %shift_left3A_2655 = arith.constant 4 : i32
      %shift_left3A_2656 = arith.shli %shift_right_arithmetic3A_2654, %shift_left3A_2655 : i32
      %get3A_2657 = arith.index_cast %shift_left3A_2656 : i32 to index
      %get3A_2658 = tpu.vector_load %arg7[%get3A_2657] {strides = array<i32>} : memref<512xi32, #tpu.memory_space<vmem>>, vector<16xi32>,
      %and3A_2659 = arith.constant 15 : i32
      %and3A_2660 = arith.andi %add3A_2652, %and3A_2659 : i32
      %eq3A_2661 = vector.broadcast %and3A_2660 : i32 to vector<16xi32>
      %eq3A_2662 = arith.cmpi eq, %iota3A, %eq3A_2661 : vector<16xi32>
      %jit3A_2663 = arith.constant 0 : i32
      %broadcast_in_dim3A_2664 = vector.broadcast %jit3A_2663 : i32 to vector<16xi32>
      %select_n3A_2665 = arith.select %eq3A_2662, %get3A_2658, %broadcast_in_dim3A_2664 : vector<16xi1>, vector<16xi32>
      %reduce_sum3A_2666 = arith.constant true
      %reduce_sum3A_2667 = vector.broadcast %reduce_sum3A_2666 : i1 to vector<16xi1>
      %reduce_sum3A_2668 = tpu.scan <sum>, %select_n3A_2665 masked %reduce_sum3A_2667 : vector<16xi32>, vector<16xi1> -> vector<16xi32>
      %reduce_sum3A_2669 = vector.extract %reduce_sum3A_2668[15] : i32 from vector<16xi32>
      %shift_right_arithmetic3A_2670 = arith.constant 7 : i32
      %shift_right_arithmetic3A_2671 = arith.shrsi %reduce_sum3A_2669, %shift_right_arithmetic3A_2670 : i32
      %mul3A_2672 = arith.constant 128 : i32
      %mul3A_2673 = arith.muli %shift_right_arithmetic3A_2671, %mul3A_2672 : i32
      %multiple_of3A_2674 = tpu.assume_multiple %mul3A_2673, 128 : i32
      %shift_right_arithmetic3A_2675 = arith.constant 4 : i32
      %shift_right_arithmetic3A_2676 = arith.shrsi %add3A_2652, %shift_right_arithmetic3A_2675 : i32
      %shift_left3A_2677 = arith.constant 4 : i32
      %shift_left3A_2678 = arith.shli %shift_right_arithmetic3A_2676, %shift_left3A_2677 : i32
      %get3A_2679 = arith.index_cast %shift_left3A_2678 : i32 to index
      %get3A_2680 = tpu.vector_load %arg8[%get3A_2679] {strides = array<i32>} : memref<512xi32, #tpu.memory_space<vmem>>, vector<16xi32>,
      %and3A_2681 = arith.constant 15 : i32
      %and3A_2682 = arith.andi %add3A_2652, %and3A_2681 : i32
      %eq3A_2683 = vector.broadcast %and3A_2682 : i32 to vector<16xi32>
      %eq3A_2684 = arith.cmpi eq, %iota3A, %eq3A_2683 : vector<16xi32>
      %jit3A_2685 = arith.constant 0 : i32
      %broadcast_in_dim3A_2686 = vector.broadcast %jit3A_2685 : i32 to vector<16xi32>
      %select_n3A_2687 = arith.select %eq3A_2684, %get3A_2680, %broadcast_in_dim3A_2686 : vector<16xi1>, vector<16xi32>
      %reduce_sum3A_2688 = arith.constant true
      %reduce_sum3A_2689 = vector.broadcast %reduce_sum3A_2688 : i1 to vector<16xi1>
      %reduce_sum3A_2690 = tpu.scan <sum>, %select_n3A_2687 masked %reduce_sum3A_2689 : vector<16xi32>, vector<16xi1> -> vector<16xi32>
      %reduce_sum3A_2691 = vector.extract %reduce_sum3A_2690[15] : i32 from vector<16xi32>
      %shift_right_arithmetic3A_2692 = arith.constant 7 : i32
      %shift_right_arithmetic3A_2693 = arith.shrsi %reduce_sum3A_2691, %shift_right_arithmetic3A_2692 : i32
      %mul3A_2694 = arith.constant 128 : i32
      %mul3A_2695 = arith.muli %shift_right_arithmetic3A_2693, %mul3A_2694 : i32
      %multiple_of3A_2696 = tpu.assume_multiple %mul3A_2695, 128 : i32
      %dma_wait3A_2697 = arith.constant 6 : i32
      %dma_wait3A_2698 = arith.constant 0 : i32
      %dma_wait3A_2699 = arith.constant 6 : i32
      %dma_wait3A_2700 = arith.constant 0 : i32
      %dma_wait3A_2701 = arith.constant 0 : i32
      %dma_wait3A_2702 = tpu.memref_slice %arg9[%dma_wait3A_2697, %dma_wait3A_2700, %dma_wait3A_2701] : memref<8x32x128xf32, #tpu.memory_space<vmem>> -> memref<1x32x128xf32, #tpu.memory_space<vmem>>
      %dma_wait3A_2703 = tpu.memref_squeeze %dma_wait3A_2702 : memref<1x32x128xf32, #tpu.memory_space<vmem>> -> memref<32x128xf32, #tpu.memory_space<vmem>>
      %dma_wait3A_2704 = arith.constant 0 : i32
      %dma_wait3A_2705 = arith.constant 0 : i32
      %dma_wait3A_2706 = tpu.memref_slice %arg4[%dma_wait3A_2704, %dma_wait3A_2705] : memref<32x1000000xf32, #tpu.memory_space<hbm>> -> memref<32x128xf32, #tpu.memory_space<hbm>>
      %dma_wait3A_2707 = tpu.memref_slice %arg14[%dma_wait3A_2698, %dma_wait3A_2699] : memref<2x8x!tpu.dma_semaphore, #tpu.memory_space<semaphore_mem>> -> memref<1x1x!tpu.dma_semaphore, #tpu.memory_space<semaphore_mem>>
      %dma_wait3A_2708 = tpu.memref_squeeze %dma_wait3A_2707 : memref<1x1x!tpu.dma_semaphore, #tpu.memory_space<semaphore_mem>> -> memref<!tpu.dma_semaphore, #tpu.memory_space<semaphore_mem>>
      %dma_wait3A_2709 = arith.constant 0 : i32
      %dma_wait3A_2710 = arith.constant 0 : i32
      %dma_wait3A_2711 = tpu.memref_slice %arg9[%dma_wait3A_2697, %dma_wait3A_2709, %dma_wait3A_2710] : memref<8x32x128xf32, #tpu.memory_space<vmem>> -> memref<1x32x128xf32, #tpu.memory_space<vmem>>
      %dma_wait3A_2712 = tpu.memref_squeeze %dma_wait3A_2711 : memref<1x32x128xf32, #tpu.memory_space<vmem>> -> memref<32x128xf32, #tpu.memory_space<vmem>>
      %dma_wait3A_2713 = arith.constant 0 : i32
      %dma_wait3A_2714 = arith.constant 0 : i32
      %dma_wait3A_2715 = tpu.memref_slice %arg4[%dma_wait3A_2713, %dma_wait3A_2714] : memref<32x1000000xf32, #tpu.memory_space<hbm>> -> memref<32x128xf32, #tpu.memory_space<hbm>>
      tpu.wait_dma2 semaphore(%dma_wait3A_2708 : memref<!tpu.dma_semaphore, #tpu.memory_space<semaphore_mem>>) src(%dma_wait3A_2715 : memref<32x128xf32, #tpu.memory_space<hbm>>) dst(%dma_wait3A_2712 : memref<32x128xf32, #tpu.memory_space<vmem>>)
      %add3A_2716 = arith.constant 0 : i32
      %add3A_2717 = vector.broadcast %add3A_2716 : i32 to vector<16xi32>
      %add3A_2718 = arith.addi %iota3A, %add3A_2717 : vector<16xi32>
      %gather3A_2719 = arith.constant 6 : i32
      %gather3A_2720 = arith.constant 0 : i32
      %gather3A_2721 = arith.constant 0 : i32
      %gather3A_2722 = tpu.memref_slice %arg9[%gather3A_2719, %gather3A_2720, %gather3A_2721] : memref<8x32x128xf32, #tpu.memory_space<vmem>> -> memref<1x32x128xf32, #tpu.memory_space<vmem>>
      %gather3A_2723 = tpu.memref_squeeze %gather3A_2722 : memref<1x32x128xf32, #tpu.memory_space<vmem>> -> memref<32x128xf32, #tpu.memory_space<vmem>>
      %gather3A_2724 = tpu.vector_load_idx %gather3A_2723[%add3A_2718, %and3A_2628] : memref<32x128xf32, #tpu.memory_space<vmem>>[vector<16xi32>, vector<16xi32>], vector<16xf32>,
      tpu.vector_store_idx %arg11[%add3A_2718, %broadcast_in_dim3A_2650], %gather3A_2724 : memref<32x512xf32, #tpu.memory_space<vmem>>[vector<16xi32>, vector<16xi32>], vector<16xf32>,
      %add3A_2725 = arith.constant 16 : i32
      %add3A_2726 = vector.broadcast %add3A_2725 : i32 to vector<16xi32>
      %add3A_2727 = arith.addi %iota3A, %add3A_2726 : vector<16xi32>
      %gather3A_2728 = arith.constant 6 : i32
      %gather3A_2729 = arith.constant 0 : i32
      %gather3A_2730 = arith.constant 0 : i32
      %gather3A_2731 = tpu.memref_slice %arg9[%gather3A_2728, %gather3A_2729, %gather3A_2730] : memref<8x32x128xf32, #tpu.memory_space<vmem>> -> memref<1x32x128xf32, #tpu.memory_space<vmem>>
      %gather3A_2732 = tpu.memref_squeeze %gather3A_2731 : memref<1x32x128xf32, #tpu.memory_space<vmem>> -> memref<32x128xf32, #tpu.memory_space<vmem>>
      %gather3A_2733 = tpu.vector_load_idx %gather3A_2732[%add3A_2727, %and3A_2628] : memref<32x128xf32, #tpu.memory_space<vmem>>[vector<16xi32>, vector<16xi32>], vector<16xf32>,
      tpu.vector_store_idx %arg11[%add3A_2727, %broadcast_in_dim3A_2650], %gather3A_2733 : memref<32x512xf32, #tpu.memory_space<vmem>>[vector<16xi32>, vector<16xi32>], vector<16xf32>,
      %dma_wait3A_2734 = arith.constant 6 : i32
      %dma_wait3A_2735 = arith.constant 1 : i32
      %dma_wait3A_2736 = arith.constant 6 : i32
      %dma_wait3A_2737 = arith.constant 0 : i32
      %dma_wait3A_2738 = arith.constant 0 : i32
      %dma_wait3A_2739 = tpu.memref_slice %arg10[%dma_wait3A_2734, %dma_wait3A_2737, %dma_wait3A_2738] : memref<8x32x128xf32, #tpu.memory_space<vmem>> -> memref<1x32x128xf32, #tpu.memory_space<vmem>>
      %dma_wait3A_2740 = tpu.memref_squeeze %dma_wait3A_2739 : memref<1x32x128xf32, #tpu.memory_space<vmem>> -> memref<32x128xf32, #tpu.memory_space<vmem>>
      %dma_wait3A_2741 = arith.constant 0 : i32
      %dma_wait3A_2742 = arith.constant 0 : i32
      %dma_wait3A_2743 = tpu.memref_slice %arg5[%dma_wait3A_2741, %dma_wait3A_2742] : memref<32x1000000xf32, #tpu.memory_space<hbm>> -> memref<32x128xf32, #tpu.memory_space<hbm>>
      %dma_wait3A_2744 = tpu.memref_slice %arg14[%dma_wait3A_2735, %dma_wait3A_2736] : memref<2x8x!tpu.dma_semaphore, #tpu.memory_space<semaphore_mem>> -> memref<1x1x!tpu.dma_semaphore, #tpu.memory_space<semaphore_mem>>
      %dma_wait3A_2745 = tpu.memref_squeeze %dma_wait3A_2744 : memref<1x1x!tpu.dma_semaphore, #tpu.memory_space<semaphore_mem>> -> memref<!tpu.dma_semaphore, #tpu.memory_space<semaphore_mem>>
      %dma_wait3A_2746 = arith.constant 0 : i32
      %dma_wait3A_2747 = arith.constant 0 : i32
      %dma_wait3A_2748 = tpu.memref_slice %arg10[%dma_wait3A_2734, %dma_wait3A_2746, %dma_wait3A_2747] : memref<8x32x128xf32, #tpu.memory_space<vmem>> -> memref<1x32x128xf32, #tpu.memory_space<vmem>>
      %dma_wait3A_2749 = tpu.memref_squeeze %dma_wait3A_2748 : memref<1x32x128xf32, #tpu.memory_space<vmem>> -> memref<32x128xf32, #tpu.memory_space<vmem>>
      %dma_wait3A_2750 = arith.constant 0 : i32
      %dma_wait3A_2751 = arith.constant 0 : i32
      %dma_wait3A_2752 = tpu.memref_slice %arg5[%dma_wait3A_2750, %dma_wait3A_2751] : memref<32x1000000xf32, #tpu.memory_space<hbm>> -> memref<32x128xf32, #tpu.memory_space<hbm>>
      tpu.wait_dma2 semaphore(%dma_wait3A_2745 : memref<!tpu.dma_semaphore, #tpu.memory_space<semaphore_mem>>) src(%dma_wait3A_2752 : memref<32x128xf32, #tpu.memory_space<hbm>>) dst(%dma_wait3A_2749 : memref<32x128xf32, #tpu.memory_space<vmem>>)
      %add3A_2753 = arith.constant 0 : i32
      %add3A_2754 = vector.broadcast %add3A_2753 : i32 to vector<16xi32>
      %add3A_2755 = arith.addi %iota3A, %add3A_2754 : vector<16xi32>
      %gather3A_2756 = arith.constant 6 : i32
      %gather3A_2757 = arith.constant 0 : i32
      %gather3A_2758 = arith.constant 0 : i32
      %gather3A_2759 = tpu.memref_slice %arg10[%gather3A_2756, %gather3A_2757, %gather3A_2758] : memref<8x32x128xf32, #tpu.memory_space<vmem>> -> memref<1x32x128xf32, #tpu.memory_space<vmem>>
      %gather3A_2760 = tpu.memref_squeeze %gather3A_2759 : memref<1x32x128xf32, #tpu.memory_space<vmem>> -> memref<32x128xf32, #tpu.memory_space<vmem>>
      %gather3A_2761 = tpu.vector_load_idx %gather3A_2760[%add3A_2755, %and3A_2649] : memref<32x128xf32, #tpu.memory_space<vmem>>[vector<16xi32>, vector<16xi32>], vector<16xf32>,
      tpu.vector_store_idx %arg12[%add3A_2755, %broadcast_in_dim3A_2650], %gather3A_2761 : memref<32x512xf32, #tpu.memory_space<vmem>>[vector<16xi32>, vector<16xi32>], vector<16xf32>,
      %add3A_2762 = arith.constant 16 : i32
      %add3A_2763 = vector.broadcast %add3A_2762 : i32 to vector<16xi32>
      %add3A_2764 = arith.addi %iota3A, %add3A_2763 : vector<16xi32>
      %gather3A_2765 = arith.constant 6 : i32
      %gather3A_2766 = arith.constant 0 : i32
      %gather3A_2767 = arith.constant 0 : i32
      %gather3A_2768 = tpu.memref_slice %arg10[%gather3A_2765, %gather3A_2766, %gather3A_2767] : memref<8x32x128xf32, #tpu.memory_space<vmem>> -> memref<1x32x128xf32, #tpu.memory_space<vmem>>
      %gather3A_2769 = tpu.memref_squeeze %gather3A_2768 : memref<1x32x128xf32, #tpu.memory_space<vmem>> -> memref<32x128xf32, #tpu.memory_space<vmem>>
      %gather3A_2770 = tpu.vector_load_idx %gather3A_2769[%add3A_2764, %and3A_2649] : memref<32x128xf32, #tpu.memory_space<vmem>>[vector<16xi32>, vector<16xi32>], vector<16xf32>,
      tpu.vector_store_idx %arg12[%add3A_2764, %broadcast_in_dim3A_2650], %gather3A_2770 : memref<32x512xf32, #tpu.memory_space<vmem>>[vector<16xi32>, vector<16xi32>], vector<16xf32>,
      %dma_start3A_2771 = arith.constant 6 : i32
      %dma_start3A_2772 = arith.constant 0 : i32
      %dma_start3A_2773 = arith.constant 6 : i32
      %dma_start3A_2774 = arith.constant 0 : i32
      %dma_start3A_2775 = arith.constant 0 : i32
      %dma_start3A_2776 = tpu.memref_slice %arg9[%dma_start3A_2771, %dma_start3A_2774, %dma_start3A_2775] : memref<8x32x128xf32, #tpu.memory_space<vmem>> -> memref<1x32x128xf32, #tpu.memory_space<vmem>>
      %dma_start3A_2777 = tpu.memref_squeeze %dma_start3A_2776 : memref<1x32x128xf32, #tpu.memory_space<vmem>> -> memref<32x128xf32, #tpu.memory_space<vmem>>
      %dma_start3A_2778 = arith.constant 0 : i32
      %dma_start3A_2779 = tpu.memref_slice %arg4[%dma_start3A_2778, %multiple_of3A_2674] : memref<32x1000000xf32, #tpu.memory_space<hbm>> -> memref<32x128xf32, #tpu.memory_space<hbm>>
      %dma_start3A_2780 = tpu.memref_slice %arg14[%dma_start3A_2772, %dma_start3A_2773] : memref<2x8x!tpu.dma_semaphore, #tpu.memory_space<semaphore_mem>> -> memref<1x1x!tpu.dma_semaphore, #tpu.memory_space<semaphore_mem>>
      %dma_start3A_2781 = tpu.memref_squeeze %dma_start3A_2780 : memref<1x1x!tpu.dma_semaphore, #tpu.memory_space<semaphore_mem>> -> memref<!tpu.dma_semaphore, #tpu.memory_space<semaphore_mem>>
      %dma_start3A_2782 = arith.constant 0 : i32
      %dma_start3A_2783 = arith.constant 0 : i32
      %dma_start3A_2784 = tpu.memref_slice %arg9[%dma_start3A_2771, %dma_start3A_2782, %dma_start3A_2783] : memref<8x32x128xf32, #tpu.memory_space<vmem>> -> memref<1x32x128xf32, #tpu.memory_space<vmem>>
      %dma_start3A_2785 = tpu.memref_squeeze %dma_start3A_2784 : memref<1x32x128xf32, #tpu.memory_space<vmem>> -> memref<32x128xf32, #tpu.memory_space<vmem>>
      %dma_start3A_2786 = arith.constant 0 : i32
      %dma_start3A_2787 = tpu.memref_slice %arg4[%dma_start3A_2786, %multiple_of3A_2674] : memref<32x1000000xf32, #tpu.memory_space<hbm>> -> memref<32x128xf32, #tpu.memory_space<hbm>>
      tpu.enqueue_dma source(%dma_start3A_2787 : memref<32x128xf32, #tpu.memory_space<hbm>>) target(%dma_start3A_2785 : memref<32x128xf32, #tpu.memory_space<vmem>>) target_semaphore(%dma_start3A_2781 : memref<!tpu.dma_semaphore, #tpu.memory_space<semaphore_mem>>)
      %dma_start3A_2788 = arith.constant 6 : i32
      %dma_start3A_2789 = arith.constant 1 : i32
      %dma_start3A_2790 = arith.constant 6 : i32
      %dma_start3A_2791 = arith.constant 0 : i32
      %dma_start3A_2792 = arith.constant 0 : i32
      %dma_start3A_2793 = tpu.memref_slice %arg10[%dma_start3A_2788, %dma_start3A_2791, %dma_start3A_2792] : memref<8x32x128xf32, #tpu.memory_space<vmem>> -> memref<1x32x128xf32, #tpu.memory_space<vmem>>
      %dma_start3A_2794 = tpu.memref_squeeze %dma_start3A_2793 : memref<1x32x128xf32, #tpu.memory_space<vmem>> -> memref<32x128xf32, #tpu.memory_space<vmem>>
      %dma_start3A_2795 = arith.constant 0 : i32
      %dma_start3A_2796 = tpu.memref_slice %arg5[%dma_start3A_2795, %multiple_of3A_2696] : memref<32x1000000xf32, #tpu.memory_space<hbm>> -> memref<32x128xf32, #tpu.memory_space<hbm>>
      %dma_start3A_2797 = tpu.memref_slice %arg14[%dma_start3A_2789, %dma_start3A_2790] : memref<2x8x!tpu.dma_semaphore, #tpu.memory_space<semaphore_mem>> -> memref<1x1x!tpu.dma_semaphore, #tpu.memory_space<semaphore_mem>>
      %dma_start3A_2798 = tpu.memref_squeeze %dma_start3A_2797 : memref<1x1x!tpu.dma_semaphore, #tpu.memory_space<semaphore_mem>> -> memref<!tpu.dma_semaphore, #tpu.memory_space<semaphore_mem>>
      %dma_start3A_2799 = arith.constant 0 : i32
      %dma_start3A_2800 = arith.constant 0 : i32
      %dma_start3A_2801 = tpu.memref_slice %arg10[%dma_start3A_2788, %dma_start3A_2799, %dma_start3A_2800] : memref<8x32x128xf32, #tpu.memory_space<vmem>> -> memref<1x32x128xf32, #tpu.memory_space<vmem>>
      %dma_start3A_2802 = tpu.memref_squeeze %dma_start3A_2801 : memref<1x32x128xf32, #tpu.memory_space<vmem>> -> memref<32x128xf32, #tpu.memory_space<vmem>>
      %dma_start3A_2803 = arith.constant 0 : i32
      %dma_start3A_2804 = tpu.memref_slice %arg5[%dma_start3A_2803, %multiple_of3A_2696] : memref<32x1000000xf32, #tpu.memory_space<hbm>> -> memref<32x128xf32, #tpu.memory_space<hbm>>
      tpu.enqueue_dma source(%dma_start3A_2804 : memref<32x128xf32, #tpu.memory_space<hbm>>) target(%dma_start3A_2802 : memref<32x128xf32, #tpu.memory_space<vmem>>) target_semaphore(%dma_start3A_2798 : memref<!tpu.dma_semaphore, #tpu.memory_space<semaphore_mem>>)
      %add3A_2805 = arith.constant 7 : i32
      %add3A_2806 = arith.addi %mul3A_1412, %add3A_2805 : i32
      %shift_right_arithmetic3A_2807 = arith.constant 4 : i32
      %shift_right_arithmetic3A_2808 = arith.shrsi %add3A_2806, %shift_right_arithmetic3A_2807 : i32
      %shift_left3A_2809 = arith.constant 4 : i32
      %shift_left3A_2810 = arith.shli %shift_right_arithmetic3A_2808, %shift_left3A_2809 : i32
      %get3A_2811 = arith.index_cast %shift_left3A_2810 : i32 to index
      %get3A_2812 = tpu.vector_load %arg7[%get3A_2811] {strides = array<i32>} : memref<512xi32, #tpu.memory_space<vmem>>, vector<16xi32>,
      %and3A_2813 = arith.constant 15 : i32
      %and3A_2814 = arith.andi %add3A_2806, %and3A_2813 : i32
      %eq3A_2815 = vector.broadcast %and3A_2814 : i32 to vector<16xi32>
      %eq3A_2816 = arith.cmpi eq, %iota3A, %eq3A_2815 : vector<16xi32>
      %jit3A_2817 = arith.constant 0 : i32
      %broadcast_in_dim3A_2818 = vector.broadcast %jit3A_2817 : i32 to vector<16xi32>
      %select_n3A_2819 = arith.select %eq3A_2816, %get3A_2812, %broadcast_in_dim3A_2818 : vector<16xi1>, vector<16xi32>
      %reduce_sum3A_2820 = arith.constant true
      %reduce_sum3A_2821 = vector.broadcast %reduce_sum3A_2820 : i1 to vector<16xi1>
      %reduce_sum3A_2822 = tpu.scan <sum>, %select_n3A_2819 masked %reduce_sum3A_2821 : vector<16xi32>, vector<16xi1> -> vector<16xi32>
      %reduce_sum3A_2823 = vector.extract %reduce_sum3A_2822[15] : i32 from vector<16xi32>
      %broadcast_in_dim3A_2824 = vector.broadcast %reduce_sum3A_2823 : i32 to vector<16xi32>
      %and3A_2825 = arith.constant 127 : i32
      %and3A_2826 = vector.broadcast %and3A_2825 : i32 to vector<16xi32>
      %and3A_2827 = arith.andi %broadcast_in_dim3A_2824, %and3A_2826 : vector<16xi32>
      %shift_right_arithmetic3A_2828 = arith.constant 4 : i32
      %shift_right_arithmetic3A_2829 = arith.shrsi %add3A_2806, %shift_right_arithmetic3A_2828 : i32
      %shift_left3A_2830 = arith.constant 4 : i32
      %shift_left3A_2831 = arith.shli %shift_right_arithmetic3A_2829, %shift_left3A_2830 : i32
      %get3A_2832 = arith.index_cast %shift_left3A_2831 : i32 to index
      %get3A_2833 = tpu.vector_load %arg8[%get3A_2832] {strides = array<i32>} : memref<512xi32, #tpu.memory_space<vmem>>, vector<16xi32>,
      %and3A_2834 = arith.constant 15 : i32
      %and3A_2835 = arith.andi %add3A_2806, %and3A_2834 : i32
      %eq3A_2836 = vector.broadcast %and3A_2835 : i32 to vector<16xi32>
      %eq3A_2837 = arith.cmpi eq, %iota3A, %eq3A_2836 : vector<16xi32>
      %jit3A_2838 = arith.constant 0 : i32
      %broadcast_in_dim3A_2839 = vector.broadcast %jit3A_2838 : i32 to vector<16xi32>
      %select_n3A_2840 = arith.select %eq3A_2837, %get3A_2833, %broadcast_in_dim3A_2839 : vector<16xi1>, vector<16xi32>
      %reduce_sum3A_2841 = arith.constant true
      %reduce_sum3A_2842 = vector.broadcast %reduce_sum3A_2841 : i1 to vector<16xi1>
      %reduce_sum3A_2843 = tpu.scan <sum>, %select_n3A_2840 masked %reduce_sum3A_2842 : vector<16xi32>, vector<16xi1> -> vector<16xi32>
      %reduce_sum3A_2844 = vector.extract %reduce_sum3A_2843[15] : i32 from vector<16xi32>
      %broadcast_in_dim3A_2845 = vector.broadcast %reduce_sum3A_2844 : i32 to vector<16xi32>
      %and3A_2846 = arith.constant 127 : i32
      %and3A_2847 = vector.broadcast %and3A_2846 : i32 to vector<16xi32>
      %and3A_2848 = arith.andi %broadcast_in_dim3A_2845, %and3A_2847 : vector<16xi32>
      %broadcast_in_dim3A_2849 = vector.broadcast %add3A_2806 : i32 to vector<16xi32>
      %add3A_2850 = arith.constant 8 : i32
      %add3A_2851 = arith.addi %add3A_2806, %add3A_2850 : i32
      %shift_right_arithmetic3A_2852 = arith.constant 4 : i32
      %shift_right_arithmetic3A_2853 = arith.shrsi %add3A_2851, %shift_right_arithmetic3A_2852 : i32
      %shift_left3A_2854 = arith.constant 4 : i32
      %shift_left3A_2855 = arith.shli %shift_right_arithmetic3A_2853, %shift_left3A_2854 : i32
      %get3A_2856 = arith.index_cast %shift_left3A_2855 : i32 to index
      %get3A_2857 = tpu.vector_load %arg7[%get3A_2856] {strides = array<i32>} : memref<512xi32, #tpu.memory_space<vmem>>, vector<16xi32>,
      %and3A_2858 = arith.constant 15 : i32
      %and3A_2859 = arith.andi %add3A_2851, %and3A_2858 : i32
      %eq3A_2860 = vector.broadcast %and3A_2859 : i32 to vector<16xi32>
      %eq3A_2861 = arith.cmpi eq, %iota3A, %eq3A_2860 : vector<16xi32>
      %jit3A_2862 = arith.constant 0 : i32
      %broadcast_in_dim3A_2863 = vector.broadcast %jit3A_2862 : i32 to vector<16xi32>
      %select_n3A_2864 = arith.select %eq3A_2861, %get3A_2857, %broadcast_in_dim3A_2863 : vector<16xi1>, vector<16xi32>
      %reduce_sum3A_2865 = arith.constant true
      %reduce_sum3A_2866 = vector.broadcast %reduce_sum3A_2865 : i1 to vector<16xi1>
      %reduce_sum3A_2867 = tpu.scan <sum>, %select_n3A_2864 masked %reduce_sum3A_2866 : vector<16xi32>, vector<16xi1> -> vector<16xi32>
      %reduce_sum3A_2868 = vector.extract %reduce_sum3A_2867[15] : i32 from vector<16xi32>
      %shift_right_arithmetic3A_2869 = arith.constant 7 : i32
      %shift_right_arithmetic3A_2870 = arith.shrsi %reduce_sum3A_2868, %shift_right_arithmetic3A_2869 : i32
      %mul3A_2871 = arith.constant 128 : i32
      %mul3A_2872 = arith.muli %shift_right_arithmetic3A_2870, %mul3A_2871 : i32
      %multiple_of3A_2873 = tpu.assume_multiple %mul3A_2872, 128 : i32
      %shift_right_arithmetic3A_2874 = arith.constant 4 : i32
      %shift_right_arithmetic3A_2875 = arith.shrsi %add3A_2851, %shift_right_arithmetic3A_2874 : i32
      %shift_left3A_2876 = arith.constant 4 : i32
      %shift_left3A_2877 = arith.shli %shift_right_arithmetic3A_2875, %shift_left3A_2876 : i32
      %get3A_2878 = arith.index_cast %shift_left3A_2877 : i32 to index
      %get3A_2879 = tpu.vector_load %arg8[%get3A_2878] {strides = array<i32>} : memref<512xi32, #tpu.memory_space<vmem>>, vector<16xi32>,
      %and3A_2880 = arith.constant 15 : i32
      %and3A_2881 = arith.andi %add3A_2851, %and3A_2880 : i32
      %eq3A_2882 = vector.broadcast %and3A_2881 : i32 to vector<16xi32>
      %eq3A_2883 = arith.cmpi eq, %iota3A, %eq3A_2882 : vector<16xi32>
      %jit3A_2884 = arith.constant 0 : i32
      %broadcast_in_dim3A_2885 = vector.broadcast %jit3A_2884 : i32 to vector<16xi32>
      %select_n3A_2886 = arith.select %eq3A_2883, %get3A_2879, %broadcast_in_dim3A_2885 : vector<16xi1>, vector<16xi32>
      %reduce_sum3A_2887 = arith.constant true
      %reduce_sum3A_2888 = vector.broadcast %reduce_sum3A_2887 : i1 to vector<16xi1>
      %reduce_sum3A_2889 = tpu.scan <sum>, %select_n3A_2886 masked %reduce_sum3A_2888 : vector<16xi32>, vector<16xi1> -> vector<16xi32>
      %reduce_sum3A_2890 = vector.extract %reduce_sum3A_2889[15] : i32 from vector<16xi32>
      %shift_right_arithmetic3A_2891 = arith.constant 7 : i32
      %shift_right_arithmetic3A_2892 = arith.shrsi %reduce_sum3A_2890, %shift_right_arithmetic3A_2891 : i32
      %mul3A_2893 = arith.constant 128 : i32
      %mul3A_2894 = arith.muli %shift_right_arithmetic3A_2892, %mul3A_2893 : i32
      %multiple_of3A_2895 = tpu.assume_multiple %mul3A_2894, 128 : i32
      %dma_wait3A_2896 = arith.constant 7 : i32
      %dma_wait3A_2897 = arith.constant 0 : i32
      %dma_wait3A_2898 = arith.constant 7 : i32
      %dma_wait3A_2899 = arith.constant 0 : i32
      %dma_wait3A_2900 = arith.constant 0 : i32
      %dma_wait3A_2901 = tpu.memref_slice %arg9[%dma_wait3A_2896, %dma_wait3A_2899, %dma_wait3A_2900] : memref<8x32x128xf32, #tpu.memory_space<vmem>> -> memref<1x32x128xf32, #tpu.memory_space<vmem>>
      %dma_wait3A_2902 = tpu.memref_squeeze %dma_wait3A_2901 : memref<1x32x128xf32, #tpu.memory_space<vmem>> -> memref<32x128xf32, #tpu.memory_space<vmem>>
      %dma_wait3A_2903 = arith.constant 0 : i32
      %dma_wait3A_2904 = arith.constant 0 : i32
      %dma_wait3A_2905 = tpu.memref_slice %arg4[%dma_wait3A_2903, %dma_wait3A_2904] : memref<32x1000000xf32, #tpu.memory_space<hbm>> -> memref<32x128xf32, #tpu.memory_space<hbm>>
      %dma_wait3A_2906 = tpu.memref_slice %arg14[%dma_wait3A_2897, %dma_wait3A_2898] : memref<2x8x!tpu.dma_semaphore, #tpu.memory_space<semaphore_mem>> -> memref<1x1x!tpu.dma_semaphore, #tpu.memory_space<semaphore_mem>>
      %dma_wait3A_2907 = tpu.memref_squeeze %dma_wait3A_2906 : memref<1x1x!tpu.dma_semaphore, #tpu.memory_space<semaphore_mem>> -> memref<!tpu.dma_semaphore, #tpu.memory_space<semaphore_mem>>
      %dma_wait3A_2908 = arith.constant 0 : i32
      %dma_wait3A_2909 = arith.constant 0 : i32
      %dma_wait3A_2910 = tpu.memref_slice %arg9[%dma_wait3A_2896, %dma_wait3A_2908, %dma_wait3A_2909] : memref<8x32x128xf32, #tpu.memory_space<vmem>> -> memref<1x32x128xf32, #tpu.memory_space<vmem>>
      %dma_wait3A_2911 = tpu.memref_squeeze %dma_wait3A_2910 : memref<1x32x128xf32, #tpu.memory_space<vmem>> -> memref<32x128xf32, #tpu.memory_space<vmem>>
      %dma_wait3A_2912 = arith.constant 0 : i32
      %dma_wait3A_2913 = arith.constant 0 : i32
      %dma_wait3A_2914 = tpu.memref_slice %arg4[%dma_wait3A_2912, %dma_wait3A_2913] : memref<32x1000000xf32, #tpu.memory_space<hbm>> -> memref<32x128xf32, #tpu.memory_space<hbm>>
      tpu.wait_dma2 semaphore(%dma_wait3A_2907 : memref<!tpu.dma_semaphore, #tpu.memory_space<semaphore_mem>>) src(%dma_wait3A_2914 : memref<32x128xf32, #tpu.memory_space<hbm>>) dst(%dma_wait3A_2911 : memref<32x128xf32, #tpu.memory_space<vmem>>)
      %add3A_2915 = arith.constant 0 : i32
      %add3A_2916 = vector.broadcast %add3A_2915 : i32 to vector<16xi32>
      %add3A_2917 = arith.addi %iota3A, %add3A_2916 : vector<16xi32>
      %gather3A_2918 = arith.constant 7 : i32
      %gather3A_2919 = arith.constant 0 : i32
      %gather3A_2920 = arith.constant 0 : i32
      %gather3A_2921 = tpu.memref_slice %arg9[%gather3A_2918, %gather3A_2919, %gather3A_2920] : memref<8x32x128xf32, #tpu.memory_space<vmem>> -> memref<1x32x128xf32, #tpu.memory_space<vmem>>
      %gather3A_2922 = tpu.memref_squeeze %gather3A_2921 : memref<1x32x128xf32, #tpu.memory_space<vmem>> -> memref<32x128xf32, #tpu.memory_space<vmem>>
      %gather3A_2923 = tpu.vector_load_idx %gather3A_2922[%add3A_2917, %and3A_2827] : memref<32x128xf32, #tpu.memory_space<vmem>>[vector<16xi32>, vector<16xi32>], vector<16xf32>,
      tpu.vector_store_idx %arg11[%add3A_2917, %broadcast_in_dim3A_2849], %gather3A_2923 : memref<32x512xf32, #tpu.memory_space<vmem>>[vector<16xi32>, vector<16xi32>], vector<16xf32>,
      %add3A_2924 = arith.constant 16 : i32
      %add3A_2925 = vector.broadcast %add3A_2924 : i32 to vector<16xi32>
      %add3A_2926 = arith.addi %iota3A, %add3A_2925 : vector<16xi32>
      %gather3A_2927 = arith.constant 7 : i32
      %gather3A_2928 = arith.constant 0 : i32
      %gather3A_2929 = arith.constant 0 : i32
      %gather3A_2930 = tpu.memref_slice %arg9[%gather3A_2927, %gather3A_2928, %gather3A_2929] : memref<8x32x128xf32, #tpu.memory_space<vmem>> -> memref<1x32x128xf32, #tpu.memory_space<vmem>>
      %gather3A_2931 = tpu.memref_squeeze %gather3A_2930 : memref<1x32x128xf32, #tpu.memory_space<vmem>> -> memref<32x128xf32, #tpu.memory_space<vmem>>
      %gather3A_2932 = tpu.vector_load_idx %gather3A_2931[%add3A_2926, %and3A_2827] : memref<32x128xf32, #tpu.memory_space<vmem>>[vector<16xi32>, vector<16xi32>], vector<16xf32>,
      tpu.vector_store_idx %arg11[%add3A_2926, %broadcast_in_dim3A_2849], %gather3A_2932 : memref<32x512xf32, #tpu.memory_space<vmem>>[vector<16xi32>, vector<16xi32>], vector<16xf32>,
      %dma_wait3A_2933 = arith.constant 7 : i32
      %dma_wait3A_2934 = arith.constant 1 : i32
      %dma_wait3A_2935 = arith.constant 7 : i32
      %dma_wait3A_2936 = arith.constant 0 : i32
      %dma_wait3A_2937 = arith.constant 0 : i32
      %dma_wait3A_2938 = tpu.memref_slice %arg10[%dma_wait3A_2933, %dma_wait3A_2936, %dma_wait3A_2937] : memref<8x32x128xf32, #tpu.memory_space<vmem>> -> memref<1x32x128xf32, #tpu.memory_space<vmem>>
      %dma_wait3A_2939 = tpu.memref_squeeze %dma_wait3A_2938 : memref<1x32x128xf32, #tpu.memory_space<vmem>> -> memref<32x128xf32, #tpu.memory_space<vmem>>
      %dma_wait3A_2940 = arith.constant 0 : i32
      %dma_wait3A_2941 = arith.constant 0 : i32
      %dma_wait3A_2942 = tpu.memref_slice %arg5[%dma_wait3A_2940, %dma_wait3A_2941] : memref<32x1000000xf32, #tpu.memory_space<hbm>> -> memref<32x128xf32, #tpu.memory_space<hbm>>
      %dma_wait3A_2943 = tpu.memref_slice %arg14[%dma_wait3A_2934, %dma_wait3A_2935] : memref<2x8x!tpu.dma_semaphore, #tpu.memory_space<semaphore_mem>> -> memref<1x1x!tpu.dma_semaphore, #tpu.memory_space<semaphore_mem>>
      %dma_wait3A_2944 = tpu.memref_squeeze %dma_wait3A_2943 : memref<1x1x!tpu.dma_semaphore, #tpu.memory_space<semaphore_mem>> -> memref<!tpu.dma_semaphore, #tpu.memory_space<semaphore_mem>>
      %dma_wait3A_2945 = arith.constant 0 : i32
      %dma_wait3A_2946 = arith.constant 0 : i32
      %dma_wait3A_2947 = tpu.memref_slice %arg10[%dma_wait3A_2933, %dma_wait3A_2945, %dma_wait3A_2946] : memref<8x32x128xf32, #tpu.memory_space<vmem>> -> memref<1x32x128xf32, #tpu.memory_space<vmem>>
      %dma_wait3A_2948 = tpu.memref_squeeze %dma_wait3A_2947 : memref<1x32x128xf32, #tpu.memory_space<vmem>> -> memref<32x128xf32, #tpu.memory_space<vmem>>
      %dma_wait3A_2949 = arith.constant 0 : i32
      %dma_wait3A_2950 = arith.constant 0 : i32
      %dma_wait3A_2951 = tpu.memref_slice %arg5[%dma_wait3A_2949, %dma_wait3A_2950] : memref<32x1000000xf32, #tpu.memory_space<hbm>> -> memref<32x128xf32, #tpu.memory_space<hbm>>
      tpu.wait_dma2 semaphore(%dma_wait3A_2944 : memref<!tpu.dma_semaphore, #tpu.memory_space<semaphore_mem>>) src(%dma_wait3A_2951 : memref<32x128xf32, #tpu.memory_space<hbm>>) dst(%dma_wait3A_2948 : memref<32x128xf32, #tpu.memory_space<vmem>>)
      %add3A_2952 = arith.constant 0 : i32
      %add3A_2953 = vector.broadcast %add3A_2952 : i32 to vector<16xi32>
      %add3A_2954 = arith.addi %iota3A, %add3A_2953 : vector<16xi32>
      %gather3A_2955 = arith.constant 7 : i32
      %gather3A_2956 = arith.constant 0 : i32
      %gather3A_2957 = arith.constant 0 : i32
      %gather3A_2958 = tpu.memref_slice %arg10[%gather3A_2955, %gather3A_2956, %gather3A_2957] : memref<8x32x128xf32, #tpu.memory_space<vmem>> -> memref<1x32x128xf32, #tpu.memory_space<vmem>>
      %gather3A_2959 = tpu.memref_squeeze %gather3A_2958 : memref<1x32x128xf32, #tpu.memory_space<vmem>> -> memref<32x128xf32, #tpu.memory_space<vmem>>
      %gather3A_2960 = tpu.vector_load_idx %gather3A_2959[%add3A_2954, %and3A_2848] : memref<32x128xf32, #tpu.memory_space<vmem>>[vector<16xi32>, vector<16xi32>], vector<16xf32>,
      tpu.vector_store_idx %arg12[%add3A_2954, %broadcast_in_dim3A_2849], %gather3A_2960 : memref<32x512xf32, #tpu.memory_space<vmem>>[vector<16xi32>, vector<16xi32>], vector<16xf32>,
      %add3A_2961 = arith.constant 16 : i32
      %add3A_2962 = vector.broadcast %add3A_2961 : i32 to vector<16xi32>
      %add3A_2963 = arith.addi %iota3A, %add3A_2962 : vector<16xi32>
      %gather3A_2964 = arith.constant 7 : i32
      %gather3A_2965 = arith.constant 0 : i32
      %gather3A_2966 = arith.constant 0 : i32
      %gather3A_2967 = tpu.memref_slice %arg10[%gather3A_2964, %gather3A_2965, %gather3A_2966] : memref<8x32x128xf32, #tpu.memory_space<vmem>> -> memref<1x32x128xf32, #tpu.memory_space<vmem>>
      %gather3A_2968 = tpu.memref_squeeze %gather3A_2967 : memref<1x32x128xf32, #tpu.memory_space<vmem>> -> memref<32x128xf32, #tpu.memory_space<vmem>>
      %gather3A_2969 = tpu.vector_load_idx %gather3A_2968[%add3A_2963, %and3A_2848] : memref<32x128xf32, #tpu.memory_space<vmem>>[vector<16xi32>, vector<16xi32>], vector<16xf32>,
      tpu.vector_store_idx %arg12[%add3A_2963, %broadcast_in_dim3A_2849], %gather3A_2969 : memref<32x512xf32, #tpu.memory_space<vmem>>[vector<16xi32>, vector<16xi32>], vector<16xf32>,
      %dma_start3A_2970 = arith.constant 7 : i32
      %dma_start3A_2971 = arith.constant 0 : i32
      %dma_start3A_2972 = arith.constant 7 : i32
      %dma_start3A_2973 = arith.constant 0 : i32
      %dma_start3A_2974 = arith.constant 0 : i32
      %dma_start3A_2975 = tpu.memref_slice %arg9[%dma_start3A_2970, %dma_start3A_2973, %dma_start3A_2974] : memref<8x32x128xf32, #tpu.memory_space<vmem>> -> memref<1x32x128xf32, #tpu.memory_space<vmem>>
      %dma_start3A_2976 = tpu.memref_squeeze %dma_start3A_2975 : memref<1x32x128xf32, #tpu.memory_space<vmem>> -> memref<32x128xf32, #tpu.memory_space<vmem>>
      %dma_start3A_2977 = arith.constant 0 : i32
      %dma_start3A_2978 = tpu.memref_slice %arg4[%dma_start3A_2977, %multiple_of3A_2873] : memref<32x1000000xf32, #tpu.memory_space<hbm>> -> memref<32x128xf32, #tpu.memory_space<hbm>>
      %dma_start3A_2979 = tpu.memref_slice %arg14[%dma_start3A_2971, %dma_start3A_2972] : memref<2x8x!tpu.dma_semaphore, #tpu.memory_space<semaphore_mem>> -> memref<1x1x!tpu.dma_semaphore, #tpu.memory_space<semaphore_mem>>
      %dma_start3A_2980 = tpu.memref_squeeze %dma_start3A_2979 : memref<1x1x!tpu.dma_semaphore, #tpu.memory_space<semaphore_mem>> -> memref<!tpu.dma_semaphore, #tpu.memory_space<semaphore_mem>>
      %dma_start3A_2981 = arith.constant 0 : i32
      %dma_start3A_2982 = arith.constant 0 : i32
      %dma_start3A_2983 = tpu.memref_slice %arg9[%dma_start3A_2970, %dma_start3A_2981, %dma_start3A_2982] : memref<8x32x128xf32, #tpu.memory_space<vmem>> -> memref<1x32x128xf32, #tpu.memory_space<vmem>>
      %dma_start3A_2984 = tpu.memref_squeeze %dma_start3A_2983 : memref<1x32x128xf32, #tpu.memory_space<vmem>> -> memref<32x128xf32, #tpu.memory_space<vmem>>
      %dma_start3A_2985 = arith.constant 0 : i32
      %dma_start3A_2986 = tpu.memref_slice %arg4[%dma_start3A_2985, %multiple_of3A_2873] : memref<32x1000000xf32, #tpu.memory_space<hbm>> -> memref<32x128xf32, #tpu.memory_space<hbm>>
      tpu.enqueue_dma source(%dma_start3A_2986 : memref<32x128xf32, #tpu.memory_space<hbm>>) target(%dma_start3A_2984 : memref<32x128xf32, #tpu.memory_space<vmem>>) target_semaphore(%dma_start3A_2980 : memref<!tpu.dma_semaphore, #tpu.memory_space<semaphore_mem>>)
      %dma_start3A_2987 = arith.constant 7 : i32
      %dma_start3A_2988 = arith.constant 1 : i32
      %dma_start3A_2989 = arith.constant 7 : i32
      %dma_start3A_2990 = arith.constant 0 : i32
      %dma_start3A_2991 = arith.constant 0 : i32
      %dma_start3A_2992 = tpu.memref_slice %arg10[%dma_start3A_2987, %dma_start3A_2990, %dma_start3A_2991] : memref<8x32x128xf32, #tpu.memory_space<vmem>> -> memref<1x32x128xf32, #tpu.memory_space<vmem>>
      %dma_start3A_2993 = tpu.memref_squeeze %dma_start3A_2992 : memref<1x32x128xf32, #tpu.memory_space<vmem>> -> memref<32x128xf32, #tpu.memory_space<vmem>>
      %dma_start3A_2994 = arith.constant 0 : i32
      %dma_start3A_2995 = tpu.memref_slice %arg5[%dma_start3A_2994, %multiple_of3A_2895] : memref<32x1000000xf32, #tpu.memory_space<hbm>> -> memref<32x128xf32, #tpu.memory_space<hbm>>
      %dma_start3A_2996 = tpu.memref_slice %arg14[%dma_start3A_2988, %dma_start3A_2989] : memref<2x8x!tpu.dma_semaphore, #tpu.memory_space<semaphore_mem>> -> memref<1x1x!tpu.dma_semaphore, #tpu.memory_space<semaphore_mem>>
      %dma_start3A_2997 = tpu.memref_squeeze %dma_start3A_2996 : memref<1x1x!tpu.dma_semaphore, #tpu.memory_space<semaphore_mem>> -> memref<!tpu.dma_semaphore, #tpu.memory_space<semaphore_mem>>
      %dma_start3A_2998 = arith.constant 0 : i32
      %dma_start3A_2999 = arith.constant 0 : i32
      %dma_start3A_3000 = tpu.memref_slice %arg10[%dma_start3A_2987, %dma_start3A_2998, %dma_start3A_2999] : memref<8x32x128xf32, #tpu.memory_space<vmem>> -> memref<1x32x128xf32, #tpu.memory_space<vmem>>
      %dma_start3A_3001 = tpu.memref_squeeze %dma_start3A_3000 : memref<1x32x128xf32, #tpu.memory_space<vmem>> -> memref<32x128xf32, #tpu.memory_space<vmem>>
      %dma_start3A_3002 = arith.constant 0 : i32
      %dma_start3A_3003 = tpu.memref_slice %arg5[%dma_start3A_3002, %multiple_of3A_2895] : memref<32x1000000xf32, #tpu.memory_space<hbm>> -> memref<32x128xf32, #tpu.memory_space<hbm>>
      tpu.enqueue_dma source(%dma_start3A_3003 : memref<32x128xf32, #tpu.memory_space<hbm>>) target(%dma_start3A_3001 : memref<32x128xf32, #tpu.memory_space<vmem>>) target_semaphore(%dma_start3A_2997 : memref<!tpu.dma_semaphore, #tpu.memory_space<semaphore_mem>>)
    }
    %scan3A_542 = arith.constant 63 : i32
    %get3A_543 = arith.constant 496 : index
    %get3A_544 = tpu.vector_load %arg7[%get3A_543] {strides = array<i32>} : memref<512xi32, #tpu.memory_space<vmem>>, vector<16xi32>,
    %eq3A_545 = arith.constant 8 : i32
    %eq3A_546 = vector.broadcast %eq3A_545 : i32 to vector<16xi32>
    %eq3A_547 = arith.cmpi eq, %iota3A, %eq3A_546 : vector<16xi32>
    %jit3A_548 = arith.constant 0 : i32
    %broadcast_in_dim3A_549 = vector.broadcast %jit3A_548 : i32 to vector<16xi32>
    %select_n3A_550 = arith.select %eq3A_547, %get3A_544, %broadcast_in_dim3A_549 : vector<16xi1>, vector<16xi32>
    %reduce_sum3A_551 = arith.constant true
    %reduce_sum3A_552 = vector.broadcast %reduce_sum3A_551 : i1 to vector<16xi1>
    %reduce_sum3A_553 = tpu.scan <sum>, %select_n3A_550 masked %reduce_sum3A_552 : vector<16xi32>, vector<16xi1> -> vector<16xi32>
    %reduce_sum3A_554 = vector.extract %reduce_sum3A_553[15] : i32 from vector<16xi32>
    %broadcast_in_dim3A_555 = vector.broadcast %reduce_sum3A_554 : i32 to vector<16xi32>
    %and3A = arith.constant 127 : i32
    %and3A_556 = vector.broadcast %and3A : i32 to vector<16xi32>
    %and3A_557 = arith.andi %broadcast_in_dim3A_555, %and3A_556 : vector<16xi32>
    %get3A_558 = arith.constant 496 : index
    %get3A_559 = tpu.vector_load %arg8[%get3A_558] {strides = array<i32>} : memref<512xi32, #tpu.memory_space<vmem>>, vector<16xi32>,
    %eq3A_560 = arith.constant 8 : i32
    %eq3A_561 = vector.broadcast %eq3A_560 : i32 to vector<16xi32>
    %eq3A_562 = arith.cmpi eq, %iota3A, %eq3A_561 : vector<16xi32>
    %jit3A_563 = arith.constant 0 : i32
    %broadcast_in_dim3A_564 = vector.broadcast %jit3A_563 : i32 to vector<16xi32>
    %select_n3A_565 = arith.select %eq3A_562, %get3A_559, %broadcast_in_dim3A_564 : vector<16xi1>, vector<16xi32>
    %reduce_sum3A_566 = arith.constant true
    %reduce_sum3A_567 = vector.broadcast %reduce_sum3A_566 : i1 to vector<16xi1>
    %reduce_sum3A_568 = tpu.scan <sum>, %select_n3A_565 masked %reduce_sum3A_567 : vector<16xi32>, vector<16xi1> -> vector<16xi32>
    %reduce_sum3A_569 = vector.extract %reduce_sum3A_568[15] : i32 from vector<16xi32>
    %broadcast_in_dim3A_570 = vector.broadcast %reduce_sum3A_569 : i32 to vector<16xi32>
    %and3A_571 = arith.constant 127 : i32
    %and3A_572 = vector.broadcast %and3A_571 : i32 to vector<16xi32>
    %and3A_573 = arith.andi %broadcast_in_dim3A_570, %and3A_572 : vector<16xi32>
    %broadcast_in_dim3A_574 = arith.constant 504 : i32
    %broadcast_in_dim3A_575 = vector.broadcast %broadcast_in_dim3A_574 : i32 to vector<16xi32>
    %dma_wait3A = arith.constant 0 : i32
    %dma_wait3A_576 = arith.constant 0 : i32
    %dma_wait3A_577 = arith.constant 0 : i32
    %dma_wait3A_578 = arith.constant 0 : i32
    %dma_wait3A_579 = arith.constant 0 : i32
    %dma_wait3A_580 = tpu.memref_slice %arg9[%dma_wait3A, %dma_wait3A_578, %dma_wait3A_579] : memref<8x32x128xf32, #tpu.memory_space<vmem>> -> memref<1x32x128xf32, #tpu.memory_space<vmem>>
    %dma_wait3A_581 = tpu.memref_squeeze %dma_wait3A_580 : memref<1x32x128xf32, #tpu.memory_space<vmem>> -> memref<32x128xf32, #tpu.memory_space<vmem>>
    %dma_wait3A_582 = arith.constant 0 : i32
    %dma_wait3A_583 = arith.constant 0 : i32
    %dma_wait3A_584 = tpu.memref_slice %arg4[%dma_wait3A_582, %dma_wait3A_583] : memref<32x1000000xf32, #tpu.memory_space<hbm>> -> memref<32x128xf32, #tpu.memory_space<hbm>>
    %dma_wait3A_585 = tpu.memref_slice %arg14[%dma_wait3A_576, %dma_wait3A_577] : memref<2x8x!tpu.dma_semaphore, #tpu.memory_space<semaphore_mem>> -> memref<1x1x!tpu.dma_semaphore, #tpu.memory_space<semaphore_mem>>
    %dma_wait3A_586 = tpu.memref_squeeze %dma_wait3A_585 : memref<1x1x!tpu.dma_semaphore, #tpu.memory_space<semaphore_mem>> -> memref<!tpu.dma_semaphore, #tpu.memory_space<semaphore_mem>>
    %dma_wait3A_587 = arith.constant 0 : i32
    %dma_wait3A_588 = arith.constant 0 : i32
    %dma_wait3A_589 = tpu.memref_slice %arg9[%dma_wait3A, %dma_wait3A_587, %dma_wait3A_588] : memref<8x32x128xf32, #tpu.memory_space<vmem>> -> memref<1x32x128xf32, #tpu.memory_space<vmem>>
    %dma_wait3A_590 = tpu.memref_squeeze %dma_wait3A_589 : memref<1x32x128xf32, #tpu.memory_space<vmem>> -> memref<32x128xf32, #tpu.memory_space<vmem>>
    %dma_wait3A_591 = arith.constant 0 : i32
    %dma_wait3A_592 = arith.constant 0 : i32
    %dma_wait3A_593 = tpu.memref_slice %arg4[%dma_wait3A_591, %dma_wait3A_592] : memref<32x1000000xf32, #tpu.memory_space<hbm>> -> memref<32x128xf32, #tpu.memory_space<hbm>>
    tpu.wait_dma2 semaphore(%dma_wait3A_586 : memref<!tpu.dma_semaphore, #tpu.memory_space<semaphore_mem>>) src(%dma_wait3A_593 : memref<32x128xf32, #tpu.memory_space<hbm>>) dst(%dma_wait3A_590 : memref<32x128xf32, #tpu.memory_space<vmem>>)
    %add3A_594 = arith.constant 0 : i32
    %add3A_595 = vector.broadcast %add3A_594 : i32 to vector<16xi32>
    %add3A_596 = arith.addi %iota3A, %add3A_595 : vector<16xi32>
    %gather3A = arith.constant 0 : i32
    %gather3A_597 = arith.constant 0 : i32
    %gather3A_598 = arith.constant 0 : i32
    %gather3A_599 = tpu.memref_slice %arg9[%gather3A, %gather3A_597, %gather3A_598] : memref<8x32x128xf32, #tpu.memory_space<vmem>> -> memref<1x32x128xf32, #tpu.memory_space<vmem>>
    %gather3A_600 = tpu.memref_squeeze %gather3A_599 : memref<1x32x128xf32, #tpu.memory_space<vmem>> -> memref<32x128xf32, #tpu.memory_space<vmem>>
    %gather3A_601 = tpu.vector_load_idx %gather3A_600[%add3A_596, %and3A_557] : memref<32x128xf32, #tpu.memory_space<vmem>>[vector<16xi32>, vector<16xi32>], vector<16xf32>,
    tpu.vector_store_idx %arg11[%add3A_596, %broadcast_in_dim3A_575], %gather3A_601 : memref<32x512xf32, #tpu.memory_space<vmem>>[vector<16xi32>, vector<16xi32>], vector<16xf32>,
    %add3A_602 = arith.constant 16 : i32
    %add3A_603 = vector.broadcast %add3A_602 : i32 to vector<16xi32>
    %add3A_604 = arith.addi %iota3A, %add3A_603 : vector<16xi32>
    %gather3A_605 = arith.constant 0 : i32
    %gather3A_606 = arith.constant 0 : i32
    %gather3A_607 = arith.constant 0 : i32
    %gather3A_608 = tpu.memref_slice %arg9[%gather3A_605, %gather3A_606, %gather3A_607] : memref<8x32x128xf32, #tpu.memory_space<vmem>> -> memref<1x32x128xf32, #tpu.memory_space<vmem>>
    %gather3A_609 = tpu.memref_squeeze %gather3A_608 : memref<1x32x128xf32, #tpu.memory_space<vmem>> -> memref<32x128xf32, #tpu.memory_space<vmem>>
    %gather3A_610 = tpu.vector_load_idx %gather3A_609[%add3A_604, %and3A_557] : memref<32x128xf32, #tpu.memory_space<vmem>>[vector<16xi32>, vector<16xi32>], vector<16xf32>,
    tpu.vector_store_idx %arg11[%add3A_604, %broadcast_in_dim3A_575], %gather3A_610 : memref<32x512xf32, #tpu.memory_space<vmem>>[vector<16xi32>, vector<16xi32>], vector<16xf32>,
    %dma_wait3A_611 = arith.constant 0 : i32
    %dma_wait3A_612 = arith.constant 1 : i32
    %dma_wait3A_613 = arith.constant 0 : i32
    %dma_wait3A_614 = arith.constant 0 : i32
    %dma_wait3A_615 = arith.constant 0 : i32
    %dma_wait3A_616 = tpu.memref_slice %arg10[%dma_wait3A_611, %dma_wait3A_614, %dma_wait3A_615] : memref<8x32x128xf32, #tpu.memory_space<vmem>> -> memref<1x32x128xf32, #tpu.memory_space<vmem>>
    %dma_wait3A_617 = tpu.memref_squeeze %dma_wait3A_616 : memref<1x32x128xf32, #tpu.memory_space<vmem>> -> memref<32x128xf32, #tpu.memory_space<vmem>>
    %dma_wait3A_618 = arith.constant 0 : i32
    %dma_wait3A_619 = arith.constant 0 : i32
    %dma_wait3A_620 = tpu.memref_slice %arg5[%dma_wait3A_618, %dma_wait3A_619] : memref<32x1000000xf32, #tpu.memory_space<hbm>> -> memref<32x128xf32, #tpu.memory_space<hbm>>
    %dma_wait3A_621 = tpu.memref_slice %arg14[%dma_wait3A_612, %dma_wait3A_613] : memref<2x8x!tpu.dma_semaphore, #tpu.memory_space<semaphore_mem>> -> memref<1x1x!tpu.dma_semaphore, #tpu.memory_space<semaphore_mem>>
    %dma_wait3A_622 = tpu.memref_squeeze %dma_wait3A_621 : memref<1x1x!tpu.dma_semaphore, #tpu.memory_space<semaphore_mem>> -> memref<!tpu.dma_semaphore, #tpu.memory_space<semaphore_mem>>
    %dma_wait3A_623 = arith.constant 0 : i32
    %dma_wait3A_624 = arith.constant 0 : i32
    %dma_wait3A_625 = tpu.memref_slice %arg10[%dma_wait3A_611, %dma_wait3A_623, %dma_wait3A_624] : memref<8x32x128xf32, #tpu.memory_space<vmem>> -> memref<1x32x128xf32, #tpu.memory_space<vmem>>
    %dma_wait3A_626 = tpu.memref_squeeze %dma_wait3A_625 : memref<1x32x128xf32, #tpu.memory_space<vmem>> -> memref<32x128xf32, #tpu.memory_space<vmem>>
    %dma_wait3A_627 = arith.constant 0 : i32
    %dma_wait3A_628 = arith.constant 0 : i32
    %dma_wait3A_629 = tpu.memref_slice %arg5[%dma_wait3A_627, %dma_wait3A_628] : memref<32x1000000xf32, #tpu.memory_space<hbm>> -> memref<32x128xf32, #tpu.memory_space<hbm>>
    tpu.wait_dma2 semaphore(%dma_wait3A_622 : memref<!tpu.dma_semaphore, #tpu.memory_space<semaphore_mem>>) src(%dma_wait3A_629 : memref<32x128xf32, #tpu.memory_space<hbm>>) dst(%dma_wait3A_626 : memref<32x128xf32, #tpu.memory_space<vmem>>)
    %add3A_630 = arith.constant 0 : i32
    %add3A_631 = vector.broadcast %add3A_630 : i32 to vector<16xi32>
    %add3A_632 = arith.addi %iota3A, %add3A_631 : vector<16xi32>
    %gather3A_633 = arith.constant 0 : i32
    %gather3A_634 = arith.constant 0 : i32
    %gather3A_635 = arith.constant 0 : i32
    %gather3A_636 = tpu.memref_slice %arg10[%gather3A_633, %gather3A_634, %gather3A_635] : memref<8x32x128xf32, #tpu.memory_space<vmem>> -> memref<1x32x128xf32, #tpu.memory_space<vmem>>
    %gather3A_637 = tpu.memref_squeeze %gather3A_636 : memref<1x32x128xf32, #tpu.memory_space<vmem>> -> memref<32x128xf32, #tpu.memory_space<vmem>>
    %gather3A_638 = tpu.vector_load_idx %gather3A_637[%add3A_632, %and3A_573] : memref<32x128xf32, #tpu.memory_space<vmem>>[vector<16xi32>, vector<16xi32>], vector<16xf32>,
    tpu.vector_store_idx %arg12[%add3A_632, %broadcast_in_dim3A_575], %gather3A_638 : memref<32x512xf32, #tpu.memory_space<vmem>>[vector<16xi32>, vector<16xi32>], vector<16xf32>,
    %add3A_639 = arith.constant 16 : i32
    %add3A_640 = vector.broadcast %add3A_639 : i32 to vector<16xi32>
    %add3A_641 = arith.addi %iota3A, %add3A_640 : vector<16xi32>
    %gather3A_642 = arith.constant 0 : i32
    %gather3A_643 = arith.constant 0 : i32
    %gather3A_644 = arith.constant 0 : i32
    %gather3A_645 = tpu.memref_slice %arg10[%gather3A_642, %gather3A_643, %gather3A_644] : memref<8x32x128xf32, #tpu.memory_space<vmem>> -> memref<1x32x128xf32, #tpu.memory_space<vmem>>
    %gather3A_646 = tpu.memref_squeeze %gather3A_645 : memref<1x32x128xf32, #tpu.memory_space<vmem>> -> memref<32x128xf32, #tpu.memory_space<vmem>>
    %gather3A_647 = tpu.vector_load_idx %gather3A_646[%add3A_641, %and3A_573] : memref<32x128xf32, #tpu.memory_space<vmem>>[vector<16xi32>, vector<16xi32>], vector<16xf32>,
    tpu.vector_store_idx %arg12[%add3A_641, %broadcast_in_dim3A_575], %gather3A_647 : memref<32x512xf32, #tpu.memory_space<vmem>>[vector<16xi32>, vector<16xi32>], vector<16xf32>,
    %get3A_648 = arith.constant 496 : index
    %get3A_649 = tpu.vector_load %arg7[%get3A_648] {strides = array<i32>} : memref<512xi32, #tpu.memory_space<vmem>>, vector<16xi32>,
    %eq3A_650 = arith.constant 9 : i32
    %eq3A_651 = vector.broadcast %eq3A_650 : i32 to vector<16xi32>
    %eq3A_652 = arith.cmpi eq, %iota3A, %eq3A_651 : vector<16xi32>
    %jit3A_653 = arith.constant 0 : i32
    %broadcast_in_dim3A_654 = vector.broadcast %jit3A_653 : i32 to vector<16xi32>
    %select_n3A_655 = arith.select %eq3A_652, %get3A_649, %broadcast_in_dim3A_654 : vector<16xi1>, vector<16xi32>
    %reduce_sum3A_656 = arith.constant true
    %reduce_sum3A_657 = vector.broadcast %reduce_sum3A_656 : i1 to vector<16xi1>
    %reduce_sum3A_658 = tpu.scan <sum>, %select_n3A_655 masked %reduce_sum3A_657 : vector<16xi32>, vector<16xi1> -> vector<16xi32>
    %reduce_sum3A_659 = vector.extract %reduce_sum3A_658[15] : i32 from vector<16xi32>
    %broadcast_in_dim3A_660 = vector.broadcast %reduce_sum3A_659 : i32 to vector<16xi32>
    %and3A_661 = arith.constant 127 : i32
    %and3A_662 = vector.broadcast %and3A_661 : i32 to vector<16xi32>
    %and3A_663 = arith.andi %broadcast_in_dim3A_660, %and3A_662 : vector<16xi32>
    %get3A_664 = arith.constant 496 : index
    %get3A_665 = tpu.vector_load %arg8[%get3A_664] {strides = array<i32>} : memref<512xi32, #tpu.memory_space<vmem>>, vector<16xi32>,
    %eq3A_666 = arith.constant 9 : i32
    %eq3A_667 = vector.broadcast %eq3A_666 : i32 to vector<16xi32>
    %eq3A_668 = arith.cmpi eq, %iota3A, %eq3A_667 : vector<16xi32>
    %jit3A_669 = arith.constant 0 : i32
    %broadcast_in_dim3A_670 = vector.broadcast %jit3A_669 : i32 to vector<16xi32>
    %select_n3A_671 = arith.select %eq3A_668, %get3A_665, %broadcast_in_dim3A_670 : vector<16xi1>, vector<16xi32>
    %reduce_sum3A_672 = arith.constant true
    %reduce_sum3A_673 = vector.broadcast %reduce_sum3A_672 : i1 to vector<16xi1>
    %reduce_sum3A_674 = tpu.scan <sum>, %select_n3A_671 masked %reduce_sum3A_673 : vector<16xi32>, vector<16xi1> -> vector<16xi32>
    %reduce_sum3A_675 = vector.extract %reduce_sum3A_674[15] : i32 from vector<16xi32>
    %broadcast_in_dim3A_676 = vector.broadcast %reduce_sum3A_675 : i32 to vector<16xi32>
    %and3A_677 = arith.constant 127 : i32
    %and3A_678 = vector.broadcast %and3A_677 : i32 to vector<16xi32>
    %and3A_679 = arith.andi %broadcast_in_dim3A_676, %and3A_678 : vector<16xi32>
    %broadcast_in_dim3A_680 = arith.constant 505 : i32
    %broadcast_in_dim3A_681 = vector.broadcast %broadcast_in_dim3A_680 : i32 to vector<16xi32>
    %dma_wait3A_682 = arith.constant 1 : i32
    %dma_wait3A_683 = arith.constant 0 : i32
    %dma_wait3A_684 = arith.constant 1 : i32
    %dma_wait3A_685 = arith.constant 0 : i32
    %dma_wait3A_686 = arith.constant 0 : i32
    %dma_wait3A_687 = tpu.memref_slice %arg9[%dma_wait3A_682, %dma_wait3A_685, %dma_wait3A_686] : memref<8x32x128xf32, #tpu.memory_space<vmem>> -> memref<1x32x128xf32, #tpu.memory_space<vmem>>
    %dma_wait3A_688 = tpu.memref_squeeze %dma_wait3A_687 : memref<1x32x128xf32, #tpu.memory_space<vmem>> -> memref<32x128xf32, #tpu.memory_space<vmem>>
    %dma_wait3A_689 = arith.constant 0 : i32
    %dma_wait3A_690 = arith.constant 0 : i32
    %dma_wait3A_691 = tpu.memref_slice %arg4[%dma_wait3A_689, %dma_wait3A_690] : memref<32x1000000xf32, #tpu.memory_space<hbm>> -> memref<32x128xf32, #tpu.memory_space<hbm>>
    %dma_wait3A_692 = tpu.memref_slice %arg14[%dma_wait3A_683, %dma_wait3A_684] : memref<2x8x!tpu.dma_semaphore, #tpu.memory_space<semaphore_mem>> -> memref<1x1x!tpu.dma_semaphore, #tpu.memory_space<semaphore_mem>>
    %dma_wait3A_693 = tpu.memref_squeeze %dma_wait3A_692 : memref<1x1x!tpu.dma_semaphore, #tpu.memory_space<semaphore_mem>> -> memref<!tpu.dma_semaphore, #tpu.memory_space<semaphore_mem>>
    %dma_wait3A_694 = arith.constant 0 : i32
    %dma_wait3A_695 = arith.constant 0 : i32
    %dma_wait3A_696 = tpu.memref_slice %arg9[%dma_wait3A_682, %dma_wait3A_694, %dma_wait3A_695] : memref<8x32x128xf32, #tpu.memory_space<vmem>> -> memref<1x32x128xf32, #tpu.memory_space<vmem>>
    %dma_wait3A_697 = tpu.memref_squeeze %dma_wait3A_696 : memref<1x32x128xf32, #tpu.memory_space<vmem>> -> memref<32x128xf32, #tpu.memory_space<vmem>>
    %dma_wait3A_698 = arith.constant 0 : i32
    %dma_wait3A_699 = arith.constant 0 : i32
    %dma_wait3A_700 = tpu.memref_slice %arg4[%dma_wait3A_698, %dma_wait3A_699] : memref<32x1000000xf32, #tpu.memory_space<hbm>> -> memref<32x128xf32, #tpu.memory_space<hbm>>
    tpu.wait_dma2 semaphore(%dma_wait3A_693 : memref<!tpu.dma_semaphore, #tpu.memory_space<semaphore_mem>>) src(%dma_wait3A_700 : memref<32x128xf32, #tpu.memory_space<hbm>>) dst(%dma_wait3A_697 : memref<32x128xf32, #tpu.memory_space<vmem>>)
    %add3A_701 = arith.constant 0 : i32
    %add3A_702 = vector.broadcast %add3A_701 : i32 to vector<16xi32>
    %add3A_703 = arith.addi %iota3A, %add3A_702 : vector<16xi32>
    %gather3A_704 = arith.constant 1 : i32
    %gather3A_705 = arith.constant 0 : i32
    %gather3A_706 = arith.constant 0 : i32
    %gather3A_707 = tpu.memref_slice %arg9[%gather3A_704, %gather3A_705, %gather3A_706] : memref<8x32x128xf32, #tpu.memory_space<vmem>> -> memref<1x32x128xf32, #tpu.memory_space<vmem>>
    %gather3A_708 = tpu.memref_squeeze %gather3A_707 : memref<1x32x128xf32, #tpu.memory_space<vmem>> -> memref<32x128xf32, #tpu.memory_space<vmem>>
    %gather3A_709 = tpu.vector_load_idx %gather3A_708[%add3A_703, %and3A_663] : memref<32x128xf32, #tpu.memory_space<vmem>>[vector<16xi32>, vector<16xi32>], vector<16xf32>,
    tpu.vector_store_idx %arg11[%add3A_703, %broadcast_in_dim3A_681], %gather3A_709 : memref<32x512xf32, #tpu.memory_space<vmem>>[vector<16xi32>, vector<16xi32>], vector<16xf32>,
    %add3A_710 = arith.constant 16 : i32
    %add3A_711 = vector.broadcast %add3A_710 : i32 to vector<16xi32>
    %add3A_712 = arith.addi %iota3A, %add3A_711 : vector<16xi32>
    %gather3A_713 = arith.constant 1 : i32
    %gather3A_714 = arith.constant 0 : i32
    %gather3A_715 = arith.constant 0 : i32
    %gather3A_716 = tpu.memref_slice %arg9[%gather3A_713, %gather3A_714, %gather3A_715] : memref<8x32x128xf32, #tpu.memory_space<vmem>> -> memref<1x32x128xf32, #tpu.memory_space<vmem>>
    %gather3A_717 = tpu.memref_squeeze %gather3A_716 : memref<1x32x128xf32, #tpu.memory_space<vmem>> -> memref<32x128xf32, #tpu.memory_space<vmem>>
    %gather3A_718 = tpu.vector_load_idx %gather3A_717[%add3A_712, %and3A_663] : memref<32x128xf32, #tpu.memory_space<vmem>>[vector<16xi32>, vector<16xi32>], vector<16xf32>,
    tpu.vector_store_idx %arg11[%add3A_712, %broadcast_in_dim3A_681], %gather3A_718 : memref<32x512xf32, #tpu.memory_space<vmem>>[vector<16xi32>, vector<16xi32>], vector<16xf32>,
    %dma_wait3A_719 = arith.constant 1 : i32
    %dma_wait3A_720 = arith.constant 1 : i32
    %dma_wait3A_721 = arith.constant 1 : i32
    %dma_wait3A_722 = arith.constant 0 : i32
    %dma_wait3A_723 = arith.constant 0 : i32
    %dma_wait3A_724 = tpu.memref_slice %arg10[%dma_wait3A_719, %dma_wait3A_722, %dma_wait3A_723] : memref<8x32x128xf32, #tpu.memory_space<vmem>> -> memref<1x32x128xf32, #tpu.memory_space<vmem>>
    %dma_wait3A_725 = tpu.memref_squeeze %dma_wait3A_724 : memref<1x32x128xf32, #tpu.memory_space<vmem>> -> memref<32x128xf32, #tpu.memory_space<vmem>>
    %dma_wait3A_726 = arith.constant 0 : i32
    %dma_wait3A_727 = arith.constant 0 : i32
    %dma_wait3A_728 = tpu.memref_slice %arg5[%dma_wait3A_726, %dma_wait3A_727] : memref<32x1000000xf32, #tpu.memory_space<hbm>> -> memref<32x128xf32, #tpu.memory_space<hbm>>
    %dma_wait3A_729 = tpu.memref_slice %arg14[%dma_wait3A_720, %dma_wait3A_721] : memref<2x8x!tpu.dma_semaphore, #tpu.memory_space<semaphore_mem>> -> memref<1x1x!tpu.dma_semaphore, #tpu.memory_space<semaphore_mem>>
    %dma_wait3A_730 = tpu.memref_squeeze %dma_wait3A_729 : memref<1x1x!tpu.dma_semaphore, #tpu.memory_space<semaphore_mem>> -> memref<!tpu.dma_semaphore, #tpu.memory_space<semaphore_mem>>
    %dma_wait3A_731 = arith.constant 0 : i32
    %dma_wait3A_732 = arith.constant 0 : i32
    %dma_wait3A_733 = tpu.memref_slice %arg10[%dma_wait3A_719, %dma_wait3A_731, %dma_wait3A_732] : memref<8x32x128xf32, #tpu.memory_space<vmem>> -> memref<1x32x128xf32, #tpu.memory_space<vmem>>
    %dma_wait3A_734 = tpu.memref_squeeze %dma_wait3A_733 : memref<1x32x128xf32, #tpu.memory_space<vmem>> -> memref<32x128xf32, #tpu.memory_space<vmem>>
    %dma_wait3A_735 = arith.constant 0 : i32
    %dma_wait3A_736 = arith.constant 0 : i32
    %dma_wait3A_737 = tpu.memref_slice %arg5[%dma_wait3A_735, %dma_wait3A_736] : memref<32x1000000xf32, #tpu.memory_space<hbm>> -> memref<32x128xf32, #tpu.memory_space<hbm>>
    tpu.wait_dma2 semaphore(%dma_wait3A_730 : memref<!tpu.dma_semaphore, #tpu.memory_space<semaphore_mem>>) src(%dma_wait3A_737 : memref<32x128xf32, #tpu.memory_space<hbm>>) dst(%dma_wait3A_734 : memref<32x128xf32, #tpu.memory_space<vmem>>)
    %add3A_738 = arith.constant 0 : i32
    %add3A_739 = vector.broadcast %add3A_738 : i32 to vector<16xi32>
    %add3A_740 = arith.addi %iota3A, %add3A_739 : vector<16xi32>
    %gather3A_741 = arith.constant 1 : i32
    %gather3A_742 = arith.constant 0 : i32
    %gather3A_743 = arith.constant 0 : i32
    %gather3A_744 = tpu.memref_slice %arg10[%gather3A_741, %gather3A_742, %gather3A_743] : memref<8x32x128xf32, #tpu.memory_space<vmem>> -> memref<1x32x128xf32, #tpu.memory_space<vmem>>
    %gather3A_745 = tpu.memref_squeeze %gather3A_744 : memref<1x32x128xf32, #tpu.memory_space<vmem>> -> memref<32x128xf32, #tpu.memory_space<vmem>>
    %gather3A_746 = tpu.vector_load_idx %gather3A_745[%add3A_740, %and3A_679] : memref<32x128xf32, #tpu.memory_space<vmem>>[vector<16xi32>, vector<16xi32>], vector<16xf32>,
    tpu.vector_store_idx %arg12[%add3A_740, %broadcast_in_dim3A_681], %gather3A_746 : memref<32x512xf32, #tpu.memory_space<vmem>>[vector<16xi32>, vector<16xi32>], vector<16xf32>,
    %add3A_747 = arith.constant 16 : i32
    %add3A_748 = vector.broadcast %add3A_747 : i32 to vector<16xi32>
    %add3A_749 = arith.addi %iota3A, %add3A_748 : vector<16xi32>
    %gather3A_750 = arith.constant 1 : i32
    %gather3A_751 = arith.constant 0 : i32
    %gather3A_752 = arith.constant 0 : i32
    %gather3A_753 = tpu.memref_slice %arg10[%gather3A_750, %gather3A_751, %gather3A_752] : memref<8x32x128xf32, #tpu.memory_space<vmem>> -> memref<1x32x128xf32, #tpu.memory_space<vmem>>
    %gather3A_754 = tpu.memref_squeeze %gather3A_753 : memref<1x32x128xf32, #tpu.memory_space<vmem>> -> memref<32x128xf32, #tpu.memory_space<vmem>>
    %gather3A_755 = tpu.vector_load_idx %gather3A_754[%add3A_749, %and3A_679] : memref<32x128xf32, #tpu.memory_space<vmem>>[vector<16xi32>, vector<16xi32>], vector<16xf32>,
    tpu.vector_store_idx %arg12[%add3A_749, %broadcast_in_dim3A_681], %gather3A_755 : memref<32x512xf32, #tpu.memory_space<vmem>>[vector<16xi32>, vector<16xi32>], vector<16xf32>,
    %get3A_756 = arith.constant 496 : index
    %get3A_757 = tpu.vector_load %arg7[%get3A_756] {strides = array<i32>} : memref<512xi32, #tpu.memory_space<vmem>>, vector<16xi32>,
    %eq3A_758 = arith.constant 10 : i32
    %eq3A_759 = vector.broadcast %eq3A_758 : i32 to vector<16xi32>
    %eq3A_760 = arith.cmpi eq, %iota3A, %eq3A_759 : vector<16xi32>
    %jit3A_761 = arith.constant 0 : i32
    %broadcast_in_dim3A_762 = vector.broadcast %jit3A_761 : i32 to vector<16xi32>
    %select_n3A_763 = arith.select %eq3A_760, %get3A_757, %broadcast_in_dim3A_762 : vector<16xi1>, vector<16xi32>
    %reduce_sum3A_764 = arith.constant true
    %reduce_sum3A_765 = vector.broadcast %reduce_sum3A_764 : i1 to vector<16xi1>
    %reduce_sum3A_766 = tpu.scan <sum>, %select_n3A_763 masked %reduce_sum3A_765 : vector<16xi32>, vector<16xi1> -> vector<16xi32>
    %reduce_sum3A_767 = vector.extract %reduce_sum3A_766[15] : i32 from vector<16xi32>
    %broadcast_in_dim3A_768 = vector.broadcast %reduce_sum3A_767 : i32 to vector<16xi32>
    %and3A_769 = arith.constant 127 : i32
    %and3A_770 = vector.broadcast %and3A_769 : i32 to vector<16xi32>
    %and3A_771 = arith.andi %broadcast_in_dim3A_768, %and3A_770 : vector<16xi32>
    %get3A_772 = arith.constant 496 : index
    %get3A_773 = tpu.vector_load %arg8[%get3A_772] {strides = array<i32>} : memref<512xi32, #tpu.memory_space<vmem>>, vector<16xi32>,
    %eq3A_774 = arith.constant 10 : i32
    %eq3A_775 = vector.broadcast %eq3A_774 : i32 to vector<16xi32>
    %eq3A_776 = arith.cmpi eq, %iota3A, %eq3A_775 : vector<16xi32>
    %jit3A_777 = arith.constant 0 : i32
    %broadcast_in_dim3A_778 = vector.broadcast %jit3A_777 : i32 to vector<16xi32>
    %select_n3A_779 = arith.select %eq3A_776, %get3A_773, %broadcast_in_dim3A_778 : vector<16xi1>, vector<16xi32>
    %reduce_sum3A_780 = arith.constant true
    %reduce_sum3A_781 = vector.broadcast %reduce_sum3A_780 : i1 to vector<16xi1>
    %reduce_sum3A_782 = tpu.scan <sum>, %select_n3A_779 masked %reduce_sum3A_781 : vector<16xi32>, vector<16xi1> -> vector<16xi32>
    %reduce_sum3A_783 = vector.extract %reduce_sum3A_782[15] : i32 from vector<16xi32>
    %broadcast_in_dim3A_784 = vector.broadcast %reduce_sum3A_783 : i32 to vector<16xi32>
    %and3A_785 = arith.constant 127 : i32
    %and3A_786 = vector.broadcast %and3A_785 : i32 to vector<16xi32>
    %and3A_787 = arith.andi %broadcast_in_dim3A_784, %and3A_786 : vector<16xi32>
    %broadcast_in_dim3A_788 = arith.constant 506 : i32
    %broadcast_in_dim3A_789 = vector.broadcast %broadcast_in_dim3A_788 : i32 to vector<16xi32>
    %dma_wait3A_790 = arith.constant 2 : i32
    %dma_wait3A_791 = arith.constant 0 : i32
    %dma_wait3A_792 = arith.constant 2 : i32
    %dma_wait3A_793 = arith.constant 0 : i32
    %dma_wait3A_794 = arith.constant 0 : i32
    %dma_wait3A_795 = tpu.memref_slice %arg9[%dma_wait3A_790, %dma_wait3A_793, %dma_wait3A_794] : memref<8x32x128xf32, #tpu.memory_space<vmem>> -> memref<1x32x128xf32, #tpu.memory_space<vmem>>
    %dma_wait3A_796 = tpu.memref_squeeze %dma_wait3A_795 : memref<1x32x128xf32, #tpu.memory_space<vmem>> -> memref<32x128xf32, #tpu.memory_space<vmem>>
    %dma_wait3A_797 = arith.constant 0 : i32
    %dma_wait3A_798 = arith.constant 0 : i32
    %dma_wait3A_799 = tpu.memref_slice %arg4[%dma_wait3A_797, %dma_wait3A_798] : memref<32x1000000xf32, #tpu.memory_space<hbm>> -> memref<32x128xf32, #tpu.memory_space<hbm>>
    %dma_wait3A_800 = tpu.memref_slice %arg14[%dma_wait3A_791, %dma_wait3A_792] : memref<2x8x!tpu.dma_semaphore, #tpu.memory_space<semaphore_mem>> -> memref<1x1x!tpu.dma_semaphore, #tpu.memory_space<semaphore_mem>>
    %dma_wait3A_801 = tpu.memref_squeeze %dma_wait3A_800 : memref<1x1x!tpu.dma_semaphore, #tpu.memory_space<semaphore_mem>> -> memref<!tpu.dma_semaphore, #tpu.memory_space<semaphore_mem>>
    %dma_wait3A_802 = arith.constant 0 : i32
    %dma_wait3A_803 = arith.constant 0 : i32
    %dma_wait3A_804 = tpu.memref_slice %arg9[%dma_wait3A_790, %dma_wait3A_802, %dma_wait3A_803] : memref<8x32x128xf32, #tpu.memory_space<vmem>> -> memref<1x32x128xf32, #tpu.memory_space<vmem>>
    %dma_wait3A_805 = tpu.memref_squeeze %dma_wait3A_804 : memref<1x32x128xf32, #tpu.memory_space<vmem>> -> memref<32x128xf32, #tpu.memory_space<vmem>>
    %dma_wait3A_806 = arith.constant 0 : i32
    %dma_wait3A_807 = arith.constant 0 : i32
    %dma_wait3A_808 = tpu.memref_slice %arg4[%dma_wait3A_806, %dma_wait3A_807] : memref<32x1000000xf32, #tpu.memory_space<hbm>> -> memref<32x128xf32, #tpu.memory_space<hbm>>
    tpu.wait_dma2 semaphore(%dma_wait3A_801 : memref<!tpu.dma_semaphore, #tpu.memory_space<semaphore_mem>>) src(%dma_wait3A_808 : memref<32x128xf32, #tpu.memory_space<hbm>>) dst(%dma_wait3A_805 : memref<32x128xf32, #tpu.memory_space<vmem>>)
    %add3A_809 = arith.constant 0 : i32
    %add3A_810 = vector.broadcast %add3A_809 : i32 to vector<16xi32>
    %add3A_811 = arith.addi %iota3A, %add3A_810 : vector<16xi32>
    %gather3A_812 = arith.constant 2 : i32
    %gather3A_813 = arith.constant 0 : i32
    %gather3A_814 = arith.constant 0 : i32
    %gather3A_815 = tpu.memref_slice %arg9[%gather3A_812, %gather3A_813, %gather3A_814] : memref<8x32x128xf32, #tpu.memory_space<vmem>> -> memref<1x32x128xf32, #tpu.memory_space<vmem>>
    %gather3A_816 = tpu.memref_squeeze %gather3A_815 : memref<1x32x128xf32, #tpu.memory_space<vmem>> -> memref<32x128xf32, #tpu.memory_space<vmem>>
    %gather3A_817 = tpu.vector_load_idx %gather3A_816[%add3A_811, %and3A_771] : memref<32x128xf32, #tpu.memory_space<vmem>>[vector<16xi32>, vector<16xi32>], vector<16xf32>,
    tpu.vector_store_idx %arg11[%add3A_811, %broadcast_in_dim3A_789], %gather3A_817 : memref<32x512xf32, #tpu.memory_space<vmem>>[vector<16xi32>, vector<16xi32>], vector<16xf32>,
    %add3A_818 = arith.constant 16 : i32
    %add3A_819 = vector.broadcast %add3A_818 : i32 to vector<16xi32>
    %add3A_820 = arith.addi %iota3A, %add3A_819 : vector<16xi32>
    %gather3A_821 = arith.constant 2 : i32
    %gather3A_822 = arith.constant 0 : i32
    %gather3A_823 = arith.constant 0 : i32
    %gather3A_824 = tpu.memref_slice %arg9[%gather3A_821, %gather3A_822, %gather3A_823] : memref<8x32x128xf32, #tpu.memory_space<vmem>> -> memref<1x32x128xf32, #tpu.memory_space<vmem>>
    %gather3A_825 = tpu.memref_squeeze %gather3A_824 : memref<1x32x128xf32, #tpu.memory_space<vmem>> -> memref<32x128xf32, #tpu.memory_space<vmem>>
    %gather3A_826 = tpu.vector_load_idx %gather3A_825[%add3A_820, %and3A_771] : memref<32x128xf32, #tpu.memory_space<vmem>>[vector<16xi32>, vector<16xi32>], vector<16xf32>,
    tpu.vector_store_idx %arg11[%add3A_820, %broadcast_in_dim3A_789], %gather3A_826 : memref<32x512xf32, #tpu.memory_space<vmem>>[vector<16xi32>, vector<16xi32>], vector<16xf32>,
    %dma_wait3A_827 = arith.constant 2 : i32
    %dma_wait3A_828 = arith.constant 1 : i32
    %dma_wait3A_829 = arith.constant 2 : i32
    %dma_wait3A_830 = arith.constant 0 : i32
    %dma_wait3A_831 = arith.constant 0 : i32
    %dma_wait3A_832 = tpu.memref_slice %arg10[%dma_wait3A_827, %dma_wait3A_830, %dma_wait3A_831] : memref<8x32x128xf32, #tpu.memory_space<vmem>> -> memref<1x32x128xf32, #tpu.memory_space<vmem>>
    %dma_wait3A_833 = tpu.memref_squeeze %dma_wait3A_832 : memref<1x32x128xf32, #tpu.memory_space<vmem>> -> memref<32x128xf32, #tpu.memory_space<vmem>>
    %dma_wait3A_834 = arith.constant 0 : i32
    %dma_wait3A_835 = arith.constant 0 : i32
    %dma_wait3A_836 = tpu.memref_slice %arg5[%dma_wait3A_834, %dma_wait3A_835] : memref<32x1000000xf32, #tpu.memory_space<hbm>> -> memref<32x128xf32, #tpu.memory_space<hbm>>
    %dma_wait3A_837 = tpu.memref_slice %arg14[%dma_wait3A_828, %dma_wait3A_829] : memref<2x8x!tpu.dma_semaphore, #tpu.memory_space<semaphore_mem>> -> memref<1x1x!tpu.dma_semaphore, #tpu.memory_space<semaphore_mem>>
    %dma_wait3A_838 = tpu.memref_squeeze %dma_wait3A_837 : memref<1x1x!tpu.dma_semaphore, #tpu.memory_space<semaphore_mem>> -> memref<!tpu.dma_semaphore, #tpu.memory_space<semaphore_mem>>
    %dma_wait3A_839 = arith.constant 0 : i32
    %dma_wait3A_840 = arith.constant 0 : i32
    %dma_wait3A_841 = tpu.memref_slice %arg10[%dma_wait3A_827, %dma_wait3A_839, %dma_wait3A_840] : memref<8x32x128xf32, #tpu.memory_space<vmem>> -> memref<1x32x128xf32, #tpu.memory_space<vmem>>
    %dma_wait3A_842 = tpu.memref_squeeze %dma_wait3A_841 : memref<1x32x128xf32, #tpu.memory_space<vmem>> -> memref<32x128xf32, #tpu.memory_space<vmem>>
    %dma_wait3A_843 = arith.constant 0 : i32
    %dma_wait3A_844 = arith.constant 0 : i32
    %dma_wait3A_845 = tpu.memref_slice %arg5[%dma_wait3A_843, %dma_wait3A_844] : memref<32x1000000xf32, #tpu.memory_space<hbm>> -> memref<32x128xf32, #tpu.memory_space<hbm>>
    tpu.wait_dma2 semaphore(%dma_wait3A_838 : memref<!tpu.dma_semaphore, #tpu.memory_space<semaphore_mem>>) src(%dma_wait3A_845 : memref<32x128xf32, #tpu.memory_space<hbm>>) dst(%dma_wait3A_842 : memref<32x128xf32, #tpu.memory_space<vmem>>)
    %add3A_846 = arith.constant 0 : i32
    %add3A_847 = vector.broadcast %add3A_846 : i32 to vector<16xi32>
    %add3A_848 = arith.addi %iota3A, %add3A_847 : vector<16xi32>
    %gather3A_849 = arith.constant 2 : i32
    %gather3A_850 = arith.constant 0 : i32
    %gather3A_851 = arith.constant 0 : i32
    %gather3A_852 = tpu.memref_slice %arg10[%gather3A_849, %gather3A_850, %gather3A_851] : memref<8x32x128xf32, #tpu.memory_space<vmem>> -> memref<1x32x128xf32, #tpu.memory_space<vmem>>
    %gather3A_853 = tpu.memref_squeeze %gather3A_852 : memref<1x32x128xf32, #tpu.memory_space<vmem>> -> memref<32x128xf32, #tpu.memory_space<vmem>>
    %gather3A_854 = tpu.vector_load_idx %gather3A_853[%add3A_848, %and3A_787] : memref<32x128xf32, #tpu.memory_space<vmem>>[vector<16xi32>, vector<16xi32>], vector<16xf32>,
    tpu.vector_store_idx %arg12[%add3A_848, %broadcast_in_dim3A_789], %gather3A_854 : memref<32x512xf32, #tpu.memory_space<vmem>>[vector<16xi32>, vector<16xi32>], vector<16xf32>,
    %add3A_855 = arith.constant 16 : i32
    %add3A_856 = vector.broadcast %add3A_855 : i32 to vector<16xi32>
    %add3A_857 = arith.addi %iota3A, %add3A_856 : vector<16xi32>
    %gather3A_858 = arith.constant 2 : i32
    %gather3A_859 = arith.constant 0 : i32
    %gather3A_860 = arith.constant 0 : i32
    %gather3A_861 = tpu.memref_slice %arg10[%gather3A_858, %gather3A_859, %gather3A_860] : memref<8x32x128xf32, #tpu.memory_space<vmem>> -> memref<1x32x128xf32, #tpu.memory_space<vmem>>
    %gather3A_862 = tpu.memref_squeeze %gather3A_861 : memref<1x32x128xf32, #tpu.memory_space<vmem>> -> memref<32x128xf32, #tpu.memory_space<vmem>>
    %gather3A_863 = tpu.vector_load_idx %gather3A_862[%add3A_857, %and3A_787] : memref<32x128xf32, #tpu.memory_space<vmem>>[vector<16xi32>, vector<16xi32>], vector<16xf32>,
    tpu.vector_store_idx %arg12[%add3A_857, %broadcast_in_dim3A_789], %gather3A_863 : memref<32x512xf32, #tpu.memory_space<vmem>>[vector<16xi32>, vector<16xi32>], vector<16xf32>,
    %get3A_864 = arith.constant 496 : index
    %get3A_865 = tpu.vector_load %arg7[%get3A_864] {strides = array<i32>} : memref<512xi32, #tpu.memory_space<vmem>>, vector<16xi32>,
    %eq3A_866 = arith.constant 11 : i32
    %eq3A_867 = vector.broadcast %eq3A_866 : i32 to vector<16xi32>
    %eq3A_868 = arith.cmpi eq, %iota3A, %eq3A_867 : vector<16xi32>
    %jit3A_869 = arith.constant 0 : i32
    %broadcast_in_dim3A_870 = vector.broadcast %jit3A_869 : i32 to vector<16xi32>
    %select_n3A_871 = arith.select %eq3A_868, %get3A_865, %broadcast_in_dim3A_870 : vector<16xi1>, vector<16xi32>
    %reduce_sum3A_872 = arith.constant true
    %reduce_sum3A_873 = vector.broadcast %reduce_sum3A_872 : i1 to vector<16xi1>
    %reduce_sum3A_874 = tpu.scan <sum>, %select_n3A_871 masked %reduce_sum3A_873 : vector<16xi32>, vector<16xi1> -> vector<16xi32>
    %reduce_sum3A_875 = vector.extract %reduce_sum3A_874[15] : i32 from vector<16xi32>
    %broadcast_in_dim3A_876 = vector.broadcast %reduce_sum3A_875 : i32 to vector<16xi32>
    %and3A_877 = arith.constant 127 : i32
    %and3A_878 = vector.broadcast %and3A_877 : i32 to vector<16xi32>
    %and3A_879 = arith.andi %broadcast_in_dim3A_876, %and3A_878 : vector<16xi32>
    %get3A_880 = arith.constant 496 : index
    %get3A_881 = tpu.vector_load %arg8[%get3A_880] {strides = array<i32>} : memref<512xi32, #tpu.memory_space<vmem>>, vector<16xi32>,
    %eq3A_882 = arith.constant 11 : i32
    %eq3A_883 = vector.broadcast %eq3A_882 : i32 to vector<16xi32>
    %eq3A_884 = arith.cmpi eq, %iota3A, %eq3A_883 : vector<16xi32>
    %jit3A_885 = arith.constant 0 : i32
    %broadcast_in_dim3A_886 = vector.broadcast %jit3A_885 : i32 to vector<16xi32>
    %select_n3A_887 = arith.select %eq3A_884, %get3A_881, %broadcast_in_dim3A_886 : vector<16xi1>, vector<16xi32>
    %reduce_sum3A_888 = arith.constant true
    %reduce_sum3A_889 = vector.broadcast %reduce_sum3A_888 : i1 to vector<16xi1>
    %reduce_sum3A_890 = tpu.scan <sum>, %select_n3A_887 masked %reduce_sum3A_889 : vector<16xi32>, vector<16xi1> -> vector<16xi32>
    %reduce_sum3A_891 = vector.extract %reduce_sum3A_890[15] : i32 from vector<16xi32>
    %broadcast_in_dim3A_892 = vector.broadcast %reduce_sum3A_891 : i32 to vector<16xi32>
    %and3A_893 = arith.constant 127 : i32
    %and3A_894 = vector.broadcast %and3A_893 : i32 to vector<16xi32>
    %and3A_895 = arith.andi %broadcast_in_dim3A_892, %and3A_894 : vector<16xi32>
    %broadcast_in_dim3A_896 = arith.constant 507 : i32
    %broadcast_in_dim3A_897 = vector.broadcast %broadcast_in_dim3A_896 : i32 to vector<16xi32>
    %dma_wait3A_898 = arith.constant 3 : i32
    %dma_wait3A_899 = arith.constant 0 : i32
    %dma_wait3A_900 = arith.constant 3 : i32
    %dma_wait3A_901 = arith.constant 0 : i32
    %dma_wait3A_902 = arith.constant 0 : i32
    %dma_wait3A_903 = tpu.memref_slice %arg9[%dma_wait3A_898, %dma_wait3A_901, %dma_wait3A_902] : memref<8x32x128xf32, #tpu.memory_space<vmem>> -> memref<1x32x128xf32, #tpu.memory_space<vmem>>
    %dma_wait3A_904 = tpu.memref_squeeze %dma_wait3A_903 : memref<1x32x128xf32, #tpu.memory_space<vmem>> -> memref<32x128xf32, #tpu.memory_space<vmem>>
    %dma_wait3A_905 = arith.constant 0 : i32
    %dma_wait3A_906 = arith.constant 0 : i32
    %dma_wait3A_907 = tpu.memref_slice %arg4[%dma_wait3A_905, %dma_wait3A_906] : memref<32x1000000xf32, #tpu.memory_space<hbm>> -> memref<32x128xf32, #tpu.memory_space<hbm>>
    %dma_wait3A_908 = tpu.memref_slice %arg14[%dma_wait3A_899, %dma_wait3A_900] : memref<2x8x!tpu.dma_semaphore, #tpu.memory_space<semaphore_mem>> -> memref<1x1x!tpu.dma_semaphore, #tpu.memory_space<semaphore_mem>>
    %dma_wait3A_909 = tpu.memref_squeeze %dma_wait3A_908 : memref<1x1x!tpu.dma_semaphore, #tpu.memory_space<semaphore_mem>> -> memref<!tpu.dma_semaphore, #tpu.memory_space<semaphore_mem>>
    %dma_wait3A_910 = arith.constant 0 : i32
    %dma_wait3A_911 = arith.constant 0 : i32
    %dma_wait3A_912 = tpu.memref_slice %arg9[%dma_wait3A_898, %dma_wait3A_910, %dma_wait3A_911] : memref<8x32x128xf32, #tpu.memory_space<vmem>> -> memref<1x32x128xf32, #tpu.memory_space<vmem>>
    %dma_wait3A_913 = tpu.memref_squeeze %dma_wait3A_912 : memref<1x32x128xf32, #tpu.memory_space<vmem>> -> memref<32x128xf32, #tpu.memory_space<vmem>>
    %dma_wait3A_914 = arith.constant 0 : i32
    %dma_wait3A_915 = arith.constant 0 : i32
    %dma_wait3A_916 = tpu.memref_slice %arg4[%dma_wait3A_914, %dma_wait3A_915] : memref<32x1000000xf32, #tpu.memory_space<hbm>> -> memref<32x128xf32, #tpu.memory_space<hbm>>
    tpu.wait_dma2 semaphore(%dma_wait3A_909 : memref<!tpu.dma_semaphore, #tpu.memory_space<semaphore_mem>>) src(%dma_wait3A_916 : memref<32x128xf32, #tpu.memory_space<hbm>>) dst(%dma_wait3A_913 : memref<32x128xf32, #tpu.memory_space<vmem>>)
    %add3A_917 = arith.constant 0 : i32
    %add3A_918 = vector.broadcast %add3A_917 : i32 to vector<16xi32>
    %add3A_919 = arith.addi %iota3A, %add3A_918 : vector<16xi32>
    %gather3A_920 = arith.constant 3 : i32
    %gather3A_921 = arith.constant 0 : i32
    %gather3A_922 = arith.constant 0 : i32
    %gather3A_923 = tpu.memref_slice %arg9[%gather3A_920, %gather3A_921, %gather3A_922] : memref<8x32x128xf32, #tpu.memory_space<vmem>> -> memref<1x32x128xf32, #tpu.memory_space<vmem>>
    %gather3A_924 = tpu.memref_squeeze %gather3A_923 : memref<1x32x128xf32, #tpu.memory_space<vmem>> -> memref<32x128xf32, #tpu.memory_space<vmem>>
    %gather3A_925 = tpu.vector_load_idx %gather3A_924[%add3A_919, %and3A_879] : memref<32x128xf32, #tpu.memory_space<vmem>>[vector<16xi32>, vector<16xi32>], vector<16xf32>,
    tpu.vector_store_idx %arg11[%add3A_919, %broadcast_in_dim3A_897], %gather3A_925 : memref<32x512xf32, #tpu.memory_space<vmem>>[vector<16xi32>, vector<16xi32>], vector<16xf32>,
    %add3A_926 = arith.constant 16 : i32
    %add3A_927 = vector.broadcast %add3A_926 : i32 to vector<16xi32>
    %add3A_928 = arith.addi %iota3A, %add3A_927 : vector<16xi32>
    %gather3A_929 = arith.constant 3 : i32
    %gather3A_930 = arith.constant 0 : i32
    %gather3A_931 = arith.constant 0 : i32
    %gather3A_932 = tpu.memref_slice %arg9[%gather3A_929, %gather3A_930, %gather3A_931] : memref<8x32x128xf32, #tpu.memory_space<vmem>> -> memref<1x32x128xf32, #tpu.memory_space<vmem>>
    %gather3A_933 = tpu.memref_squeeze %gather3A_932 : memref<1x32x128xf32, #tpu.memory_space<vmem>> -> memref<32x128xf32, #tpu.memory_space<vmem>>
    %gather3A_934 = tpu.vector_load_idx %gather3A_933[%add3A_928, %and3A_879] : memref<32x128xf32, #tpu.memory_space<vmem>>[vector<16xi32>, vector<16xi32>], vector<16xf32>,
    tpu.vector_store_idx %arg11[%add3A_928, %broadcast_in_dim3A_897], %gather3A_934 : memref<32x512xf32, #tpu.memory_space<vmem>>[vector<16xi32>, vector<16xi32>], vector<16xf32>,
    %dma_wait3A_935 = arith.constant 3 : i32
    %dma_wait3A_936 = arith.constant 1 : i32
    %dma_wait3A_937 = arith.constant 3 : i32
    %dma_wait3A_938 = arith.constant 0 : i32
    %dma_wait3A_939 = arith.constant 0 : i32
    %dma_wait3A_940 = tpu.memref_slice %arg10[%dma_wait3A_935, %dma_wait3A_938, %dma_wait3A_939] : memref<8x32x128xf32, #tpu.memory_space<vmem>> -> memref<1x32x128xf32, #tpu.memory_space<vmem>>
    %dma_wait3A_941 = tpu.memref_squeeze %dma_wait3A_940 : memref<1x32x128xf32, #tpu.memory_space<vmem>> -> memref<32x128xf32, #tpu.memory_space<vmem>>
    %dma_wait3A_942 = arith.constant 0 : i32
    %dma_wait3A_943 = arith.constant 0 : i32
    %dma_wait3A_944 = tpu.memref_slice %arg5[%dma_wait3A_942, %dma_wait3A_943] : memref<32x1000000xf32, #tpu.memory_space<hbm>> -> memref<32x128xf32, #tpu.memory_space<hbm>>
    %dma_wait3A_945 = tpu.memref_slice %arg14[%dma_wait3A_936, %dma_wait3A_937] : memref<2x8x!tpu.dma_semaphore, #tpu.memory_space<semaphore_mem>> -> memref<1x1x!tpu.dma_semaphore, #tpu.memory_space<semaphore_mem>>
    %dma_wait3A_946 = tpu.memref_squeeze %dma_wait3A_945 : memref<1x1x!tpu.dma_semaphore, #tpu.memory_space<semaphore_mem>> -> memref<!tpu.dma_semaphore, #tpu.memory_space<semaphore_mem>>
    %dma_wait3A_947 = arith.constant 0 : i32
    %dma_wait3A_948 = arith.constant 0 : i32
    %dma_wait3A_949 = tpu.memref_slice %arg10[%dma_wait3A_935, %dma_wait3A_947, %dma_wait3A_948] : memref<8x32x128xf32, #tpu.memory_space<vmem>> -> memref<1x32x128xf32, #tpu.memory_space<vmem>>
    %dma_wait3A_950 = tpu.memref_squeeze %dma_wait3A_949 : memref<1x32x128xf32, #tpu.memory_space<vmem>> -> memref<32x128xf32, #tpu.memory_space<vmem>>
    %dma_wait3A_951 = arith.constant 0 : i32
    %dma_wait3A_952 = arith.constant 0 : i32
    %dma_wait3A_953 = tpu.memref_slice %arg5[%dma_wait3A_951, %dma_wait3A_952] : memref<32x1000000xf32, #tpu.memory_space<hbm>> -> memref<32x128xf32, #tpu.memory_space<hbm>>
    tpu.wait_dma2 semaphore(%dma_wait3A_946 : memref<!tpu.dma_semaphore, #tpu.memory_space<semaphore_mem>>) src(%dma_wait3A_953 : memref<32x128xf32, #tpu.memory_space<hbm>>) dst(%dma_wait3A_950 : memref<32x128xf32, #tpu.memory_space<vmem>>)
    %add3A_954 = arith.constant 0 : i32
    %add3A_955 = vector.broadcast %add3A_954 : i32 to vector<16xi32>
    %add3A_956 = arith.addi %iota3A, %add3A_955 : vector<16xi32>
    %gather3A_957 = arith.constant 3 : i32
    %gather3A_958 = arith.constant 0 : i32
    %gather3A_959 = arith.constant 0 : i32
    %gather3A_960 = tpu.memref_slice %arg10[%gather3A_957, %gather3A_958, %gather3A_959] : memref<8x32x128xf32, #tpu.memory_space<vmem>> -> memref<1x32x128xf32, #tpu.memory_space<vmem>>
    %gather3A_961 = tpu.memref_squeeze %gather3A_960 : memref<1x32x128xf32, #tpu.memory_space<vmem>> -> memref<32x128xf32, #tpu.memory_space<vmem>>
    %gather3A_962 = tpu.vector_load_idx %gather3A_961[%add3A_956, %and3A_895] : memref<32x128xf32, #tpu.memory_space<vmem>>[vector<16xi32>, vector<16xi32>], vector<16xf32>,
    tpu.vector_store_idx %arg12[%add3A_956, %broadcast_in_dim3A_897], %gather3A_962 : memref<32x512xf32, #tpu.memory_space<vmem>>[vector<16xi32>, vector<16xi32>], vector<16xf32>,
    %add3A_963 = arith.constant 16 : i32
    %add3A_964 = vector.broadcast %add3A_963 : i32 to vector<16xi32>
    %add3A_965 = arith.addi %iota3A, %add3A_964 : vector<16xi32>
    %gather3A_966 = arith.constant 3 : i32
    %gather3A_967 = arith.constant 0 : i32
    %gather3A_968 = arith.constant 0 : i32
    %gather3A_969 = tpu.memref_slice %arg10[%gather3A_966, %gather3A_967, %gather3A_968] : memref<8x32x128xf32, #tpu.memory_space<vmem>> -> memref<1x32x128xf32, #tpu.memory_space<vmem>>
    %gather3A_970 = tpu.memref_squeeze %gather3A_969 : memref<1x32x128xf32, #tpu.memory_space<vmem>> -> memref<32x128xf32, #tpu.memory_space<vmem>>
    %gather3A_971 = tpu.vector_load_idx %gather3A_970[%add3A_965, %and3A_895] : memref<32x128xf32, #tpu.memory_space<vmem>>[vector<16xi32>, vector<16xi32>], vector<16xf32>,
    tpu.vector_store_idx %arg12[%add3A_965, %broadcast_in_dim3A_897], %gather3A_971 : memref<32x512xf32, #tpu.memory_space<vmem>>[vector<16xi32>, vector<16xi32>], vector<16xf32>,
    %get3A_972 = arith.constant 496 : index
    %get3A_973 = tpu.vector_load %arg7[%get3A_972] {strides = array<i32>} : memref<512xi32, #tpu.memory_space<vmem>>, vector<16xi32>,
    %eq3A_974 = arith.constant 12 : i32
    %eq3A_975 = vector.broadcast %eq3A_974 : i32 to vector<16xi32>
    %eq3A_976 = arith.cmpi eq, %iota3A, %eq3A_975 : vector<16xi32>
    %jit3A_977 = arith.constant 0 : i32
    %broadcast_in_dim3A_978 = vector.broadcast %jit3A_977 : i32 to vector<16xi32>
    %select_n3A_979 = arith.select %eq3A_976, %get3A_973, %broadcast_in_dim3A_978 : vector<16xi1>, vector<16xi32>
    %reduce_sum3A_980 = arith.constant true
    %reduce_sum3A_981 = vector.broadcast %reduce_sum3A_980 : i1 to vector<16xi1>
    %reduce_sum3A_982 = tpu.scan <sum>, %select_n3A_979 masked %reduce_sum3A_981 : vector<16xi32>, vector<16xi1> -> vector<16xi32>
    %reduce_sum3A_983 = vector.extract %reduce_sum3A_982[15] : i32 from vector<16xi32>
    %broadcast_in_dim3A_984 = vector.broadcast %reduce_sum3A_983 : i32 to vector<16xi32>
    %and3A_985 = arith.constant 127 : i32
    %and3A_986 = vector.broadcast %and3A_985 : i32 to vector<16xi32>
    %and3A_987 = arith.andi %broadcast_in_dim3A_984, %and3A_986 : vector<16xi32>
    %get3A_988 = arith.constant 496 : index
    %get3A_989 = tpu.vector_load %arg8[%get3A_988] {strides = array<i32>} : memref<512xi32, #tpu.memory_space<vmem>>, vector<16xi32>,
    %eq3A_990 = arith.constant 12 : i32
    %eq3A_991 = vector.broadcast %eq3A_990 : i32 to vector<16xi32>
    %eq3A_992 = arith.cmpi eq, %iota3A, %eq3A_991 : vector<16xi32>
    %jit3A_993 = arith.constant 0 : i32
    %broadcast_in_dim3A_994 = vector.broadcast %jit3A_993 : i32 to vector<16xi32>
    %select_n3A_995 = arith.select %eq3A_992, %get3A_989, %broadcast_in_dim3A_994 : vector<16xi1>, vector<16xi32>
    %reduce_sum3A_996 = arith.constant true
    %reduce_sum3A_997 = vector.broadcast %reduce_sum3A_996 : i1 to vector<16xi1>
    %reduce_sum3A_998 = tpu.scan <sum>, %select_n3A_995 masked %reduce_sum3A_997 : vector<16xi32>, vector<16xi1> -> vector<16xi32>
    %reduce_sum3A_999 = vector.extract %reduce_sum3A_998[15] : i32 from vector<16xi32>
    %broadcast_in_dim3A_1000 = vector.broadcast %reduce_sum3A_999 : i32 to vector<16xi32>
    %and3A_1001 = arith.constant 127 : i32
    %and3A_1002 = vector.broadcast %and3A_1001 : i32 to vector<16xi32>
    %and3A_1003 = arith.andi %broadcast_in_dim3A_1000, %and3A_1002 : vector<16xi32>
    %broadcast_in_dim3A_1004 = arith.constant 508 : i32
    %broadcast_in_dim3A_1005 = vector.broadcast %broadcast_in_dim3A_1004 : i32 to vector<16xi32>
    %dma_wait3A_1006 = arith.constant 4 : i32
    %dma_wait3A_1007 = arith.constant 0 : i32
    %dma_wait3A_1008 = arith.constant 4 : i32
    %dma_wait3A_1009 = arith.constant 0 : i32
    %dma_wait3A_1010 = arith.constant 0 : i32
    %dma_wait3A_1011 = tpu.memref_slice %arg9[%dma_wait3A_1006, %dma_wait3A_1009, %dma_wait3A_1010] : memref<8x32x128xf32, #tpu.memory_space<vmem>> -> memref<1x32x128xf32, #tpu.memory_space<vmem>>
    %dma_wait3A_1012 = tpu.memref_squeeze %dma_wait3A_1011 : memref<1x32x128xf32, #tpu.memory_space<vmem>> -> memref<32x128xf32, #tpu.memory_space<vmem>>
    %dma_wait3A_1013 = arith.constant 0 : i32
    %dma_wait3A_1014 = arith.constant 0 : i32
    %dma_wait3A_1015 = tpu.memref_slice %arg4[%dma_wait3A_1013, %dma_wait3A_1014] : memref<32x1000000xf32, #tpu.memory_space<hbm>> -> memref<32x128xf32, #tpu.memory_space<hbm>>
    %dma_wait3A_1016 = tpu.memref_slice %arg14[%dma_wait3A_1007, %dma_wait3A_1008] : memref<2x8x!tpu.dma_semaphore, #tpu.memory_space<semaphore_mem>> -> memref<1x1x!tpu.dma_semaphore, #tpu.memory_space<semaphore_mem>>
    %dma_wait3A_1017 = tpu.memref_squeeze %dma_wait3A_1016 : memref<1x1x!tpu.dma_semaphore, #tpu.memory_space<semaphore_mem>> -> memref<!tpu.dma_semaphore, #tpu.memory_space<semaphore_mem>>
    %dma_wait3A_1018 = arith.constant 0 : i32
    %dma_wait3A_1019 = arith.constant 0 : i32
    %dma_wait3A_1020 = tpu.memref_slice %arg9[%dma_wait3A_1006, %dma_wait3A_1018, %dma_wait3A_1019] : memref<8x32x128xf32, #tpu.memory_space<vmem>> -> memref<1x32x128xf32, #tpu.memory_space<vmem>>
    %dma_wait3A_1021 = tpu.memref_squeeze %dma_wait3A_1020 : memref<1x32x128xf32, #tpu.memory_space<vmem>> -> memref<32x128xf32, #tpu.memory_space<vmem>>
    %dma_wait3A_1022 = arith.constant 0 : i32
    %dma_wait3A_1023 = arith.constant 0 : i32
    %dma_wait3A_1024 = tpu.memref_slice %arg4[%dma_wait3A_1022, %dma_wait3A_1023] : memref<32x1000000xf32, #tpu.memory_space<hbm>> -> memref<32x128xf32, #tpu.memory_space<hbm>>
    tpu.wait_dma2 semaphore(%dma_wait3A_1017 : memref<!tpu.dma_semaphore, #tpu.memory_space<semaphore_mem>>) src(%dma_wait3A_1024 : memref<32x128xf32, #tpu.memory_space<hbm>>) dst(%dma_wait3A_1021 : memref<32x128xf32, #tpu.memory_space<vmem>>)
    %add3A_1025 = arith.constant 0 : i32
    %add3A_1026 = vector.broadcast %add3A_1025 : i32 to vector<16xi32>
    %add3A_1027 = arith.addi %iota3A, %add3A_1026 : vector<16xi32>
    %gather3A_1028 = arith.constant 4 : i32
    %gather3A_1029 = arith.constant 0 : i32
    %gather3A_1030 = arith.constant 0 : i32
    %gather3A_1031 = tpu.memref_slice %arg9[%gather3A_1028, %gather3A_1029, %gather3A_1030] : memref<8x32x128xf32, #tpu.memory_space<vmem>> -> memref<1x32x128xf32, #tpu.memory_space<vmem>>
    %gather3A_1032 = tpu.memref_squeeze %gather3A_1031 : memref<1x32x128xf32, #tpu.memory_space<vmem>> -> memref<32x128xf32, #tpu.memory_space<vmem>>
    %gather3A_1033 = tpu.vector_load_idx %gather3A_1032[%add3A_1027, %and3A_987] : memref<32x128xf32, #tpu.memory_space<vmem>>[vector<16xi32>, vector<16xi32>], vector<16xf32>,
    tpu.vector_store_idx %arg11[%add3A_1027, %broadcast_in_dim3A_1005], %gather3A_1033 : memref<32x512xf32, #tpu.memory_space<vmem>>[vector<16xi32>, vector<16xi32>], vector<16xf32>,
    %add3A_1034 = arith.constant 16 : i32
    %add3A_1035 = vector.broadcast %add3A_1034 : i32 to vector<16xi32>
    %add3A_1036 = arith.addi %iota3A, %add3A_1035 : vector<16xi32>
    %gather3A_1037 = arith.constant 4 : i32
    %gather3A_1038 = arith.constant 0 : i32
    %gather3A_1039 = arith.constant 0 : i32
    %gather3A_1040 = tpu.memref_slice %arg9[%gather3A_1037, %gather3A_1038, %gather3A_1039] : memref<8x32x128xf32, #tpu.memory_space<vmem>> -> memref<1x32x128xf32, #tpu.memory_space<vmem>>
    %gather3A_1041 = tpu.memref_squeeze %gather3A_1040 : memref<1x32x128xf32, #tpu.memory_space<vmem>> -> memref<32x128xf32, #tpu.memory_space<vmem>>
    %gather3A_1042 = tpu.vector_load_idx %gather3A_1041[%add3A_1036, %and3A_987] : memref<32x128xf32, #tpu.memory_space<vmem>>[vector<16xi32>, vector<16xi32>], vector<16xf32>,
    tpu.vector_store_idx %arg11[%add3A_1036, %broadcast_in_dim3A_1005], %gather3A_1042 : memref<32x512xf32, #tpu.memory_space<vmem>>[vector<16xi32>, vector<16xi32>], vector<16xf32>,
    %dma_wait3A_1043 = arith.constant 4 : i32
    %dma_wait3A_1044 = arith.constant 1 : i32
    %dma_wait3A_1045 = arith.constant 4 : i32
    %dma_wait3A_1046 = arith.constant 0 : i32
    %dma_wait3A_1047 = arith.constant 0 : i32
    %dma_wait3A_1048 = tpu.memref_slice %arg10[%dma_wait3A_1043, %dma_wait3A_1046, %dma_wait3A_1047] : memref<8x32x128xf32, #tpu.memory_space<vmem>> -> memref<1x32x128xf32, #tpu.memory_space<vmem>>
    %dma_wait3A_1049 = tpu.memref_squeeze %dma_wait3A_1048 : memref<1x32x128xf32, #tpu.memory_space<vmem>> -> memref<32x128xf32, #tpu.memory_space<vmem>>
    %dma_wait3A_1050 = arith.constant 0 : i32
    %dma_wait3A_1051 = arith.constant 0 : i32
    %dma_wait3A_1052 = tpu.memref_slice %arg5[%dma_wait3A_1050, %dma_wait3A_1051] : memref<32x1000000xf32, #tpu.memory_space<hbm>> -> memref<32x128xf32, #tpu.memory_space<hbm>>
    %dma_wait3A_1053 = tpu.memref_slice %arg14[%dma_wait3A_1044, %dma_wait3A_1045] : memref<2x8x!tpu.dma_semaphore, #tpu.memory_space<semaphore_mem>> -> memref<1x1x!tpu.dma_semaphore, #tpu.memory_space<semaphore_mem>>
    %dma_wait3A_1054 = tpu.memref_squeeze %dma_wait3A_1053 : memref<1x1x!tpu.dma_semaphore, #tpu.memory_space<semaphore_mem>> -> memref<!tpu.dma_semaphore, #tpu.memory_space<semaphore_mem>>
    %dma_wait3A_1055 = arith.constant 0 : i32
    %dma_wait3A_1056 = arith.constant 0 : i32
    %dma_wait3A_1057 = tpu.memref_slice %arg10[%dma_wait3A_1043, %dma_wait3A_1055, %dma_wait3A_1056] : memref<8x32x128xf32, #tpu.memory_space<vmem>> -> memref<1x32x128xf32, #tpu.memory_space<vmem>>
    %dma_wait3A_1058 = tpu.memref_squeeze %dma_wait3A_1057 : memref<1x32x128xf32, #tpu.memory_space<vmem>> -> memref<32x128xf32, #tpu.memory_space<vmem>>
    %dma_wait3A_1059 = arith.constant 0 : i32
    %dma_wait3A_1060 = arith.constant 0 : i32
    %dma_wait3A_1061 = tpu.memref_slice %arg5[%dma_wait3A_1059, %dma_wait3A_1060] : memref<32x1000000xf32, #tpu.memory_space<hbm>> -> memref<32x128xf32, #tpu.memory_space<hbm>>
    tpu.wait_dma2 semaphore(%dma_wait3A_1054 : memref<!tpu.dma_semaphore, #tpu.memory_space<semaphore_mem>>) src(%dma_wait3A_1061 : memref<32x128xf32, #tpu.memory_space<hbm>>) dst(%dma_wait3A_1058 : memref<32x128xf32, #tpu.memory_space<vmem>>)
    %add3A_1062 = arith.constant 0 : i32
    %add3A_1063 = vector.broadcast %add3A_1062 : i32 to vector<16xi32>
    %add3A_1064 = arith.addi %iota3A, %add3A_1063 : vector<16xi32>
    %gather3A_1065 = arith.constant 4 : i32
    %gather3A_1066 = arith.constant 0 : i32
    %gather3A_1067 = arith.constant 0 : i32
    %gather3A_1068 = tpu.memref_slice %arg10[%gather3A_1065, %gather3A_1066, %gather3A_1067] : memref<8x32x128xf32, #tpu.memory_space<vmem>> -> memref<1x32x128xf32, #tpu.memory_space<vmem>>
    %gather3A_1069 = tpu.memref_squeeze %gather3A_1068 : memref<1x32x128xf32, #tpu.memory_space<vmem>> -> memref<32x128xf32, #tpu.memory_space<vmem>>
    %gather3A_1070 = tpu.vector_load_idx %gather3A_1069[%add3A_1064, %and3A_1003] : memref<32x128xf32, #tpu.memory_space<vmem>>[vector<16xi32>, vector<16xi32>], vector<16xf32>,
    tpu.vector_store_idx %arg12[%add3A_1064, %broadcast_in_dim3A_1005], %gather3A_1070 : memref<32x512xf32, #tpu.memory_space<vmem>>[vector<16xi32>, vector<16xi32>], vector<16xf32>,
    %add3A_1071 = arith.constant 16 : i32
    %add3A_1072 = vector.broadcast %add3A_1071 : i32 to vector<16xi32>
    %add3A_1073 = arith.addi %iota3A, %add3A_1072 : vector<16xi32>
    %gather3A_1074 = arith.constant 4 : i32
    %gather3A_1075 = arith.constant 0 : i32
    %gather3A_1076 = arith.constant 0 : i32
    %gather3A_1077 = tpu.memref_slice %arg10[%gather3A_1074, %gather3A_1075, %gather3A_1076] : memref<8x32x128xf32, #tpu.memory_space<vmem>> -> memref<1x32x128xf32, #tpu.memory_space<vmem>>
    %gather3A_1078 = tpu.memref_squeeze %gather3A_1077 : memref<1x32x128xf32, #tpu.memory_space<vmem>> -> memref<32x128xf32, #tpu.memory_space<vmem>>
    %gather3A_1079 = tpu.vector_load_idx %gather3A_1078[%add3A_1073, %and3A_1003] : memref<32x128xf32, #tpu.memory_space<vmem>>[vector<16xi32>, vector<16xi32>], vector<16xf32>,
    tpu.vector_store_idx %arg12[%add3A_1073, %broadcast_in_dim3A_1005], %gather3A_1079 : memref<32x512xf32, #tpu.memory_space<vmem>>[vector<16xi32>, vector<16xi32>], vector<16xf32>,
    %get3A_1080 = arith.constant 496 : index
    %get3A_1081 = tpu.vector_load %arg7[%get3A_1080] {strides = array<i32>} : memref<512xi32, #tpu.memory_space<vmem>>, vector<16xi32>,
    %eq3A_1082 = arith.constant 13 : i32
    %eq3A_1083 = vector.broadcast %eq3A_1082 : i32 to vector<16xi32>
    %eq3A_1084 = arith.cmpi eq, %iota3A, %eq3A_1083 : vector<16xi32>
    %jit3A_1085 = arith.constant 0 : i32
    %broadcast_in_dim3A_1086 = vector.broadcast %jit3A_1085 : i32 to vector<16xi32>
    %select_n3A_1087 = arith.select %eq3A_1084, %get3A_1081, %broadcast_in_dim3A_1086 : vector<16xi1>, vector<16xi32>
    %reduce_sum3A_1088 = arith.constant true
    %reduce_sum3A_1089 = vector.broadcast %reduce_sum3A_1088 : i1 to vector<16xi1>
    %reduce_sum3A_1090 = tpu.scan <sum>, %select_n3A_1087 masked %reduce_sum3A_1089 : vector<16xi32>, vector<16xi1> -> vector<16xi32>
    %reduce_sum3A_1091 = vector.extract %reduce_sum3A_1090[15] : i32 from vector<16xi32>
    %broadcast_in_dim3A_1092 = vector.broadcast %reduce_sum3A_1091 : i32 to vector<16xi32>
    %and3A_1093 = arith.constant 127 : i32
    %and3A_1094 = vector.broadcast %and3A_1093 : i32 to vector<16xi32>
    %and3A_1095 = arith.andi %broadcast_in_dim3A_1092, %and3A_1094 : vector<16xi32>
    %get3A_1096 = arith.constant 496 : index
    %get3A_1097 = tpu.vector_load %arg8[%get3A_1096] {strides = array<i32>} : memref<512xi32, #tpu.memory_space<vmem>>, vector<16xi32>,
    %eq3A_1098 = arith.constant 13 : i32
    %eq3A_1099 = vector.broadcast %eq3A_1098 : i32 to vector<16xi32>
    %eq3A_1100 = arith.cmpi eq, %iota3A, %eq3A_1099 : vector<16xi32>
    %jit3A_1101 = arith.constant 0 : i32
    %broadcast_in_dim3A_1102 = vector.broadcast %jit3A_1101 : i32 to vector<16xi32>
    %select_n3A_1103 = arith.select %eq3A_1100, %get3A_1097, %broadcast_in_dim3A_1102 : vector<16xi1>, vector<16xi32>
    %reduce_sum3A_1104 = arith.constant true
    %reduce_sum3A_1105 = vector.broadcast %reduce_sum3A_1104 : i1 to vector<16xi1>
    %reduce_sum3A_1106 = tpu.scan <sum>, %select_n3A_1103 masked %reduce_sum3A_1105 : vector<16xi32>, vector<16xi1> -> vector<16xi32>
    %reduce_sum3A_1107 = vector.extract %reduce_sum3A_1106[15] : i32 from vector<16xi32>
    %broadcast_in_dim3A_1108 = vector.broadcast %reduce_sum3A_1107 : i32 to vector<16xi32>
    %and3A_1109 = arith.constant 127 : i32
    %and3A_1110 = vector.broadcast %and3A_1109 : i32 to vector<16xi32>
    %and3A_1111 = arith.andi %broadcast_in_dim3A_1108, %and3A_1110 : vector<16xi32>
    %broadcast_in_dim3A_1112 = arith.constant 509 : i32
    %broadcast_in_dim3A_1113 = vector.broadcast %broadcast_in_dim3A_1112 : i32 to vector<16xi32>
    %dma_wait3A_1114 = arith.constant 5 : i32
    %dma_wait3A_1115 = arith.constant 0 : i32
    %dma_wait3A_1116 = arith.constant 5 : i32
    %dma_wait3A_1117 = arith.constant 0 : i32
    %dma_wait3A_1118 = arith.constant 0 : i32
    %dma_wait3A_1119 = tpu.memref_slice %arg9[%dma_wait3A_1114, %dma_wait3A_1117, %dma_wait3A_1118] : memref<8x32x128xf32, #tpu.memory_space<vmem>> -> memref<1x32x128xf32, #tpu.memory_space<vmem>>
    %dma_wait3A_1120 = tpu.memref_squeeze %dma_wait3A_1119 : memref<1x32x128xf32, #tpu.memory_space<vmem>> -> memref<32x128xf32, #tpu.memory_space<vmem>>
    %dma_wait3A_1121 = arith.constant 0 : i32
    %dma_wait3A_1122 = arith.constant 0 : i32
    %dma_wait3A_1123 = tpu.memref_slice %arg4[%dma_wait3A_1121, %dma_wait3A_1122] : memref<32x1000000xf32, #tpu.memory_space<hbm>> -> memref<32x128xf32, #tpu.memory_space<hbm>>
    %dma_wait3A_1124 = tpu.memref_slice %arg14[%dma_wait3A_1115, %dma_wait3A_1116] : memref<2x8x!tpu.dma_semaphore, #tpu.memory_space<semaphore_mem>> -> memref<1x1x!tpu.dma_semaphore, #tpu.memory_space<semaphore_mem>>
    %dma_wait3A_1125 = tpu.memref_squeeze %dma_wait3A_1124 : memref<1x1x!tpu.dma_semaphore, #tpu.memory_space<semaphore_mem>> -> memref<!tpu.dma_semaphore, #tpu.memory_space<semaphore_mem>>
    %dma_wait3A_1126 = arith.constant 0 : i32
    %dma_wait3A_1127 = arith.constant 0 : i32
    %dma_wait3A_1128 = tpu.memref_slice %arg9[%dma_wait3A_1114, %dma_wait3A_1126, %dma_wait3A_1127] : memref<8x32x128xf32, #tpu.memory_space<vmem>> -> memref<1x32x128xf32, #tpu.memory_space<vmem>>
    %dma_wait3A_1129 = tpu.memref_squeeze %dma_wait3A_1128 : memref<1x32x128xf32, #tpu.memory_space<vmem>> -> memref<32x128xf32, #tpu.memory_space<vmem>>
    %dma_wait3A_1130 = arith.constant 0 : i32
    %dma_wait3A_1131 = arith.constant 0 : i32
    %dma_wait3A_1132 = tpu.memref_slice %arg4[%dma_wait3A_1130, %dma_wait3A_1131] : memref<32x1000000xf32, #tpu.memory_space<hbm>> -> memref<32x128xf32, #tpu.memory_space<hbm>>
    tpu.wait_dma2 semaphore(%dma_wait3A_1125 : memref<!tpu.dma_semaphore, #tpu.memory_space<semaphore_mem>>) src(%dma_wait3A_1132 : memref<32x128xf32, #tpu.memory_space<hbm>>) dst(%dma_wait3A_1129 : memref<32x128xf32, #tpu.memory_space<vmem>>)
    %add3A_1133 = arith.constant 0 : i32
    %add3A_1134 = vector.broadcast %add3A_1133 : i32 to vector<16xi32>
    %add3A_1135 = arith.addi %iota3A, %add3A_1134 : vector<16xi32>
    %gather3A_1136 = arith.constant 5 : i32
    %gather3A_1137 = arith.constant 0 : i32
    %gather3A_1138 = arith.constant 0 : i32
    %gather3A_1139 = tpu.memref_slice %arg9[%gather3A_1136, %gather3A_1137, %gather3A_1138] : memref<8x32x128xf32, #tpu.memory_space<vmem>> -> memref<1x32x128xf32, #tpu.memory_space<vmem>>
    %gather3A_1140 = tpu.memref_squeeze %gather3A_1139 : memref<1x32x128xf32, #tpu.memory_space<vmem>> -> memref<32x128xf32, #tpu.memory_space<vmem>>
    %gather3A_1141 = tpu.vector_load_idx %gather3A_1140[%add3A_1135, %and3A_1095] : memref<32x128xf32, #tpu.memory_space<vmem>>[vector<16xi32>, vector<16xi32>], vector<16xf32>,
    tpu.vector_store_idx %arg11[%add3A_1135, %broadcast_in_dim3A_1113], %gather3A_1141 : memref<32x512xf32, #tpu.memory_space<vmem>>[vector<16xi32>, vector<16xi32>], vector<16xf32>,
    %add3A_1142 = arith.constant 16 : i32
    %add3A_1143 = vector.broadcast %add3A_1142 : i32 to vector<16xi32>
    %add3A_1144 = arith.addi %iota3A, %add3A_1143 : vector<16xi32>
    %gather3A_1145 = arith.constant 5 : i32
    %gather3A_1146 = arith.constant 0 : i32
    %gather3A_1147 = arith.constant 0 : i32
    %gather3A_1148 = tpu.memref_slice %arg9[%gather3A_1145, %gather3A_1146, %gather3A_1147] : memref<8x32x128xf32, #tpu.memory_space<vmem>> -> memref<1x32x128xf32, #tpu.memory_space<vmem>>
    %gather3A_1149 = tpu.memref_squeeze %gather3A_1148 : memref<1x32x128xf32, #tpu.memory_space<vmem>> -> memref<32x128xf32, #tpu.memory_space<vmem>>
    %gather3A_1150 = tpu.vector_load_idx %gather3A_1149[%add3A_1144, %and3A_1095] : memref<32x128xf32, #tpu.memory_space<vmem>>[vector<16xi32>, vector<16xi32>], vector<16xf32>,
    tpu.vector_store_idx %arg11[%add3A_1144, %broadcast_in_dim3A_1113], %gather3A_1150 : memref<32x512xf32, #tpu.memory_space<vmem>>[vector<16xi32>, vector<16xi32>], vector<16xf32>,
    %dma_wait3A_1151 = arith.constant 5 : i32
    %dma_wait3A_1152 = arith.constant 1 : i32
    %dma_wait3A_1153 = arith.constant 5 : i32
    %dma_wait3A_1154 = arith.constant 0 : i32
    %dma_wait3A_1155 = arith.constant 0 : i32
    %dma_wait3A_1156 = tpu.memref_slice %arg10[%dma_wait3A_1151, %dma_wait3A_1154, %dma_wait3A_1155] : memref<8x32x128xf32, #tpu.memory_space<vmem>> -> memref<1x32x128xf32, #tpu.memory_space<vmem>>
    %dma_wait3A_1157 = tpu.memref_squeeze %dma_wait3A_1156 : memref<1x32x128xf32, #tpu.memory_space<vmem>> -> memref<32x128xf32, #tpu.memory_space<vmem>>
    %dma_wait3A_1158 = arith.constant 0 : i32
    %dma_wait3A_1159 = arith.constant 0 : i32
    %dma_wait3A_1160 = tpu.memref_slice %arg5[%dma_wait3A_1158, %dma_wait3A_1159] : memref<32x1000000xf32, #tpu.memory_space<hbm>> -> memref<32x128xf32, #tpu.memory_space<hbm>>
    %dma_wait3A_1161 = tpu.memref_slice %arg14[%dma_wait3A_1152, %dma_wait3A_1153] : memref<2x8x!tpu.dma_semaphore, #tpu.memory_space<semaphore_mem>> -> memref<1x1x!tpu.dma_semaphore, #tpu.memory_space<semaphore_mem>>
    %dma_wait3A_1162 = tpu.memref_squeeze %dma_wait3A_1161 : memref<1x1x!tpu.dma_semaphore, #tpu.memory_space<semaphore_mem>> -> memref<!tpu.dma_semaphore, #tpu.memory_space<semaphore_mem>>
    %dma_wait3A_1163 = arith.constant 0 : i32
    %dma_wait3A_1164 = arith.constant 0 : i32
    %dma_wait3A_1165 = tpu.memref_slice %arg10[%dma_wait3A_1151, %dma_wait3A_1163, %dma_wait3A_1164] : memref<8x32x128xf32, #tpu.memory_space<vmem>> -> memref<1x32x128xf32, #tpu.memory_space<vmem>>
    %dma_wait3A_1166 = tpu.memref_squeeze %dma_wait3A_1165 : memref<1x32x128xf32, #tpu.memory_space<vmem>> -> memref<32x128xf32, #tpu.memory_space<vmem>>
    %dma_wait3A_1167 = arith.constant 0 : i32
    %dma_wait3A_1168 = arith.constant 0 : i32
    %dma_wait3A_1169 = tpu.memref_slice %arg5[%dma_wait3A_1167, %dma_wait3A_1168] : memref<32x1000000xf32, #tpu.memory_space<hbm>> -> memref<32x128xf32, #tpu.memory_space<hbm>>
    tpu.wait_dma2 semaphore(%dma_wait3A_1162 : memref<!tpu.dma_semaphore, #tpu.memory_space<semaphore_mem>>) src(%dma_wait3A_1169 : memref<32x128xf32, #tpu.memory_space<hbm>>) dst(%dma_wait3A_1166 : memref<32x128xf32, #tpu.memory_space<vmem>>)
    %add3A_1170 = arith.constant 0 : i32
    %add3A_1171 = vector.broadcast %add3A_1170 : i32 to vector<16xi32>
    %add3A_1172 = arith.addi %iota3A, %add3A_1171 : vector<16xi32>
    %gather3A_1173 = arith.constant 5 : i32
    %gather3A_1174 = arith.constant 0 : i32
    %gather3A_1175 = arith.constant 0 : i32
    %gather3A_1176 = tpu.memref_slice %arg10[%gather3A_1173, %gather3A_1174, %gather3A_1175] : memref<8x32x128xf32, #tpu.memory_space<vmem>> -> memref<1x32x128xf32, #tpu.memory_space<vmem>>
    %gather3A_1177 = tpu.memref_squeeze %gather3A_1176 : memref<1x32x128xf32, #tpu.memory_space<vmem>> -> memref<32x128xf32, #tpu.memory_space<vmem>>
    %gather3A_1178 = tpu.vector_load_idx %gather3A_1177[%add3A_1172, %and3A_1111] : memref<32x128xf32, #tpu.memory_space<vmem>>[vector<16xi32>, vector<16xi32>], vector<16xf32>,
    tpu.vector_store_idx %arg12[%add3A_1172, %broadcast_in_dim3A_1113], %gather3A_1178 : memref<32x512xf32, #tpu.memory_space<vmem>>[vector<16xi32>, vector<16xi32>], vector<16xf32>,
    %add3A_1179 = arith.constant 16 : i32
    %add3A_1180 = vector.broadcast %add3A_1179 : i32 to vector<16xi32>
    %add3A_1181 = arith.addi %iota3A, %add3A_1180 : vector<16xi32>
    %gather3A_1182 = arith.constant 5 : i32
    %gather3A_1183 = arith.constant 0 : i32
    %gather3A_1184 = arith.constant 0 : i32
    %gather3A_1185 = tpu.memref_slice %arg10[%gather3A_1182, %gather3A_1183, %gather3A_1184] : memref<8x32x128xf32, #tpu.memory_space<vmem>> -> memref<1x32x128xf32, #tpu.memory_space<vmem>>
    %gather3A_1186 = tpu.memref_squeeze %gather3A_1185 : memref<1x32x128xf32, #tpu.memory_space<vmem>> -> memref<32x128xf32, #tpu.memory_space<vmem>>
    %gather3A_1187 = tpu.vector_load_idx %gather3A_1186[%add3A_1181, %and3A_1111] : memref<32x128xf32, #tpu.memory_space<vmem>>[vector<16xi32>, vector<16xi32>], vector<16xf32>,
    tpu.vector_store_idx %arg12[%add3A_1181, %broadcast_in_dim3A_1113], %gather3A_1187 : memref<32x512xf32, #tpu.memory_space<vmem>>[vector<16xi32>, vector<16xi32>], vector<16xf32>,
    %get3A_1188 = arith.constant 496 : index
    %get3A_1189 = tpu.vector_load %arg7[%get3A_1188] {strides = array<i32>} : memref<512xi32, #tpu.memory_space<vmem>>, vector<16xi32>,
    %eq3A_1190 = arith.constant 14 : i32
    %eq3A_1191 = vector.broadcast %eq3A_1190 : i32 to vector<16xi32>
    %eq3A_1192 = arith.cmpi eq, %iota3A, %eq3A_1191 : vector<16xi32>
    %jit3A_1193 = arith.constant 0 : i32
    %broadcast_in_dim3A_1194 = vector.broadcast %jit3A_1193 : i32 to vector<16xi32>
    %select_n3A_1195 = arith.select %eq3A_1192, %get3A_1189, %broadcast_in_dim3A_1194 : vector<16xi1>, vector<16xi32>
    %reduce_sum3A_1196 = arith.constant true
    %reduce_sum3A_1197 = vector.broadcast %reduce_sum3A_1196 : i1 to vector<16xi1>
    %reduce_sum3A_1198 = tpu.scan <sum>, %select_n3A_1195 masked %reduce_sum3A_1197 : vector<16xi32>, vector<16xi1> -> vector<16xi32>
    %reduce_sum3A_1199 = vector.extract %reduce_sum3A_1198[15] : i32 from vector<16xi32>
    %broadcast_in_dim3A_1200 = vector.broadcast %reduce_sum3A_1199 : i32 to vector<16xi32>
    %and3A_1201 = arith.constant 127 : i32
    %and3A_1202 = vector.broadcast %and3A_1201 : i32 to vector<16xi32>
    %and3A_1203 = arith.andi %broadcast_in_dim3A_1200, %and3A_1202 : vector<16xi32>
    %get3A_1204 = arith.constant 496 : index
    %get3A_1205 = tpu.vector_load %arg8[%get3A_1204] {strides = array<i32>} : memref<512xi32, #tpu.memory_space<vmem>>, vector<16xi32>,
    %eq3A_1206 = arith.constant 14 : i32
    %eq3A_1207 = vector.broadcast %eq3A_1206 : i32 to vector<16xi32>
    %eq3A_1208 = arith.cmpi eq, %iota3A, %eq3A_1207 : vector<16xi32>
    %jit3A_1209 = arith.constant 0 : i32
    %broadcast_in_dim3A_1210 = vector.broadcast %jit3A_1209 : i32 to vector<16xi32>
    %select_n3A_1211 = arith.select %eq3A_1208, %get3A_1205, %broadcast_in_dim3A_1210 : vector<16xi1>, vector<16xi32>
    %reduce_sum3A_1212 = arith.constant true
    %reduce_sum3A_1213 = vector.broadcast %reduce_sum3A_1212 : i1 to vector<16xi1>
    %reduce_sum3A_1214 = tpu.scan <sum>, %select_n3A_1211 masked %reduce_sum3A_1213 : vector<16xi32>, vector<16xi1> -> vector<16xi32>
    %reduce_sum3A_1215 = vector.extract %reduce_sum3A_1214[15] : i32 from vector<16xi32>
    %broadcast_in_dim3A_1216 = vector.broadcast %reduce_sum3A_1215 : i32 to vector<16xi32>
    %and3A_1217 = arith.constant 127 : i32
    %and3A_1218 = vector.broadcast %and3A_1217 : i32 to vector<16xi32>
    %and3A_1219 = arith.andi %broadcast_in_dim3A_1216, %and3A_1218 : vector<16xi32>
    %broadcast_in_dim3A_1220 = arith.constant 510 : i32
    %broadcast_in_dim3A_1221 = vector.broadcast %broadcast_in_dim3A_1220 : i32 to vector<16xi32>
    %dma_wait3A_1222 = arith.constant 6 : i32
    %dma_wait3A_1223 = arith.constant 0 : i32
    %dma_wait3A_1224 = arith.constant 6 : i32
    %dma_wait3A_1225 = arith.constant 0 : i32
    %dma_wait3A_1226 = arith.constant 0 : i32
    %dma_wait3A_1227 = tpu.memref_slice %arg9[%dma_wait3A_1222, %dma_wait3A_1225, %dma_wait3A_1226] : memref<8x32x128xf32, #tpu.memory_space<vmem>> -> memref<1x32x128xf32, #tpu.memory_space<vmem>>
    %dma_wait3A_1228 = tpu.memref_squeeze %dma_wait3A_1227 : memref<1x32x128xf32, #tpu.memory_space<vmem>> -> memref<32x128xf32, #tpu.memory_space<vmem>>
    %dma_wait3A_1229 = arith.constant 0 : i32
    %dma_wait3A_1230 = arith.constant 0 : i32
    %dma_wait3A_1231 = tpu.memref_slice %arg4[%dma_wait3A_1229, %dma_wait3A_1230] : memref<32x1000000xf32, #tpu.memory_space<hbm>> -> memref<32x128xf32, #tpu.memory_space<hbm>>
    %dma_wait3A_1232 = tpu.memref_slice %arg14[%dma_wait3A_1223, %dma_wait3A_1224] : memref<2x8x!tpu.dma_semaphore, #tpu.memory_space<semaphore_mem>> -> memref<1x1x!tpu.dma_semaphore, #tpu.memory_space<semaphore_mem>>
    %dma_wait3A_1233 = tpu.memref_squeeze %dma_wait3A_1232 : memref<1x1x!tpu.dma_semaphore, #tpu.memory_space<semaphore_mem>> -> memref<!tpu.dma_semaphore, #tpu.memory_space<semaphore_mem>>
    %dma_wait3A_1234 = arith.constant 0 : i32
    %dma_wait3A_1235 = arith.constant 0 : i32
    %dma_wait3A_1236 = tpu.memref_slice %arg9[%dma_wait3A_1222, %dma_wait3A_1234, %dma_wait3A_1235] : memref<8x32x128xf32, #tpu.memory_space<vmem>> -> memref<1x32x128xf32, #tpu.memory_space<vmem>>
    %dma_wait3A_1237 = tpu.memref_squeeze %dma_wait3A_1236 : memref<1x32x128xf32, #tpu.memory_space<vmem>> -> memref<32x128xf32, #tpu.memory_space<vmem>>
    %dma_wait3A_1238 = arith.constant 0 : i32
    %dma_wait3A_1239 = arith.constant 0 : i32
    %dma_wait3A_1240 = tpu.memref_slice %arg4[%dma_wait3A_1238, %dma_wait3A_1239] : memref<32x1000000xf32, #tpu.memory_space<hbm>> -> memref<32x128xf32, #tpu.memory_space<hbm>>
    tpu.wait_dma2 semaphore(%dma_wait3A_1233 : memref<!tpu.dma_semaphore, #tpu.memory_space<semaphore_mem>>) src(%dma_wait3A_1240 : memref<32x128xf32, #tpu.memory_space<hbm>>) dst(%dma_wait3A_1237 : memref<32x128xf32, #tpu.memory_space<vmem>>)
    %add3A_1241 = arith.constant 0 : i32
    %add3A_1242 = vector.broadcast %add3A_1241 : i32 to vector<16xi32>
    %add3A_1243 = arith.addi %iota3A, %add3A_1242 : vector<16xi32>
    %gather3A_1244 = arith.constant 6 : i32
    %gather3A_1245 = arith.constant 0 : i32
    %gather3A_1246 = arith.constant 0 : i32
    %gather3A_1247 = tpu.memref_slice %arg9[%gather3A_1244, %gather3A_1245, %gather3A_1246] : memref<8x32x128xf32, #tpu.memory_space<vmem>> -> memref<1x32x128xf32, #tpu.memory_space<vmem>>
    %gather3A_1248 = tpu.memref_squeeze %gather3A_1247 : memref<1x32x128xf32, #tpu.memory_space<vmem>> -> memref<32x128xf32, #tpu.memory_space<vmem>>
    %gather3A_1249 = tpu.vector_load_idx %gather3A_1248[%add3A_1243, %and3A_1203] : memref<32x128xf32, #tpu.memory_space<vmem>>[vector<16xi32>, vector<16xi32>], vector<16xf32>,
    tpu.vector_store_idx %arg11[%add3A_1243, %broadcast_in_dim3A_1221], %gather3A_1249 : memref<32x512xf32, #tpu.memory_space<vmem>>[vector<16xi32>, vector<16xi32>], vector<16xf32>,
    %add3A_1250 = arith.constant 16 : i32
    %add3A_1251 = vector.broadcast %add3A_1250 : i32 to vector<16xi32>
    %add3A_1252 = arith.addi %iota3A, %add3A_1251 : vector<16xi32>
    %gather3A_1253 = arith.constant 6 : i32
    %gather3A_1254 = arith.constant 0 : i32
    %gather3A_1255 = arith.constant 0 : i32
    %gather3A_1256 = tpu.memref_slice %arg9[%gather3A_1253, %gather3A_1254, %gather3A_1255] : memref<8x32x128xf32, #tpu.memory_space<vmem>> -> memref<1x32x128xf32, #tpu.memory_space<vmem>>
    %gather3A_1257 = tpu.memref_squeeze %gather3A_1256 : memref<1x32x128xf32, #tpu.memory_space<vmem>> -> memref<32x128xf32, #tpu.memory_space<vmem>>
    %gather3A_1258 = tpu.vector_load_idx %gather3A_1257[%add3A_1252, %and3A_1203] : memref<32x128xf32, #tpu.memory_space<vmem>>[vector<16xi32>, vector<16xi32>], vector<16xf32>,
    tpu.vector_store_idx %arg11[%add3A_1252, %broadcast_in_dim3A_1221], %gather3A_1258 : memref<32x512xf32, #tpu.memory_space<vmem>>[vector<16xi32>, vector<16xi32>], vector<16xf32>,
    %dma_wait3A_1259 = arith.constant 6 : i32
    %dma_wait3A_1260 = arith.constant 1 : i32
    %dma_wait3A_1261 = arith.constant 6 : i32
    %dma_wait3A_1262 = arith.constant 0 : i32
    %dma_wait3A_1263 = arith.constant 0 : i32
    %dma_wait3A_1264 = tpu.memref_slice %arg10[%dma_wait3A_1259, %dma_wait3A_1262, %dma_wait3A_1263] : memref<8x32x128xf32, #tpu.memory_space<vmem>> -> memref<1x32x128xf32, #tpu.memory_space<vmem>>
    %dma_wait3A_1265 = tpu.memref_squeeze %dma_wait3A_1264 : memref<1x32x128xf32, #tpu.memory_space<vmem>> -> memref<32x128xf32, #tpu.memory_space<vmem>>
    %dma_wait3A_1266 = arith.constant 0 : i32
    %dma_wait3A_1267 = arith.constant 0 : i32
    %dma_wait3A_1268 = tpu.memref_slice %arg5[%dma_wait3A_1266, %dma_wait3A_1267] : memref<32x1000000xf32, #tpu.memory_space<hbm>> -> memref<32x128xf32, #tpu.memory_space<hbm>>
    %dma_wait3A_1269 = tpu.memref_slice %arg14[%dma_wait3A_1260, %dma_wait3A_1261] : memref<2x8x!tpu.dma_semaphore, #tpu.memory_space<semaphore_mem>> -> memref<1x1x!tpu.dma_semaphore, #tpu.memory_space<semaphore_mem>>
    %dma_wait3A_1270 = tpu.memref_squeeze %dma_wait3A_1269 : memref<1x1x!tpu.dma_semaphore, #tpu.memory_space<semaphore_mem>> -> memref<!tpu.dma_semaphore, #tpu.memory_space<semaphore_mem>>
    %dma_wait3A_1271 = arith.constant 0 : i32
    %dma_wait3A_1272 = arith.constant 0 : i32
    %dma_wait3A_1273 = tpu.memref_slice %arg10[%dma_wait3A_1259, %dma_wait3A_1271, %dma_wait3A_1272] : memref<8x32x128xf32, #tpu.memory_space<vmem>> -> memref<1x32x128xf32, #tpu.memory_space<vmem>>
    %dma_wait3A_1274 = tpu.memref_squeeze %dma_wait3A_1273 : memref<1x32x128xf32, #tpu.memory_space<vmem>> -> memref<32x128xf32, #tpu.memory_space<vmem>>
    %dma_wait3A_1275 = arith.constant 0 : i32
    %dma_wait3A_1276 = arith.constant 0 : i32
    %dma_wait3A_1277 = tpu.memref_slice %arg5[%dma_wait3A_1275, %dma_wait3A_1276] : memref<32x1000000xf32, #tpu.memory_space<hbm>> -> memref<32x128xf32, #tpu.memory_space<hbm>>
    tpu.wait_dma2 semaphore(%dma_wait3A_1270 : memref<!tpu.dma_semaphore, #tpu.memory_space<semaphore_mem>>) src(%dma_wait3A_1277 : memref<32x128xf32, #tpu.memory_space<hbm>>) dst(%dma_wait3A_1274 : memref<32x128xf32, #tpu.memory_space<vmem>>)
    %add3A_1278 = arith.constant 0 : i32
    %add3A_1279 = vector.broadcast %add3A_1278 : i32 to vector<16xi32>
    %add3A_1280 = arith.addi %iota3A, %add3A_1279 : vector<16xi32>
    %gather3A_1281 = arith.constant 6 : i32
    %gather3A_1282 = arith.constant 0 : i32
    %gather3A_1283 = arith.constant 0 : i32
    %gather3A_1284 = tpu.memref_slice %arg10[%gather3A_1281, %gather3A_1282, %gather3A_1283] : memref<8x32x128xf32, #tpu.memory_space<vmem>> -> memref<1x32x128xf32, #tpu.memory_space<vmem>>
    %gather3A_1285 = tpu.memref_squeeze %gather3A_1284 : memref<1x32x128xf32, #tpu.memory_space<vmem>> -> memref<32x128xf32, #tpu.memory_space<vmem>>
    %gather3A_1286 = tpu.vector_load_idx %gather3A_1285[%add3A_1280, %and3A_1219] : memref<32x128xf32, #tpu.memory_space<vmem>>[vector<16xi32>, vector<16xi32>], vector<16xf32>,
    tpu.vector_store_idx %arg12[%add3A_1280, %broadcast_in_dim3A_1221], %gather3A_1286 : memref<32x512xf32, #tpu.memory_space<vmem>>[vector<16xi32>, vector<16xi32>], vector<16xf32>,
    %add3A_1287 = arith.constant 16 : i32
    %add3A_1288 = vector.broadcast %add3A_1287 : i32 to vector<16xi32>
    %add3A_1289 = arith.addi %iota3A, %add3A_1288 : vector<16xi32>
    %gather3A_1290 = arith.constant 6 : i32
    %gather3A_1291 = arith.constant 0 : i32
    %gather3A_1292 = arith.constant 0 : i32
    %gather3A_1293 = tpu.memref_slice %arg10[%gather3A_1290, %gather3A_1291, %gather3A_1292] : memref<8x32x128xf32, #tpu.memory_space<vmem>> -> memref<1x32x128xf32, #tpu.memory_space<vmem>>
    %gather3A_1294 = tpu.memref_squeeze %gather3A_1293 : memref<1x32x128xf32, #tpu.memory_space<vmem>> -> memref<32x128xf32, #tpu.memory_space<vmem>>
    %gather3A_1295 = tpu.vector_load_idx %gather3A_1294[%add3A_1289, %and3A_1219] : memref<32x128xf32, #tpu.memory_space<vmem>>[vector<16xi32>, vector<16xi32>], vector<16xf32>,
    tpu.vector_store_idx %arg12[%add3A_1289, %broadcast_in_dim3A_1221], %gather3A_1295 : memref<32x512xf32, #tpu.memory_space<vmem>>[vector<16xi32>, vector<16xi32>], vector<16xf32>,
    %get3A_1296 = arith.constant 496 : index
    %get3A_1297 = tpu.vector_load %arg7[%get3A_1296] {strides = array<i32>} : memref<512xi32, #tpu.memory_space<vmem>>, vector<16xi32>,
    %eq3A_1298 = arith.constant 15 : i32
    %eq3A_1299 = vector.broadcast %eq3A_1298 : i32 to vector<16xi32>
    %eq3A_1300 = arith.cmpi eq, %iota3A, %eq3A_1299 : vector<16xi32>
    %jit3A_1301 = arith.constant 0 : i32
    %broadcast_in_dim3A_1302 = vector.broadcast %jit3A_1301 : i32 to vector<16xi32>
    %select_n3A_1303 = arith.select %eq3A_1300, %get3A_1297, %broadcast_in_dim3A_1302 : vector<16xi1>, vector<16xi32>
    %reduce_sum3A_1304 = arith.constant true
    %reduce_sum3A_1305 = vector.broadcast %reduce_sum3A_1304 : i1 to vector<16xi1>
    %reduce_sum3A_1306 = tpu.scan <sum>, %select_n3A_1303 masked %reduce_sum3A_1305 : vector<16xi32>, vector<16xi1> -> vector<16xi32>
    %reduce_sum3A_1307 = vector.extract %reduce_sum3A_1306[15] : i32 from vector<16xi32>
    %broadcast_in_dim3A_1308 = vector.broadcast %reduce_sum3A_1307 : i32 to vector<16xi32>
    %and3A_1309 = arith.constant 127 : i32
    %and3A_1310 = vector.broadcast %and3A_1309 : i32 to vector<16xi32>
    %and3A_1311 = arith.andi %broadcast_in_dim3A_1308, %and3A_1310 : vector<16xi32>
    %get3A_1312 = arith.constant 496 : index
    %get3A_1313 = tpu.vector_load %arg8[%get3A_1312] {strides = array<i32>} : memref<512xi32, #tpu.memory_space<vmem>>, vector<16xi32>,
    %eq3A_1314 = arith.constant 15 : i32
    %eq3A_1315 = vector.broadcast %eq3A_1314 : i32 to vector<16xi32>
    %eq3A_1316 = arith.cmpi eq, %iota3A, %eq3A_1315 : vector<16xi32>
    %jit3A_1317 = arith.constant 0 : i32
    %broadcast_in_dim3A_1318 = vector.broadcast %jit3A_1317 : i32 to vector<16xi32>
    %select_n3A_1319 = arith.select %eq3A_1316, %get3A_1313, %broadcast_in_dim3A_1318 : vector<16xi1>, vector<16xi32>
    %reduce_sum3A_1320 = arith.constant true
    %reduce_sum3A_1321 = vector.broadcast %reduce_sum3A_1320 : i1 to vector<16xi1>
    %reduce_sum3A_1322 = tpu.scan <sum>, %select_n3A_1319 masked %reduce_sum3A_1321 : vector<16xi32>, vector<16xi1> -> vector<16xi32>
    %reduce_sum3A_1323 = vector.extract %reduce_sum3A_1322[15] : i32 from vector<16xi32>
    %broadcast_in_dim3A_1324 = vector.broadcast %reduce_sum3A_1323 : i32 to vector<16xi32>
    %and3A_1325 = arith.constant 127 : i32
    %and3A_1326 = vector.broadcast %and3A_1325 : i32 to vector<16xi32>
    %and3A_1327 = arith.andi %broadcast_in_dim3A_1324, %and3A_1326 : vector<16xi32>
    %broadcast_in_dim3A_1328 = arith.constant 511 : i32
    %broadcast_in_dim3A_1329 = vector.broadcast %broadcast_in_dim3A_1328 : i32 to vector<16xi32>
    %dma_wait3A_1330 = arith.constant 7 : i32
    %dma_wait3A_1331 = arith.constant 0 : i32
    %dma_wait3A_1332 = arith.constant 7 : i32
    %dma_wait3A_1333 = arith.constant 0 : i32
    %dma_wait3A_1334 = arith.constant 0 : i32
    %dma_wait3A_1335 = tpu.memref_slice %arg9[%dma_wait3A_1330, %dma_wait3A_1333, %dma_wait3A_1334] : memref<8x32x128xf32, #tpu.memory_space<vmem>> -> memref<1x32x128xf32, #tpu.memory_space<vmem>>
    %dma_wait3A_1336 = tpu.memref_squeeze %dma_wait3A_1335 : memref<1x32x128xf32, #tpu.memory_space<vmem>> -> memref<32x128xf32, #tpu.memory_space<vmem>>
    %dma_wait3A_1337 = arith.constant 0 : i32
    %dma_wait3A_1338 = arith.constant 0 : i32
    %dma_wait3A_1339 = tpu.memref_slice %arg4[%dma_wait3A_1337, %dma_wait3A_1338] : memref<32x1000000xf32, #tpu.memory_space<hbm>> -> memref<32x128xf32, #tpu.memory_space<hbm>>
    %dma_wait3A_1340 = tpu.memref_slice %arg14[%dma_wait3A_1331, %dma_wait3A_1332] : memref<2x8x!tpu.dma_semaphore, #tpu.memory_space<semaphore_mem>> -> memref<1x1x!tpu.dma_semaphore, #tpu.memory_space<semaphore_mem>>
    %dma_wait3A_1341 = tpu.memref_squeeze %dma_wait3A_1340 : memref<1x1x!tpu.dma_semaphore, #tpu.memory_space<semaphore_mem>> -> memref<!tpu.dma_semaphore, #tpu.memory_space<semaphore_mem>>
    %dma_wait3A_1342 = arith.constant 0 : i32
    %dma_wait3A_1343 = arith.constant 0 : i32
    %dma_wait3A_1344 = tpu.memref_slice %arg9[%dma_wait3A_1330, %dma_wait3A_1342, %dma_wait3A_1343] : memref<8x32x128xf32, #tpu.memory_space<vmem>> -> memref<1x32x128xf32, #tpu.memory_space<vmem>>
    %dma_wait3A_1345 = tpu.memref_squeeze %dma_wait3A_1344 : memref<1x32x128xf32, #tpu.memory_space<vmem>> -> memref<32x128xf32, #tpu.memory_space<vmem>>
    %dma_wait3A_1346 = arith.constant 0 : i32
    %dma_wait3A_1347 = arith.constant 0 : i32
    %dma_wait3A_1348 = tpu.memref_slice %arg4[%dma_wait3A_1346, %dma_wait3A_1347] : memref<32x1000000xf32, #tpu.memory_space<hbm>> -> memref<32x128xf32, #tpu.memory_space<hbm>>
    tpu.wait_dma2 semaphore(%dma_wait3A_1341 : memref<!tpu.dma_semaphore, #tpu.memory_space<semaphore_mem>>) src(%dma_wait3A_1348 : memref<32x128xf32, #tpu.memory_space<hbm>>) dst(%dma_wait3A_1345 : memref<32x128xf32, #tpu.memory_space<vmem>>)
    %add3A_1349 = arith.constant 0 : i32
    %add3A_1350 = vector.broadcast %add3A_1349 : i32 to vector<16xi32>
    %add3A_1351 = arith.addi %iota3A, %add3A_1350 : vector<16xi32>
    %gather3A_1352 = arith.constant 7 : i32
    %gather3A_1353 = arith.constant 0 : i32
    %gather3A_1354 = arith.constant 0 : i32
    %gather3A_1355 = tpu.memref_slice %arg9[%gather3A_1352, %gather3A_1353, %gather3A_1354] : memref<8x32x128xf32, #tpu.memory_space<vmem>> -> memref<1x32x128xf32, #tpu.memory_space<vmem>>
    %gather3A_1356 = tpu.memref_squeeze %gather3A_1355 : memref<1x32x128xf32, #tpu.memory_space<vmem>> -> memref<32x128xf32, #tpu.memory_space<vmem>>
    %gather3A_1357 = tpu.vector_load_idx %gather3A_1356[%add3A_1351, %and3A_1311] : memref<32x128xf32, #tpu.memory_space<vmem>>[vector<16xi32>, vector<16xi32>], vector<16xf32>,
    tpu.vector_store_idx %arg11[%add3A_1351, %broadcast_in_dim3A_1329], %gather3A_1357 : memref<32x512xf32, #tpu.memory_space<vmem>>[vector<16xi32>, vector<16xi32>], vector<16xf32>,
    %add3A_1358 = arith.constant 16 : i32
    %add3A_1359 = vector.broadcast %add3A_1358 : i32 to vector<16xi32>
    %add3A_1360 = arith.addi %iota3A, %add3A_1359 : vector<16xi32>
    %gather3A_1361 = arith.constant 7 : i32
    %gather3A_1362 = arith.constant 0 : i32
    %gather3A_1363 = arith.constant 0 : i32
    %gather3A_1364 = tpu.memref_slice %arg9[%gather3A_1361, %gather3A_1362, %gather3A_1363] : memref<8x32x128xf32, #tpu.memory_space<vmem>> -> memref<1x32x128xf32, #tpu.memory_space<vmem>>
    %gather3A_1365 = tpu.memref_squeeze %gather3A_1364 : memref<1x32x128xf32, #tpu.memory_space<vmem>> -> memref<32x128xf32, #tpu.memory_space<vmem>>
    %gather3A_1366 = tpu.vector_load_idx %gather3A_1365[%add3A_1360, %and3A_1311] : memref<32x128xf32, #tpu.memory_space<vmem>>[vector<16xi32>, vector<16xi32>], vector<16xf32>,
    tpu.vector_store_idx %arg11[%add3A_1360, %broadcast_in_dim3A_1329], %gather3A_1366 : memref<32x512xf32, #tpu.memory_space<vmem>>[vector<16xi32>, vector<16xi32>], vector<16xf32>,
    %dma_wait3A_1367 = arith.constant 7 : i32
    %dma_wait3A_1368 = arith.constant 1 : i32
    %dma_wait3A_1369 = arith.constant 7 : i32
    %dma_wait3A_1370 = arith.constant 0 : i32
    %dma_wait3A_1371 = arith.constant 0 : i32
    %dma_wait3A_1372 = tpu.memref_slice %arg10[%dma_wait3A_1367, %dma_wait3A_1370, %dma_wait3A_1371] : memref<8x32x128xf32, #tpu.memory_space<vmem>> -> memref<1x32x128xf32, #tpu.memory_space<vmem>>
    %dma_wait3A_1373 = tpu.memref_squeeze %dma_wait3A_1372 : memref<1x32x128xf32, #tpu.memory_space<vmem>> -> memref<32x128xf32, #tpu.memory_space<vmem>>
    %dma_wait3A_1374 = arith.constant 0 : i32
    %dma_wait3A_1375 = arith.constant 0 : i32
    %dma_wait3A_1376 = tpu.memref_slice %arg5[%dma_wait3A_1374, %dma_wait3A_1375] : memref<32x1000000xf32, #tpu.memory_space<hbm>> -> memref<32x128xf32, #tpu.memory_space<hbm>>
    %dma_wait3A_1377 = tpu.memref_slice %arg14[%dma_wait3A_1368, %dma_wait3A_1369] : memref<2x8x!tpu.dma_semaphore, #tpu.memory_space<semaphore_mem>> -> memref<1x1x!tpu.dma_semaphore, #tpu.memory_space<semaphore_mem>>
    %dma_wait3A_1378 = tpu.memref_squeeze %dma_wait3A_1377 : memref<1x1x!tpu.dma_semaphore, #tpu.memory_space<semaphore_mem>> -> memref<!tpu.dma_semaphore, #tpu.memory_space<semaphore_mem>>
    %dma_wait3A_1379 = arith.constant 0 : i32
    %dma_wait3A_1380 = arith.constant 0 : i32
    %dma_wait3A_1381 = tpu.memref_slice %arg10[%dma_wait3A_1367, %dma_wait3A_1379, %dma_wait3A_1380] : memref<8x32x128xf32, #tpu.memory_space<vmem>> -> memref<1x32x128xf32, #tpu.memory_space<vmem>>
    %dma_wait3A_1382 = tpu.memref_squeeze %dma_wait3A_1381 : memref<1x32x128xf32, #tpu.memory_space<vmem>> -> memref<32x128xf32, #tpu.memory_space<vmem>>
    %dma_wait3A_1383 = arith.constant 0 : i32
    %dma_wait3A_1384 = arith.constant 0 : i32
    %dma_wait3A_1385 = tpu.memref_slice %arg5[%dma_wait3A_1383, %dma_wait3A_1384] : memref<32x1000000xf32, #tpu.memory_space<hbm>> -> memref<32x128xf32, #tpu.memory_space<hbm>>
    tpu.wait_dma2 semaphore(%dma_wait3A_1378 : memref<!tpu.dma_semaphore, #tpu.memory_space<semaphore_mem>>) src(%dma_wait3A_1385 : memref<32x128xf32, #tpu.memory_space<hbm>>) dst(%dma_wait3A_1382 : memref<32x128xf32, #tpu.memory_space<vmem>>)
    %add3A_1386 = arith.constant 0 : i32
    %add3A_1387 = vector.broadcast %add3A_1386 : i32 to vector<16xi32>
    %add3A_1388 = arith.addi %iota3A, %add3A_1387 : vector<16xi32>
    %gather3A_1389 = arith.constant 7 : i32
    %gather3A_1390 = arith.constant 0 : i32
    %gather3A_1391 = arith.constant 0 : i32
    %gather3A_1392 = tpu.memref_slice %arg10[%gather3A_1389, %gather3A_1390, %gather3A_1391] : memref<8x32x128xf32, #tpu.memory_space<vmem>> -> memref<1x32x128xf32, #tpu.memory_space<vmem>>
    %gather3A_1393 = tpu.memref_squeeze %gather3A_1392 : memref<1x32x128xf32, #tpu.memory_space<vmem>> -> memref<32x128xf32, #tpu.memory_space<vmem>>
    %gather3A_1394 = tpu.vector_load_idx %gather3A_1393[%add3A_1388, %and3A_1327] : memref<32x128xf32, #tpu.memory_space<vmem>>[vector<16xi32>, vector<16xi32>], vector<16xf32>,
    tpu.vector_store_idx %arg12[%add3A_1388, %broadcast_in_dim3A_1329], %gather3A_1394 : memref<32x512xf32, #tpu.memory_space<vmem>>[vector<16xi32>, vector<16xi32>], vector<16xf32>,
    %add3A_1395 = arith.constant 16 : i32
    %add3A_1396 = vector.broadcast %add3A_1395 : i32 to vector<16xi32>
    %add3A_1397 = arith.addi %iota3A, %add3A_1396 : vector<16xi32>
    %gather3A_1398 = arith.constant 7 : i32
    %gather3A_1399 = arith.constant 0 : i32
    %gather3A_1400 = arith.constant 0 : i32
    %gather3A_1401 = tpu.memref_slice %arg10[%gather3A_1398, %gather3A_1399, %gather3A_1400] : memref<8x32x128xf32, #tpu.memory_space<vmem>> -> memref<1x32x128xf32, #tpu.memory_space<vmem>>
    %gather3A_1402 = tpu.memref_squeeze %gather3A_1401 : memref<1x32x128xf32, #tpu.memory_space<vmem>> -> memref<32x128xf32, #tpu.memory_space<vmem>>
    %gather3A_1403 = tpu.vector_load_idx %gather3A_1402[%add3A_1397, %and3A_1327] : memref<32x128xf32, #tpu.memory_space<vmem>>[vector<16xi32>, vector<16xi32>], vector<16xf32>,
    tpu.vector_store_idx %arg12[%add3A_1397, %broadcast_in_dim3A_1329], %gather3A_1403 : memref<32x512xf32, #tpu.memory_space<vmem>>[vector<16xi32>, vector<16xi32>], vector<16xf32>,
    %scan3A_1404 = arith.constant 0 : i32
    %scan3A_1405 = arith.constant 0 : i32
    %scan3A_1406 = arith.constant 32 : i32
    %scan3A_1407 = arith.addi %scan3A_1405, %scan3A_1406 : i32
    %scan3A_1408 = arith.constant 1 : i32
    scf.for %scan3A_1410 = %scan3A_1405 to %scan3A_1407 step %scan3A_1408  : i32 {
      %mul3A_1411 = arith.constant 16 : i32
      %mul3A_1412 = arith.muli %scan3A_1410, %mul3A_1411 : i32
      %get3A_1413 = arith.constant 0 : i32
      %get3A_1414 = arith.index_cast %get3A_1413 : i32 to index
      %get3A_1415 = arith.index_cast %mul3A_1412 : i32 to index
      %get3A_1416 = tpu.vector_load %arg11[%get3A_1414, %get3A_1415] {strides = array<i32>} : memref<32x512xf32, #tpu.memory_space<vmem>>, vector<16xf32>,
      %get3A_1417 = arith.constant 0 : i32
      %get3A_1418 = arith.index_cast %get3A_1417 : i32 to index
      %get3A_1419 = arith.index_cast %mul3A_1412 : i32 to index
      %get3A_1420 = tpu.vector_load %arg12[%get3A_1418, %get3A_1419] {strides = array<i32>} : memref<32x512xf32, #tpu.memory_space<vmem>>, vector<16xf32>,
      %mul3A_1421 = arith.mulf %get3A_1416, %get3A_1420 : vector<16xf32>
      %get3A_1422 = arith.constant 1 : i32
      %get3A_1423 = arith.index_cast %get3A_1422 : i32 to index
      %get3A_1424 = arith.index_cast %mul3A_1412 : i32 to index
      %get3A_1425 = tpu.vector_load %arg11[%get3A_1423, %get3A_1424] {strides = array<i32>} : memref<32x512xf32, #tpu.memory_space<vmem>>, vector<16xf32>,
      %get3A_1426 = arith.constant 1 : i32
      %get3A_1427 = arith.index_cast %get3A_1426 : i32 to index
      %get3A_1428 = arith.index_cast %mul3A_1412 : i32 to index
      %get3A_1429 = tpu.vector_load %arg12[%get3A_1427, %get3A_1428] {strides = array<i32>} : memref<32x512xf32, #tpu.memory_space<vmem>>, vector<16xf32>,
      %mul3A_1430 = arith.mulf %get3A_1425, %get3A_1429 : vector<16xf32>
      %add3A_1431 = arith.addf %mul3A_1421, %mul3A_1430 : vector<16xf32>
      %get3A_1432 = arith.constant 2 : i32
      %get3A_1433 = arith.index_cast %get3A_1432 : i32 to index
      %get3A_1434 = arith.index_cast %mul3A_1412 : i32 to index
      %get3A_1435 = tpu.vector_load %arg11[%get3A_1433, %get3A_1434] {strides = array<i32>} : memref<32x512xf32, #tpu.memory_space<vmem>>, vector<16xf32>,
      %get3A_1436 = arith.constant 2 : i32
      %get3A_1437 = arith.index_cast %get3A_1436 : i32 to index
      %get3A_1438 = arith.index_cast %mul3A_1412 : i32 to index
      %get3A_1439 = tpu.vector_load %arg12[%get3A_1437, %get3A_1438] {strides = array<i32>} : memref<32x512xf32, #tpu.memory_space<vmem>>, vector<16xf32>,
      %mul3A_1440 = arith.mulf %get3A_1435, %get3A_1439 : vector<16xf32>
      %add3A_1441 = arith.addf %add3A_1431, %mul3A_1440 : vector<16xf32>
      %get3A_1442 = arith.constant 3 : i32
      %get3A_1443 = arith.index_cast %get3A_1442 : i32 to index
      %get3A_1444 = arith.index_cast %mul3A_1412 : i32 to index
      %get3A_1445 = tpu.vector_load %arg11[%get3A_1443, %get3A_1444] {strides = array<i32>} : memref<32x512xf32, #tpu.memory_space<vmem>>, vector<16xf32>,
      %get3A_1446 = arith.constant 3 : i32
      %get3A_1447 = arith.index_cast %get3A_1446 : i32 to index
      %get3A_1448 = arith.index_cast %mul3A_1412 : i32 to index
      %get3A_1449 = tpu.vector_load %arg12[%get3A_1447, %get3A_1448] {strides = array<i32>} : memref<32x512xf32, #tpu.memory_space<vmem>>, vector<16xf32>,
      %mul3A_1450 = arith.mulf %get3A_1445, %get3A_1449 : vector<16xf32>
      %add3A_1451 = arith.addf %add3A_1441, %mul3A_1450 : vector<16xf32>
      %get3A_1452 = arith.constant 4 : i32
      %get3A_1453 = arith.index_cast %get3A_1452 : i32 to index
      %get3A_1454 = arith.index_cast %mul3A_1412 : i32 to index
      %get3A_1455 = tpu.vector_load %arg11[%get3A_1453, %get3A_1454] {strides = array<i32>} : memref<32x512xf32, #tpu.memory_space<vmem>>, vector<16xf32>,
      %get3A_1456 = arith.constant 4 : i32
      %get3A_1457 = arith.index_cast %get3A_1456 : i32 to index
      %get3A_1458 = arith.index_cast %mul3A_1412 : i32 to index
      %get3A_1459 = tpu.vector_load %arg12[%get3A_1457, %get3A_1458] {strides = array<i32>} : memref<32x512xf32, #tpu.memory_space<vmem>>, vector<16xf32>,
      %mul3A_1460 = arith.mulf %get3A_1455, %get3A_1459 : vector<16xf32>
      %add3A_1461 = arith.addf %add3A_1451, %mul3A_1460 : vector<16xf32>
      %get3A_1462 = arith.constant 5 : i32
      %get3A_1463 = arith.index_cast %get3A_1462 : i32 to index
      %get3A_1464 = arith.index_cast %mul3A_1412 : i32 to index
      %get3A_1465 = tpu.vector_load %arg11[%get3A_1463, %get3A_1464] {strides = array<i32>} : memref<32x512xf32, #tpu.memory_space<vmem>>, vector<16xf32>,
      %get3A_1466 = arith.constant 5 : i32
      %get3A_1467 = arith.index_cast %get3A_1466 : i32 to index
      %get3A_1468 = arith.index_cast %mul3A_1412 : i32 to index
      %get3A_1469 = tpu.vector_load %arg12[%get3A_1467, %get3A_1468] {strides = array<i32>} : memref<32x512xf32, #tpu.memory_space<vmem>>, vector<16xf32>,
      %mul3A_1470 = arith.mulf %get3A_1465, %get3A_1469 : vector<16xf32>
      %add3A_1471 = arith.addf %add3A_1461, %mul3A_1470 : vector<16xf32>
      %get3A_1472 = arith.constant 6 : i32
      %get3A_1473 = arith.index_cast %get3A_1472 : i32 to index
      %get3A_1474 = arith.index_cast %mul3A_1412 : i32 to index
      %get3A_1475 = tpu.vector_load %arg11[%get3A_1473, %get3A_1474] {strides = array<i32>} : memref<32x512xf32, #tpu.memory_space<vmem>>, vector<16xf32>,
      %get3A_1476 = arith.constant 6 : i32
      %get3A_1477 = arith.index_cast %get3A_1476 : i32 to index
      %get3A_1478 = arith.index_cast %mul3A_1412 : i32 to index
      %get3A_1479 = tpu.vector_load %arg12[%get3A_1477, %get3A_1478] {strides = array<i32>} : memref<32x512xf32, #tpu.memory_space<vmem>>, vector<16xf32>,
      %mul3A_1480 = arith.mulf %get3A_1475, %get3A_1479 : vector<16xf32>
      %add3A_1481 = arith.addf %add3A_1471, %mul3A_1480 : vector<16xf32>
      %get3A_1482 = arith.constant 7 : i32
      %get3A_1483 = arith.index_cast %get3A_1482 : i32 to index
      %get3A_1484 = arith.index_cast %mul3A_1412 : i32 to index
      %get3A_1485 = tpu.vector_load %arg11[%get3A_1483, %get3A_1484] {strides = array<i32>} : memref<32x512xf32, #tpu.memory_space<vmem>>, vector<16xf32>,
      %get3A_1486 = arith.constant 7 : i32
      %get3A_1487 = arith.index_cast %get3A_1486 : i32 to index
      %get3A_1488 = arith.index_cast %mul3A_1412 : i32 to index
      %get3A_1489 = tpu.vector_load %arg12[%get3A_1487, %get3A_1488] {strides = array<i32>} : memref<32x512xf32, #tpu.memory_space<vmem>>, vector<16xf32>,
      %mul3A_1490 = arith.mulf %get3A_1485, %get3A_1489 : vector<16xf32>
      %add3A_1491 = arith.addf %add3A_1481, %mul3A_1490 : vector<16xf32>
      %get3A_1492 = arith.constant 8 : i32
      %get3A_1493 = arith.index_cast %get3A_1492 : i32 to index
      %get3A_1494 = arith.index_cast %mul3A_1412 : i32 to index
      %get3A_1495 = tpu.vector_load %arg11[%get3A_1493, %get3A_1494] {strides = array<i32>} : memref<32x512xf32, #tpu.memory_space<vmem>>, vector<16xf32>,
      %get3A_1496 = arith.constant 8 : i32
      %get3A_1497 = arith.index_cast %get3A_1496 : i32 to index
      %get3A_1498 = arith.index_cast %mul3A_1412 : i32 to index
      %get3A_1499 = tpu.vector_load %arg12[%get3A_1497, %get3A_1498] {strides = array<i32>} : memref<32x512xf32, #tpu.memory_space<vmem>>, vector<16xf32>,
      %mul3A_1500 = arith.mulf %get3A_1495, %get3A_1499 : vector<16xf32>
      %add3A_1501 = arith.addf %add3A_1491, %mul3A_1500 : vector<16xf32>
      %get3A_1502 = arith.constant 9 : i32
      %get3A_1503 = arith.index_cast %get3A_1502 : i32 to index
      %get3A_1504 = arith.index_cast %mul3A_1412 : i32 to index
      %get3A_1505 = tpu.vector_load %arg11[%get3A_1503, %get3A_1504] {strides = array<i32>} : memref<32x512xf32, #tpu.memory_space<vmem>>, vector<16xf32>,
      %get3A_1506 = arith.constant 9 : i32
      %get3A_1507 = arith.index_cast %get3A_1506 : i32 to index
      %get3A_1508 = arith.index_cast %mul3A_1412 : i32 to index
      %get3A_1509 = tpu.vector_load %arg12[%get3A_1507, %get3A_1508] {strides = array<i32>} : memref<32x512xf32, #tpu.memory_space<vmem>>, vector<16xf32>,
      %mul3A_1510 = arith.mulf %get3A_1505, %get3A_1509 : vector<16xf32>
      %add3A_1511 = arith.addf %add3A_1501, %mul3A_1510 : vector<16xf32>
      %get3A_1512 = arith.constant 10 : i32
      %get3A_1513 = arith.index_cast %get3A_1512 : i32 to index
      %get3A_1514 = arith.index_cast %mul3A_1412 : i32 to index
      %get3A_1515 = tpu.vector_load %arg11[%get3A_1513, %get3A_1514] {strides = array<i32>} : memref<32x512xf32, #tpu.memory_space<vmem>>, vector<16xf32>,
      %get3A_1516 = arith.constant 10 : i32
      %get3A_1517 = arith.index_cast %get3A_1516 : i32 to index
      %get3A_1518 = arith.index_cast %mul3A_1412 : i32 to index
      %get3A_1519 = tpu.vector_load %arg12[%get3A_1517, %get3A_1518] {strides = array<i32>} : memref<32x512xf32, #tpu.memory_space<vmem>>, vector<16xf32>,
      %mul3A_1520 = arith.mulf %get3A_1515, %get3A_1519 : vector<16xf32>
      %add3A_1521 = arith.addf %add3A_1511, %mul3A_1520 : vector<16xf32>
      %get3A_1522 = arith.constant 11 : i32
      %get3A_1523 = arith.index_cast %get3A_1522 : i32 to index
      %get3A_1524 = arith.index_cast %mul3A_1412 : i32 to index
      %get3A_1525 = tpu.vector_load %arg11[%get3A_1523, %get3A_1524] {strides = array<i32>} : memref<32x512xf32, #tpu.memory_space<vmem>>, vector<16xf32>,
      %get3A_1526 = arith.constant 11 : i32
      %get3A_1527 = arith.index_cast %get3A_1526 : i32 to index
      %get3A_1528 = arith.index_cast %mul3A_1412 : i32 to index
      %get3A_1529 = tpu.vector_load %arg12[%get3A_1527, %get3A_1528] {strides = array<i32>} : memref<32x512xf32, #tpu.memory_space<vmem>>, vector<16xf32>,
      %mul3A_1530 = arith.mulf %get3A_1525, %get3A_1529 : vector<16xf32>
      %add3A_1531 = arith.addf %add3A_1521, %mul3A_1530 : vector<16xf32>
      %get3A_1532 = arith.constant 12 : i32
      %get3A_1533 = arith.index_cast %get3A_1532 : i32 to index
      %get3A_1534 = arith.index_cast %mul3A_1412 : i32 to index
      %get3A_1535 = tpu.vector_load %arg11[%get3A_1533, %get3A_1534] {strides = array<i32>} : memref<32x512xf32, #tpu.memory_space<vmem>>, vector<16xf32>,
      %get3A_1536 = arith.constant 12 : i32
      %get3A_1537 = arith.index_cast %get3A_1536 : i32 to index
      %get3A_1538 = arith.index_cast %mul3A_1412 : i32 to index
      %get3A_1539 = tpu.vector_load %arg12[%get3A_1537, %get3A_1538] {strides = array<i32>} : memref<32x512xf32, #tpu.memory_space<vmem>>, vector<16xf32>,
      %mul3A_1540 = arith.mulf %get3A_1535, %get3A_1539 : vector<16xf32>
      %add3A_1541 = arith.addf %add3A_1531, %mul3A_1540 : vector<16xf32>
      %get3A_1542 = arith.constant 13 : i32
      %get3A_1543 = arith.index_cast %get3A_1542 : i32 to index
      %get3A_1544 = arith.index_cast %mul3A_1412 : i32 to index
      %get3A_1545 = tpu.vector_load %arg11[%get3A_1543, %get3A_1544] {strides = array<i32>} : memref<32x512xf32, #tpu.memory_space<vmem>>, vector<16xf32>,
      %get3A_1546 = arith.constant 13 : i32
      %get3A_1547 = arith.index_cast %get3A_1546 : i32 to index
      %get3A_1548 = arith.index_cast %mul3A_1412 : i32 to index
      %get3A_1549 = tpu.vector_load %arg12[%get3A_1547, %get3A_1548] {strides = array<i32>} : memref<32x512xf32, #tpu.memory_space<vmem>>, vector<16xf32>,
      %mul3A_1550 = arith.mulf %get3A_1545, %get3A_1549 : vector<16xf32>
      %add3A_1551 = arith.addf %add3A_1541, %mul3A_1550 : vector<16xf32>
      %get3A_1552 = arith.constant 14 : i32
      %get3A_1553 = arith.index_cast %get3A_1552 : i32 to index
      %get3A_1554 = arith.index_cast %mul3A_1412 : i32 to index
      %get3A_1555 = tpu.vector_load %arg11[%get3A_1553, %get3A_1554] {strides = array<i32>} : memref<32x512xf32, #tpu.memory_space<vmem>>, vector<16xf32>,
      %get3A_1556 = arith.constant 14 : i32
      %get3A_1557 = arith.index_cast %get3A_1556 : i32 to index
      %get3A_1558 = arith.index_cast %mul3A_1412 : i32 to index
      %get3A_1559 = tpu.vector_load %arg12[%get3A_1557, %get3A_1558] {strides = array<i32>} : memref<32x512xf32, #tpu.memory_space<vmem>>, vector<16xf32>,
      %mul3A_1560 = arith.mulf %get3A_1555, %get3A_1559 : vector<16xf32>
      %add3A_1561 = arith.addf %add3A_1551, %mul3A_1560 : vector<16xf32>
      %get3A_1562 = arith.constant 15 : i32
      %get3A_1563 = arith.index_cast %get3A_1562 : i32 to index
      %get3A_1564 = arith.index_cast %mul3A_1412 : i32 to index
      %get3A_1565 = tpu.vector_load %arg11[%get3A_1563, %get3A_1564] {strides = array<i32>} : memref<32x512xf32, #tpu.memory_space<vmem>>, vector<16xf32>,
      %get3A_1566 = arith.constant 15 : i32
      %get3A_1567 = arith.index_cast %get3A_1566 : i32 to index
      %get3A_1568 = arith.index_cast %mul3A_1412 : i32 to index
      %get3A_1569 = tpu.vector_load %arg12[%get3A_1567, %get3A_1568] {strides = array<i32>} : memref<32x512xf32, #tpu.memory_space<vmem>>, vector<16xf32>,
      %mul3A_1570 = arith.mulf %get3A_1565, %get3A_1569 : vector<16xf32>
      %add3A_1571 = arith.addf %add3A_1561, %mul3A_1570 : vector<16xf32>
      %get3A_1572 = arith.constant 16 : i32
      %get3A_1573 = arith.index_cast %get3A_1572 : i32 to index
      %get3A_1574 = arith.index_cast %mul3A_1412 : i32 to index
      %get3A_1575 = tpu.vector_load %arg11[%get3A_1573, %get3A_1574] {strides = array<i32>} : memref<32x512xf32, #tpu.memory_space<vmem>>, vector<16xf32>,
      %get3A_1576 = arith.constant 16 : i32
      %get3A_1577 = arith.index_cast %get3A_1576 : i32 to index
      %get3A_1578 = arith.index_cast %mul3A_1412 : i32 to index
      %get3A_1579 = tpu.vector_load %arg12[%get3A_1577, %get3A_1578] {strides = array<i32>} : memref<32x512xf32, #tpu.memory_space<vmem>>, vector<16xf32>,
      %mul3A_1580 = arith.mulf %get3A_1575, %get3A_1579 : vector<16xf32>
      %add3A_1581 = arith.addf %add3A_1571, %mul3A_1580 : vector<16xf32>
      %get3A_1582 = arith.constant 17 : i32
      %get3A_1583 = arith.index_cast %get3A_1582 : i32 to index
      %get3A_1584 = arith.index_cast %mul3A_1412 : i32 to index
      %get3A_1585 = tpu.vector_load %arg11[%get3A_1583, %get3A_1584] {strides = array<i32>} : memref<32x512xf32, #tpu.memory_space<vmem>>, vector<16xf32>,
      %get3A_1586 = arith.constant 17 : i32
      %get3A_1587 = arith.index_cast %get3A_1586 : i32 to index
      %get3A_1588 = arith.index_cast %mul3A_1412 : i32 to index
      %get3A_1589 = tpu.vector_load %arg12[%get3A_1587, %get3A_1588] {strides = array<i32>} : memref<32x512xf32, #tpu.memory_space<vmem>>, vector<16xf32>,
      %mul3A_1590 = arith.mulf %get3A_1585, %get3A_1589 : vector<16xf32>
      %add3A_1591 = arith.addf %add3A_1581, %mul3A_1590 : vector<16xf32>
      %get3A_1592 = arith.constant 18 : i32
      %get3A_1593 = arith.index_cast %get3A_1592 : i32 to index
      %get3A_1594 = arith.index_cast %mul3A_1412 : i32 to index
      %get3A_1595 = tpu.vector_load %arg11[%get3A_1593, %get3A_1594] {strides = array<i32>} : memref<32x512xf32, #tpu.memory_space<vmem>>, vector<16xf32>,
      %get3A_1596 = arith.constant 18 : i32
      %get3A_1597 = arith.index_cast %get3A_1596 : i32 to index
      %get3A_1598 = arith.index_cast %mul3A_1412 : i32 to index
      %get3A_1599 = tpu.vector_load %arg12[%get3A_1597, %get3A_1598] {strides = array<i32>} : memref<32x512xf32, #tpu.memory_space<vmem>>, vector<16xf32>,
      %mul3A_1600 = arith.mulf %get3A_1595, %get3A_1599 : vector<16xf32>
      %add3A_1601 = arith.addf %add3A_1591, %mul3A_1600 : vector<16xf32>
      %get3A_1602 = arith.constant 19 : i32
      %get3A_1603 = arith.index_cast %get3A_1602 : i32 to index
      %get3A_1604 = arith.index_cast %mul3A_1412 : i32 to index
      %get3A_1605 = tpu.vector_load %arg11[%get3A_1603, %get3A_1604] {strides = array<i32>} : memref<32x512xf32, #tpu.memory_space<vmem>>, vector<16xf32>,
      %get3A_1606 = arith.constant 19 : i32
      %get3A_1607 = arith.index_cast %get3A_1606 : i32 to index
      %get3A_1608 = arith.index_cast %mul3A_1412 : i32 to index
      %get3A_1609 = tpu.vector_load %arg12[%get3A_1607, %get3A_1608] {strides = array<i32>} : memref<32x512xf32, #tpu.memory_space<vmem>>, vector<16xf32>,
      %mul3A_1610 = arith.mulf %get3A_1605, %get3A_1609 : vector<16xf32>
      %add3A_1611 = arith.addf %add3A_1601, %mul3A_1610 : vector<16xf32>
      %get3A_1612 = arith.constant 20 : i32
      %get3A_1613 = arith.index_cast %get3A_1612 : i32 to index
      %get3A_1614 = arith.index_cast %mul3A_1412 : i32 to index
      %get3A_1615 = tpu.vector_load %arg11[%get3A_1613, %get3A_1614] {strides = array<i32>} : memref<32x512xf32, #tpu.memory_space<vmem>>, vector<16xf32>,
      %get3A_1616 = arith.constant 20 : i32
      %get3A_1617 = arith.index_cast %get3A_1616 : i32 to index
      %get3A_1618 = arith.index_cast %mul3A_1412 : i32 to index
      %get3A_1619 = tpu.vector_load %arg12[%get3A_1617, %get3A_1618] {strides = array<i32>} : memref<32x512xf32, #tpu.memory_space<vmem>>, vector<16xf32>,
      %mul3A_1620 = arith.mulf %get3A_1615, %get3A_1619 : vector<16xf32>
      %add3A_1621 = arith.addf %add3A_1611, %mul3A_1620 : vector<16xf32>
      %get3A_1622 = arith.constant 21 : i32
      %get3A_1623 = arith.index_cast %get3A_1622 : i32 to index
      %get3A_1624 = arith.index_cast %mul3A_1412 : i32 to index
      %get3A_1625 = tpu.vector_load %arg11[%get3A_1623, %get3A_1624] {strides = array<i32>} : memref<32x512xf32, #tpu.memory_space<vmem>>, vector<16xf32>,
      %get3A_1626 = arith.constant 21 : i32
      %get3A_1627 = arith.index_cast %get3A_1626 : i32 to index
      %get3A_1628 = arith.index_cast %mul3A_1412 : i32 to index
      %get3A_1629 = tpu.vector_load %arg12[%get3A_1627, %get3A_1628] {strides = array<i32>} : memref<32x512xf32, #tpu.memory_space<vmem>>, vector<16xf32>,
      %mul3A_1630 = arith.mulf %get3A_1625, %get3A_1629 : vector<16xf32>
      %add3A_1631 = arith.addf %add3A_1621, %mul3A_1630 : vector<16xf32>
      %get3A_1632 = arith.constant 22 : i32
      %get3A_1633 = arith.index_cast %get3A_1632 : i32 to index
      %get3A_1634 = arith.index_cast %mul3A_1412 : i32 to index
      %get3A_1635 = tpu.vector_load %arg11[%get3A_1633, %get3A_1634] {strides = array<i32>} : memref<32x512xf32, #tpu.memory_space<vmem>>, vector<16xf32>,
      %get3A_1636 = arith.constant 22 : i32
      %get3A_1637 = arith.index_cast %get3A_1636 : i32 to index
      %get3A_1638 = arith.index_cast %mul3A_1412 : i32 to index
      %get3A_1639 = tpu.vector_load %arg12[%get3A_1637, %get3A_1638] {strides = array<i32>} : memref<32x512xf32, #tpu.memory_space<vmem>>, vector<16xf32>,
      %mul3A_1640 = arith.mulf %get3A_1635, %get3A_1639 : vector<16xf32>
      %add3A_1641 = arith.addf %add3A_1631, %mul3A_1640 : vector<16xf32>
      %get3A_1642 = arith.constant 23 : i32
      %get3A_1643 = arith.index_cast %get3A_1642 : i32 to index
      %get3A_1644 = arith.index_cast %mul3A_1412 : i32 to index
      %get3A_1645 = tpu.vector_load %arg11[%get3A_1643, %get3A_1644] {strides = array<i32>} : memref<32x512xf32, #tpu.memory_space<vmem>>, vector<16xf32>,
      %get3A_1646 = arith.constant 23 : i32
      %get3A_1647 = arith.index_cast %get3A_1646 : i32 to index
      %get3A_1648 = arith.index_cast %mul3A_1412 : i32 to index
      %get3A_1649 = tpu.vector_load %arg12[%get3A_1647, %get3A_1648] {strides = array<i32>} : memref<32x512xf32, #tpu.memory_space<vmem>>, vector<16xf32>,
      %mul3A_1650 = arith.mulf %get3A_1645, %get3A_1649 : vector<16xf32>
      %add3A_1651 = arith.addf %add3A_1641, %mul3A_1650 : vector<16xf32>
      %get3A_1652 = arith.constant 24 : i32
      %get3A_1653 = arith.index_cast %get3A_1652 : i32 to index
      %get3A_1654 = arith.index_cast %mul3A_1412 : i32 to index
      %get3A_1655 = tpu.vector_load %arg11[%get3A_1653, %get3A_1654] {strides = array<i32>} : memref<32x512xf32, #tpu.memory_space<vmem>>, vector<16xf32>,
      %get3A_1656 = arith.constant 24 : i32
      %get3A_1657 = arith.index_cast %get3A_1656 : i32 to index
      %get3A_1658 = arith.index_cast %mul3A_1412 : i32 to index
      %get3A_1659 = tpu.vector_load %arg12[%get3A_1657, %get3A_1658] {strides = array<i32>} : memref<32x512xf32, #tpu.memory_space<vmem>>, vector<16xf32>,
      %mul3A_1660 = arith.mulf %get3A_1655, %get3A_1659 : vector<16xf32>
      %add3A_1661 = arith.addf %add3A_1651, %mul3A_1660 : vector<16xf32>
      %get3A_1662 = arith.constant 25 : i32
      %get3A_1663 = arith.index_cast %get3A_1662 : i32 to index
      %get3A_1664 = arith.index_cast %mul3A_1412 : i32 to index
      %get3A_1665 = tpu.vector_load %arg11[%get3A_1663, %get3A_1664] {strides = array<i32>} : memref<32x512xf32, #tpu.memory_space<vmem>>, vector<16xf32>,
      %get3A_1666 = arith.constant 25 : i32
      %get3A_1667 = arith.index_cast %get3A_1666 : i32 to index
      %get3A_1668 = arith.index_cast %mul3A_1412 : i32 to index
      %get3A_1669 = tpu.vector_load %arg12[%get3A_1667, %get3A_1668] {strides = array<i32>} : memref<32x512xf32, #tpu.memory_space<vmem>>, vector<16xf32>,
      %mul3A_1670 = arith.mulf %get3A_1665, %get3A_1669 : vector<16xf32>
      %add3A_1671 = arith.addf %add3A_1661, %mul3A_1670 : vector<16xf32>
      %get3A_1672 = arith.constant 26 : i32
      %get3A_1673 = arith.index_cast %get3A_1672 : i32 to index
      %get3A_1674 = arith.index_cast %mul3A_1412 : i32 to index
      %get3A_1675 = tpu.vector_load %arg11[%get3A_1673, %get3A_1674] {strides = array<i32>} : memref<32x512xf32, #tpu.memory_space<vmem>>, vector<16xf32>,
      %get3A_1676 = arith.constant 26 : i32
      %get3A_1677 = arith.index_cast %get3A_1676 : i32 to index
      %get3A_1678 = arith.index_cast %mul3A_1412 : i32 to index
      %get3A_1679 = tpu.vector_load %arg12[%get3A_1677, %get3A_1678] {strides = array<i32>} : memref<32x512xf32, #tpu.memory_space<vmem>>, vector<16xf32>,
      %mul3A_1680 = arith.mulf %get3A_1675, %get3A_1679 : vector<16xf32>
      %add3A_1681 = arith.addf %add3A_1671, %mul3A_1680 : vector<16xf32>
      %get3A_1682 = arith.constant 27 : i32
      %get3A_1683 = arith.index_cast %get3A_1682 : i32 to index
      %get3A_1684 = arith.index_cast %mul3A_1412 : i32 to index
      %get3A_1685 = tpu.vector_load %arg11[%get3A_1683, %get3A_1684] {strides = array<i32>} : memref<32x512xf32, #tpu.memory_space<vmem>>, vector<16xf32>,
      %get3A_1686 = arith.constant 27 : i32
      %get3A_1687 = arith.index_cast %get3A_1686 : i32 to index
      %get3A_1688 = arith.index_cast %mul3A_1412 : i32 to index
      %get3A_1689 = tpu.vector_load %arg12[%get3A_1687, %get3A_1688] {strides = array<i32>} : memref<32x512xf32, #tpu.memory_space<vmem>>, vector<16xf32>,
      %mul3A_1690 = arith.mulf %get3A_1685, %get3A_1689 : vector<16xf32>
      %add3A_1691 = arith.addf %add3A_1681, %mul3A_1690 : vector<16xf32>
      %get3A_1692 = arith.constant 28 : i32
      %get3A_1693 = arith.index_cast %get3A_1692 : i32 to index
      %get3A_1694 = arith.index_cast %mul3A_1412 : i32 to index
      %get3A_1695 = tpu.vector_load %arg11[%get3A_1693, %get3A_1694] {strides = array<i32>} : memref<32x512xf32, #tpu.memory_space<vmem>>, vector<16xf32>,
      %get3A_1696 = arith.constant 28 : i32
      %get3A_1697 = arith.index_cast %get3A_1696 : i32 to index
      %get3A_1698 = arith.index_cast %mul3A_1412 : i32 to index
      %get3A_1699 = tpu.vector_load %arg12[%get3A_1697, %get3A_1698] {strides = array<i32>} : memref<32x512xf32, #tpu.memory_space<vmem>>, vector<16xf32>,
      %mul3A_1700 = arith.mulf %get3A_1695, %get3A_1699 : vector<16xf32>
      %add3A_1701 = arith.addf %add3A_1691, %mul3A_1700 : vector<16xf32>
      %get3A_1702 = arith.constant 29 : i32
      %get3A_1703 = arith.index_cast %get3A_1702 : i32 to index
      %get3A_1704 = arith.index_cast %mul3A_1412 : i32 to index
      %get3A_1705 = tpu.vector_load %arg11[%get3A_1703, %get3A_1704] {strides = array<i32>} : memref<32x512xf32, #tpu.memory_space<vmem>>, vector<16xf32>,
      %get3A_1706 = arith.constant 29 : i32
      %get3A_1707 = arith.index_cast %get3A_1706 : i32 to index
      %get3A_1708 = arith.index_cast %mul3A_1412 : i32 to index
      %get3A_1709 = tpu.vector_load %arg12[%get3A_1707, %get3A_1708] {strides = array<i32>} : memref<32x512xf32, #tpu.memory_space<vmem>>, vector<16xf32>,
      %mul3A_1710 = arith.mulf %get3A_1705, %get3A_1709 : vector<16xf32>
      %add3A_1711 = arith.addf %add3A_1701, %mul3A_1710 : vector<16xf32>
      %get3A_1712 = arith.constant 30 : i32
      %get3A_1713 = arith.index_cast %get3A_1712 : i32 to index
      %get3A_1714 = arith.index_cast %mul3A_1412 : i32 to index
      %get3A_1715 = tpu.vector_load %arg11[%get3A_1713, %get3A_1714] {strides = array<i32>} : memref<32x512xf32, #tpu.memory_space<vmem>>, vector<16xf32>,
      %get3A_1716 = arith.constant 30 : i32
      %get3A_1717 = arith.index_cast %get3A_1716 : i32 to index
      %get3A_1718 = arith.index_cast %mul3A_1412 : i32 to index
      %get3A_1719 = tpu.vector_load %arg12[%get3A_1717, %get3A_1718] {strides = array<i32>} : memref<32x512xf32, #tpu.memory_space<vmem>>, vector<16xf32>,
      %mul3A_1720 = arith.mulf %get3A_1715, %get3A_1719 : vector<16xf32>
      %add3A_1721 = arith.addf %add3A_1711, %mul3A_1720 : vector<16xf32>
      %get3A_1722 = arith.constant 31 : i32
      %get3A_1723 = arith.index_cast %get3A_1722 : i32 to index
      %get3A_1724 = arith.index_cast %mul3A_1412 : i32 to index
      %get3A_1725 = tpu.vector_load %arg11[%get3A_1723, %get3A_1724] {strides = array<i32>} : memref<32x512xf32, #tpu.memory_space<vmem>>, vector<16xf32>,
      %get3A_1726 = arith.constant 31 : i32
      %get3A_1727 = arith.index_cast %get3A_1726 : i32 to index
      %get3A_1728 = arith.index_cast %mul3A_1412 : i32 to index
      %get3A_1729 = tpu.vector_load %arg12[%get3A_1727, %get3A_1728] {strides = array<i32>} : memref<32x512xf32, #tpu.memory_space<vmem>>, vector<16xf32>,
      %mul3A_1730 = arith.mulf %get3A_1725, %get3A_1729 : vector<16xf32>
      %add3A_1731 = arith.addf %add3A_1721, %mul3A_1730 : vector<16xf32>
      %swap3A = arith.index_cast %mul3A_1412 : i32 to index
      %swap3A_1732 = tpu.vector_load %arg13[%swap3A] {strides = array<i32>} : memref<512xf32, #tpu.memory_space<vmem>>, vector<16xf32>,
      tpu.vector_store %arg13[%swap3A], %add3A_1731 {strides = array<i32>} : memref<512xf32, #tpu.memory_space<vmem>>, vector<16xf32>,
    }
    %scan3A_1409 = arith.constant 32 : i32
    "tpu.region"() ({
      %run_scoped3A = tpu.sem_alloc : memref<!tpu.dma_semaphore, #tpu.memory_space<semaphore_mem>>
      %dma_start3A_1410 = tpu.memref_slice %arg6[%mul3A_2] : memref<16384xf32, #tpu.memory_space<hbm>> -> memref<512xf32, #tpu.memory_space<hbm>>
      %dma_start3A_1411 = tpu.memref_slice %arg6[%mul3A_2] : memref<16384xf32, #tpu.memory_space<hbm>> -> memref<512xf32, #tpu.memory_space<hbm>>
      tpu.enqueue_dma source(%arg13 : memref<512xf32, #tpu.memory_space<vmem>>) target(%dma_start3A_1411 : memref<512xf32, #tpu.memory_space<hbm>>) target_semaphore(%run_scoped3A : memref<!tpu.dma_semaphore, #tpu.memory_space<semaphore_mem>>)
      %dma_wait3A_1412 = tpu.memref_slice %arg6[%mul3A_2] : memref<16384xf32, #tpu.memory_space<hbm>> -> memref<512xf32, #tpu.memory_space<hbm>>
      %dma_wait3A_1413 = tpu.memref_slice %arg6[%mul3A_2] : memref<16384xf32, #tpu.memory_space<hbm>> -> memref<512xf32, #tpu.memory_space<hbm>>
      tpu.wait_dma2 semaphore(%run_scoped3A : memref<!tpu.dma_semaphore, #tpu.memory_space<semaphore_mem>>) src(%arg13 : memref<512xf32, #tpu.memory_space<vmem>>) dst(%dma_wait3A_1413 : memref<512xf32, #tpu.memory_space<hbm>>)
      tpu.yield
    }) : () -> ()
    return
  }
}

</mosaic_0001>

<sc_bundles>
// kernel: kernel.3.cloned.1.call-start
scs
__scs_entry_jumppad:
0x0: {  	(pc) =	sbr.rel $0x88, $3  }
0x1: {  	(tag) =	ssettag $0x0;
	lr =	simm.s32 $0x1  }
0x2: {  	[smem:$0x3F9D] =	sst lr;
	_ =	strace $0xD0000000  }
0x3: {  	_ = 	snop  }
0x4: {  	_ = 	snop  }
0x5: {  	_ = 	snop  }
0x6: {  	_ = 	snop  }
0x7: {  	_ = 	snop  }
__scs_overlays_trampoline_lowered:
0x8: {  	[smem:$0x3FAC] =	sst s0  }
0x9: {  	[smem:$0x3FAD] =	sst s1  }
0xa: {  	[smem:$0x3FAE] =	sst s2  }
0xb: {  	[smem:$0x3FAF] =	sst s3  }
0xc: {  	[smem:$0x3FB0] =	sst s4  }
0xd: {  	[smem:$0x3FB1] =	sst s5  }
0xe: {  	[smem:$0x3FB2] =	sst s6  }
0xf: {  	[smem:$0x3FB3] =	sst s7  }
0x10: {  	[smem:$0x3FB4] =	sst s8  }
0x11: {  	[smem:$0x3FB5] =	sst s9;
	s0 =	simm.s32 @!p0 $0x0  }
0x12: {  	s1 =	sld [smem:$0x3F9B];
	s0 =	simm.s32 @p0 $0x1  }
0x13: {  	[smem:$0x3FB6] =	sst s0;
	s0 =	simm.s32 @!p1 $0x0  }
0x14: {  	s2 =	sld [smem:$0x3F9A];
	s0 =	simm.s32 @p1 $0x1  }
0x15: {  	[smem:$0x3FB7] =	sst s0;
	s0 =	simm.s32 @!p2 $0x0  }
0x16: {  	s3 =	sld [smem:$0x3FDB];
	s0 =	simm.s32 @p2 $0x1  }
0x17: {  	s4 =	simm.s32 $0x1BF5;
	[smem:$0x3FB9] =	sst s0  }
0x18: {  	s0 =	sld [smem:$0x3F9C];
	_ =	swait.ge [sflag:s4], $0x0  }
0x19: {  	s7 =	sld [smem:$0x3F9D]  }
0x1a: {  	s8 =	sadd.s32 $0xFFFFE003, lr  }
0x1b: {  	s9 =	sadd.s32 $0xFFFFFEF7, lr;
	s5 =	simm.s32 $0xFFFFFFFF;
	p2 =	slt.u32 s8, $0xFFFFF086  }
0x1c: {  	p1 =	slt.u32 s9, $0xF7A;
	s5 =	simm.s32 @!p2 $0x0  }
0x1d: {  	s5 =	simm.s32 @p1 $0x1;
	p0 =	seq.s32 s7, s2  }
0x1e: {  	s7 =	smul.u32 @!p0 $0xF7A, s2;
	p2 =	seq.s32 @!p0 s5, $0x0  }
0x1f: {  	s9 =	smul.u32 $0xF7A, s1;
	s8 =	simm.s32 @!p0 $0x1BF5;
	p2 =	por !p2, p0  }
0x20: {  	[sflag:s8] =	ssyncset.s32 @!p0 $0xFFFFF086;
	s6 =	sadd.s32 @!p0 s3, s7;
	s7 =	simm.s32 @!p0 $0x108  }
0x21: {  	s3 =	sadd.s32 s3, s9;
	s6 =	sadd.s32 @!p0 $0x88, s6;
	s7 =	simm.s32 @p2 $0x1082  }
0x22: {  	[simem:s7], [sflag:s8] =	dma.local @!p0 [hbm:s6], $0xF7A  }
0x23: {  	s9 =	sor.u32 $0xD0000000, s2;
	s6 =	simm.s32 $0x108;
	_ =	swait.ge @!p0 [sflag:s8], $0x0  }
0x24: {  	s3 =	sadd.s32 $0x88, s3;
	s6 =	simm.s32 @!p1 $0x1082;
	[sflag:s4] =	ssyncset.s32 $0xFFFFF086  }
0x25: {  	[simem:s6], [sflag:s4] =	dma.local [hbm:s3], $0xF7A  }
0x26: {  	[smem:$0x3F9D] =	sst s1;
	(tag) =	ssettag s2;
	_ =	strace s9  }
0x27: {  	s1 =	sld [smem:$0x3FAD]  }
0x28: {  	s2 =	sld [smem:$0x3FAE]  }
0x29: {  	s4 =	sld [smem:$0x3FB0]  }
0x2a: {  	p0 =	seq.s32 s5, $0x0;
	s5 =	sld [smem:$0x3FB1]  }
0x2b: {  	s6 =	sld [smem:$0x3FB2]  }
0x2c: {  	s7 =	sld [smem:$0x3FB3]  }
0x2d: {  	s3 =	simm.s32 $0x108;
	s8 =	sld [smem:$0x3FB4]  }
0x2e: {  	s3 =	simm.s32 @!p0 $0x1082;
	s9 =	sld [smem:$0x3FB5]  }
0x2f: {  	lr =	sadd.s32 s0, s3;
	s0 =	sld [smem:$0x3FAC]  }
0x30: {  	s3 =	sld [smem:$0x3FAF]  }
0x31: {  	[smem:$0x3FB8] =	sst s10  }
0x32: {  	s10 =	sld [smem:$0x3FB6];
	_ =	sdelay $0x3  }
0x33: {  	p0 =	seq.s32 s10, $0x1;
	s10 =	sld [smem:$0x3FB8];
	_ =	sdelay $0x3  }
0x34: {  	[smem:$0x3FB8] =	sst s10  }
0x35: {  	s10 =	sld [smem:$0x3FB7];
	_ =	sdelay $0x3  }
0x36: {  	p1 =	seq.s32 s10, $0x1;
	s10 =	sld [smem:$0x3FB8];
	_ =	sdelay $0x3  }
0x37: {  	[smem:$0x3FB8] =	sst s10  }
0x38: {  	s10 =	sld [smem:$0x3FB9]  }
0x39: {  	_ = 	snop;
	(pc) =	sbr.ind lr, $3  }
0x3a: {  	_ = 	snop  }
0x3b: {  	_ = 	snop  }
0x3c: {  	p2 =	seq.s32 s10, $0x1;
	s10 =	sld [smem:$0x3FB8]  }
0x3d: {  	_ =	shalt  }
0x3e: {  	_ =	shalt  }
0x3f: {  	_ =	shalt  }
0x40: {  	_ =	shalt  }
0x41: {  	_ =	shalt  }
0x42: {  	_ =	shalt  }
0x43: {  	_ =	shalt  }
0x44: {  	_ =	shalt  }
0x45: {  	_ =	shalt  }
0x46: {  	_ =	shalt  }
0x47: {  	_ =	shalt  }
0x48: {  	_ =	shalt  }
0x49: {  	_ =	shalt  }
0x4a: {  	_ =	shalt  }
0x4b: {  	_ =	shalt  }
0x4c: {  	_ =	shalt  }
0x4d: {  	_ =	shalt  }
0x4e: {  	_ =	shalt  }
0x4f: {  	_ =	shalt  }
0x50: {  	_ =	shalt  }
0x51: {  	_ =	shalt  }
0x52: {  	_ =	shalt  }
0x53: {  	_ =	shalt  }
0x54: {  	_ =	shalt  }
0x55: {  	_ =	shalt  }
0x56: {  	_ =	shalt  }
0x57: {  	_ =	shalt  }
0x58: {  	_ =	shalt  }
0x59: {  	_ =	shalt  }
0x5a: {  	_ =	shalt  }
0x5b: {  	_ =	shalt  }
0x5c: {  	_ =	shalt  }
0x5d: {  	_ =	shalt  }
0x5e: {  	_ =	shalt  }
0x5f: {  	_ =	shalt  }
0x60: {  	_ =	shalt  }
0x61: {  	_ =	shalt  }
0x62: {  	_ =	shalt  }
0x63: {  	_ =	shalt  }
0x64: {  	_ =	shalt  }
0x65: {  	_ =	shalt  }
0x66: {  	_ =	shalt  }
0x67: {  	_ =	shalt  }
0x68: {  	_ =	shalt  }
0x69: {  	_ =	shalt  }
0x6a: {  	_ =	shalt  }
0x6b: {  	_ =	shalt  }
0x6c: {  	_ =	shalt  }
0x6d: {  	_ =	shalt  }
0x6e: {  	_ =	shalt  }
0x6f: {  	_ =	shalt  }
0x70: {  	_ =	shalt  }
0x71: {  	_ =	shalt  }
0x72: {  	_ =	shalt  }
0x73: {  	_ =	shalt  }
0x74: {  	_ =	shalt  }
0x75: {  	_ =	shalt  }
0x76: {  	_ =	shalt  }
0x77: {  	_ =	shalt  }
0x78: {  	_ =	shalt  }
0x79: {  	_ =	shalt  }
0x7a: {  	_ =	shalt  }
0x7b: {  	_ =	shalt  }
0x7c: {  	_ =	shalt  }
0x7d: {  	_ =	shalt  }
0x7e: {  	_ =	shalt  }
0x7f: {  	_ =	shalt  }
0x80: {  	_ =	shalt  }
0x81: {  	_ =	shalt  }
0x82: {  	_ =	shalt  }
0x83: {  	_ =	shalt  }
0x84: {  	_ =	shalt  }
0x85: {  	_ =	shalt  }
0x86: {  	_ =	shalt  }
0x87: {  	_ =	shalt  }
.Lfunc_end0:
.L_simem_size_0:
called_computation_lowered:
.L_overlay_start_0:
0x88: {  	s2 =	sld [smem:$0x3FD9]  }
0x89: {  	s3 =	sld [smem:$0x3FFE];
	_ =	sdelay $0x1  }
0x8a: {  	s1 =	srdreg.scid  }
0x8b: {  	s0 =	sand.u32 $0x1, s1  }
0x8c: {  	s18 =	sshll.u32 s0, $0xA;
	s2 =	sadd.s32 s3, s2  }
0x8d: {  	s2 =	sadd.s32 s2, s18  }
0x8e: {  	[smem:$0x3FC4] =	sst s2  }
0x8f: {  	_ = 	snop  }
0x90: {  	s2 =	sld [smem:$0x3FC9]  }
0x91: {  	s19 =	sld [smem:$0x3FC8]  }
0x92: {  	s4 =	sld [smem:$0x3FC7]  }
0x93: {  	s5 =	sld [smem:$0x3FC6]  }
0x94: {  	s6 =	sld [smem:$0x3FD0];
	(tm) =	ssettm $0x1  }
0x95: {  	s7 =	sld [smem:$0x3FFB];
	_ =	sdelay $0x3  }
0x96: {  	_ =	strace s7  }
0x97: {  	s7 =	sld [smem:$0x3FFC];
	_ =	sdelay $0x3  }
0x98: {  	_ =	strace s7  }
0x99: {  	s7 =	sld [smem:$0x3FFD];
	_ =	sdelay $0x3  }
0x9a: {  	_ =	strace s7  }
0x9b: {  	_ =	strace $0x8FFFFFFF  }
0x9c: {  	s20 =	sld [smem:$0x3FDB];
	_ =	sdelay $0x1  }
0x9d: {  	s8 =	simm.s32 $_scs_section_size  }
0x9e: {  	s9 =	simm.s32 $_size__tile_overlayer_lowered;
	s10 =	simm.s32 $_tile_overlayer_lowered  }
0x9f: {  	s23 =	simm.s32 $0x1BFF;
	s22 =	sshll.u32 s10, $0x1;
	s7 =	sadd.s32 s8, s20  }
0xa0: {  	s11 =	simm.s32 $0x0;
	s21 =	sshll.u32 s9, $0x1;
	s9 =	sadd.s32 s22, s7  }
0xa1: {  	[timem:s11], [sflag:s23] =	dma.local [hbm:s9], s21  }
0xa2: {  	_ =	swait.ge [sflag:s23], s21  }
0xa3: {  	s8 =	ssub.s32 $0x0, s21;
	[sflag:s23] =	ssyncset.done $0x0  }
0xa4: {  	[sflag:s23] =	ssyncadd.s32 s8;
	_ =	sdelay $0x1  }
0xa5: {  	s24 =	simm.s32 $0x1B8B  }
0xa6: {  	_ =	swait.ge [sflag:s24], $0x1  }
0xa7: {  	[sflag:s24] =	ssyncset.done $0x0  }
0xa8: {  	s25 =	simm.s32 $0x1B8E;
	[sflag:s24] =	ssyncadd.s32 $0xFFFFFFFF  }
0xa9: {  	s26 =	simm.s32 $execute0_lowered;
	[smem:$0x3FD2] =	sst s25  }
0xaa: {  	s8 =	sshll.u32 s26, $0x1;
	_ =	strace $0x80000046;
	[dreg:$0x1] =	wrdreg $0xFFFFFFFF  }
0xab: {  	s28 =	simm.s32 $_size_execute0_lowered;
	s7 =	sadd.s32 s7, s8;
	[dreg:$0x0] =	wrdreg $0x0  }
0xac: {  	s8 =	sshll.u32 s28, $0x1;
	[dreg:$0x2] =	wrdreg s7  }
0xad: {  	[dreg:$0x3] =	wrdreg s8  }
0xae: {  	[dreg:$0x4] =	wrdreg $0xC0  }
0xaf: {  	_ =	task [dreg:s11], $0x5FFFF  }
0xb0: {  	[dreg:$0x1] =	wrdreg $0xFFFFFFFF  }
0xb1: {  	[dreg:$0x0] =	wrdreg $0x60  }
0xb2: {  	[dreg:$0x2] =	wrdreg s2  }
0xb3: {  	[dreg:$0x3] =	wrdreg s19  }
0xb4: {  	[dreg:$0x4] =	wrdreg s4  }
0xb5: {  	[dreg:$0x5] =	wrdreg s5  }
0xb6: {  	[dreg:$0x6] =	wrdreg s6  }
0xb7: {  	[dreg:$0x7] =	wrdreg $0x9  }
0xb8: {  	_ =	task.clear_ibuf [dreg:s11], $0x8FFFF;
	_ =	strace $0x90000046  }
0xb9: {  	s29 =	simm.s32 $0x9;
	_ =	strace $0x80000048  }
0xba: {  	_ =	swait.ge [sflag:s29], $0x1  }
0xbb: {  	[sflag:s29] =	ssyncadd.s32 $0xFFFFFFFF  }
0xbc: {  	_ =	strace $0x90000048  }
0xbd: {  	_ =	sfence  }
0xbe: {  	s30 =	sld [smem:$0x0];
	_ =	sdelay $0x2  }
0xbf: {  	s31 =	sshll.u32 s1, $0xD;
	s1 =	sshrl.u32 s1, $0x2  }
0xc0: {  	s3 =	sand.u32 $0x4000, s31;
	s1 =	sadd.s32 s1, s30  }
0xc1: {  	s0 =	sor.u32 s3, s0;
	s1 =	sshll.u32 s1, $0x11  }
0xc2: {  	s0 =	sor.u32 s1, s0  }
0xc3: {  	s0 =	sadd.s32 $0x8F2B, s0  }
0xc4: {  	[sflag:s0] =	ssyncadd.remote.s32 $0x1  }
0xc5: {  	_ =	sfence.sel $0xFFFF  }
0xc6: {  	[dreg:$0x0] =	wrdreg $0xFFFFFFFF;
	(pc) =	sbr.abs _section_cstart, $3  }
0xc7: {  	[dreg:$0x1] =	wrdreg $0xFFFFFFFF  }
0xc8: {  	_ =	task.clear_ibuf [dreg:s11], $0x2FFFF;
	_ =	strace $0x9FFFFFFF  }
0xc9: {  	(tm) =	ssettm $0x7FFFFFFF  }
tec
execute0_lowered:
.L_overlay_start_1:
0x0: {  	(tag) =	ssettag $0x1  }
0x1: {  	vm0 =	vmmov $0x1;
	v0 =	vimm.s32 $0x1380;
	vm9 =	vcmask $0x300  }
0x2: {  	vm1 =	vcmask $0x308;
	vm7 =	vcmask $0x704;
	vm2 =	vcmask $0x70C  }
0x3: {  	vm14 =	vcmask $0xB08;
	vm3 =	vcmask $0xB10;
	vm10 =	vcmask $0xF0C  }
0x4: {  	vm4 =	vcmask $0xF14;
	vm11 =	vcmask $0x1310;
	vm5 =	vcmask $0x1318  }
0x5: {  	vm12 =	vcmask $0x1714;
	vm6 =	vcmask $0x171C;
	vm13 =	vcmask $0x1B18  }
0x6: {  	vm8 =	vcmask $0x1F1C;
	v1 =	vimm.s32 $0x3380;
	v2 =	vimm.s32 $0x1FF8  }
0x7: {  	v3 =	vimm.s32 $0x3FF8;
	v4 =	vimm.s32 $0x1FF9;
	v5 =	vimm.s32 $0x3FF9  }
0x8: {  	v6 =	vimm.s32 $0x1FFA;
	v7 =	vimm.s32 $0x3FFA;
	v8 =	vimm.s32 $0x1FFB  }
0x9: {  	v9 =	vimm.s32 $0x3FFB;
	v10 =	vimm.s32 $0x1FFC;
	v11 =	vimm.s32 $0x3FFC  }
0xa: {  	v12 =	vimm.s32 $0x1FFD;
	v13 =	vimm.s32 $0x3FFD;
	v14 =	vimm.s32 $0x1FFE  }
0xb: {  	v15 =	vimm.s32 $0x3FFE;
	v16 =	vimm.s32 $0x1FFF;
	v17 =	vimm.s32 $0x3FFF  }
0xc: {  	vm15 =	vcmask $0x2724;
	v0 =	vsel vm9, $0x0, v0;
	v1 =	vsel vm9, $0x2000, v1  }
0xd: {  	v2 =	vsel vm9, $0xC78, v2;
	v3 =	vsel vm9, $0x2C78, v3;
	v4 =	vsel vm9, $0xC79, v4  }
0xe: {  	v5 =	vsel vm9, $0x2C79, v5;
	v6 =	vsel vm9, $0xC7A, v6;
	v7 =	vsel vm9, $0x2C7A, v7  }
0xf: {  	v8 =	vsel vm9, $0xC7B, v8;
	v9 =	vsel vm9, $0x2C7B, v9;
	v10 =	vsel vm9, $0xC7C, v10  }
0x10: {  	v11 =	vsel vm9, $0x2C7C, v11;
	v12 =	vsel vm9, $0xC7D, v12;
	v13 =	vsel vm9, $0x2C7D, v13  }
0x11: {  	v14 =	vsel vm9, $0xC7E, v14;
	v15 =	vsel vm9, $0x2C7E, v15;
	v16 =	vsel vm9, $0xC7F, v16  }
0x12: {  	v17 =	vsel vm9, $0x2C7F, v17;
	vm9 =	vcmask $0x2320;
	v0 =	vsel vm7, $0x80, v0  }
0x13: {  	v1 =	vsel vm7, $0x2080, v1;
	v2 =	vsel vm7, $0xCF8, v2;
	v3 =	vsel vm7, $0x2CF8, v3  }
0x14: {  	v4 =	vsel vm7, $0xCF9, v4;
	v5 =	vsel vm7, $0x2CF9, v5;
	v6 =	vsel vm7, $0xCFA, v6  }
0x15: {  	v7 =	vsel vm7, $0x2CFA, v7;
	v8 =	vsel vm7, $0xCFB, v8;
	v9 =	vsel vm7, $0x2CFB, v9  }
0x16: {  	v10 =	vsel vm7, $0xCFC, v10;
	v11 =	vsel vm7, $0x2CFC, v11;
	v12 =	vsel vm7, $0xCFD, v12  }
0x17: {  	v13 =	vsel vm7, $0x2CFD, v13;
	v14 =	vsel vm7, $0xCFE, v14;
	v15 =	vsel vm7, $0x2CFE, v15  }
0x18: {  	v16 =	vsel vm7, $0xCFF, v16;
	v17 =	vsel vm7, $0x2CFF, v17;
	vm7 =	vcmask $0x1B20  }
0x19: {  	v0 =	vsel vm14, $0x100, v0;
	v1 =	vsel vm14, $0x2100, v1;
	v2 =	vsel vm14, $0xD78, v2  }
0x1a: {  	v3 =	vsel vm14, $0x2D78, v3;
	v4 =	vsel vm14, $0xD79, v4;
	v5 =	vsel vm14, $0x2D79, v5  }
0x1b: {  	v6 =	vsel vm14, $0xD7A, v6;
	v7 =	vsel vm14, $0x2D7A, v7;
	v8 =	vsel vm14, $0xD7B, v8  }
0x1c: {  	v9 =	vsel vm14, $0x2D7B, v9;
	v10 =	vsel vm14, $0xD7C, v10;
	v11 =	vsel vm14, $0x2D7C, v11  }
0x1d: {  	v12 =	vsel vm14, $0xD7D, v12;
	v13 =	vsel vm14, $0x2D7D, v13;
	v14 =	vsel vm14, $0xD7E, v14  }
0x1e: {  	v15 =	vsel vm14, $0x2D7E, v15;
	v16 =	vsel vm14, $0xD7F, v16;
	v17 =	vsel vm14, $0x2D7F, v17  }
0x1f: {  	vm14 =	vcmask $0x3B38;
	v0 =	vsel vm10, $0x180, v0;
	v1 =	vsel vm10, $0x2180, v1  }
0x20: {  	v2 =	vsel vm10, $0xDF8, v2;
	v3 =	vsel vm10, $0x2DF8, v3;
	v4 =	vsel vm10, $0xDF9, v4  }
0x21: {  	v5 =	vsel vm10, $0x2DF9, v5;
	v6 =	vsel vm10, $0xDFA, v6;
	v7 =	vsel vm10, $0x2DFA, v7  }
0x22: {  	v8 =	vsel vm10, $0xDFB, v8;
	v9 =	vsel vm10, $0x2DFB, v9;
	v10 =	vsel vm10, $0xDFC, v10  }
0x23: {  	v11 =	vsel vm10, $0x2DFC, v11;
	v12 =	vsel vm10, $0xDFD, v12;
	v13 =	vsel vm10, $0x2DFD, v13  }
0x24: {  	v14 =	vsel vm10, $0xDFE, v14;
	v15 =	vsel vm10, $0x2DFE, v15;
	v16 =	vsel vm10, $0xDFF, v16  }
0x25: {  	v17 =	vsel vm10, $0x2DFF, v17;
	vm10 =	vcmask $0x2B28;
	v0 =	vsel vm11, $0x200, v0  }
0x26: {  	v19 =	vsel vm11, $0x2200, v1;
	v2 =	vsel vm11, $0xE78, v2;
	v3 =	vsel vm11, $0x2E78, v3  }
0x27: {  	v4 =	vsel vm11, $0xE79, v4;
	v5 =	vsel vm11, $0x2E79, v5;
	v6 =	vsel vm11, $0xE7A, v6  }
0x28: {  	v7 =	vsel vm11, $0x2E7A, v7;
	v8 =	vsel vm11, $0xE7B, v8;
	v9 =	vsel vm11, $0x2E7B, v9  }
0x29: {  	v10 =	vsel vm11, $0xE7C, v10;
	v11 =	vsel vm11, $0x2E7C, v11;
	v12 =	vsel vm11, $0xE7D, v12  }
0x2a: {  	v13 =	vsel vm11, $0x2E7D, v13;
	v14 =	vsel vm11, $0xE7E, v14;
	v15 =	vsel vm11, $0x2E7E, v15  }
0x2b: {  	v16 =	vsel vm11, $0xE7F, v16;
	v17 =	vsel vm11, $0x2E7F, v17;
	vm11 =	vcmask $0x2F2C  }
0x2c: {  	v0 =	vsel vm12, $0x280, v0;
	v19 =	vsel vm12, $0x2280, v19;
	v2 =	vsel vm12, $0xEF8, v2  }
0x2d: {  	v3 =	vsel vm12, $0x2EF8, v3;
	v4 =	vsel vm12, $0xEF9, v4;
	v5 =	vsel vm12, $0x2EF9, v5  }
0x2e: {  	v6 =	vsel vm12, $0xEFA, v6;
	v7 =	vsel vm12, $0x2EFA, v7;
	v8 =	vsel vm12, $0xEFB, v8  }
0x2f: {  	v9 =	vsel vm12, $0x2EFB, v9;
	v10 =	vsel vm12, $0xEFC, v10;
	v11 =	vsel vm12, $0x2EFC, v11  }
0x30: {  	v12 =	vsel vm12, $0xEFD, v12;
	v13 =	vsel vm12, $0x2EFD, v13;
	v14 =	vsel vm12, $0xEFE, v14  }
0x31: {  	v15 =	vsel vm12, $0x2EFE, v15;
	v16 =	vsel vm12, $0xEFF, v16;
	v17 =	vsel vm12, $0x2EFF, v17  }
0x32: {  	vm12 =	vcmask $0x3330;
	v0 =	vsel vm13, $0x300, v0;
	v19 =	vsel vm13, $0x2300, v19  }
0x33: {  	v2 =	vsel vm13, $0xF78, v2;
	v3 =	vsel vm13, $0x2F78, v3;
	v4 =	vsel vm13, $0xF79, v4  }
0x34: {  	v5 =	vsel vm13, $0x2F79, v5;
	v6 =	vsel vm13, $0xF7A, v6;
	v7 =	vsel vm13, $0x2F7A, v7  }
0x35: {  	v8 =	vsel vm13, $0xF7B, v8;
	v9 =	vsel vm13, $0x2F7B, v9;
	v10 =	vsel vm13, $0xF7C, v10  }
0x36: {  	v11 =	vsel vm13, $0x2F7C, v11;
	v12 =	vsel vm13, $0xF7D, v12;
	v13 =	vsel vm13, $0x2F7D, v13  }
0x37: {  	v14 =	vsel vm13, $0xF7E, v14;
	v15 =	vsel vm13, $0x2F7E, v15;
	v16 =	vsel vm13, $0xF7F, v16  }
0x38: {  	v17 =	vsel vm13, $0x2F7F, v17;
	vm13 =	vcmask $0x3734;
	v0 =	vsel vm8, $0x380, v0  }
0x39: {  	v19 =	vsel vm8, $0x2380, v19;
	v2 =	vsel vm8, $0xFF8, v2;
	v20 =	vsel vm8, $0x2FF8, v3  }
0x3a: {  	v21 =	vsel vm8, $0xFF9, v4;
	v5 =	vsel vm8, $0x2FF9, v5;
	v6 =	vsel vm8, $0xFFA, v6  }
0x3b: {  	v7 =	vsel vm8, $0x2FFA, v7;
	v8 =	vsel vm8, $0xFFB, v8;
	v9 =	vsel vm8, $0x2FFB, v9  }
0x3c: {  	v10 =	vsel vm8, $0xFFC, v10;
	v11 =	vsel vm8, $0x2FFC, v11;
	v12 =	vsel vm8, $0xFFD, v12  }
0x3d: {  	v13 =	vsel vm8, $0x2FFD, v13;
	v14 =	vsel vm8, $0xFFE, v14;
	v15 =	vsel vm8, $0x2FFE, v15  }
0x3e: {  	v16 =	vsel vm8, $0xFFF, v16;
	v17 =	vsel vm8, $0x2FFF, v17;
	vm8 =	vcmask $0x1F24  }
0x3f: {  	v18 =	vsel vm9, $0x1000, v0;
	v0 =	vlaneseq.u32;
	v19 =	vsel vm9, $0x3000, v19  }
0x40: {  	v2 =	vsel vm9, $0x1C78, v2;
	v22 =	vsel vm9, $0x1C7A, v6;
	v7 =	vsel vm9, $0x3C7A, v7  }
0x41: {  	v8 =	vsel vm9, $0x1C7B, v8;
	v9 =	vsel vm9, $0x3C7B, v9;
	v10 =	vsel vm9, $0x1C7C, v10  }
0x42: {  	v11 =	vsel vm9, $0x3C7C, v11;
	v12 =	vsel vm9, $0x1C7D, v12;
	v13 =	vsel vm9, $0x3C7D, v13  }
0x43: {  	v14 =	vsel vm9, $0x1C7E, v14;
	v15 =	vsel vm9, $0x3C7E, v15;
	v16 =	vsel vm9, $0x1C7F, v16  }
0x44: {  	v17 =	vsel vm9, $0x3C7F, v17;
	v18 =	vsel vm15, $0x1080, v18;
	v1 =	vmul.u32 $0x80, v0  }
0x45: {  	v19 =	vsel vm15, $0x3080, v19;
	v2 =	vsel vm15, $0x1CF8, v2;
	v9 =	vsel vm15, $0x3CFB, v9  }
0x46: {  	v10 =	vsel vm15, $0x1CFC, v10;
	v11 =	vsel vm15, $0x3CFC, v11;
	v12 =	vsel vm15, $0x1CFD, v12  }
0x47: {  	v13 =	vsel vm15, $0x3CFD, v13;
	v14 =	vsel vm15, $0x1CFE, v14;
	v15 =	vsel vm15, $0x3CFE, v15  }
0x48: {  	v16 =	vsel vm15, $0x1CFF, v16;
	v17 =	vsel vm15, $0x3CFF, v17;
	v18 =	vsel vm10, $0x1100, v18  }
0x49: {  	v19 =	vsel vm10, $0x3100, v19;
	v4 =	vsel vm10, $0x1D78, v2;
	v11 =	vsel vm10, $0x3D7C, v11  }
0x4a: {  	v12 =	vsel vm10, $0x1D7D, v12;
	v13 =	vsel vm10, $0x3D7D, v13;
	v14 =	vsel vm10, $0x1D7E, v14  }
0x4b: {  	v15 =	vsel vm10, $0x3D7E, v15;
	v16 =	vsel vm10, $0x1D7F, v16;
	v17 =	vsel vm10, $0x3D7F, v17  }
0x4c: {  	v18 =	vsel vm11, $0x1180, v18;
	v19 =	vsel vm11, $0x3180, v19;
	v13 =	vsel vm11, $0x3DFD, v13  }
0x4d: {  	v14 =	vsel vm11, $0x1DFE, v14;
	v15 =	vsel vm11, $0x3DFE, v15;
	v16 =	vsel vm11, $0x1DFF, v16  }
0x4e: {  	v17 =	vsel vm11, $0x3DFF, v17;
	v18 =	vsel vm12, $0x1200, v18;
	v3 =	vsel vm12, $0x3200, v19  }
0x4f: {  	v19 =	vsel vm11, $0x1DF8, v4;
	v15 =	vsel vm12, $0x3E7E, v15;
	v17 =	vsel vm12, $0x3E7F, v17  }
0x50: {  	v16 =	vsel vm12, $0x1E7F, v16;
	v18 =	vsel vm13, $0x1280, v18;
	v23 =	vsel vm13, $0x3EFF, v17  }
0x51: {  	v2 =	vsel vm14, $0x1300, v18;
	v18 =	vsel vm13, $0x3280, v3;
	v3 =	vor.u32 $0x800, v1  }
0x52: {  	v4 =	vsel vm14, $0x3300, v18;
	v18 =	vsel vm12, $0x1E78, v19;
	v19 =	vsel vm9, $0x3C78, v20  }
0x53: {  	v20 =	vsel vm9, $0x1C79, v21;
	v21 =	vsel vm9, $0x3C79, v5;
	vm9 =	vcmask $0x2328  }
0x54: {  	v5 =	vsel vm13, $0x1EF8, v18;
	v6 =	vsel vm15, $0x3CF8, v19;
	v18 =	vsel vm15, $0x1CF9, v20  }
0x55: {  	v19 =	vsel vm15, $0x3CF9, v21;
	v20 =	vsel vm15, $0x1CFA, v22;
	v21 =	vsel vm15, $0x3CFA, v7  }
0x56: {  	v22 =	vsel vm15, $0x1CFB, v8;
	v5 =	vsel vm14, $0x1F78, v5;
	v6 =	vsel vm10, $0x3D78, v6  }
0x57: {  	v18 =	vsel vm10, $0x1D79, v18;
	v19 =	vsel vm10, $0x3D79, v19;
	v6 =	vsel vm11, $0x3DF8, v6  }
0x58: {  	s2 =	rddreg [dreg:$0x0];
	v18 =	vsel vm11, $0x1DF9, v18;
	v19 =	vsel vm11, $0x3DF9, v19;
	v6 =	vsel vm12, $0x3E78, v6  }
0x59: {  	s3 =	rddreg [dreg:$0x1];
	v18 =	vsel vm12, $0x1E79, v18;
	v19 =	vsel vm12, $0x3E79, v19;
	v6 =	vsel vm13, $0x3EF8, v6  }
0x5a: {  	s0 =	rddreg [dreg:$0x2];
	v18 =	vsel vm13, $0x1EF9, v18;
	v8 =	vsel vm13, $0x3EF9, v19;
	v19 =	vsel vm10, $0x3D7A, v21  }
0x5b: {  	s1 =	rddreg [dreg:$0x3];
	v21 =	vsel vm10, $0x3D7B, v9;
	v6 =	vsel vm14, $0x3F78, v6;
	v7 =	vsel vm14, $0x1F79, v18  }
0x5c: {  	s4 =	rddreg [dreg:$0x4];
	s5 =	srdreg.scid;
	v8 =	vsel vm14, $0x3F79, v8;
	v18 =	vsel vm10, $0x1D7A, v20;
	v19 =	vsel vm11, $0x3DFA, v19  }
0x5d: {  	s19 =	simm.s32 $0x0;
	s7 =	stileid.u32;
	s11 =	simm.s32 $0x7A1400;
	v20 =	vsel vm10, $0x1D7B, v22;
	v22 =	vsel vm10, $0x1D7C, v10;
	vm10 =	vcmask $0x272C  }
0x5e: {  	s21 =	simm.s32 $0x11;
	s12 =	simm.s32 $0x400;
	s23 =	simm.s32 $0x9400;
	v18 =	vsel vm11, $0x1DFA, v18;
	v10 =	vsel vm12, $0x3E7A, v19;
	v19 =	vsel vm11, $0x3DFB, v21  }
0x5f: {  	s28 =	simm.s32 $0x2400;
	s29 =	simm.s32 $0xA400;
	s10 =	simm.s32 $0xB400;
	v21 =	vsel vm11, $0x3DFC, v11;
	v9 =	vsel vm12, $0x1E7A, v18;
	v10 =	vsel vm13, $0x3EFA, v10  }
0x60: {  	s9 =	simm.s32 $0xD400;
	s13 =	simm.s32 $0xF400;
	s30 =	simm.s32 $0x10400;
	v18 =	vsel vm11, $0x1DFB, v20;
	v20 =	vsel vm11, $0x1DFC, v22;
	v22 =	vsel vm11, $0x1DFD, v12  }
0x61: {  	s14 =	simm.s32 $0x0;
	s31 =	simm.s32 $0xA400;
	s15 =	simm.s32 $0x9;
	vm11 =	vcmask $0x2B30;
	v12 =	vsel vm12, $0x3E7B, v19;
	v19 =	vsel vm12, $0x3E7C, v21  }
0x62: {  	s16 =	simm.s32 $0x2;
	s17 =	simm.s32 $0xA;
	s18 =	simm.s32 $0x3;
	v21 =	vsel vm12, $0x3E7D, v13;
	v9 =	vsel vm13, $0x1EFA, v9;
	v10 =	vsel vm14, $0x3F7A, v10  }
0x63: {  	s5 =	sand.u32 $0x1, s5;
	s7 =	sshll.u32 s7, $0x7;
	[smem:$0x7FF] =	sst s19;
	v18 =	vsel vm12, $0x1E7B, v18;
	v12 =	vsel vm13, $0x3EFB, v12;
	v9 =	vsel vm14, $0x1F7A, v9  }
0x64: {  	s6 =	ssub.s32 $0x2, s5;
	s5 =	sshll.u32 s5, $0x6;
	_ =	strace $0x80000047;
	v11 =	vsel vm13, $0x1EFB, v18;
	v18 =	vsel vm12, $0x1E7C, v20;
	v12 =	vsel vm14, $0x3F7B, v12  }
0x65: {  	s8 =	sshrl.u32 s6, $0x1;
	s5 =	sor.u32 s5, s7;
	s7 =	simm.s32 $0x5400;
	v20 =	vsel vm12, $0x1E7D, v22;
	v22 =	vsel vm12, $0x1E7E, v14;
	vm12 =	vcmask $0x2F34  }
0x66: {  	s6 =	ssub.s32 s6, s8;
	s2 =	sadd.s32 s2, s5;
	s24 =	sadd.s32 s3, s5;
	v14 =	vsel vm13, $0x3EFC, v19;
	v19 =	vsel vm13, $0x3EFD, v21;
	v21 =	vsel vm13, $0x3EFE, v15  }
0x67: {  	s25 =	sadd.s32 s4, s5;
	s3 =	simm.s32 $0x3400;
	[dreg:$0x6] =	wrdreg s2;
	v11 =	vsel vm14, $0x1F7B, v11;
	v18 =	vsel vm13, $0x1EFC, v18;
	v14 =	vsel vm14, $0x3F7C, v14  }
0x68: {  	s5 =	simm.s32 $0x4400;
	s4 =	simm.s32 $0xE400;
	[dreg:$0x7] =	wrdreg s24;
	v13 =	vsel vm14, $0x1F7C, v18;
	v18 =	vsel vm13, $0x1EFD, v20;
	v20 =	vsel vm13, $0x1EFE, v22  }
0x69: {  	s8 =	simm.s32 $0x7400;
	[dreg:$0x8] =	wrdreg s25;
	s26 =	smax.u32 s6, $0x1;
	v22 =	vsel vm13, $0x1EFF, v16;
	vm13 =	vcmask $0x3338;
	v16 =	vsel vm14, $0x3F7D, v19  }
0x6a: {  	s25 =	simm.s32 $0x8400;
	s6 =	simm.s32 $0xC400;
	s24 =	simm.s32 $0x6400;
	v15 =	vsel vm14, $0x1F7D, v18;
	v17 =	vsel vm14, $0x1F7E, v20;
	v18 =	vsel vm14, $0x3F7E, v21  }
0x6b: {  	s2 =	simm.s32 $0x14400;
	[dreg:$0x9] =	wrdreg s26;
	s26 =	simm.s32 $0x1400;
	v19 =	vsel vm14, $0x1F7F, v22;
	v20 =	vsel vm14, $0x3F7F, v23;
	vm14 =	vcmask $0x373C  }
.LBB2_1:
0x6c: {  	[dreg:$0xa] =	wrdreg s14  }
0x6d: {  	s20 =	rddreg [dreg:$0x6]  }
0x6e: {  	[tilespmem:s19], [sflag:$0x11] =	stream.linear.gather [hbm4b:s20+s19], $0x200, $0x38;
	[tilespmem:$0x18600] =	vst v63  }
0x6f: {  	_ =	swait.ge [sflag:s21], $0x200  }
0x70: {  	[sflag:s21] =	ssyncset.done $0x0  }
0x71: {  	s22 =	simm.s32 $0x200;
	s14 =	rddreg [dreg:$0x7];
	[sflag:s21] =	ssyncadd.s32 $0xFFFFFE00  }
0x72: {  	[tilespmem:s22], [sflag:$0x11] =	stream.linear.gather [hbm4b:s14+s19], $0x200, $0x38;
	[tilespmem:$0x18600] =	vst v63  }
0x73: {  	_ =	swait.ge [sflag:s21], $0x200  }
0x74: {  	[sflag:s21] =	ssyncset.done $0x0  }
0x75: {  	[sflag:s21] =	ssyncadd.s32 $0xFFFFFE00  }
0x76: {  	v21 =	vld [tilespmem:$0x0];
	_ =	sdelay $0x1  }
0x77: {  	v22 =	vld [tilespmem:$0x200];
	_ =	sdelay $0x2  }
0x78: {  	v21 =	vnsel vm0, $0x0, v21  }
0x79: {  	(xrf0) =	vadd.scan.msk.s32 $0xffff, v21  }
0x7a: {  	v21 =	vnsel vm0, $0x0, v22  }
0x7b: {  	(xrf0) =	vadd.scan.msk.s32 $0xffff, v21;
	_ =	sdelay $0x3  }
0x7c: {  	v21, _, _ =	vpop (xrf0)  }
0x7d: {  	(v2sf) =	vpush v21, $0xF  }
0x7e: {  	v21, _, _ =	vpop (xrf0)  }
0x7f: {  	(v2sf) =	vpush v21, $0xF;
	_ =	sdelay $0xc  }
0x80: {  	s20 =	spop (v2sf)  }
0x81: {  	s19 =	sand.u32 $0xFFFFF80, s20  }
0x82: {  	s21 =	spop (v2sf);
	s19 =	sadd.s32 s0, s19  }
0x83: {  	[tilespmem:s12], [sflag:$0x1] =	stream.strided.gather [hbm4b:s19+s12], $0x1000, s11, s12, $0x38;
	[tilespmem:$0x18600] =	vst v63  }
0x84: {  	s19 =	sand.u32 $0xFFFFF80, s21  }
0x85: {  	s19 =	sadd.s32 s1, s19  }
0x86: {  	[tilespmem:s25], [sflag:$0x9] =	stream.strided.gather [hbm4b:s19+s12], $0x1000, s11, s12, $0x38;
	[tilespmem:$0x18600] =	vst v63  }
0x87: {  	v21 =	vld [tilespmem:$0x0];
	_ =	sdelay $0x1  }
0x88: {  	v22 =	vld [tilespmem:$0x200];
	_ =	sdelay $0x2  }
0x89: {  	v21 =	vsel vm1, $0x0, v21  }
0x8a: {  	(xrf0) =	vadd.scan.msk.s32 $0xffff, v21  }
0x8b: {  	v21 =	vsel vm1, $0x0, v22  }
0x8c: {  	(xrf0) =	vadd.scan.msk.s32 $0xffff, v21;
	_ =	sdelay $0x3  }
0x8d: {  	v21, _, _ =	vpop (xrf0)  }
0x8e: {  	(v2sf) =	vpush v21, $0xF  }
0x8f: {  	v21, _, _ =	vpop (xrf0)  }
0x90: {  	(v2sf) =	vpush v21, $0xF;
	_ =	sdelay $0xc  }
0x91: {  	s22 =	spop (v2sf)  }
0x92: {  	s19 =	sand.u32 $0xFFFFF80, s22  }
0x93: {  	s14 =	spop (v2sf);
	s19 =	sadd.s32 s0, s19  }
0x94: {  	[tilespmem:s26], [sflag:$0x2] =	stream.strided.gather [hbm4b:s19+s12], $0x1000, s11, s12, $0x38;
	[tilespmem:$0x18600] =	vst v63  }
0x95: {  	s19 =	sand.u32 $0xFFFFF80, s14  }
0x96: {  	s19 =	sadd.s32 s1, s19  }
0x97: {  	[tilespmem:s23], [sflag:$0xA] =	stream.strided.gather [hbm4b:s19+s12], $0x1000, s11, s12, $0x38;
	[tilespmem:$0x18600] =	vst v63  }
0x98: {  	v21 =	vld [tilespmem:$0x0];
	_ =	sdelay $0x1  }
0x99: {  	v22 =	vld [tilespmem:$0x200];
	_ =	sdelay $0x2  }
0x9a: {  	v21 =	vsel vm2, $0x0, v21  }
0x9b: {  	(xrf0) =	vadd.scan.msk.s32 $0xffff, v21  }
0x9c: {  	v21 =	vsel vm2, $0x0, v22  }
0x9d: {  	(xrf0) =	vadd.scan.msk.s32 $0xffff, v21;
	_ =	sdelay $0x3  }
0x9e: {  	v21, _, _ =	vpop (xrf0)  }
0x9f: {  	(v2sf) =	vpush v21, $0xF  }
0xa0: {  	v21, _, _ =	vpop (xrf0)  }
0xa1: {  	(v2sf) =	vpush v21, $0xF;
	_ =	sdelay $0xc  }
0xa2: {  	s20 =	spop (v2sf)  }
0xa3: {  	s19 =	sand.u32 $0xFFFFF80, s20  }
0xa4: {  	s21 =	spop (v2sf);
	s19 =	sadd.s32 s0, s19  }
0xa5: {  	[tilespmem:s28], [sflag:$0x3] =	stream.strided.gather [hbm4b:s19+s12], $0x1000, s11, s12, $0x38;
	[tilespmem:$0x18600] =	vst v63  }
0xa6: {  	s19 =	sand.u32 $0xFFFFF80, s21  }
0xa7: {  	s19 =	sadd.s32 s1, s19  }
0xa8: {  	[tilespmem:s29], [sflag:$0xB] =	stream.strided.gather [hbm4b:s19+s12], $0x1000, s11, s12, $0x38;
	[tilespmem:$0x18600] =	vst v63  }
0xa9: {  	v21 =	vld [tilespmem:$0x0];
	_ =	sdelay $0x1  }
0xaa: {  	v22 =	vld [tilespmem:$0x200];
	_ =	sdelay $0x2  }
0xab: {  	v21 =	vsel vm3, $0x0, v21  }
0xac: {  	(xrf0) =	vadd.scan.msk.s32 $0xffff, v21  }
0xad: {  	v21 =	vsel vm3, $0x0, v22  }
0xae: {  	(xrf0) =	vadd.scan.msk.s32 $0xffff, v21;
	_ =	sdelay $0x3  }
0xaf: {  	v21, _, _ =	vpop (xrf0)  }
0xb0: {  	(v2sf) =	vpush v21, $0xF  }
0xb1: {  	v21, _, _ =	vpop (xrf0)  }
0xb2: {  	(v2sf) =	vpush v21, $0xF;
	_ =	sdelay $0xc  }
0xb3: {  	s22 =	spop (v2sf)  }
0xb4: {  	s19 =	sand.u32 $0xFFFFF80, s22  }
0xb5: {  	s23 =	spop (v2sf);
	s19 =	sadd.s32 s0, s19  }
0xb6: {  	[tilespmem:s3], [sflag:$0x4] =	stream.strided.gather [hbm4b:s19+s12], $0x1000, s11, s12, $0x38;
	[tilespmem:$0x18600] =	vst v63  }
0xb7: {  	s19 =	sand.u32 $0xFFFFF80, s23  }
0xb8: {  	s19 =	sadd.s32 s1, s19  }
0xb9: {  	[tilespmem:s10], [sflag:$0xC] =	stream.strided.gather [hbm4b:s19+s12], $0x1000, s11, s12, $0x38;
	[tilespmem:$0x18600] =	vst v63  }
0xba: {  	v21 =	vld [tilespmem:$0x0];
	_ =	sdelay $0x1  }
0xbb: {  	v22 =	vld [tilespmem:$0x200];
	_ =	sdelay $0x2  }
0xbc: {  	v21 =	vsel vm4, $0x0, v21  }
0xbd: {  	(xrf0) =	vadd.scan.msk.s32 $0xffff, v21  }
0xbe: {  	v21 =	vsel vm4, $0x0, v22  }
0xbf: {  	(xrf0) =	vadd.scan.msk.s32 $0xffff, v21;
	_ =	sdelay $0x3  }
0xc0: {  	v21, _, _ =	vpop (xrf0)  }
0xc1: {  	(v2sf) =	vpush v21, $0xF  }
0xc2: {  	v21, _, _ =	vpop (xrf0)  }
0xc3: {  	(v2sf) =	vpush v21, $0xF;
	_ =	sdelay $0xc  }
0xc4: {  	s3 =	spop (v2sf)  }
0xc5: {  	s19 =	sand.u32 $0xFFFFF80, s3  }
0xc6: {  	s10 =	spop (v2sf);
	s19 =	sadd.s32 s0, s19  }
0xc7: {  	[tilespmem:s5], [sflag:$0x5] =	stream.strided.gather [hbm4b:s19+s12], $0x1000, s11, s12, $0x38;
	[tilespmem:$0x18600] =	vst v63  }
0xc8: {  	s19 =	sand.u32 $0xFFFFF80, s10  }
0xc9: {  	s19 =	sadd.s32 s1, s19  }
0xca: {  	[tilespmem:s6], [sflag:$0xD] =	stream.strided.gather [hbm4b:s19+s12], $0x1000, s11, s12, $0x38;
	[tilespmem:$0x18600] =	vst v63  }
0xcb: {  	v21 =	vld [tilespmem:$0x0];
	_ =	sdelay $0x1  }
0xcc: {  	v22 =	vld [tilespmem:$0x200];
	_ =	sdelay $0x2  }
0xcd: {  	v21 =	vsel vm5, $0x0, v21  }
0xce: {  	(xrf0) =	vadd.scan.msk.s32 $0xffff, v21  }
0xcf: {  	v21 =	vsel vm5, $0x0, v22  }
0xd0: {  	(xrf0) =	vadd.scan.msk.s32 $0xffff, v21;
	_ =	sdelay $0x3  }
0xd1: {  	v21, _, _ =	vpop (xrf0)  }
0xd2: {  	(v2sf) =	vpush v21, $0xF  }
0xd3: {  	v21, _, _ =	vpop (xrf0)  }
0xd4: {  	(v2sf) =	vpush v21, $0xF;
	_ =	sdelay $0xc  }
0xd5: {  	s14 =	spop (v2sf)  }
0xd6: {  	s19 =	sand.u32 $0xFFFFF80, s14  }
0xd7: {  	s20 =	spop (v2sf);
	s19 =	sadd.s32 s0, s19  }
0xd8: {  	[tilespmem:s7], [sflag:$0x6] =	stream.strided.gather [hbm4b:s19+s12], $0x1000, s11, s12, $0x38;
	[tilespmem:$0x18600] =	vst v63  }
0xd9: {  	s19 =	sand.u32 $0xFFFFF80, s20  }
0xda: {  	s19 =	sadd.s32 s1, s19  }
0xdb: {  	[tilespmem:s9], [sflag:$0xE] =	stream.strided.gather [hbm4b:s19+s12], $0x1000, s11, s12, $0x38;
	[tilespmem:$0x18600] =	vst v63  }
0xdc: {  	v21 =	vld [tilespmem:$0x0];
	_ =	sdelay $0x1  }
0xdd: {  	v22 =	vld [tilespmem:$0x200];
	_ =	sdelay $0x2  }
0xde: {  	v21 =	vsel vm6, $0x0, v21  }
0xdf: {  	(xrf0) =	vadd.scan.msk.s32 $0xffff, v21  }
0xe0: {  	v21 =	vsel vm6, $0x0, v22  }
0xe1: {  	(xrf0) =	vadd.scan.msk.s32 $0xffff, v21;
	_ =	sdelay $0x3  }
0xe2: {  	v21, _, _ =	vpop (xrf0)  }
0xe3: {  	(v2sf) =	vpush v21, $0xF  }
0xe4: {  	v21, _, _ =	vpop (xrf0)  }
0xe5: {  	(v2sf) =	vpush v21, $0xF;
	_ =	sdelay $0xc  }
0xe6: {  	s21 =	spop (v2sf)  }
0xe7: {  	s19 =	sand.u32 $0xFFFFF80, s21  }
0xe8: {  	s22 =	spop (v2sf);
	s19 =	sadd.s32 s0, s19  }
0xe9: {  	[tilespmem:s24], [sflag:$0x7] =	stream.strided.gather [hbm4b:s19+s12], $0x1000, s11, s12, $0x38;
	[tilespmem:$0x18600] =	vst v63  }
0xea: {  	s19 =	sand.u32 $0xFFFFF80, s22  }
0xeb: {  	s19 =	sadd.s32 s1, s19  }
0xec: {  	[tilespmem:s4], [sflag:$0xF] =	stream.strided.gather [hbm4b:s19+s12], $0x1000, s11, s12, $0x38;
	[tilespmem:$0x18600] =	vst v63  }
0xed: {  	v21 =	vld [tilespmem:$0x0];
	_ =	sdelay $0x1  }
0xee: {  	v22 =	vld [tilespmem:$0x200];
	_ =	sdelay $0x2  }
0xef: {  	v21 =	vsel vm7, $0x0, v21  }
0xf0: {  	(xrf0) =	vadd.scan.msk.s32 $0xffff, v21  }
0xf1: {  	v21 =	vsel vm7, $0x0, v22  }
0xf2: {  	(xrf0) =	vadd.scan.msk.s32 $0xffff, v21;
	_ =	sdelay $0x3  }
0xf3: {  	v21, _, _ =	vpop (xrf0)  }
0xf4: {  	(v2sf) =	vpush v21, $0xF  }
0xf5: {  	v21, _, _ =	vpop (xrf0)  }
0xf6: {  	(v2sf) =	vpush v21, $0xF;
	_ =	sdelay $0xb  }
0xf7: {  	s28 =	simm.s32 $0x9400  }
0xf8: {  	s29 =	simm.s32 $0x2400;
	s3 =	simm.s32 $0x3400;
	s23 =	spop (v2sf)  }
0xf9: {  	s10 =	simm.s32 $0xB400;
	s5 =	simm.s32 $0x4400;
	s19 =	sand.u32 $0xFFFFF80, s23  }
0xfa: {  	s6 =	simm.s32 $0xC400;
	s24 =	spop (v2sf);
	s19 =	sadd.s32 s0, s19  }
0xfb: {  	[tilespmem:s8], [sflag:$0x8] =	stream.strided.gather [hbm4b:s19+s12], $0x1000, s11, s12, $0x38;
	[tilespmem:$0x18600] =	vst v63  }
0xfc: {  	s14 =	simm.s32 $0x1;
	s7 =	simm.s32 $0xD;
	s19 =	sand.u32 $0xFFFFF80, s24  }
0xfd: {  	s9 =	simm.s32 $0x5;
	s4 =	simm.s32 $0xC;
	s19 =	sadd.s32 s1, s19  }
0xfe: {  	[tilespmem:s13], [sflag:$0x10] =	stream.strided.gather [hbm4b:s19+s12], $0x1000, s11, s12, $0x38;
	[tilespmem:$0x18600] =	vst v63  }
0xff: {  	s8 =	simm.s32 $0x4;
	s19 =	simm.s32 $0x0;
	s13 =	simm.s32 $0xB  }
.LBB2_2:
0x100: {  	s21 =	sand.u32 $0x1F0, s19  }
0x101: {  	v21 =	vld [tilespmem:s21+$0x0];
	_ =	sdelay $0x1  }
0x102: {  	s20 =	sand.u32 $0x8, s19  }
0x103: {  	v22 =	vmov s20  }
0x104: {  	vm15 =	veq.s32 v22, v0;
	v22 =	vld [tilespmem:s21+$0x200]  }
0x105: {  	v21 =	vnsel vm15, $0x0, v21  }
0x106: {  	(xrf0) =	vadd.scan.msk.s32 $0xffff, v21;
	_ =	sdelay $0x2  }
0x107: {  	v21 =	vnsel vm15, $0x0, v22;
	_ =	sdelay $0x1  }
0x108: {  	(xrf0) =	vadd.scan.msk.s32 $0xffff, v21  }
0x109: {  	v21, _, _ =	vpop (xrf0)  }
0x10a: {  	v21 =	vand.u32 $0x7F, v21  }
0x10b: {  	v21 =	vbroadcast v21, $0xF  }
0x10c: {  	s20 =	sadd.s32 $0x8, s19  }
0x10d: {  	s22 =	sand.u32 $0x3F0, s20;
	v23 =	vor.u32 v1, v21  }
0x10e: {  	v25 =	vmov s19;
	v26 =	vld [tilespmem:s22+$0x200];
	v24, _, _ =	vpop (xrf0)  }
0x10f: {  	v27 =	vshll.u32 v25, $0x3;
	v22 =	vld [tilespmem:s22+$0x0];
	_ =	swait.ge [sflag:s14], $0x1000  }
0x110: {  	v25 =	vand.u32 $0x78, v25;
	v27 =	vand.u32 $0xC00, v27;
	[sflag:s14] =	ssyncset.done $0x0  }
0x111: {  	v25 =	vor.u32 v25, v27;
	[sflag:s14] =	ssyncadd.s32 $0xFFFFF000  }
0x112: {  	v27 =	vor.u32 v2, v25;
	v23 =	vld.idx.msk [tilespmem:v23+s12+$0x0], $0xffff  }
0x113: {  	v21 =	vor.u32 v3, v21;
	_ =	sdelay $0x3  }
0x114: {  	[tilespmem:v27+s30+$0x0] =	vst.idx.msk $0xffff, v23  }
0x115: {  	v23 =	vor.u32 v4, v25;
	v21 =	vld.idx.msk [tilespmem:v21+s12+$0x0], $0xffff;
	_ =	sdelay $0x2  }
0x116: {  	s24 =	sand.u32 $0x8, s20  }
0x117: {  	v54 =	vmov s24  }
0x118: {  	vm15 =	veq.s32 v54, v0;
	[tilespmem:v23+s30+$0x0] =	vst.idx.msk $0xffff, v21  }
0x119: {  	v21 =	vnsel vm15, $0x0, v22;
	_ =	swait.ge [sflag:s15], $0x1000  }
0x11a: {  	(xrf0) =	vadd.scan.msk.s32 $0xffff, v21  }
0x11b: {  	v21 =	vnsel vm15, $0x0, v26  }
0x11c: {  	(xrf0) =	vadd.scan.msk.s32 $0xffff, v21;
	_ =	sdelay $0x2  }
0x11d: {  	v21 =	vand.u32 $0x7F, v24  }
0x11e: {  	v21 =	vbroadcast v21, $0xF;
	v22, _, _ =	vpop (xrf0)  }
0x11f: {  	(v2sf) =	vpush v22, $0xF  }
0x120: {  	v22 =	vor.u32 v1, v21;
	v55, _, _ =	vpop (xrf0)  }
0x121: {  	(v2sf) =	vpush v55, $0xF;
	_ =	sdelay $0x1  }
0x122: {  	[sflag:s15] =	ssyncset.done $0x0  }
0x123: {  	[sflag:s15] =	ssyncadd.s32 $0xFFFFF000  }
0x124: {  	v22 =	vld.idx.msk [tilespmem:v22+s25+$0x0], $0xffff  }
0x125: {  	v21 =	vor.u32 v3, v21;
	_ =	sdelay $0x3  }
0x126: {  	[tilespmem:v27+s2+$0x0] =	vst.idx.msk $0xffff, v22  }
0x127: {  	v21 =	vld.idx.msk [tilespmem:v21+s25+$0x0], $0xffff;
	_ =	sdelay $0x2  }
0x128: {  	s23 =	spop (v2sf)  }
0x129: {  	s22 =	sand.u32 $0xFFFFF80, s23  }
0x12a: {  	[tilespmem:v23+s2+$0x0] =	vst.idx.msk $0xffff, v21;
	s24 =	spop (v2sf);
	s22 =	sadd.s32 s0, s22  }
0x12b: {  	[tilespmem:s12], [sflag:$0x1] =	stream.strided.gather [hbm4b:s22+s12], $0x1000, s11, s12, $0x38;
	[tilespmem:$0x18600] =	vst v63  }
0x12c: {  	s22 =	sand.u32 $0xFFFFF80, s24  }
0x12d: {  	s22 =	sadd.s32 s1, s22  }
0x12e: {  	[tilespmem:s25], [sflag:$0x9] =	stream.strided.gather [hbm4b:s22+s12], $0x1000, s11, s12, $0x38;
	[tilespmem:$0x18600] =	vst v63  }
0x12f: {  	v21 =	vld [tilespmem:s21+$0x0]  }
0x130: {  	s22 =	sadd.s32 $0x1, s19  }
0x131: {  	s23 =	sand.u32 $0x9, s22  }
0x132: {  	v22 =	vmov s23  }
0x133: {  	vm15 =	veq.s32 v22, v0;
	v22 =	vld [tilespmem:s21+$0x200]  }
0x134: {  	v21 =	vnsel vm15, $0x0, v21  }
0x135: {  	(xrf0) =	vadd.scan.msk.s32 $0xffff, v21;
	_ =	sdelay $0x2  }
0x136: {  	v21 =	vnsel vm15, $0x0, v22;
	_ =	sdelay $0x1  }
0x137: {  	(xrf0) =	vadd.scan.msk.s32 $0xffff, v21  }
0x138: {  	v21, _, _ =	vpop (xrf0)  }
0x139: {  	v21 =	vand.u32 $0x7F, v21  }
0x13a: {  	v21 =	vbroadcast v21, $0xF  }
0x13b: {  	s23 =	sadd.s32 $0x9, s19  }
0x13c: {  	s24 =	sand.u32 $0x3F0, s23;
	v23 =	vor.u32 v1, v21  }
0x13d: {  	v57 =	vmov s22;
	v58 =	vld [tilespmem:s24+$0x200];
	v56, _, _ =	vpop (xrf0)  }
0x13e: {  	v59 =	vshll.u32 v57, $0x3;
	v22 =	vld [tilespmem:s24+$0x0];
	_ =	swait.ge [sflag:s16], $0x1000  }
0x13f: {  	v25 =	vand.u32 $0x79, v57;
	v27 =	vand.u32 $0xC00, v59;
	[sflag:s16] =	ssyncset.done $0x0  }
0x140: {  	v25 =	vor.u32 v25, v27;
	[sflag:s16] =	ssyncadd.s32 $0xFFFFF000  }
0x141: {  	v27 =	vor.u32 v2, v25;
	v23 =	vld.idx.msk [tilespmem:v23+s26+$0x0], $0xffff  }
0x142: {  	v21 =	vor.u32 v3, v21;
	_ =	sdelay $0x3  }
0x143: {  	[tilespmem:v27+s30+$0x0] =	vst.idx.msk $0xffff, v23  }
0x144: {  	v23 =	vor.u32 v4, v25;
	v21 =	vld.idx.msk [tilespmem:v21+s26+$0x0], $0xffff;
	_ =	sdelay $0x2  }
0x145: {  	s23 =	sand.u32 $0x9, s23  }
0x146: {  	v60 =	vmov s23  }
0x147: {  	vm15 =	veq.s32 v60, v0;
	[tilespmem:v23+s30+$0x0] =	vst.idx.msk $0xffff, v21  }
0x148: {  	v21 =	vnsel vm15, $0x0, v22;
	_ =	swait.ge [sflag:s17], $0x1000  }
0x149: {  	(xrf0) =	vadd.scan.msk.s32 $0xffff, v21  }
0x14a: {  	v21 =	vnsel vm15, $0x0, v58  }
0x14b: {  	(xrf0) =	vadd.scan.msk.s32 $0xffff, v21;
	_ =	sdelay $0x2  }
0x14c: {  	v21 =	vand.u32 $0x7F, v56  }
0x14d: {  	v21 =	vbroadcast v21, $0xF;
	v22, _, _ =	vpop (xrf0)  }
0x14e: {  	(v2sf) =	vpush v22, $0xF  }
0x14f: {  	v22 =	vor.u32 v1, v21;
	v61, _, _ =	vpop (xrf0)  }
0x150: {  	(v2sf) =	vpush v61, $0xF;
	_ =	sdelay $0x1  }
0x151: {  	[sflag:s17] =	ssyncset.done $0x0  }
0x152: {  	[sflag:s17] =	ssyncadd.s32 $0xFFFFF000  }
0x153: {  	v22 =	vld.idx.msk [tilespmem:v22+s28+$0x0], $0xffff  }
0x154: {  	v21 =	vor.u32 v3, v21;
	_ =	sdelay $0x3  }
0x155: {  	[tilespmem:v27+s2+$0x0] =	vst.idx.msk $0xffff, v22  }
0x156: {  	v21 =	vld.idx.msk [tilespmem:v21+s28+$0x0], $0xffff;
	_ =	sdelay $0x2  }
0x157: {  	s24 =	spop (v2sf)  }
0x158: {  	s22 =	sand.u32 $0xFFFFF80, s24  }
0x159: {  	[tilespmem:v23+s2+$0x0] =	vst.idx.msk $0xffff, v21;
	s23 =	spop (v2sf);
	s22 =	sadd.s32 s0, s22  }
0x15a: {  	[tilespmem:s26], [sflag:$0x2] =	stream.strided.gather [hbm4b:s22+s12], $0x1000, s11, s12, $0x38;
	[tilespmem:$0x18600] =	vst v63  }
0x15b: {  	s22 =	sand.u32 $0xFFFFF80, s23  }
0x15c: {  	s22 =	sadd.s32 s1, s22  }
0x15d: {  	[tilespmem:s28], [sflag:$0xA] =	stream.strided.gather [hbm4b:s22+s12], $0x1000, s11, s12, $0x38;
	[tilespmem:$0x18600] =	vst v63  }
0x15e: {  	v21 =	vld [tilespmem:s21+$0x0]  }
0x15f: {  	s22 =	sadd.s32 $0x2, s19  }
0x160: {  	s24 =	sand.u32 $0xA, s22  }
0x161: {  	v22 =	vmov s24  }
0x162: {  	vm15 =	veq.s32 v22, v0;
	v22 =	vld [tilespmem:s21+$0x200]  }
0x163: {  	v21 =	vnsel vm15, $0x0, v21  }
0x164: {  	(xrf0) =	vadd.scan.msk.s32 $0xffff, v21;
	_ =	sdelay $0x2  }
0x165: {  	v21 =	vnsel vm15, $0x0, v22;
	_ =	sdelay $0x1  }
0x166: {  	(xrf0) =	vadd.scan.msk.s32 $0xffff, v21  }
0x167: {  	v21, _, _ =	vpop (xrf0)  }
0x168: {  	v21 =	vand.u32 $0x7F, v21  }
0x169: {  	v21 =	vbroadcast v21, $0xF  }
0x16a: {  	s23 =	sadd.s32 $0xA, s19  }
0x16b: {  	s24 =	sand.u32 $0x3F0, s23;
	v23 =	vor.u32 v1, v21  }
0x16c: {  	v63 =	vmov s22;
	v30 =	vld [tilespmem:s24+$0x200];
	v62, _, _ =	vpop (xrf0)  }
0x16d: {  	v31 =	vshll.u32 v63, $0x3;
	v22 =	vld [tilespmem:s24+$0x0];
	_ =	swait.ge [sflag:s18], $0x1000  }
0x16e: {  	v25 =	vand.u32 $0x7A, v63;
	v27 =	vand.u32 $0xC00, v31;
	[sflag:s18] =	ssyncset.done $0x0  }
0x16f: {  	v25 =	vor.u32 v25, v27;
	[sflag:s18] =	ssyncadd.s32 $0xFFFFF000  }
0x170: {  	v27 =	vor.u32 v2, v25;
	v23 =	vld.idx.msk [tilespmem:v23+s29+$0x0], $0xffff  }
0x171: {  	v21 =	vor.u32 v3, v21;
	_ =	sdelay $0x3  }
0x172: {  	[tilespmem:v27+s30+$0x0] =	vst.idx.msk $0xffff, v23  }
0x173: {  	v23 =	vor.u32 v4, v25;
	v21 =	vld.idx.msk [tilespmem:v21+s29+$0x0], $0xffff;
	_ =	sdelay $0x2  }
0x174: {  	s23 =	sand.u32 $0xA, s23  }
0x175: {  	v32 =	vmov s23  }
0x176: {  	vm15 =	veq.s32 v32, v0;
	[tilespmem:v23+s30+$0x0] =	vst.idx.msk $0xffff, v21  }
0x177: {  	v21 =	vnsel vm15, $0x0, v22;
	_ =	swait.ge [sflag:s13], $0x1000  }
0x178: {  	(xrf0) =	vadd.scan.msk.s32 $0xffff, v21  }
0x179: {  	v21 =	vnsel vm15, $0x0, v30  }
0x17a: {  	(xrf0) =	vadd.scan.msk.s32 $0xffff, v21;
	_ =	sdelay $0x2  }
0x17b: {  	v21 =	vand.u32 $0x7F, v62  }
0x17c: {  	v21 =	vbroadcast v21, $0xF;
	v22, _, _ =	vpop (xrf0)  }
0x17d: {  	(v2sf) =	vpush v22, $0xF  }
0x17e: {  	v22 =	vor.u32 v1, v21;
	v33, _, _ =	vpop (xrf0)  }
0x17f: {  	(v2sf) =	vpush v33, $0xF;
	_ =	sdelay $0x1  }
0x180: {  	[sflag:s13] =	ssyncset.done $0x0  }
0x181: {  	[sflag:s13] =	ssyncadd.s32 $0xFFFFF000  }
0x182: {  	v22 =	vld.idx.msk [tilespmem:v22+s31+$0x0], $0xffff  }
0x183: {  	v21 =	vor.u32 v3, v21;
	_ =	sdelay $0x3  }
0x184: {  	[tilespmem:v27+s2+$0x0] =	vst.idx.msk $0xffff, v22  }
0x185: {  	v21 =	vld.idx.msk [tilespmem:v21+s31+$0x0], $0xffff;
	_ =	sdelay $0x2  }
0x186: {  	s24 =	spop (v2sf)  }
0x187: {  	s22 =	sand.u32 $0xFFFFF80, s24  }
0x188: {  	[tilespmem:v23+s2+$0x0] =	vst.idx.msk $0xffff, v21;
	s23 =	spop (v2sf);
	s22 =	sadd.s32 s0, s22  }
0x189: {  	[tilespmem:s29], [sflag:$0x3] =	stream.strided.gather [hbm4b:s22+s12], $0x1000, s11, s12, $0x38;
	[tilespmem:$0x18600] =	vst v63  }
0x18a: {  	s22 =	sand.u32 $0xFFFFF80, s23  }
0x18b: {  	s22 =	sadd.s32 s1, s22  }
0x18c: {  	[tilespmem:s31], [sflag:$0xB] =	stream.strided.gather [hbm4b:s22+s12], $0x1000, s11, s12, $0x38;
	[tilespmem:$0x18600] =	vst v63  }
0x18d: {  	v21 =	vld [tilespmem:s21+$0x0]  }
0x18e: {  	s22 =	sadd.s32 $0x3, s19  }
0x18f: {  	s24 =	sand.u32 $0xB, s22  }
0x190: {  	v22 =	vmov s24  }
0x191: {  	vm15 =	veq.s32 v22, v0;
	v22 =	vld [tilespmem:s21+$0x200]  }
0x192: {  	v21 =	vnsel vm15, $0x0, v21  }
0x193: {  	(xrf0) =	vadd.scan.msk.s32 $0xffff, v21;
	_ =	sdelay $0x2  }
0x194: {  	v21 =	vnsel vm15, $0x0, v22;
	_ =	sdelay $0x1  }
0x195: {  	(xrf0) =	vadd.scan.msk.s32 $0xffff, v21  }
0x196: {  	v21, _, _ =	vpop (xrf0)  }
0x197: {  	v21 =	vand.u32 $0x7F, v21  }
0x198: {  	v21 =	vbroadcast v21, $0xF  }
0x199: {  	s23 =	sadd.s32 $0xB, s19  }
0x19a: {  	s24 =	sand.u32 $0x3F0, s23;
	v23 =	vor.u32 v1, v21  }
0x19b: {  	v35 =	vmov s22;
	v36 =	vld [tilespmem:s24+$0x200];
	v34, _, _ =	vpop (xrf0)  }
0x19c: {  	v37 =	vshll.u32 v35, $0x3;
	v22 =	vld [tilespmem:s24+$0x0];
	_ =	swait.ge [sflag:s8], $0x1000  }
0x19d: {  	v25 =	vand.u32 $0x7B, v35;
	v27 =	vand.u32 $0xC00, v37;
	[sflag:s8] =	ssyncset.done $0x0  }
0x19e: {  	v25 =	vor.u32 v25, v27;
	[sflag:s8] =	ssyncadd.s32 $0xFFFFF000  }
0x19f: {  	v27 =	vor.u32 v2, v25;
	v23 =	vld.idx.msk [tilespmem:v23+s3+$0x0], $0xffff  }
0x1a0: {  	v21 =	vor.u32 v3, v21;
	_ =	sdelay $0x3  }
0x1a1: {  	[tilespmem:v27+s30+$0x0] =	vst.idx.msk $0xffff, v23  }
0x1a2: {  	v23 =	vor.u32 v4, v25;
	v21 =	vld.idx.msk [tilespmem:v21+s3+$0x0], $0xffff;
	_ =	sdelay $0x2  }
0x1a3: {  	s23 =	sand.u32 $0xB, s23  }
0x1a4: {  	v38 =	vmov s23  }
0x1a5: {  	vm15 =	veq.s32 v38, v0;
	[tilespmem:v23+s30+$0x0] =	vst.idx.msk $0xffff, v21  }
0x1a6: {  	v21 =	vnsel vm15, $0x0, v22;
	_ =	swait.ge [sflag:s4], $0x1000  }
0x1a7: {  	(xrf0) =	vadd.scan.msk.s32 $0xffff, v21  }
0x1a8: {  	v21 =	vnsel vm15, $0x0, v36  }
0x1a9: {  	(xrf0) =	vadd.scan.msk.s32 $0xffff, v21;
	_ =	sdelay $0x2  }
0x1aa: {  	v21 =	vand.u32 $0x7F, v34  }
0x1ab: {  	v21 =	vbroadcast v21, $0xF;
	v22, _, _ =	vpop (xrf0)  }
0x1ac: {  	(v2sf) =	vpush v22, $0xF  }
0x1ad: {  	v22 =	vor.u32 v1, v21;
	v39, _, _ =	vpop (xrf0)  }
0x1ae: {  	(v2sf) =	vpush v39, $0xF;
	_ =	sdelay $0x1  }
0x1af: {  	[sflag:s4] =	ssyncset.done $0x0  }
0x1b0: {  	[sflag:s4] =	ssyncadd.s32 $0xFFFFF000  }
0x1b1: {  	v22 =	vld.idx.msk [tilespmem:v22+s10+$0x0], $0xffff  }
0x1b2: {  	v21 =	vor.u32 v3, v21;
	_ =	sdelay $0x3  }
0x1b3: {  	[tilespmem:v27+s2+$0x0] =	vst.idx.msk $0xffff, v22  }
0x1b4: {  	v21 =	vld.idx.msk [tilespmem:v21+s10+$0x0], $0xffff;
	_ =	sdelay $0x2  }
0x1b5: {  	s24 =	spop (v2sf)  }
0x1b6: {  	s22 =	sand.u32 $0xFFFFF80, s24  }
0x1b7: {  	[tilespmem:v23+s2+$0x0] =	vst.idx.msk $0xffff, v21;
	s23 =	spop (v2sf);
	s22 =	sadd.s32 s0, s22  }
0x1b8: {  	[tilespmem:s3], [sflag:$0x4] =	stream.strided.gather [hbm4b:s22+s12], $0x1000, s11, s12, $0x38;
	[tilespmem:$0x18600] =	vst v63  }
0x1b9: {  	s22 =	sand.u32 $0xFFFFF80, s23  }
0x1ba: {  	s22 =	sadd.s32 s1, s22  }
0x1bb: {  	[tilespmem:s10], [sflag:$0xC] =	stream.strided.gather [hbm4b:s22+s12], $0x1000, s11, s12, $0x38;
	[tilespmem:$0x18600] =	vst v63  }
0x1bc: {  	v21 =	vld [tilespmem:s21+$0x0]  }
0x1bd: {  	s22 =	sadd.s32 $0x4, s19  }
0x1be: {  	s24 =	sand.u32 $0xC, s22  }
0x1bf: {  	v22 =	vmov s24  }
0x1c0: {  	vm15 =	veq.s32 v22, v0;
	v22 =	vld [tilespmem:s21+$0x200]  }
0x1c1: {  	v21 =	vnsel vm15, $0x0, v21  }
0x1c2: {  	(xrf0) =	vadd.scan.msk.s32 $0xffff, v21;
	_ =	sdelay $0x2  }
0x1c3: {  	v21 =	vnsel vm15, $0x0, v22;
	_ =	sdelay $0x1  }
0x1c4: {  	(xrf0) =	vadd.scan.msk.s32 $0xffff, v21  }
0x1c5: {  	v21, _, _ =	vpop (xrf0)  }
0x1c6: {  	v21 =	vand.u32 $0x7F, v21  }
0x1c7: {  	v21 =	vbroadcast v21, $0xF  }
0x1c8: {  	s23 =	sadd.s32 $0xC, s19  }
0x1c9: {  	s24 =	sand.u32 $0x3F0, s23;
	v23 =	vor.u32 v1, v21  }
0x1ca: {  	v41 =	vmov s22;
	v42 =	vld [tilespmem:s24+$0x200];
	v40, _, _ =	vpop (xrf0)  }
0x1cb: {  	v43 =	vshll.u32 v41, $0x3;
	v22 =	vld [tilespmem:s24+$0x0];
	_ =	swait.ge [sflag:s9], $0x1000  }
0x1cc: {  	v25 =	vand.u32 $0x7C, v41;
	v27 =	vand.u32 $0xC00, v43;
	[sflag:s9] =	ssyncset.done $0x0  }
0x1cd: {  	v25 =	vor.u32 v25, v27;
	[sflag:s9] =	ssyncadd.s32 $0xFFFFF000  }
0x1ce: {  	v27 =	vor.u32 v2, v25;
	v23 =	vld.idx.msk [tilespmem:v23+s5+$0x0], $0xffff  }
0x1cf: {  	v21 =	vor.u32 v3, v21;
	_ =	sdelay $0x3  }
0x1d0: {  	[tilespmem:v27+s30+$0x0] =	vst.idx.msk $0xffff, v23  }
0x1d1: {  	v23 =	vor.u32 v4, v25;
	v21 =	vld.idx.msk [tilespmem:v21+s5+$0x0], $0xffff;
	_ =	sdelay $0x2  }
0x1d2: {  	s23 =	sand.u32 $0xC, s23  }
0x1d3: {  	v44 =	vmov s23  }
0x1d4: {  	vm15 =	veq.s32 v44, v0;
	[tilespmem:v23+s30+$0x0] =	vst.idx.msk $0xffff, v21  }
0x1d5: {  	v21 =	vnsel vm15, $0x0, v22;
	_ =	swait.ge [sflag:s7], $0x1000  }
0x1d6: {  	(xrf0) =	vadd.scan.msk.s32 $0xffff, v21  }
0x1d7: {  	v21 =	vnsel vm15, $0x0, v42  }
0x1d8: {  	(xrf0) =	vadd.scan.msk.s32 $0xffff, v21;
	_ =	sdelay $0x2  }
0x1d9: {  	v21 =	vand.u32 $0x7F, v40  }
0x1da: {  	v21 =	vbroadcast v21, $0xF;
	v22, _, _ =	vpop (xrf0)  }
0x1db: {  	(v2sf) =	vpush v22, $0xF  }
0x1dc: {  	v22 =	vor.u32 v1, v21;
	v45, _, _ =	vpop (xrf0)  }
0x1dd: {  	(v2sf) =	vpush v45, $0xF;
	_ =	sdelay $0x1  }
0x1de: {  	[sflag:s7] =	ssyncset.done $0x0  }
0x1df: {  	[sflag:s7] =	ssyncadd.s32 $0xFFFFF000  }
0x1e0: {  	v22 =	vld.idx.msk [tilespmem:v22+s6+$0x0], $0xffff  }
0x1e1: {  	v21 =	vor.u32 v3, v21;
	_ =	sdelay $0x3  }
0x1e2: {  	[tilespmem:v27+s2+$0x0] =	vst.idx.msk $0xffff, v22  }
0x1e3: {  	v21 =	vld.idx.msk [tilespmem:v21+s6+$0x0], $0xffff;
	_ =	sdelay $0x2  }
0x1e4: {  	s24 =	spop (v2sf)  }
0x1e5: {  	s22 =	sand.u32 $0xFFFFF80, s24  }
0x1e6: {  	[tilespmem:v23+s2+$0x0] =	vst.idx.msk $0xffff, v21;
	s23 =	spop (v2sf);
	s22 =	sadd.s32 s0, s22  }
0x1e7: {  	[tilespmem:s5], [sflag:$0x5] =	stream.strided.gather [hbm4b:s22+s12], $0x1000, s11, s12, $0x38;
	[tilespmem:$0x18600] =	vst v63  }
0x1e8: {  	s22 =	sand.u32 $0xFFFFF80, s23  }
0x1e9: {  	s22 =	sadd.s32 s1, s22  }
0x1ea: {  	[tilespmem:s6], [sflag:$0xD] =	stream.strided.gather [hbm4b:s22+s12], $0x1000, s11, s12, $0x38;
	[tilespmem:$0x18600] =	vst v63  }
0x1eb: {  	v21 =	vld [tilespmem:s21+$0x0]  }
0x1ec: {  	s22 =	sadd.s32 $0x5, s19  }
0x1ed: {  	s24 =	sand.u32 $0xD, s22  }
0x1ee: {  	v22 =	vmov s24  }
0x1ef: {  	vm15 =	veq.s32 v22, v0;
	v22 =	vld [tilespmem:s21+$0x200]  }
0x1f0: {  	v21 =	vnsel vm15, $0x0, v21  }
0x1f1: {  	(xrf0) =	vadd.scan.msk.s32 $0xffff, v21;
	_ =	sdelay $0x2  }
0x1f2: {  	v21 =	vnsel vm15, $0x0, v22;
	_ =	sdelay $0x1  }
0x1f3: {  	(xrf0) =	vadd.scan.msk.s32 $0xffff, v21  }
0x1f4: {  	v21, _, _ =	vpop (xrf0)  }
0x1f5: {  	v21 =	vand.u32 $0x7F, v21  }
0x1f6: {  	s23 =	sadd.s32 $0xD, s19;
	v21 =	vbroadcast v21, $0xF  }
0x1f7: {  	s24 =	sand.u32 $0x3F0, s23  }
0x1f8: {  	v48 =	vld [tilespmem:s24+$0x200];
	v23 =	vor.u32 v1, v21  }
0x1f9: {  	v47 =	vmov s22;
	v22 =	vld [tilespmem:s24+$0x0];
	s24 =	simm.s32 $0x6;
	v46, _, _ =	vpop (xrf0)  }
0x1fa: {  	v49 =	vshll.u32 v47, $0x3;
	_ =	swait.ge [sflag:s24], $0x1000  }
0x1fb: {  	v25 =	vand.u32 $0x7D, v47;
	v27 =	vand.u32 $0xC00, v49;
	[sflag:s24] =	ssyncset.done $0x0  }
0x1fc: {  	v25 =	vor.u32 v25, v27;
	[sflag:s24] =	ssyncadd.s32 $0xFFFFF000;
	s24 =	simm.s32 $0x5400  }
0x1fd: {  	v27 =	vor.u32 v2, v25;
	v23 =	vld.idx.msk [tilespmem:v23+s24+$0x0], $0xffff  }
0x1fe: {  	v21 =	vor.u32 v3, v21;
	_ =	sdelay $0x3  }
0x1ff: {  	[tilespmem:v27+s30+$0x0] =	vst.idx.msk $0xffff, v23  }
0x200: {  	v23 =	vor.u32 v4, v25;
	v21 =	vld.idx.msk [tilespmem:v21+s24+$0x0], $0xffff;
	_ =	sdelay $0x2  }
0x201: {  	s23 =	sand.u32 $0xD, s23  }
0x202: {  	v50 =	vmov s23  }
0x203: {  	s23 =	simm.s32 $0xE;
	vm15 =	veq.s32 v50, v0;
	[tilespmem:v23+s30+$0x0] =	vst.idx.msk $0xffff, v21  }
0x204: {  	v21 =	vnsel vm15, $0x0, v22;
	_ =	swait.ge [sflag:s23], $0x1000  }
0x205: {  	(xrf0) =	vadd.scan.msk.s32 $0xffff, v21;
	_ =	sdelay $0x2  }
0x206: {  	v21 =	vnsel vm15, $0x0, v48  }
0x207: {  	(xrf0) =	vadd.scan.msk.s32 $0xffff, v21  }
0x208: {  	v21 =	vand.u32 $0x7F, v46  }
0x209: {  	v21 =	vbroadcast v21, $0xF;
	v22, _, _ =	vpop (xrf0)  }
0x20a: {  	(v2sf) =	vpush v22, $0xF  }
0x20b: {  	v22 =	vor.u32 v1, v21;
	_ =	sdelay $0x1  }
0x20c: {  	v51, _, _ =	vpop (xrf0)  }
0x20d: {  	[sflag:s23] =	ssyncset.done $0x0;
	(v2sf) =	vpush v51, $0xF  }
0x20e: {  	[sflag:s23] =	ssyncadd.s32 $0xFFFFF000;
	s23 =	simm.s32 $0xD400  }
0x20f: {  	v22 =	vld.idx.msk [tilespmem:v22+s23+$0x0], $0xffff  }
0x210: {  	v21 =	vor.u32 v3, v21;
	_ =	sdelay $0x3  }
0x211: {  	[tilespmem:v27+s2+$0x0] =	vst.idx.msk $0xffff, v22  }
0x212: {  	v21 =	vld.idx.msk [tilespmem:v21+s23+$0x0], $0xffff;
	_ =	sdelay $0x2  }
0x213: {  	s22 =	spop (v2sf)  }
0x214: {  	s22 =	sand.u32 $0xFFFFF80, s22  }
0x215: {  	[tilespmem:v23+s2+$0x0] =	vst.idx.msk $0xffff, v21;
	s22 =	sadd.s32 s0, s22  }
0x216: {  	[tilespmem:s24], [sflag:$0x6] =	stream.strided.gather [hbm4b:s22+s12], $0x1000, s11, s12, $0x38;
	[tilespmem:$0x18600] =	vst v63  }
0x217: {  	s24 =	spop (v2sf)  }
0x218: {  	s22 =	sand.u32 $0xFFFFF80, s24  }
0x219: {  	s22 =	sadd.s32 s1, s22  }
0x21a: {  	[tilespmem:s23], [sflag:$0xE] =	stream.strided.gather [hbm4b:s22+s12], $0x1000, s11, s12, $0x38;
	[tilespmem:$0x18600] =	vst v63  }
0x21b: {  	v21 =	vld [tilespmem:s21+$0x0]  }
0x21c: {  	s22 =	sadd.s32 $0x6, s19  }
0x21d: {  	s24 =	sand.u32 $0xE, s22  }
0x21e: {  	v22 =	vmov s24  }
0x21f: {  	vm15 =	veq.s32 v22, v0;
	v22 =	vld [tilespmem:s21+$0x200]  }
0x220: {  	v21 =	vnsel vm15, $0x0, v21  }
0x221: {  	(xrf0) =	vadd.scan.msk.s32 $0xffff, v21;
	_ =	sdelay $0x2  }
0x222: {  	v21 =	vnsel vm15, $0x0, v22;
	_ =	sdelay $0x1  }
0x223: {  	(xrf0) =	vadd.scan.msk.s32 $0xffff, v21  }
0x224: {  	v21, _, _ =	vpop (xrf0)  }
0x225: {  	v21 =	vand.u32 $0x7F, v21  }
0x226: {  	v21 =	vbroadcast v21, $0xF  }
0x227: {  	s23 =	sadd.s32 $0xE, s19  }
0x228: {  	s24 =	sand.u32 $0x3F0, s23;
	v23 =	vor.u32 v1, v21  }
0x229: {  	v52 =	vmov s22;
	s22 =	simm.s32 $0x7;
	v54 =	vld [tilespmem:s24+$0x200];
	v53, _, _ =	vpop (xrf0)  }
0x22a: {  	v55 =	vshll.u32 v52, $0x3;
	v22 =	vld [tilespmem:s24+$0x0];
	_ =	swait.ge [sflag:s22], $0x1000  }
0x22b: {  	v24 =	vand.u32 $0x7E, v52;
	v27 =	vand.u32 $0xC00, v55;
	[sflag:s22] =	ssyncset.done $0x0  }
0x22c: {  	v24 =	vor.u32 v24, v27;
	s24 =	simm.s32 $0x6400;
	[sflag:s22] =	ssyncadd.s32 $0xFFFFF000  }
0x22d: {  	v27 =	vor.u32 v2, v24;
	v23 =	vld.idx.msk [tilespmem:v23+s24+$0x0], $0xffff  }
0x22e: {  	v21 =	vor.u32 v3, v21;
	_ =	sdelay $0x3  }
0x22f: {  	[tilespmem:v27+s30+$0x0] =	vst.idx.msk $0xffff, v23  }
0x230: {  	v23 =	vor.u32 v4, v24;
	v21 =	vld.idx.msk [tilespmem:v21+s24+$0x0], $0xffff;
	_ =	sdelay $0x2  }
0x231: {  	s23 =	sand.u32 $0xE, s23  }
0x232: {  	v56 =	vmov s23  }
0x233: {  	s23 =	simm.s32 $0xF;
	vm15 =	veq.s32 v56, v0;
	[tilespmem:v23+s30+$0x0] =	vst.idx.msk $0xffff, v21  }
0x234: {  	v21 =	vnsel vm15, $0x0, v22;
	_ =	swait.ge [sflag:s23], $0x1000  }
0x235: {  	(xrf0) =	vadd.scan.msk.s32 $0xffff, v21;
	_ =	sdelay $0x2  }
0x236: {  	v21 =	vnsel vm15, $0x0, v54  }
0x237: {  	(xrf0) =	vadd.scan.msk.s32 $0xffff, v21  }
0x238: {  	v21 =	vand.u32 $0x7F, v53  }
0x239: {  	v21 =	vbroadcast v21, $0xF;
	v22, _, _ =	vpop (xrf0)  }
0x23a: {  	(v2sf) =	vpush v22, $0xF  }
0x23b: {  	v22 =	vor.u32 v1, v21;
	_ =	sdelay $0x1  }
0x23c: {  	v57, _, _ =	vpop (xrf0)  }
0x23d: {  	[sflag:s23] =	ssyncset.done $0x0;
	(v2sf) =	vpush v57, $0xF  }
0x23e: {  	[sflag:s23] =	ssyncadd.s32 $0xFFFFF000;
	s23 =	simm.s32 $0xE400  }
0x23f: {  	v22 =	vld.idx.msk [tilespmem:v22+s23+$0x0], $0xffff  }
0x240: {  	v21 =	vor.u32 v3, v21;
	_ =	sdelay $0x3  }
0x241: {  	[tilespmem:v27+s2+$0x0] =	vst.idx.msk $0xffff, v22  }
0x242: {  	v21 =	vld.idx.msk [tilespmem:v21+s23+$0x0], $0xffff;
	_ =	sdelay $0x2  }
0x243: {  	s22 =	spop (v2sf)  }
0x244: {  	s22 =	sand.u32 $0xFFFFF80, s22  }
0x245: {  	[tilespmem:v23+s2+$0x0] =	vst.idx.msk $0xffff, v21;
	s22 =	sadd.s32 s0, s22  }
0x246: {  	[tilespmem:s24], [sflag:$0x7] =	stream.strided.gather [hbm4b:s22+s12], $0x1000, s11, s12, $0x38;
	[tilespmem:$0x18600] =	vst v63  }
0x247: {  	s22 =	spop (v2sf)  }
0x248: {  	s22 =	sand.u32 $0xFFFFF80, s22  }
0x249: {  	s22 =	sadd.s32 s1, s22  }
0x24a: {  	[tilespmem:s23], [sflag:$0xF] =	stream.strided.gather [hbm4b:s22+s12], $0x1000, s11, s12, $0x38;
	[tilespmem:$0x18600] =	vst v63  }
0x24b: {  	v21 =	vld [tilespmem:s21+$0x0]  }
0x24c: {  	s22 =	sadd.s32 $0x7, s19  }
0x24d: {  	s23 =	sand.u32 $0xF, s22  }
0x24e: {  	v22 =	vmov s23  }
0x24f: {  	vm15 =	veq.s32 v22, v0;
	v22 =	vld [tilespmem:s21+$0x200]  }
0x250: {  	v21 =	vnsel vm15, $0x0, v21  }
0x251: {  	(xrf0) =	vadd.scan.msk.s32 $0xffff, v21;
	_ =	sdelay $0x2  }
0x252: {  	v21 =	vnsel vm15, $0x0, v22;
	_ =	sdelay $0x1  }
0x253: {  	(xrf0) =	vadd.scan.msk.s32 $0xffff, v21  }
0x254: {  	v21, _, _ =	vpop (xrf0)  }
0x255: {  	v21 =	vand.u32 $0x7F, v21  }
0x256: {  	s21 =	sadd.s32 $0xF, s19;
	v21 =	vbroadcast v21, $0xF  }
0x257: {  	s23 =	sand.u32 $0x3F0, s21  }
0x258: {  	v59 =	vld [tilespmem:s23+$0x200];
	v23 =	vor.u32 v1, v21  }
0x259: {  	v58 =	vmov s22;
	v22 =	vld [tilespmem:s23+$0x0];
	s23 =	simm.s32 $0x8;
	v60, _, _ =	vpop (xrf0)  }
0x25a: {  	v61 =	vshll.u32 v58, $0x3;
	_ =	swait.ge [sflag:s23], $0x1000  }
0x25b: {  	v24 =	vand.u32 $0x7F, v58;
	v27 =	vand.u32 $0xC00, v61;
	[sflag:s23] =	ssyncset.done $0x0  }
0x25c: {  	v24 =	vor.u32 v24, v27;
	[sflag:s23] =	ssyncadd.s32 $0xFFFFF000;
	s23 =	simm.s32 $0x7400  }
0x25d: {  	v27 =	vor.u32 v2, v24;
	v23 =	vld.idx.msk [tilespmem:v23+s23+$0x0], $0xffff  }
0x25e: {  	v21 =	vor.u32 v3, v21;
	_ =	sdelay $0x3  }
0x25f: {  	[tilespmem:v27+s30+$0x0] =	vst.idx.msk $0xffff, v23  }
0x260: {  	v23 =	vor.u32 v4, v24;
	v21 =	vld.idx.msk [tilespmem:v21+s23+$0x0], $0xffff;
	_ =	sdelay $0x2  }
0x261: {  	s21 =	sand.u32 $0xF, s21  }
0x262: {  	v62 =	vmov s21  }
0x263: {  	s22 =	simm.s32 $0x10;
	vm15 =	veq.s32 v62, v0;
	[tilespmem:v23+s30+$0x0] =	vst.idx.msk $0xffff, v21  }
0x264: {  	v21 =	vnsel vm15, $0x0, v22;
	_ =	swait.ge [sflag:s22], $0x1000  }
0x265: {  	(xrf0) =	vadd.scan.msk.s32 $0xffff, v21;
	_ =	sdelay $0x3  }
0x266: {  	v21 =	vnsel vm15, $0x0, v59  }
0x267: {  	(xrf0) =	vadd.scan.msk.s32 $0xffff, v21;
	v21 =	vand.u32 $0x7F, v60  }
0x268: {  	v21 =	vbroadcast v21, $0xF;
	v22, _, _ =	vpop (xrf0)  }
0x269: {  	(v2sf) =	vpush v22, $0xF  }
0x26a: {  	v22 =	vor.u32 v1, v21;
	_ =	sdelay $0x2  }
0x26b: {  	[sflag:s22] =	ssyncset.done $0x0;
	v63, _, _ =	vpop (xrf0)  }
0x26c: {  	[sflag:s22] =	ssyncadd.s32 $0xFFFFF000;
	s22 =	simm.s32 $0xF400;
	(v2sf) =	vpush v63, $0xF  }
0x26d: {  	v22 =	vld.idx.msk [tilespmem:v22+s22+$0x0], $0xffff  }
0x26e: {  	v21 =	vor.u32 v3, v21;
	_ =	sdelay $0x3  }
0x26f: {  	[tilespmem:v27+s2+$0x0] =	vst.idx.msk $0xffff, v22  }
0x270: {  	v21 =	vld.idx.msk [tilespmem:v21+s22+$0x0], $0xffff;
	_ =	sdelay $0x2  }
0x271: {  	s21 =	spop (v2sf)  }
0x272: {  	s21 =	sand.u32 $0xFFFFF80, s21  }
0x273: {  	p0 =	sne.s32 s19, $0x1F0;
	[tilespmem:v23+s2+$0x0] =	vst.idx.msk $0xffff, v21;
	s21 =	sadd.s32 s0, s21  }
0x274: {  	[tilespmem:s23], [sflag:$0x8] =	stream.strided.gather [hbm4b:s21+s12], $0x1000, s11, s12, $0x38;
	[tilespmem:$0x18600] =	vst v63  }
.Ltmp0:
0x275: {  	_ = 	snop;
	(pc) =	sbr.rel @p0 .LBB2_2-.Ltmp0, $4  }
0x276: {  	s23 =	spop (v2sf)  }
0x277: {  	s21 =	sand.u32 $0xFFFFF80, s23  }
0x278: {  	s19 =	smov.u32 s20;
	s21 =	sadd.s32 s1, s21  }
0x279: {  	[tilespmem:s22], [sflag:$0x10] =	stream.strided.gather [hbm4b:s21+s12], $0x1000, s11, s12, $0x38;
	[tilespmem:$0x18600] =	vst v63  }
0x27a: {  	v21 =	vld [tilespmem:$0x1F0];
	_ =	sdelay $0x3  }
0x27b: {  	v22 =	vld [tilespmem:$0x3F0]  }
0x27c: {  	v21 =	vsel vm8, $0x0, v21  }
0x27d: {  	(xrf0) =	vadd.scan.msk.s32 $0xffff, v21;
	_ =	sdelay $0x2  }
0x27e: {  	v21 =	vsel vm8, $0x0, v22;
	_ =	sdelay $0x1  }
0x27f: {  	(xrf0) =	vadd.scan.msk.s32 $0xffff, v21  }
0x280: {  	v21, _, _ =	vpop (xrf0)  }
0x281: {  	v21 =	vand.u32 $0x7F, v21  }
0x282: {  	v21 =	vbroadcast v21, $0xF;
	_ =	sdelay $0x1  }
0x283: {  	v22 =	vor.u32 v1, v21  }
0x284: {  	v23, _, _ =	vpop (xrf0)  }
0x285: {  	_ =	swait.ge [sflag:s14], $0x1000  }
0x286: {  	[sflag:s14] =	ssyncset.done $0x0  }
0x287: {  	[sflag:s14] =	ssyncadd.s32 $0xFFFFF000  }
0x288: {  	v22 =	vld.idx.msk [tilespmem:v22+s12+$0x0], $0xffff  }
0x289: {  	v21 =	vor.u32 v3, v21;
	_ =	sdelay $0x3  }
0x28a: {  	[tilespmem:v5+s30+$0x0] =	vst.idx.msk $0xffff, v22  }
0x28b: {  	v21 =	vld.idx.msk [tilespmem:v21+s12+$0x0], $0xffff  }
0x28c: {  	v22 =	vand.u32 $0x7F, v23  }
0x28d: {  	v22 =	vbroadcast v22, $0xF;
	_ =	sdelay $0x1  }
0x28e: {  	v23 =	vor.u32 v1, v22  }
0x28f: {  	[tilespmem:v6+s30+$0x0] =	vst.idx.msk $0xffff, v21  }
0x290: {  	_ =	swait.ge [sflag:s15], $0x1000  }
0x291: {  	[sflag:s15] =	ssyncset.done $0x0  }
0x292: {  	[sflag:s15] =	ssyncadd.s32 $0xFFFFF000  }
0x293: {  	v21 =	vld.idx.msk [tilespmem:v23+s25+$0x0], $0xffff  }
0x294: {  	v22 =	vor.u32 v3, v22;
	_ =	sdelay $0x3  }
0x295: {  	[tilespmem:v5+s2+$0x0] =	vst.idx.msk $0xffff, v21  }
0x296: {  	v21 =	vld.idx.msk [tilespmem:v22+s25+$0x0], $0xffff;
	_ =	sdelay $0x4  }
0x297: {  	[tilespmem:v6+s2+$0x0] =	vst.idx.msk $0xffff, v21  }
0x298: {  	v21 =	vld [tilespmem:$0x1F0];
	_ =	sdelay $0x3  }
0x299: {  	v22 =	vld [tilespmem:$0x3F0]  }
0x29a: {  	v21 =	vsel vm9, $0x0, v21  }
0x29b: {  	(xrf0) =	vadd.scan.msk.s32 $0xffff, v21;
	_ =	sdelay $0x2  }
0x29c: {  	v21 =	vsel vm9, $0x0, v22;
	_ =	sdelay $0x1  }
0x29d: {  	(xrf0) =	vadd.scan.msk.s32 $0xffff, v21  }
0x29e: {  	v21, _, _ =	vpop (xrf0)  }
0x29f: {  	v21 =	vand.u32 $0x7F, v21  }
0x2a0: {  	v21 =	vbroadcast v21, $0xF;
	_ =	sdelay $0x1  }
0x2a1: {  	v22 =	vor.u32 v1, v21  }
0x2a2: {  	v23, _, _ =	vpop (xrf0)  }
0x2a3: {  	_ =	swait.ge [sflag:s16], $0x1000  }
0x2a4: {  	[sflag:s16] =	ssyncset.done $0x0  }
0x2a5: {  	[sflag:s16] =	ssyncadd.s32 $0xFFFFF000  }
0x2a6: {  	v22 =	vld.idx.msk [tilespmem:v22+s26+$0x0], $0xffff  }
0x2a7: {  	v21 =	vor.u32 v3, v21;
	_ =	sdelay $0x3  }
0x2a8: {  	[tilespmem:v7+s30+$0x0] =	vst.idx.msk $0xffff, v22  }
0x2a9: {  	v21 =	vld.idx.msk [tilespmem:v21+s26+$0x0], $0xffff  }
0x2aa: {  	v22 =	vand.u32 $0x7F, v23  }
0x2ab: {  	v22 =	vbroadcast v22, $0xF;
	_ =	sdelay $0x1  }
0x2ac: {  	v23 =	vor.u32 v1, v22  }
0x2ad: {  	[tilespmem:v8+s30+$0x0] =	vst.idx.msk $0xffff, v21  }
0x2ae: {  	_ =	swait.ge [sflag:s17], $0x1000  }
0x2af: {  	[sflag:s17] =	ssyncset.done $0x0  }
0x2b0: {  	[sflag:s17] =	ssyncadd.s32 $0xFFFFF000  }
0x2b1: {  	v21 =	vld.idx.msk [tilespmem:v23+s28+$0x0], $0xffff  }
0x2b2: {  	v22 =	vor.u32 v3, v22;
	_ =	sdelay $0x3  }
0x2b3: {  	[tilespmem:v7+s2+$0x0] =	vst.idx.msk $0xffff, v21  }
0x2b4: {  	v21 =	vld.idx.msk [tilespmem:v22+s28+$0x0], $0xffff;
	_ =	sdelay $0x4  }
0x2b5: {  	[tilespmem:v8+s2+$0x0] =	vst.idx.msk $0xffff, v21  }
0x2b6: {  	v21 =	vld [tilespmem:$0x1F0];
	_ =	sdelay $0x3  }
0x2b7: {  	v22 =	vld [tilespmem:$0x3F0]  }
0x2b8: {  	v21 =	vsel vm10, $0x0, v21  }
0x2b9: {  	(xrf0) =	vadd.scan.msk.s32 $0xffff, v21;
	_ =	sdelay $0x2  }
0x2ba: {  	v21 =	vsel vm10, $0x0, v22;
	_ =	sdelay $0x1  }
0x2bb: {  	(xrf0) =	vadd.scan.msk.s32 $0xffff, v21  }
0x2bc: {  	v21, _, _ =	vpop (xrf0)  }
0x2bd: {  	v21 =	vand.u32 $0x7F, v21  }
0x2be: {  	v21 =	vbroadcast v21, $0xF;
	_ =	sdelay $0x1  }
0x2bf: {  	v22 =	vor.u32 v1, v21  }
0x2c0: {  	v23, _, _ =	vpop (xrf0)  }
0x2c1: {  	_ =	swait.ge [sflag:s18], $0x1000  }
0x2c2: {  	[sflag:s18] =	ssyncset.done $0x0  }
0x2c3: {  	[sflag:s18] =	ssyncadd.s32 $0xFFFFF000  }
0x2c4: {  	v22 =	vld.idx.msk [tilespmem:v22+s29+$0x0], $0xffff  }
0x2c5: {  	v21 =	vor.u32 v3, v21;
	_ =	sdelay $0x3  }
0x2c6: {  	[tilespmem:v9+s30+$0x0] =	vst.idx.msk $0xffff, v22  }
0x2c7: {  	v21 =	vld.idx.msk [tilespmem:v21+s29+$0x0], $0xffff  }
0x2c8: {  	v22 =	vand.u32 $0x7F, v23  }
0x2c9: {  	v22 =	vbroadcast v22, $0xF;
	_ =	sdelay $0x1  }
0x2ca: {  	v23 =	vor.u32 v1, v22  }
0x2cb: {  	[tilespmem:v10+s30+$0x0] =	vst.idx.msk $0xffff, v21  }
0x2cc: {  	_ =	swait.ge [sflag:s13], $0x1000  }
0x2cd: {  	[sflag:s13] =	ssyncset.done $0x0  }
0x2ce: {  	[sflag:s13] =	ssyncadd.s32 $0xFFFFF000  }
0x2cf: {  	v21 =	vld.idx.msk [tilespmem:v23+s31+$0x0], $0xffff  }
0x2d0: {  	v22 =	vor.u32 v3, v22;
	_ =	sdelay $0x3  }
0x2d1: {  	[tilespmem:v9+s2+$0x0] =	vst.idx.msk $0xffff, v21  }
0x2d2: {  	v21 =	vld.idx.msk [tilespmem:v22+s31+$0x0], $0xffff;
	_ =	sdelay $0x4  }
0x2d3: {  	[tilespmem:v10+s2+$0x0] =	vst.idx.msk $0xffff, v21  }
0x2d4: {  	v21 =	vld [tilespmem:$0x1F0];
	_ =	sdelay $0x3  }
0x2d5: {  	v22 =	vld [tilespmem:$0x3F0]  }
0x2d6: {  	v21 =	vsel vm11, $0x0, v21  }
0x2d7: {  	(xrf0) =	vadd.scan.msk.s32 $0xffff, v21;
	_ =	sdelay $0x2  }
0x2d8: {  	v21 =	vsel vm11, $0x0, v22;
	_ =	sdelay $0x1  }
0x2d9: {  	(xrf0) =	vadd.scan.msk.s32 $0xffff, v21  }
0x2da: {  	v21, _, _ =	vpop (xrf0)  }
0x2db: {  	v21 =	vand.u32 $0x7F, v21  }
0x2dc: {  	v21 =	vbroadcast v21, $0xF;
	_ =	sdelay $0x1  }
0x2dd: {  	v22 =	vor.u32 v1, v21  }
0x2de: {  	v23, _, _ =	vpop (xrf0)  }
0x2df: {  	_ =	swait.ge [sflag:s8], $0x1000  }
0x2e0: {  	[sflag:s8] =	ssyncset.done $0x0  }
0x2e1: {  	[sflag:s8] =	ssyncadd.s32 $0xFFFFF000  }
0x2e2: {  	v22 =	vld.idx.msk [tilespmem:v22+s3+$0x0], $0xffff  }
0x2e3: {  	v21 =	vor.u32 v3, v21;
	_ =	sdelay $0x3  }
0x2e4: {  	[tilespmem:v11+s30+$0x0] =	vst.idx.msk $0xffff, v22  }
0x2e5: {  	v21 =	vld.idx.msk [tilespmem:v21+s3+$0x0], $0xffff  }
0x2e6: {  	v22 =	vand.u32 $0x7F, v23  }
0x2e7: {  	v22 =	vbroadcast v22, $0xF;
	_ =	sdelay $0x1  }
0x2e8: {  	v23 =	vor.u32 v1, v22  }
0x2e9: {  	[tilespmem:v12+s30+$0x0] =	vst.idx.msk $0xffff, v21  }
0x2ea: {  	_ =	swait.ge [sflag:s4], $0x1000  }
0x2eb: {  	[sflag:s4] =	ssyncset.done $0x0  }
0x2ec: {  	[sflag:s4] =	ssyncadd.s32 $0xFFFFF000  }
0x2ed: {  	v21 =	vld.idx.msk [tilespmem:v23+s10+$0x0], $0xffff  }
0x2ee: {  	v22 =	vor.u32 v3, v22;
	_ =	sdelay $0x3  }
0x2ef: {  	[tilespmem:v11+s2+$0x0] =	vst.idx.msk $0xffff, v21  }
0x2f0: {  	v21 =	vld.idx.msk [tilespmem:v22+s10+$0x0], $0xffff;
	_ =	sdelay $0x4  }
0x2f1: {  	[tilespmem:v12+s2+$0x0] =	vst.idx.msk $0xffff, v21  }
0x2f2: {  	v21 =	vld [tilespmem:$0x1F0];
	_ =	sdelay $0x3  }
0x2f3: {  	v22 =	vld [tilespmem:$0x3F0]  }
0x2f4: {  	v21 =	vsel vm12, $0x0, v21  }
0x2f5: {  	(xrf0) =	vadd.scan.msk.s32 $0xffff, v21;
	_ =	sdelay $0x2  }
0x2f6: {  	v21 =	vsel vm12, $0x0, v22;
	_ =	sdelay $0x1  }
0x2f7: {  	(xrf0) =	vadd.scan.msk.s32 $0xffff, v21  }
0x2f8: {  	v21, _, _ =	vpop (xrf0)  }
0x2f9: {  	v21 =	vand.u32 $0x7F, v21  }
0x2fa: {  	v21 =	vbroadcast v21, $0xF;
	_ =	sdelay $0x1  }
0x2fb: {  	v22 =	vor.u32 v1, v21  }
0x2fc: {  	v23, _, _ =	vpop (xrf0)  }
0x2fd: {  	_ =	swait.ge [sflag:s9], $0x1000  }
0x2fe: {  	[sflag:s9] =	ssyncset.done $0x0  }
0x2ff: {  	[sflag:s9] =	ssyncadd.s32 $0xFFFFF000  }
0x300: {  	v22 =	vld.idx.msk [tilespmem:v22+s5+$0x0], $0xffff  }
0x301: {  	v21 =	vor.u32 v3, v21;
	_ =	sdelay $0x3  }
0x302: {  	[tilespmem:v13+s30+$0x0] =	vst.idx.msk $0xffff, v22  }
0x303: {  	v21 =	vld.idx.msk [tilespmem:v21+s5+$0x0], $0xffff  }
0x304: {  	v22 =	vand.u32 $0x7F, v23  }
0x305: {  	v22 =	vbroadcast v22, $0xF;
	_ =	sdelay $0x1  }
0x306: {  	v23 =	vor.u32 v1, v22  }
0x307: {  	[tilespmem:v14+s30+$0x0] =	vst.idx.msk $0xffff, v21  }
0x308: {  	_ =	swait.ge [sflag:s7], $0x1000  }
0x309: {  	[sflag:s7] =	ssyncset.done $0x0  }
0x30a: {  	[sflag:s7] =	ssyncadd.s32 $0xFFFFF000  }
0x30b: {  	v21 =	vld.idx.msk [tilespmem:v23+s6+$0x0], $0xffff  }
0x30c: {  	v22 =	vor.u32 v3, v22;
	_ =	sdelay $0x3  }
0x30d: {  	[tilespmem:v13+s2+$0x0] =	vst.idx.msk $0xffff, v21  }
0x30e: {  	v21 =	vld.idx.msk [tilespmem:v22+s6+$0x0], $0xffff;
	_ =	sdelay $0x4  }
0x30f: {  	[tilespmem:v14+s2+$0x0] =	vst.idx.msk $0xffff, v21  }
0x310: {  	v21 =	vld [tilespmem:$0x1F0];
	_ =	sdelay $0x3  }
0x311: {  	v22 =	vld [tilespmem:$0x3F0]  }
0x312: {  	v21 =	vsel vm13, $0x0, v21  }
0x313: {  	(xrf0) =	vadd.scan.msk.s32 $0xffff, v21;
	_ =	sdelay $0x2  }
0x314: {  	v21 =	vsel vm13, $0x0, v22;
	_ =	sdelay $0x1  }
0x315: {  	(xrf0) =	vadd.scan.msk.s32 $0xffff, v21  }
0x316: {  	v21, _, _ =	vpop (xrf0)  }
0x317: {  	v21 =	vand.u32 $0x7F, v21  }
0x318: {  	v21 =	vbroadcast v21, $0xF;
	_ =	sdelay $0x1  }
0x319: {  	v22 =	vor.u32 v1, v21  }
0x31a: {  	s20 =	simm.s32 $0x6;
	v23, _, _ =	vpop (xrf0)  }
0x31b: {  	_ =	swait.ge [sflag:s20], $0x1000  }
0x31c: {  	[sflag:s20] =	ssyncset.done $0x0  }
0x31d: {  	s21 =	simm.s32 $0x5400;
	[sflag:s20] =	ssyncadd.s32 $0xFFFFF000  }
0x31e: {  	v22 =	vld.idx.msk [tilespmem:v22+s21+$0x0], $0xffff  }
0x31f: {  	v21 =	vor.u32 v3, v21;
	_ =	sdelay $0x3  }
0x320: {  	[tilespmem:v15+s30+$0x0] =	vst.idx.msk $0xffff, v22  }
0x321: {  	v21 =	vld.idx.msk [tilespmem:v21+s21+$0x0], $0xffff  }
0x322: {  	v22 =	vand.u32 $0x7F, v23  }
0x323: {  	v22 =	vbroadcast v22, $0xF;
	_ =	sdelay $0x1  }
0x324: {  	v23 =	vor.u32 v1, v22  }
0x325: {  	s22 =	simm.s32 $0xE;
	[tilespmem:v16+s30+$0x0] =	vst.idx.msk $0xffff, v21  }
0x326: {  	_ =	swait.ge [sflag:s22], $0x1000  }
0x327: {  	[sflag:s22] =	ssyncset.done $0x0  }
0x328: {  	s23 =	simm.s32 $0xD400;
	[sflag:s22] =	ssyncadd.s32 $0xFFFFF000  }
0x329: {  	v21 =	vld.idx.msk [tilespmem:v23+s23+$0x0], $0xffff  }
0x32a: {  	v22 =	vor.u32 v3, v22;
	_ =	sdelay $0x3  }
0x32b: {  	[tilespmem:v15+s2+$0x0] =	vst.idx.msk $0xffff, v21  }
0x32c: {  	v21 =	vld.idx.msk [tilespmem:v22+s23+$0x0], $0xffff;
	_ =	sdelay $0x4  }
0x32d: {  	[tilespmem:v16+s2+$0x0] =	vst.idx.msk $0xffff, v21  }
0x32e: {  	v21 =	vld [tilespmem:$0x1F0];
	_ =	sdelay $0x3  }
0x32f: {  	v22 =	vld [tilespmem:$0x3F0]  }
0x330: {  	v21 =	vsel vm14, $0x0, v21  }
0x331: {  	(xrf0) =	vadd.scan.msk.s32 $0xffff, v21;
	_ =	sdelay $0x2  }
0x332: {  	v21 =	vsel vm14, $0x0, v22;
	_ =	sdelay $0x1  }
0x333: {  	(xrf0) =	vadd.scan.msk.s32 $0xffff, v21  }
0x334: {  	v21, _, _ =	vpop (xrf0)  }
0x335: {  	v21 =	vand.u32 $0x7F, v21  }
0x336: {  	v21 =	vbroadcast v21, $0xF;
	_ =	sdelay $0x1  }
0x337: {  	v22 =	vor.u32 v1, v21  }
0x338: {  	s25 =	simm.s32 $0x7;
	v23, _, _ =	vpop (xrf0)  }
0x339: {  	_ =	swait.ge [sflag:s25], $0x1000  }
0x33a: {  	[sflag:s25] =	ssyncset.done $0x0  }
0x33b: {  	[sflag:s25] =	ssyncadd.s32 $0xFFFFF000  }
0x33c: {  	v22 =	vld.idx.msk [tilespmem:v22+s24+$0x0], $0xffff  }
0x33d: {  	v21 =	vor.u32 v3, v21;
	_ =	sdelay $0x3  }
0x33e: {  	[tilespmem:v17+s30+$0x0] =	vst.idx.msk $0xffff, v22  }
0x33f: {  	v21 =	vld.idx.msk [tilespmem:v21+s24+$0x0], $0xffff  }
0x340: {  	v22 =	vand.u32 $0x7F, v23  }
0x341: {  	v22 =	vbroadcast v22, $0xF;
	_ =	sdelay $0x1  }
0x342: {  	v23 =	vor.u32 v1, v22  }
0x343: {  	s26 =	simm.s32 $0xF;
	[tilespmem:v18+s30+$0x0] =	vst.idx.msk $0xffff, v21  }
0x344: {  	_ =	swait.ge [sflag:s26], $0x1000  }
0x345: {  	[sflag:s26] =	ssyncset.done $0x0  }
0x346: {  	s4 =	simm.s32 $0xE400;
	[sflag:s26] =	ssyncadd.s32 $0xFFFFF000  }
0x347: {  	v21 =	vld.idx.msk [tilespmem:v23+s4+$0x0], $0xffff  }
0x348: {  	v22 =	vor.u32 v3, v22;
	_ =	sdelay $0x3  }
0x349: {  	[tilespmem:v17+s2+$0x0] =	vst.idx.msk $0xffff, v21  }
0x34a: {  	v21 =	vld.idx.msk [tilespmem:v22+s4+$0x0], $0xffff;
	_ =	sdelay $0x4  }
0x34b: {  	[tilespmem:v18+s2+$0x0] =	vst.idx.msk $0xffff, v21  }
0x34c: {  	v21 =	vld [tilespmem:$0x1F0];
	_ =	sdelay $0x3  }
0x34d: {  	vm15 =	vmmov $0x7fff;
	v22 =	vld [tilespmem:$0x3F0]  }
0x34e: {  	v21 =	vsel vm15, $0x0, v21  }
0x34f: {  	(xrf0) =	vadd.scan.msk.s32 $0xffff, v21;
	_ =	sdelay $0x2  }
0x350: {  	v21 =	vsel vm15, $0x0, v22;
	_ =	sdelay $0x1  }
0x351: {  	(xrf0) =	vadd.scan.msk.s32 $0xffff, v21  }
0x352: {  	v21, _, _ =	vpop (xrf0)  }
0x353: {  	v21 =	vand.u32 $0x7F, v21  }
0x354: {  	v21 =	vbroadcast v21, $0xF;
	_ =	sdelay $0x1  }
0x355: {  	v22 =	vor.u32 v1, v21  }
0x356: {  	s5 =	simm.s32 $0x8;
	v23, _, _ =	vpop (xrf0)  }
0x357: {  	_ =	swait.ge [sflag:s5], $0x1000  }
0x358: {  	[sflag:s5] =	ssyncset.done $0x0  }
0x359: {  	s6 =	simm.s32 $0x7400;
	[sflag:s5] =	ssyncadd.s32 $0xFFFFF000  }
0x35a: {  	v22 =	vld.idx.msk [tilespmem:v22+s6+$0x0], $0xffff  }
0x35b: {  	v21 =	vor.u32 v3, v21;
	_ =	sdelay $0x3  }
0x35c: {  	[tilespmem:v19+s30+$0x0] =	vst.idx.msk $0xffff, v22  }
0x35d: {  	v21 =	vld.idx.msk [tilespmem:v21+s6+$0x0], $0xffff  }
0x35e: {  	v22 =	vand.u32 $0x7F, v23  }
0x35f: {  	v22 =	vbroadcast v22, $0xF;
	_ =	sdelay $0x1  }
0x360: {  	v23 =	vor.u32 v1, v22  }
0x361: {  	s7 =	simm.s32 $0x10;
	[tilespmem:v20+s30+$0x0] =	vst.idx.msk $0xffff, v21  }
0x362: {  	_ =	swait.ge [sflag:s7], $0x1000  }
0x363: {  	[sflag:s7] =	ssyncset.done $0x0  }
0x364: {  	s8 =	simm.s32 $0xF400;
	[sflag:s7] =	ssyncadd.s32 $0xFFFFF000  }
0x365: {  	v21 =	vld.idx.msk [tilespmem:v23+s8+$0x0], $0xffff  }
0x366: {  	v22 =	vor.u32 v3, v22;
	_ =	sdelay $0x3  }
0x367: {  	[tilespmem:v19+s2+$0x0] =	vst.idx.msk $0xffff, v21  }
0x368: {  	v21 =	vld.idx.msk [tilespmem:v22+s8+$0x0], $0xffff;
	_ =	sdelay $0x2  }
0x369: {  	s20 =	simm.s32 $0x0  }
0x36a: {  	s19 =	sand.u32 $0x70, s20;
	s21 =	sand.u32 $0xC00, s20  }
0x36b: {  	s19 =	sor.u32 s19, s21;
	[tilespmem:v20+s2+$0x0] =	vst.idx.msk $0xffff, v21  }
0x36c: {  	v21 =	vld [tilespmem:s19+$0x14400]  }
0x36d: {  	v22 =	vld [tilespmem:s19+$0x10400]  }
0x36e: {  	v23 =	vld [tilespmem:s19+$0x10480]  }
0x36f: {  	s9 =	sand.u32 $0xFFFFFC00, s20;
	v24 =	vld [tilespmem:s19+$0x14480]  }
0x370: {  	s21 =	sadd.s32 $0x0, s9;
	v25 =	vld [tilespmem:s19+$0x10500]  }
0x371: {  	s22 =	sor.u32 $0x180, s21;
	v26 =	vld [tilespmem:s19+$0x14500]  }
0x372: {  	v27 =	vld [tilespmem:s22+$0x10400]  }
0x373: {  	v28 =	vld [tilespmem:s22+$0x14400]  }
0x374: {  	v50 =	vld [tilespmem:s19+$0x14600];
	v21 =	vmul.f32 v21, v22;
	v22 =	vmul.f32 v24, v23  }
0x375: {  	v23 =	vld [tilespmem:s19+$0x10600]  }
0x376: {  	v51 =	vld [tilespmem:s19+$0x10680];
	v21 =	vadd.f32 v22, v21;
	v22 =	vmul.f32 v26, v25  }
0x377: {  	v52 =	vld [tilespmem:s19+$0x14680]  }
0x378: {  	s20 =	sor.u32 s20, s20;
	v53 =	vld [tilespmem:s19+$0x10700];
	v21 =	vadd.f32 v22, v21;
	v22 =	vmul.f32 v28, v27  }
0x379: {  	s10 =	sor.u32 $0x380, s20;
	v54 =	vld [tilespmem:s19+$0x14700]  }
0x37a: {  	v55 =	vld [tilespmem:s10+$0x14400];
	v21 =	vadd.f32 v22, v21;
	v22 =	vmul.f32 v50, v23  }
0x37b: {  	v23 =	vld [tilespmem:s10+$0x10400]  }
0x37c: {  	v56 =	vld [tilespmem:s19+$0x11400];
	v21 =	vadd.f32 v22, v21;
	v22 =	vmul.f32 v52, v51  }
0x37d: {  	v57 =	vld [tilespmem:s19+$0x15400]  }
0x37e: {  	v58 =	vld [tilespmem:s19+$0x11480];
	v21 =	vadd.f32 v22, v21;
	v22 =	vmul.f32 v54, v53  }
0x37f: {  	v59 =	vld [tilespmem:s19+$0x15480]  }
0x380: {  	v60 =	vld [tilespmem:s19+$0x15500];
	v21 =	vadd.f32 v22, v21;
	v22 =	vmul.f32 v55, v23  }
0x381: {  	s13 =	sor.u32 $0x1180, s21;
	v23 =	vld [tilespmem:s19+$0x11500]  }
0x382: {  	v61 =	vld [tilespmem:s13+$0x10400];
	v21 =	vadd.f32 v22, v21;
	v22 =	vmul.f32 v57, v56  }
0x383: {  	v62 =	vld [tilespmem:s13+$0x14400]  }
0x384: {  	v63 =	vld [tilespmem:s19+$0x11600];
	v21 =	vadd.f32 v22, v21;
	v22 =	vmul.f32 v59, v58  }
0x385: {  	v32 =	vld [tilespmem:s19+$0x15600]  }
0x386: {  	v33 =	vld [tilespmem:s19+$0x15680];
	v21 =	vadd.f32 v22, v21;
	v22 =	vmul.f32 v60, v23  }
0x387: {  	v23 =	vld [tilespmem:s19+$0x11680]  }
0x388: {  	v34 =	vld [tilespmem:s19+$0x11700];
	v21 =	vadd.f32 v22, v21;
	v22 =	vmul.f32 v62, v61  }
0x389: {  	s14 =	sor.u32 $0x1380, s20;
	v35 =	vld [tilespmem:s19+$0x15700]  }
0x38a: {  	v36 =	vld [tilespmem:s14+$0x10400];
	v21 =	vadd.f32 v22, v21;
	v22 =	vmul.f32 v32, v63  }
0x38b: {  	v37 =	vld [tilespmem:s14+$0x14400]  }
0x38c: {  	v38 =	vld [tilespmem:s19+$0x16400];
	v21 =	vadd.f32 v22, v21;
	v22 =	vmul.f32 v33, v23  }
0x38d: {  	v23 =	vld [tilespmem:s19+$0x12400]  }
0x38e: {  	v39 =	vld [tilespmem:s19+$0x12480];
	v21 =	vadd.f32 v22, v21;
	v22 =	vmul.f32 v35, v34  }
0x38f: {  	v40 =	vld [tilespmem:s19+$0x16480]  }
0x390: {  	v41 =	vld [tilespmem:s19+$0x12500];
	v21 =	vadd.f32 v22, v21;
	v22 =	vmul.f32 v37, v36  }
0x391: {  	s23 =	sor.u32 $0x2180, s21;
	v42 =	vld [tilespmem:s19+$0x16500]  }
0x392: {  	v43 =	vld [tilespmem:s23+$0x14400];
	v21 =	vadd.f32 v22, v21;
	v22 =	vmul.f32 v38, v23  }
0x393: {  	v23 =	vld [tilespmem:s23+$0x10400]  }
0x394: {  	v44 =	vld [tilespmem:s19+$0x12600];
	v21 =	vadd.f32 v22, v21;
	v22 =	vmul.f32 v40, v39  }
0x395: {  	v45 =	vld [tilespmem:s19+$0x16600]  }
0x396: {  	v46 =	vld [tilespmem:s19+$0x12680];
	v21 =	vadd.f32 v22, v21;
	v22 =	vmul.f32 v42, v41  }
0x397: {  	v47 =	vld [tilespmem:s19+$0x16680]  }
0x398: {  	v48 =	vld [tilespmem:s19+$0x16700];
	v21 =	vadd.f32 v22, v21;
	v22 =	vmul.f32 v43, v23  }
0x399: {  	s24 =	sor.u32 $0x2380, s20;
	v23 =	vld [tilespmem:s19+$0x12700]  }
0x39a: {  	v49 =	vld [tilespmem:s24+$0x10400];
	v21 =	vadd.f32 v22, v21;
	v22 =	vmul.f32 v45, v44  }
0x39b: {  	v50 =	vld [tilespmem:s24+$0x14400]  }
0x39c: {  	v51 =	vld [tilespmem:s19+$0x13400];
	v21 =	vadd.f32 v22, v21;
	v22 =	vmul.f32 v47, v46  }
0x39d: {  	v52 =	vld [tilespmem:s19+$0x17400]  }
0x39e: {  	v53 =	vld [tilespmem:s19+$0x17480];
	v21 =	vadd.f32 v22, v21;
	v22 =	vmul.f32 v48, v23  }
0x39f: {  	v23 =	vld [tilespmem:s19+$0x13480]  }
0x3a0: {  	v54 =	vld [tilespmem:s19+$0x13500];
	v21 =	vadd.f32 v22, v21;
	v22 =	vmul.f32 v50, v49  }
0x3a1: {  	s21 =	sor.u32 $0x3180, s21;
	v55 =	vld [tilespmem:s19+$0x17500]  }
0x3a2: {  	v56 =	vld [tilespmem:s21+$0x10400];
	v21 =	vadd.f32 v22, v21;
	v22 =	vmul.f32 v52, v51  }
0x3a3: {  	v57 =	vld [tilespmem:s21+$0x14400]  }
0x3a4: {  	v58 =	vld [tilespmem:s19+$0x17600];
	v21 =	vadd.f32 v22, v21;
	v22 =	vmul.f32 v53, v23  }
0x3a5: {  	v23 =	vld [tilespmem:s19+$0x13600]  }
0x3a6: {  	v59 =	vld [tilespmem:s19+$0x13680];
	v21 =	vadd.f32 v22, v21;
	v22 =	vmul.f32 v55, v54  }
0x3a7: {  	v60 =	vld [tilespmem:s19+$0x17680]  }
0x3a8: {  	v61 =	vld [tilespmem:s19+$0x13700];
	v21 =	vadd.f32 v22, v21;
	v22 =	vmul.f32 v57, v56  }
0x3a9: {  	s25 =	sor.u32 $0x3380, s20;
	v62 =	vld [tilespmem:s19+$0x17700]  }
0x3aa: {  	v63 =	vld [tilespmem:s25+$0x14400];
	v21 =	vadd.f32 v22, v21;
	v22 =	vmul.f32 v58, v23  }
0x3ab: {  	v23 =	vld [tilespmem:s25+$0x10400]  }
0x3ac: {  	v21 =	vadd.f32 v22, v21;
	v22 =	vmul.f32 v60, v59;
	_ =	sdelay $0x1  }
0x3ad: {  	v21 =	vadd.f32 v22, v21;
	v22 =	vmul.f32 v62, v61;
	_ =	sdelay $0x1  }
0x3ae: {  	v21 =	vadd.f32 v22, v21;
	v22 =	vmul.f32 v63, v23  }
0x3af: {  	s28 =	simm.s32 $0x2400;
	s29 =	simm.s32 $0xA400;
	s3 =	simm.s32 $0x3400  }
0x3b0: {  	s9 =	simm.s32 $0xD400;
	s22 =	simm.s32 $0x80;
	s21 =	simm.s32 $0x10;
	v21 =	vadd.f32 v22, v21  }
0x3b1: {  	s26 =	sand.u32 $0x70, s21;
	s23 =	sand.u32 $0xC00, s22;
	s19 =	simm.s32 $0x18400  }
0x3b2: {  	s4 =	simm.s32 $0xE400;
	s5 =	simm.s32 $0x4400;
	s20 =	sor.u32 s26, s23;
	[tilespmem:s19+$0x0] =	vst v21  }
0x3b3: {  	s6 =	simm.s32 $0xC400;
	s7 =	simm.s32 $0x5400;
	s8 =	simm.s32 $0x7400;
	v21 =	vld [tilespmem:s20+$0x14400]  }
0x3b4: {  	s13 =	simm.s32 $0xF400;
	s10 =	simm.s32 $0xB400;
	s23 =	simm.s32 $0x20;
	v22 =	vld [tilespmem:s20+$0x10400]  }
.LBB2_4:
0x3b5: {  	p0 =	sne.s32 s23, $0x1F0;
	v23 =	vld [tilespmem:s20+$0x10480]  }
0x3b6: {  	s24 =	sand.u32 $0xFFFFFC00, s22;
	v24 =	vld [tilespmem:s20+$0x14480]  }
0x3b7: {  	s25 =	sadd.s32 s24, s21;
	v25 =	vld [tilespmem:s20+$0x10500]  }
0x3b8: {  	s24 =	sor.u32 $0x180, s25;
	v26 =	vld [tilespmem:s20+$0x14500]  }
0x3b9: {  	v27 =	vld [tilespmem:s24+$0x10400]  }
0x3ba: {  	v28 =	vld [tilespmem:s24+$0x14400]  }
0x3bb: {  	v21 =	vmul.f32 v21, v22;
	v22 =	vmul.f32 v24, v23;
	v23 =	vld [tilespmem:s20+$0x10600]  }
0x3bc: {  	v24 =	vld [tilespmem:s20+$0x14600]  }
0x3bd: {  	v21 =	vadd.f32 v22, v21;
	v22 =	vmul.f32 v26, v25;
	v25 =	vld [tilespmem:s20+$0x10680]  }
0x3be: {  	v26 =	vld [tilespmem:s20+$0x14680]  }
0x3bf: {  	s24 =	sor.u32 s21, s22;
	s21 =	smov.u32 s23;
	v21 =	vadd.f32 v22, v21;
	v22 =	vmul.f32 v28, v27;
	v27 =	vld [tilespmem:s20+$0x10700]  }
0x3c0: {  	s26 =	sor.u32 $0x380, s24;
	v28 =	vld [tilespmem:s20+$0x14700]  }
0x3c1: {  	v21 =	vadd.f32 v22, v21;
	v22 =	vmul.f32 v24, v23;
	v23 =	vld [tilespmem:s26+$0x10400]  }
0x3c2: {  	v24 =	vld [tilespmem:s26+$0x14400]  }
0x3c3: {  	v21 =	vadd.f32 v22, v21;
	v22 =	vmul.f32 v26, v25;
	v25 =	vld [tilespmem:s20+$0x11400]  }
0x3c4: {  	v26 =	vld [tilespmem:s20+$0x15400]  }
0x3c5: {  	v21 =	vadd.f32 v22, v21;
	v22 =	vmul.f32 v28, v27;
	v27 =	vld [tilespmem:s20+$0x11480]  }
0x3c6: {  	v28 =	vld [tilespmem:s20+$0x15480]  }
0x3c7: {  	v21 =	vadd.f32 v22, v21;
	v22 =	vmul.f32 v24, v23;
	v23 =	vld [tilespmem:s20+$0x11500]  }
0x3c8: {  	s26 =	sor.u32 $0x1180, s25;
	v24 =	vld [tilespmem:s20+$0x15500]  }
0x3c9: {  	v21 =	vadd.f32 v22, v21;
	v22 =	vmul.f32 v26, v25;
	v25 =	vld [tilespmem:s26+$0x10400]  }
0x3ca: {  	v26 =	vld [tilespmem:s26+$0x14400]  }
0x3cb: {  	v21 =	vadd.f32 v22, v21;
	v22 =	vmul.f32 v28, v27;
	v27 =	vld [tilespmem:s20+$0x11600]  }
0x3cc: {  	v28 =	vld [tilespmem:s20+$0x15600]  }
0x3cd: {  	v21 =	vadd.f32 v22, v21;
	v22 =	vmul.f32 v24, v23;
	v23 =	vld [tilespmem:s20+$0x11680]  }
0x3ce: {  	v24 =	vld [tilespmem:s20+$0x15680]  }
0x3cf: {  	v21 =	vadd.f32 v22, v21;
	v22 =	vmul.f32 v26, v25;
	v25 =	vld [tilespmem:s20+$0x11700]  }
0x3d0: {  	s26 =	sor.u32 $0x1380, s24;
	v26 =	vld [tilespmem:s20+$0x15700]  }
0x3d1: {  	v21 =	vadd.f32 v22, v21;
	v22 =	vmul.f32 v28, v27;
	v27 =	vld [tilespmem:s26+$0x10400]  }
0x3d2: {  	v28 =	vld [tilespmem:s26+$0x14400]  }
0x3d3: {  	v21 =	vadd.f32 v22, v21;
	v22 =	vmul.f32 v24, v23;
	v23 =	vld [tilespmem:s20+$0x12400]  }
0x3d4: {  	v24 =	vld [tilespmem:s20+$0x16400]  }
0x3d5: {  	v21 =	vadd.f32 v22, v21;
	v22 =	vmul.f32 v26, v25;
	v25 =	vld [tilespmem:s20+$0x12480]  }
0x3d6: {  	v26 =	vld [tilespmem:s20+$0x16480]  }
0x3d7: {  	v21 =	vadd.f32 v22, v21;
	v22 =	vmul.f32 v28, v27;
	v27 =	vld [tilespmem:s20+$0x12500]  }
0x3d8: {  	s26 =	sor.u32 $0x2180, s25;
	v28 =	vld [tilespmem:s20+$0x16500]  }
0x3d9: {  	v21 =	vadd.f32 v22, v21;
	v22 =	vmul.f32 v24, v23;
	v23 =	vld [tilespmem:s26+$0x10400]  }
0x3da: {  	v24 =	vld [tilespmem:s26+$0x14400]  }
0x3db: {  	v21 =	vadd.f32 v22, v21;
	v22 =	vmul.f32 v26, v25;
	v25 =	vld [tilespmem:s20+$0x12600]  }
0x3dc: {  	v26 =	vld [tilespmem:s20+$0x16600]  }
0x3dd: {  	v21 =	vadd.f32 v22, v21;
	v22 =	vmul.f32 v28, v27;
	v27 =	vld [tilespmem:s20+$0x12680]  }
0x3de: {  	v28 =	vld [tilespmem:s20+$0x16680]  }
0x3df: {  	v21 =	vadd.f32 v22, v21;
	v22 =	vmul.f32 v24, v23;
	v23 =	vld [tilespmem:s20+$0x12700]  }
0x3e0: {  	s26 =	sor.u32 $0x2380, s24;
	v24 =	vld [tilespmem:s20+$0x16700]  }
0x3e1: {  	v21 =	vadd.f32 v22, v21;
	v22 =	vmul.f32 v26, v25;
	v25 =	vld [tilespmem:s26+$0x10400]  }
0x3e2: {  	v26 =	vld [tilespmem:s26+$0x14400]  }
0x3e3: {  	v21 =	vadd.f32 v22, v21;
	v22 =	vmul.f32 v28, v27;
	v27 =	vld [tilespmem:s20+$0x13400]  }
0x3e4: {  	v28 =	vld [tilespmem:s20+$0x17400]  }
0x3e5: {  	v21 =	vadd.f32 v22, v21;
	v22 =	vmul.f32 v24, v23;
	v23 =	vld [tilespmem:s20+$0x13480]  }
0x3e6: {  	v24 =	vld [tilespmem:s20+$0x17480]  }
0x3e7: {  	v21 =	vadd.f32 v22, v21;
	v22 =	vmul.f32 v26, v25;
	v25 =	vld [tilespmem:s20+$0x13500]  }
0x3e8: {  	s25 =	sor.u32 $0x3180, s25;
	v26 =	vld [tilespmem:s20+$0x17500]  }
0x3e9: {  	v21 =	vadd.f32 v22, v21;
	v22 =	vmul.f32 v28, v27;
	v27 =	vld [tilespmem:s25+$0x10400]  }
0x3ea: {  	v28 =	vld [tilespmem:s25+$0x14400]  }
0x3eb: {  	v21 =	vadd.f32 v22, v21;
	v22 =	vmul.f32 v24, v23;
	v23 =	vld [tilespmem:s20+$0x13600]  }
0x3ec: {  	v24 =	vld [tilespmem:s20+$0x17600]  }
0x3ed: {  	v21 =	vadd.f32 v22, v21;
	v22 =	vmul.f32 v26, v25;
	v25 =	vld [tilespmem:s20+$0x13680]  }
0x3ee: {  	v26 =	vld [tilespmem:s20+$0x17680]  }
0x3ef: {  	v21 =	vadd.f32 v22, v21;
	v22 =	vmul.f32 v28, v27;
	v27 =	vld [tilespmem:s20+$0x13700]  }
0x3f0: {  	v28 =	vld [tilespmem:s20+$0x17700];
	s20 =	sor.u32 $0x3380, s24  }
0x3f1: {  	v21 =	vadd.f32 v22, v21;
	v22 =	vmul.f32 v24, v23;
	v23 =	vld [tilespmem:s20+$0x10400]  }
0x3f2: {  	v24 =	vld [tilespmem:s20+$0x14400]  }
0x3f3: {  	v21 =	vadd.f32 v22, v21;
	v22 =	vmul.f32 v26, v25;
	_ =	sdelay $0x1  }
0x3f4: {  	v21 =	vadd.f32 v22, v21;
	v22 =	vmul.f32 v28, v27;
	_ =	sdelay $0x1  }
0x3f5: {  	v21 =	vadd.f32 v22, v21;
	v22 =	vmul.f32 v24, v23;
	_ =	sdelay $0x1  }
.Ltmp1:
0x3f6: {  	s22 =	sadd.s32 $0x80, s22;
	v21 =	vadd.f32 v22, v21;
	(pc) =	sbr.rel @p0 .LBB2_4-.Ltmp1, $4  }
0x3f7: {  	s19 =	sadd.s32 $0x10, s19;
	s24 =	sand.u32 $0xC00, s22;
	s20 =	sand.u32 $0x70, s23  }
0x3f8: {  	s20 =	sor.u32 s20, s24;
	[tilespmem:s19+$0x0] =	vst v21  }
0x3f9: {  	v21 =	vld [tilespmem:s20+$0x14400]  }
0x3fa: {  	s23 =	sadd.s32 $0x10, s23;
	v22 =	vld [tilespmem:s20+$0x10400]  }
0x3fb: {  	v23 =	vld [tilespmem:s20+$0x10480]  }
0x3fc: {  	s23 =	sand.u32 $0xFFFFFC00, s22;
	v24 =	vld [tilespmem:s20+$0x14480]  }
0x3fd: {  	v25 =	vld [tilespmem:s20+$0x10500];
	s23 =	sadd.s32 s23, s21  }
0x3fe: {  	v26 =	vld [tilespmem:s20+$0x14500];
	s24 =	sor.u32 $0x180, s23  }
0x3ff: {  	v27 =	vld [tilespmem:s24+$0x10400]  }
0x400: {  	v28 =	vld [tilespmem:s24+$0x14400]  }
0x401: {  	v50 =	vld [tilespmem:s20+$0x14600];
	v21 =	vmul.f32 v21, v22;
	v22 =	vmul.f32 v24, v23  }
0x402: {  	v23 =	vld [tilespmem:s20+$0x10600]  }
0x403: {  	v51 =	vld [tilespmem:s20+$0x10680];
	v21 =	vadd.f32 v22, v21;
	v22 =	vmul.f32 v26, v25  }
0x404: {  	v52 =	vld [tilespmem:s20+$0x14680]  }
0x405: {  	v53 =	vld [tilespmem:s20+$0x10700];
	s21 =	sor.u32 s21, s22;
	v21 =	vadd.f32 v22, v21;
	v22 =	vmul.f32 v28, v27  }
0x406: {  	v54 =	vld [tilespmem:s20+$0x14700];
	s22 =	sor.u32 $0x380, s21  }
0x407: {  	v55 =	vld [tilespmem:s22+$0x14400];
	v21 =	vadd.f32 v22, v21;
	v22 =	vmul.f32 v50, v23  }
0x408: {  	v23 =	vld [tilespmem:s22+$0x10400]  }
0x409: {  	v56 =	vld [tilespmem:s20+$0x11400];
	v21 =	vadd.f32 v22, v21;
	v22 =	vmul.f32 v52, v51  }
0x40a: {  	v57 =	vld [tilespmem:s20+$0x15400]  }
0x40b: {  	v58 =	vld [tilespmem:s20+$0x11480];
	v21 =	vadd.f32 v22, v21;
	v22 =	vmul.f32 v54, v53  }
0x40c: {  	v59 =	vld [tilespmem:s20+$0x15480]  }
0x40d: {  	v60 =	vld [tilespmem:s20+$0x15500];
	v21 =	vadd.f32 v22, v21;
	v22 =	vmul.f32 v55, v23  }
0x40e: {  	s14 =	sor.u32 $0x1180, s23;
	v23 =	vld [tilespmem:s20+$0x11500]  }
0x40f: {  	v61 =	vld [tilespmem:s14+$0x10400];
	v21 =	vadd.f32 v22, v21;
	v22 =	vmul.f32 v57, v56  }
0x410: {  	v62 =	vld [tilespmem:s14+$0x14400]  }
0x411: {  	v63 =	vld [tilespmem:s20+$0x11600];
	v21 =	vadd.f32 v22, v21;
	v22 =	vmul.f32 v59, v58  }
0x412: {  	v32 =	vld [tilespmem:s20+$0x15600]  }
0x413: {  	v33 =	vld [tilespmem:s20+$0x15680];
	v21 =	vadd.f32 v22, v21;
	v22 =	vmul.f32 v60, v23  }
0x414: {  	v23 =	vld [tilespmem:s20+$0x11680]  }
0x415: {  	v34 =	vld [tilespmem:s20+$0x11700];
	v21 =	vadd.f32 v22, v21;
	v22 =	vmul.f32 v62, v61  }
0x416: {  	v35 =	vld [tilespmem:s20+$0x15700];
	s24 =	sor.u32 $0x1380, s21  }
0x417: {  	v36 =	vld [tilespmem:s24+$0x10400];
	v21 =	vadd.f32 v22, v21;
	v22 =	vmul.f32 v32, v63  }
0x418: {  	v37 =	vld [tilespmem:s24+$0x14400]  }
0x419: {  	v38 =	vld [tilespmem:s20+$0x16400];
	v21 =	vadd.f32 v22, v21;
	v22 =	vmul.f32 v33, v23  }
0x41a: {  	v23 =	vld [tilespmem:s20+$0x12400]  }
0x41b: {  	v39 =	vld [tilespmem:s20+$0x12480];
	v21 =	vadd.f32 v22, v21;
	v22 =	vmul.f32 v35, v34  }
0x41c: {  	v40 =	vld [tilespmem:s20+$0x16480]  }
0x41d: {  	v41 =	vld [tilespmem:s20+$0x12500];
	v21 =	vadd.f32 v22, v21;
	v22 =	vmul.f32 v37, v36  }
0x41e: {  	v42 =	vld [tilespmem:s20+$0x16500];
	s25 =	sor.u32 $0x2180, s23  }
0x41f: {  	v43 =	vld [tilespmem:s25+$0x14400];
	v21 =	vadd.f32 v22, v21;
	v22 =	vmul.f32 v38, v23  }
0x420: {  	v23 =	vld [tilespmem:s25+$0x10400]  }
0x421: {  	v44 =	vld [tilespmem:s20+$0x12600];
	v21 =	vadd.f32 v22, v21;
	v22 =	vmul.f32 v40, v39  }
0x422: {  	v45 =	vld [tilespmem:s20+$0x16600]  }
0x423: {  	v46 =	vld [tilespmem:s20+$0x12680];
	v21 =	vadd.f32 v22, v21;
	v22 =	vmul.f32 v42, v41  }
0x424: {  	v47 =	vld [tilespmem:s20+$0x16680]  }
0x425: {  	v48 =	vld [tilespmem:s20+$0x16700];
	v21 =	vadd.f32 v22, v21;
	v22 =	vmul.f32 v43, v23  }
0x426: {  	s26 =	sor.u32 $0x2380, s21;
	v23 =	vld [tilespmem:s20+$0x12700]  }
0x427: {  	v49 =	vld [tilespmem:s26+$0x10400];
	v21 =	vadd.f32 v22, v21;
	v22 =	vmul.f32 v45, v44  }
0x428: {  	v50 =	vld [tilespmem:s26+$0x14400]  }
0x429: {  	v51 =	vld [tilespmem:s20+$0x13400];
	v21 =	vadd.f32 v22, v21;
	v22 =	vmul.f32 v47, v46  }
0x42a: {  	v52 =	vld [tilespmem:s20+$0x17400]  }
0x42b: {  	v53 =	vld [tilespmem:s20+$0x17480];
	v21 =	vadd.f32 v22, v21;
	v22 =	vmul.f32 v48, v23  }
0x42c: {  	v23 =	vld [tilespmem:s20+$0x13480]  }
0x42d: {  	v54 =	vld [tilespmem:s20+$0x13500];
	v21 =	vadd.f32 v22, v21;
	v22 =	vmul.f32 v50, v49  }
0x42e: {  	s14 =	sor.u32 $0x3180, s23;
	v55 =	vld [tilespmem:s20+$0x17500]  }
0x42f: {  	v56 =	vld [tilespmem:s14+$0x10400];
	v21 =	vadd.f32 v22, v21;
	v22 =	vmul.f32 v52, v51  }
0x430: {  	v57 =	vld [tilespmem:s14+$0x14400]  }
0x431: {  	v58 =	vld [tilespmem:s20+$0x17600];
	v21 =	vadd.f32 v22, v21;
	v22 =	vmul.f32 v53, v23  }
0x432: {  	v23 =	vld [tilespmem:s20+$0x13600]  }
0x433: {  	v59 =	vld [tilespmem:s20+$0x13680];
	v21 =	vadd.f32 v22, v21;
	v22 =	vmul.f32 v55, v54  }
0x434: {  	v60 =	vld [tilespmem:s20+$0x17680]  }
0x435: {  	v61 =	vld [tilespmem:s20+$0x13700];
	v21 =	vadd.f32 v22, v21;
	v22 =	vmul.f32 v57, v56  }
0x436: {  	s23 =	sor.u32 $0x3380, s21;
	v62 =	vld [tilespmem:s20+$0x17700]  }
0x437: {  	v63 =	vld [tilespmem:s23+$0x14400];
	v21 =	vadd.f32 v22, v21;
	v22 =	vmul.f32 v58, v23  }
0x438: {  	v23 =	vld [tilespmem:s23+$0x10400]  }
0x439: {  	v21 =	vadd.f32 v22, v21;
	v22 =	vmul.f32 v60, v59;
	_ =	sdelay $0x1  }
0x43a: {  	v21 =	vadd.f32 v22, v21;
	v22 =	vmul.f32 v62, v61;
	_ =	sdelay $0x1  }
0x43b: {  	v21 =	vadd.f32 v22, v21;
	v22 =	vmul.f32 v63, v23;
	_ =	sdelay $0x1  }
0x43c: {  	v21 =	vadd.f32 v22, v21  }
0x43d: {  	s19 =	sadd.s32 $0x10, s19;
	s21 =	simm.s32 $0x11  }
0x43e: {  	s24 =	rddreg [dreg:$0x8];
	s14 =	simm.s32 $0x18400;
	[tilespmem:s19+$0x0] =	vst v21;
	s19 =	simm.s32 $0x0  }
0x43f: {  	[hbm4b:s24+s19] =	stream.linear.scatter [tilespmem:s14], [sflag:$0x11], $0x200, $0x38;
	[tilespmem:$0x18600] =	vst v63  }
0x440: {  	_ =	swait.ge [sflag:s21], $0x200  }
0x441: {  	s25 =	rddreg [dreg:$0xa]  }
0x442: {  	s26 =	rddreg [dreg:$0x9];
	s14 =	sadd.s32 $0x1, s25  }
0x443: {  	p0 =	sne.s32 s14, s26  }
.Ltmp2:
0x444: {  	_ = 	snop;
	(pc) =	sbr.rel @p0 .LBB2_1-.Ltmp2, $3  }
0x445: {  	_ =	sdelay $0x1  }
0x446: {  	s23 =	simm.s32 $0x9400;
	s24 =	simm.s32 $0x6400;
	[sflag:s21] =	ssyncset.done $0x0  }
0x447: {  	[sflag:s21] =	ssyncadd.s32 $0xFFFFFE00;
	s25 =	simm.s32 $0x8400;
	s26 =	simm.s32 $0x1400  }
0x448: {  	_ =	sfence.sel $0x180000  }
0x449: {  	[bflag:$0x0] =	sbarrier.arrive $0xFFFF  }
0x44a: {  	_ =	strace $0x90000047  }
0x44b: {  	s0 =	stileid.u32;
	[bflag:$0x2] =	sbarrier.arrive $0xFFFF  }
0x44c: {  	p0 =	sne.s32 s0, $0x0;
	s0 =	rddreg [dreg:$0x5]  }
0x44d: {  	s0 =	sadd.s32 @!p0 $0x100000, s0  }
0x44e: {  	[sflag:s0] =	ssyncadd.tile.s32 @!p0 $0x1;
	_ =	shalt  }
.Lfunc_end2:
_tile_overlayer_lowered:
.L_overlay_start_2:
0x44f: {  	(tag) =	ssettag $0x2  }
0x450: {  	s0 =	rddreg [dreg:$0x0];
	s2 =	stileid.u32  }
0x451: {  	s1 =	rddreg [dreg:$0x1];
	p0 =	sne.s32 s2, $0x0  }
0x452: {  	s3 =	rddreg [dreg:$0x2];
	[bflag:$0x3] =	sbarrier.arrive $0xFFFF;
	s2 =	simm.s32 @!p0 $0x1C11  }
0x453: {  	[timem:s3], [sflag:s2] =	dma.local @!p0 [hbm:s0], s1  }
0x454: {  	s0 =	simm.s32 @!p0 $0x11  }
0x455: {  	_ =	swait.ge @!p0 [sflag:s0], s1  }
0x456: {  	s1 =	ssub.s32 @!p0 $0x0, s1;
	[sflag:s0] =	ssyncset.done @!p0 $0x0  }
0x457: {  	[sflag:s0] =	ssyncadd.s32 @!p0 s1  }
0x458: {  	[bflag:$0x3] =	sbarrier.arrive $0xFFFF  }
0x459: {  	_ =	shalt  }

</sc_bundles>
